<compile_context>
chip_gen: v7x
topology: tpu7x:2x2x1
jax: 0.10.2.dev20260603
libtpu: 0.0.44.dev20260713+nightly
codegen_flags: <defaults>
</compile_context>

<pallas_src>
import functools

import numpy as np
import jax
import jax.numpy as jnp
from jax import lax
from jax.experimental import pallas as pl
from jax.experimental.pallas import tpu as pltpu
from jax.experimental.pallas import tpu_sc as plsc

H = 128
CNT = 16
WID = H + CNT



def _node_proj_body(node_ref, wn_ref, g_ref, wg_ref, b_ref, out_ref):
    gvec = jnp.dot(g_ref[...], wg_ref[...], preferred_element_type=jnp.float32,
                   precision=lax.Precision.HIGHEST)
    out_ref[...] = (
        jnp.dot(node_ref[...], wn_ref[...], preferred_element_type=jnp.float32,
                precision=lax.Precision.HIGHEST)
        + gvec + b_ref[...]
    )


def _edge_part_body(es_ref, we_ref, out_ref):
    out_ref[...] = jnp.dot(es_ref[...], we_ref[...],
                           preferred_element_type=jnp.float32,
                           precision=lax.Precision.HIGHEST)



def _sc_aggregate(nproj, epart, src, dst):
    info = plsc.get_sparse_core_info()
    nc, ns = info.num_cores, info.num_subcores
    nw = nc * ns
    n = nproj.shape[0]
    e = epart.shape[0]
    ew = e // nw
    ch = 48
    nchunk = ew // ch
    tail = ew - nchunk * ch
    rpt = n // ns

    mesh = plsc.VectorSubcoreMesh(core_axis_name="c", subcore_axis_name="s")
    zinit = jnp.zeros((rpt, WID), jnp.float32)

    nscat = ch // 16

    def body(nproj_h, epart_h, src_h, dst_h, zin_h, out_h,
             sv0, sv1, dv0, dv1, rows0, rows1, ep0, ep1, hb0, hb1, acc,
             g0, g1, e0, e1, s0, s1, is0, is1, id0, id1):
        c = lax.axis_index("c")
        s = lax.axis_index("s")
        w = s * nc + c
        base = w * ew
        srcv = (sv0, sv1)
        dstv = (dv0, dv1)
        rowsb = (rows0, rows1)
        epb = (ep0, ep1)
        hbs = (hb0, hb1)
        gsem = (g0, g1)
        esem = (e0, e1)
        ssem = (s0, s1)
        is_sem = (is0, is1)
        id_sem = (id0, id1)

        pltpu.sync_copy(zin_h, acc.at[pl.ds(s * rpt, rpt)])
        onev = jnp.where(lax.iota(jnp.int32, 16) == 0, 1.0, 0.0)
        for i in range(ch):
            hb0[i, pl.ds(H, CNT)] = onev
            hb1[i, pl.ds(H, CNT)] = onev

        def issue_src(ci, b):
            pltpu.async_copy(src_h.at[pl.ds(base + ci * ch, ch)],
                             srcv[b], is_sem[b])

        def issue_dst(ci, b):
            pltpu.async_copy(dst_h.at[pl.ds(base + ci * ch, ch)],
                             dstv[b], id_sem[b])

        def issue_loads(ci, b):
            pltpu.async_copy(nproj_h.at[srcv[b]], rowsb[b], gsem[b])
            pltpu.async_copy(epart_h.at[pl.ds(base + ci * ch, ch)],
                             epb[b], esem[b])

        def wait(sem, src_ref, dst_ref):
            pltpu.make_async_copy(src_ref, dst_ref, sem).wait()

        def compute(b):
            @plsc.parallel_loop(0, ch, step=1, unroll=4)
            def _(i):
                for j in range(H // 16):
                    sl = pl.ds(j * 16, 16)
                    hbs[b][i, sl] = jnp.maximum(
                        rowsb[b][i, sl] + epb[b][i, sl], 0.0)

        def issue_scatter(b):
            for k in range(nscat):
                dvec = dstv[b][pl.ds(k * 16, 16)]
                pltpu.async_copy(hbs[b].at[pl.ds(k * 16, 16)],
                                 acc.at[dvec], ssem[b], add=True)

        def wait_scatter(b):
            for k in range(nscat):
                dvec = dstv[b][pl.ds(k * 16, 16)]
                pltpu.make_async_copy(hbs[b].at[pl.ds(k * 16, 16)],
                                      acc.at[dvec], ssem[b]).wait()

        issue_src(0, 0)
        issue_src(1, 1)
        issue_dst(0, 0)
        issue_dst(1, 1)
        wait(is_sem[0], src_h.at[pl.ds(base, ch)], srcv[0])
        issue_loads(0, 0)
        plsc.subcore_barrier()

        def pair(pi, carry):
            for b in range(2):
                ci = 2 * pi + b
                nxt = 1 - b

                @pl.when(ci + 1 < nchunk)
                def _():
                    wait(is_sem[nxt],
                         src_h.at[pl.ds(base + (ci + 1) * ch, ch)], srcv[nxt])
                    issue_loads(ci + 1, nxt)

                wait(gsem[b], nproj_h.at[srcv[b]], rowsb[b])
                wait(esem[b], epart_h.at[pl.ds(base + ci * ch, ch)], epb[b])

                @pl.when(ci >= 2)
                def _():
                    wait_scatter(b)

                @pl.when(ci + 2 < nchunk)
                def _():
                    issue_src(ci + 2, b)

                compute(b)
                wait(id_sem[b], dst_h.at[pl.ds(base + ci * ch, ch)], dstv[b])
                issue_scatter(b)

                @pl.when(ci + 2 < nchunk)
                def _():
                    issue_dst(ci + 2, b)
            return carry

        lax.fori_loop(0, nchunk // 2, pair, 0)
        for b in range(2):
            wait_scatter(b)

        if tail:
            toff = base + nchunk * ch
            pltpu.sync_copy(src_h.at[pl.ds(toff, tail)],
                            sv0.at[pl.ds(0, tail)])
            pltpu.sync_copy(dst_h.at[pl.ds(toff, tail)],
                            dv0.at[pl.ds(0, tail)])
            pltpu.async_copy(nproj_h.at[sv0.at[pl.ds(0, tail)]],
                             rows0.at[pl.ds(0, tail)], g0).wait()
            pltpu.sync_copy(epart_h.at[pl.ds(toff, tail)],
                            ep0.at[pl.ds(0, tail)])
            for i in range(tail):
                for j in range(H // 16):
                    sl = pl.ds(j * 16, 16)
                    hb0[i, sl] = jnp.maximum(rows0[i, sl] + ep0[i, sl], 0.0)
            for k in range(tail // 16):
                dvec = dv0[pl.ds(k * 16, 16)]
                pltpu.sync_copy(hb0.at[pl.ds(k * 16, 16)], acc.at[dvec],
                                add=True)

        plsc.subcore_barrier()
        pltpu.sync_copy(acc.at[pl.ds(s * rpt, rpt)],
                        out_h.at[c, pl.ds(s * rpt, rpt)])

    f = pl.kernel(
        body,
        out_type=jax.ShapeDtypeStruct((nc, n, WID), jnp.float32),
        mesh=mesh,
        compiler_params=pltpu.CompilerParams(use_tc_tiling_on_sc=False),
        scratch_types=[
            pltpu.VMEM((ch,), jnp.int32),
            pltpu.VMEM((ch,), jnp.int32),
            pltpu.VMEM((ch,), jnp.int32),
            pltpu.VMEM((ch,), jnp.int32),
            pltpu.VMEM((ch, H), jnp.float32),
            pltpu.VMEM((ch, H), jnp.float32),
            pltpu.VMEM((ch, H), jnp.float32),
            pltpu.VMEM((ch, H), jnp.float32),
            pltpu.VMEM((ch, WID), jnp.float32),
            pltpu.VMEM((ch, WID), jnp.float32),
            pltpu.VMEM_SHARED((n, WID), jnp.float32),
            pltpu.SemaphoreType.DMA,
            pltpu.SemaphoreType.DMA,
            pltpu.SemaphoreType.DMA,
            pltpu.SemaphoreType.DMA,
            pltpu.SemaphoreType.DMA,
            pltpu.SemaphoreType.DMA,
            pltpu.SemaphoreType.DMA,
            pltpu.SemaphoreType.DMA,
            pltpu.SemaphoreType.DMA,
            pltpu.SemaphoreType.DMA,
        ],
    )
    return f(nproj, epart, src, dst, zinit)



def _final_body(part_ref, node_ref, w2m_ref, b2m_ref, w1un_ref, w1ua_ref,
                g_ref, w1ug_ref, b1u_ref, w2u_ref, b2u_ref, gam_ref, bet_ref,
                out_ref):
    hp = lambda a, b: jnp.dot(a, b, preferred_element_type=jnp.float32,
                              precision=lax.Precision.HIGHEST)
    s = part_ref[0] + part_ref[1]
    agg = s[:, :H]
    deg = jnp.sum(s[:, H:], axis=1, keepdims=True)
    aggregated = (hp(agg, w2m_ref[...]) + deg * b2m_ref[...]) / jnp.maximum(deg, 1.0)
    ns = node_ref[...]
    gvec = hp(g_ref[...], w1ug_ref[...]) + b1u_ref[...]
    u = hp(ns, w1un_ref[...]) + hp(aggregated, w1ua_ref[...]) + gvec
    h2 = jnp.maximum(u, 0.0)
    x = ns + hp(h2, w2u_ref[...]) + b2u_ref[...]
    mu = jnp.mean(x, axis=1, keepdims=True)
    xc = x - mu
    var = jnp.mean(xc * xc, axis=1, keepdims=True)
    out_ref[...] = xc * lax.rsqrt(var + 1e-5) * gam_ref[...] + bet_ref[...]



def kernel(node_state, edge_index, edge_state, global_state,
           W1m, b1m, W2m, b2m, W1u, b1u, W2u, b2u, gamma, beta):
    n, h = node_state.shape
    e, ed = edge_state.shape
    g = global_state.shape[0]
    assert h == H

    src = edge_index[0]
    dst = edge_index[1]
    g_row = global_state[None, :]

    nproj = pl.pallas_call(
        _node_proj_body,
        out_shape=jax.ShapeDtypeStruct((n, H), jnp.float32),
    )(node_state, W1m[:h], g_row, W1m[h + ed:], b1m[None, :])

    eb = 6400
    epart = pl.pallas_call(
        _edge_part_body,
        grid=(e // eb,),
        in_specs=[
            pl.BlockSpec((eb, ed), lambda i: (i, 0)),
            pl.BlockSpec((ed, H), lambda i: (0, 0)),
        ],
        out_specs=pl.BlockSpec((eb, H), lambda i: (i, 0)),
        out_shape=jax.ShapeDtypeStruct((e, H), jnp.float32),
    )(edge_state, W1m[h:h + ed])

    partials = _sc_aggregate(nproj, epart, src, dst)

    nb = 2000
    out = pl.pallas_call(
        _final_body,
        grid=(n // nb,),
        in_specs=[
            pl.BlockSpec((2, nb, WID), lambda i: (0, i, 0)),
            pl.BlockSpec((nb, H), lambda i: (i, 0)),
            pl.BlockSpec((H, H), lambda i: (0, 0)),
            pl.BlockSpec((1, H), lambda i: (0, 0)),
            pl.BlockSpec((H, H), lambda i: (0, 0)),
            pl.BlockSpec((H, H), lambda i: (0, 0)),
            pl.BlockSpec((1, g), lambda i: (0, 0)),
            pl.BlockSpec((g, H), lambda i: (0, 0)),
            pl.BlockSpec((1, H), lambda i: (0, 0)),
            pl.BlockSpec((H, H), lambda i: (0, 0)),
            pl.BlockSpec((1, H), lambda i: (0, 0)),
            pl.BlockSpec((1, H), lambda i: (0, 0)),
            pl.BlockSpec((1, H), lambda i: (0, 0)),
        ],
        out_specs=pl.BlockSpec((nb, H), lambda i: (i, 0)),
        out_shape=jax.ShapeDtypeStruct((n, H), jnp.float32),
    )(partials, node_state, W2m, b2m[None, :], W1u[:h], W1u[h:2 * h],
      g_row, W1u[2 * h:], b1u[None, :], W2u, b2u[None, :],
      gamma[None, :], beta[None, :])

    return out

# --- scband reference (transcript-rebuilt; emitter-appended) ---
"""Pipeline reference for scband-edge-message-passing-layer-180388626631 (READ-ONLY COPY).

The authoritative reference and input builder live on the scoring server;
editing this copy changes nothing except your own understanding.
"""

import jax, jax.numpy as jnp
import numpy as np

N = 10000
E = 320000
H = 128
ED = 16
G = 64


def _init_linear(key, in_dim, out_dim):
    k1, k2 = jax.random.split(key)
    bound = 1.0 / np.sqrt(in_dim)
    W = jax.random.uniform(k1, (in_dim, out_dim), minval=-bound, maxval=bound, dtype=jnp.float32)
    b = jax.random.uniform(k2, (out_dim,), minval=-bound, maxval=bound, dtype=jnp.float32)
    return W, b


def setup_inputs(seed: int = 0) -> dict:
    key = jax.random.key(seed)
    ks = jax.random.split(key, 10)
    node_state = jax.random.normal(ks[0], (N, H), dtype=jnp.float32)
    edge_index = jax.random.randint(ks[1], (2, E), 0, N, dtype=jnp.int32)
    edge_state = jax.random.normal(ks[2], (E, ED), dtype=jnp.float32)
    global_state = jax.random.normal(ks[3], (G,), dtype=jnp.float32)
    W1m, b1m = _init_linear(ks[4], H + ED + G, H)
    W2m, b2m = _init_linear(ks[5], H, H)
    W1u, b1u = _init_linear(ks[6], H + H + G, H)
    W2u, b2u = _init_linear(ks[7], H, H)
    gamma = jnp.ones((H,), dtype=jnp.float32)
    beta = jnp.zeros((H,), dtype=jnp.float32)
    return {
        "node_state": node_state,
        "edge_index": edge_index,
        "edge_state": edge_state,
        "global_state": global_state,
        "W1m": W1m, "b1m": b1m, "W2m": W2m, "b2m": b2m,
        "W1u": W1u, "b1u": b1u, "W2u": W2u, "b2u": b2u,
        "gamma": gamma, "beta": beta,
    }


def reference(node_state, edge_index, edge_state, global_state,
              W1m, b1m, W2m, b2m, W1u, b1u, W2u, b2u, gamma, beta):
    src = edge_index[0]
    dst = edge_index[1]
    num_nodes = node_state.shape[0]
    num_edges = edge_state.shape[0]
    hidden_dim = node_state.shape[1]
    # message MLP: Linear -> ReLU -> Linear
    global_edges = jnp.broadcast_to(global_state[None, :], (num_edges, global_state.shape[0]))
    message_input = jnp.concatenate([node_state[src], edge_state, global_edges], axis=-1)
    h = jax.nn.relu(message_input @ W1m + b1m)
    messages = h @ W2m + b2m
    # scatter-add aggregation by dst
    aggregated = jnp.zeros((num_nodes, hidden_dim), dtype=node_state.dtype).at[dst].add(messages)
    degree = jnp.zeros((num_nodes, 1), dtype=node_state.dtype).at[dst].add(
        jnp.ones((num_edges, 1), dtype=node_state.dtype))
    aggregated = aggregated / jnp.maximum(degree, 1.0)
    # update MLP
    global_nodes = jnp.broadcast_to(global_state[None, :], (num_nodes, global_state.shape[0]))
    update_input = jnp.concatenate([node_state, aggregated, global_nodes], axis=-1)
    h2 = jax.nn.relu(update_input @ W1u + b1u)
    delta = h2 @ W2u + b2u
    # residual + LayerNorm
    x = node_state + delta
    mu = jnp.mean(x, axis=-1, keepdims=True)
    var = jnp.var(x, axis=-1, keepdims=True)
    out = (x - mu) / jnp.sqrt(var + 1e-5) * gamma + beta
    return out

if __name__ == "__main__":
    import jax
    _d = setup_inputs()
    print(jax.jit(kernel)(*tuple(_d.values())))

</pallas_src>

<mosaic_0001>
#map = affine_map<(d0, d1) -> (0, 0)>
#map1 = affine_map<(d0, d1) -> (0)>
#map2 = affine_map<(d0, d1) -> (0, 0, 0)>
module attributes {stable_mosaic.version = 14 : i64} {
  func.func @body(%arg0: i32, %arg1: i32, %arg2: memref<10000x128xf32, #tpu.memory_space<hbm>>, %arg3: memref<320000x128xf32, #tpu.memory_space<hbm>>, %arg4: memref<320000xi32, #tpu.memory_space<hbm>>, %arg5: memref<320000xi32, #tpu.memory_space<hbm>>, %arg6: memref<625x144xf32, #tpu.memory_space<hbm>>, %arg7: memref<2x10000x144xf32, #tpu.memory_space<hbm>>, %arg8: memref<48xi32, #tpu.memory_space<vmem>>, %arg9: memref<48xi32, #tpu.memory_space<vmem>>, %arg10: memref<48xi32, #tpu.memory_space<vmem>>, %arg11: memref<48xi32, #tpu.memory_space<vmem>>, %arg12: memref<48x128xf32, #tpu.memory_space<vmem>>, %arg13: memref<48x128xf32, #tpu.memory_space<vmem>>, %arg14: memref<48x128xf32, #tpu.memory_space<vmem>>, %arg15: memref<48x128xf32, #tpu.memory_space<vmem>>, %arg16: memref<48x144xf32, #tpu.memory_space<vmem>>, %arg17: memref<48x144xf32, #tpu.memory_space<vmem>>, %arg18: memref<10000x144xf32, #tpu.memory_space<vmem_shared>>, %arg19: memref<!tpu.dma_semaphore, #tpu.memory_space<semaphore_mem>>, %arg20: memref<!tpu.dma_semaphore, #tpu.memory_space<semaphore_mem>>, %arg21: memref<!tpu.dma_semaphore, #tpu.memory_space<semaphore_mem>>, %arg22: memref<!tpu.dma_semaphore, #tpu.memory_space<semaphore_mem>>, %arg23: memref<!tpu.dma_semaphore, #tpu.memory_space<semaphore_mem>>, %arg24: memref<!tpu.dma_semaphore, #tpu.memory_space<semaphore_mem>>, %arg25: memref<!tpu.dma_semaphore, #tpu.memory_space<semaphore_mem>>, %arg26: memref<!tpu.dma_semaphore, #tpu.memory_space<semaphore_mem>>, %arg27: memref<!tpu.dma_semaphore, #tpu.memory_space<semaphore_mem>>, %arg28: memref<!tpu.dma_semaphore, #tpu.memory_space<semaphore_mem>>) attributes {dimension_semantics = [#tpu.dimension_semantics<core_parallel>, #tpu.dimension_semantics<subcore_parallel>], iteration_bounds = array<i64: 2, 16>, scalar_prefetch = 0 : i64, scratch_operands = 21 : i64, tpu.core_type = #tpu.core_type<sc_vector_subcore>, window_params = [{transform_indices = #map}, {transform_indices = #map}, {transform_indices = #map1}, {transform_indices = #map1}, {transform_indices = #map}, {transform_indices = #map2}]} {
    %mul3A = arith.constant 2 : i32
    %mul3A_0 = arith.muli %arg1, %mul3A : i32
    %add3A = arith.addi %mul3A_0, %arg0 : i32
    %mul3A_1 = arith.constant 10000 : i32
    %mul3A_2 = arith.muli %add3A, %mul3A_1 : i32
    %mul3A_3 = arith.constant 625 : i32
    %mul3A_4 = arith.muli %arg1, %mul3A_3 : i32
    "tpu.region"() ({
      %run_scoped3A = tpu.sem_alloc : memref<!tpu.dma_semaphore, #tpu.memory_space<semaphore_mem>>
      %dma_start3A_3252 = arith.constant 0 : i32
      %dma_start3A_3253 = tpu.memref_slice %arg18[%mul3A_4, %dma_start3A_3252] : memref<10000x144xf32, #tpu.memory_space<vmem_shared>> -> memref<625x144xf32, #tpu.memory_space<vmem_shared>>
      tpu.enqueue_dma source(%arg6 : memref<625x144xf32, #tpu.memory_space<hbm>>) target(%dma_start3A_3253 : memref<625x144xf32, #tpu.memory_space<vmem_shared>>) target_semaphore(%run_scoped3A : memref<!tpu.dma_semaphore, #tpu.memory_space<semaphore_mem>>)
      %dma_wait3A_3254 = arith.constant 0 : i32
      %dma_wait3A_3255 = tpu.memref_slice %arg18[%mul3A_4, %dma_wait3A_3254] : memref<10000x144xf32, #tpu.memory_space<vmem_shared>> -> memref<625x144xf32, #tpu.memory_space<vmem_shared>>
      tpu.wait_dma2 semaphore(%run_scoped3A : memref<!tpu.dma_semaphore, #tpu.memory_space<semaphore_mem>>) src(%arg6 : memref<625x144xf32, #tpu.memory_space<hbm>>) dst(%dma_wait3A_3255 : memref<625x144xf32, #tpu.memory_space<vmem_shared>>)
      tpu.yield
    }) : () -> ()
    %iota3A = tpu.iota {dimensions = array<i32: 0>} : vector<16xi32>
    %eq3A = arith.constant 0 : i32
    %eq3A_5 = vector.broadcast %eq3A : i32 to vector<16xi32>
    %eq3A_6 = arith.cmpi eq, %iota3A, %eq3A_5 : vector<16xi32>
    %jit3A = arith.constant 1.000000e+00 : f32
    %jit3A_7 = arith.constant 0.000000e+00 : f32
    %broadcast_in_dim3A = vector.broadcast %jit3A : f32 to vector<16xf32>
    %broadcast_in_dim3A_8 = vector.broadcast %jit3A_7 : f32 to vector<16xf32>
    %select_n3A = arith.select %eq3A_6, %broadcast_in_dim3A, %broadcast_in_dim3A_8 : vector<16xi1>, vector<16xf32>
    %swap3A = arith.constant 0 : i32
    %swap3A_9 = arith.index_cast %swap3A : i32 to index
    %swap3A_10 = arith.constant 128 : index
    %swap3A_11 = tpu.vector_load %arg16[%swap3A_9, %swap3A_10] {strides = array<i32>} : memref<48x144xf32, #tpu.memory_space<vmem>>, vector<1x16xf32>,
    %swap3A_12 = vector.shape_cast %swap3A_11 : vector<1x16xf32> to vector<16xf32>
    %swap3A_13 = vector.shape_cast %select_n3A : vector<16xf32> to vector<1x16xf32>
    tpu.vector_store %arg16[%swap3A_9, %swap3A_10], %swap3A_13 {strides = array<i32>} : memref<48x144xf32, #tpu.memory_space<vmem>>, vector<1x16xf32>,
    %swap3A_14 = arith.constant 0 : i32
    %swap3A_15 = arith.index_cast %swap3A_14 : i32 to index
    %swap3A_16 = arith.constant 128 : index
    %swap3A_17 = tpu.vector_load %arg17[%swap3A_15, %swap3A_16] {strides = array<i32>} : memref<48x144xf32, #tpu.memory_space<vmem>>, vector<1x16xf32>,
    %swap3A_18 = vector.shape_cast %swap3A_17 : vector<1x16xf32> to vector<16xf32>
    %swap3A_19 = vector.shape_cast %select_n3A : vector<16xf32> to vector<1x16xf32>
    tpu.vector_store %arg17[%swap3A_15, %swap3A_16], %swap3A_19 {strides = array<i32>} : memref<48x144xf32, #tpu.memory_space<vmem>>, vector<1x16xf32>,
    %swap3A_20 = arith.constant 1 : i32
    %swap3A_21 = arith.index_cast %swap3A_20 : i32 to index
    %swap3A_22 = arith.constant 128 : index
    %swap3A_23 = tpu.vector_load %arg16[%swap3A_21, %swap3A_22] {strides = array<i32>} : memref<48x144xf32, #tpu.memory_space<vmem>>, vector<1x16xf32>,
    %swap3A_24 = vector.shape_cast %swap3A_23 : vector<1x16xf32> to vector<16xf32>
    %swap3A_25 = vector.shape_cast %select_n3A : vector<16xf32> to vector<1x16xf32>
    tpu.vector_store %arg16[%swap3A_21, %swap3A_22], %swap3A_25 {strides = array<i32>} : memref<48x144xf32, #tpu.memory_space<vmem>>, vector<1x16xf32>,
    %swap3A_26 = arith.constant 1 : i32
    %swap3A_27 = arith.index_cast %swap3A_26 : i32 to index
    %swap3A_28 = arith.constant 128 : index
    %swap3A_29 = tpu.vector_load %arg17[%swap3A_27, %swap3A_28] {strides = array<i32>} : memref<48x144xf32, #tpu.memory_space<vmem>>, vector<1x16xf32>,
    %swap3A_30 = vector.shape_cast %swap3A_29 : vector<1x16xf32> to vector<16xf32>
    %swap3A_31 = vector.shape_cast %select_n3A : vector<16xf32> to vector<1x16xf32>
    tpu.vector_store %arg17[%swap3A_27, %swap3A_28], %swap3A_31 {strides = array<i32>} : memref<48x144xf32, #tpu.memory_space<vmem>>, vector<1x16xf32>,
    %swap3A_32 = arith.constant 2 : i32
    %swap3A_33 = arith.index_cast %swap3A_32 : i32 to index
    %swap3A_34 = arith.constant 128 : index
    %swap3A_35 = tpu.vector_load %arg16[%swap3A_33, %swap3A_34] {strides = array<i32>} : memref<48x144xf32, #tpu.memory_space<vmem>>, vector<1x16xf32>,
    %swap3A_36 = vector.shape_cast %swap3A_35 : vector<1x16xf32> to vector<16xf32>
    %swap3A_37 = vector.shape_cast %select_n3A : vector<16xf32> to vector<1x16xf32>
    tpu.vector_store %arg16[%swap3A_33, %swap3A_34], %swap3A_37 {strides = array<i32>} : memref<48x144xf32, #tpu.memory_space<vmem>>, vector<1x16xf32>,
    %swap3A_38 = arith.constant 2 : i32
    %swap3A_39 = arith.index_cast %swap3A_38 : i32 to index
    %swap3A_40 = arith.constant 128 : index
    %swap3A_41 = tpu.vector_load %arg17[%swap3A_39, %swap3A_40] {strides = array<i32>} : memref<48x144xf32, #tpu.memory_space<vmem>>, vector<1x16xf32>,
    %swap3A_42 = vector.shape_cast %swap3A_41 : vector<1x16xf32> to vector<16xf32>
    %swap3A_43 = vector.shape_cast %select_n3A : vector<16xf32> to vector<1x16xf32>
    tpu.vector_store %arg17[%swap3A_39, %swap3A_40], %swap3A_43 {strides = array<i32>} : memref<48x144xf32, #tpu.memory_space<vmem>>, vector<1x16xf32>,
    %swap3A_44 = arith.constant 3 : i32
    %swap3A_45 = arith.index_cast %swap3A_44 : i32 to index
    %swap3A_46 = arith.constant 128 : index
    %swap3A_47 = tpu.vector_load %arg16[%swap3A_45, %swap3A_46] {strides = array<i32>} : memref<48x144xf32, #tpu.memory_space<vmem>>, vector<1x16xf32>,
    %swap3A_48 = vector.shape_cast %swap3A_47 : vector<1x16xf32> to vector<16xf32>
    %swap3A_49 = vector.shape_cast %select_n3A : vector<16xf32> to vector<1x16xf32>
    tpu.vector_store %arg16[%swap3A_45, %swap3A_46], %swap3A_49 {strides = array<i32>} : memref<48x144xf32, #tpu.memory_space<vmem>>, vector<1x16xf32>,
    %swap3A_50 = arith.constant 3 : i32
    %swap3A_51 = arith.index_cast %swap3A_50 : i32 to index
    %swap3A_52 = arith.constant 128 : index
    %swap3A_53 = tpu.vector_load %arg17[%swap3A_51, %swap3A_52] {strides = array<i32>} : memref<48x144xf32, #tpu.memory_space<vmem>>, vector<1x16xf32>,
    %swap3A_54 = vector.shape_cast %swap3A_53 : vector<1x16xf32> to vector<16xf32>
    %swap3A_55 = vector.shape_cast %select_n3A : vector<16xf32> to vector<1x16xf32>
    tpu.vector_store %arg17[%swap3A_51, %swap3A_52], %swap3A_55 {strides = array<i32>} : memref<48x144xf32, #tpu.memory_space<vmem>>, vector<1x16xf32>,
    %swap3A_56 = arith.constant 4 : i32
    %swap3A_57 = arith.index_cast %swap3A_56 : i32 to index
    %swap3A_58 = arith.constant 128 : index
    %swap3A_59 = tpu.vector_load %arg16[%swap3A_57, %swap3A_58] {strides = array<i32>} : memref<48x144xf32, #tpu.memory_space<vmem>>, vector<1x16xf32>,
    %swap3A_60 = vector.shape_cast %swap3A_59 : vector<1x16xf32> to vector<16xf32>
    %swap3A_61 = vector.shape_cast %select_n3A : vector<16xf32> to vector<1x16xf32>
    tpu.vector_store %arg16[%swap3A_57, %swap3A_58], %swap3A_61 {strides = array<i32>} : memref<48x144xf32, #tpu.memory_space<vmem>>, vector<1x16xf32>,
    %swap3A_62 = arith.constant 4 : i32
    %swap3A_63 = arith.index_cast %swap3A_62 : i32 to index
    %swap3A_64 = arith.constant 128 : index
    %swap3A_65 = tpu.vector_load %arg17[%swap3A_63, %swap3A_64] {strides = array<i32>} : memref<48x144xf32, #tpu.memory_space<vmem>>, vector<1x16xf32>,
    %swap3A_66 = vector.shape_cast %swap3A_65 : vector<1x16xf32> to vector<16xf32>
    %swap3A_67 = vector.shape_cast %select_n3A : vector<16xf32> to vector<1x16xf32>
    tpu.vector_store %arg17[%swap3A_63, %swap3A_64], %swap3A_67 {strides = array<i32>} : memref<48x144xf32, #tpu.memory_space<vmem>>, vector<1x16xf32>,
    %swap3A_68 = arith.constant 5 : i32
    %swap3A_69 = arith.index_cast %swap3A_68 : i32 to index
    %swap3A_70 = arith.constant 128 : index
    %swap3A_71 = tpu.vector_load %arg16[%swap3A_69, %swap3A_70] {strides = array<i32>} : memref<48x144xf32, #tpu.memory_space<vmem>>, vector<1x16xf32>,
    %swap3A_72 = vector.shape_cast %swap3A_71 : vector<1x16xf32> to vector<16xf32>
    %swap3A_73 = vector.shape_cast %select_n3A : vector<16xf32> to vector<1x16xf32>
    tpu.vector_store %arg16[%swap3A_69, %swap3A_70], %swap3A_73 {strides = array<i32>} : memref<48x144xf32, #tpu.memory_space<vmem>>, vector<1x16xf32>,
    %swap3A_74 = arith.constant 5 : i32
    %swap3A_75 = arith.index_cast %swap3A_74 : i32 to index
    %swap3A_76 = arith.constant 128 : index
    %swap3A_77 = tpu.vector_load %arg17[%swap3A_75, %swap3A_76] {strides = array<i32>} : memref<48x144xf32, #tpu.memory_space<vmem>>, vector<1x16xf32>,
    %swap3A_78 = vector.shape_cast %swap3A_77 : vector<1x16xf32> to vector<16xf32>
    %swap3A_79 = vector.shape_cast %select_n3A : vector<16xf32> to vector<1x16xf32>
    tpu.vector_store %arg17[%swap3A_75, %swap3A_76], %swap3A_79 {strides = array<i32>} : memref<48x144xf32, #tpu.memory_space<vmem>>, vector<1x16xf32>,
    %swap3A_80 = arith.constant 6 : i32
    %swap3A_81 = arith.index_cast %swap3A_80 : i32 to index
    %swap3A_82 = arith.constant 128 : index
    %swap3A_83 = tpu.vector_load %arg16[%swap3A_81, %swap3A_82] {strides = array<i32>} : memref<48x144xf32, #tpu.memory_space<vmem>>, vector<1x16xf32>,
    %swap3A_84 = vector.shape_cast %swap3A_83 : vector<1x16xf32> to vector<16xf32>
    %swap3A_85 = vector.shape_cast %select_n3A : vector<16xf32> to vector<1x16xf32>
    tpu.vector_store %arg16[%swap3A_81, %swap3A_82], %swap3A_85 {strides = array<i32>} : memref<48x144xf32, #tpu.memory_space<vmem>>, vector<1x16xf32>,
    %swap3A_86 = arith.constant 6 : i32
    %swap3A_87 = arith.index_cast %swap3A_86 : i32 to index
    %swap3A_88 = arith.constant 128 : index
    %swap3A_89 = tpu.vector_load %arg17[%swap3A_87, %swap3A_88] {strides = array<i32>} : memref<48x144xf32, #tpu.memory_space<vmem>>, vector<1x16xf32>,
    %swap3A_90 = vector.shape_cast %swap3A_89 : vector<1x16xf32> to vector<16xf32>
    %swap3A_91 = vector.shape_cast %select_n3A : vector<16xf32> to vector<1x16xf32>
    tpu.vector_store %arg17[%swap3A_87, %swap3A_88], %swap3A_91 {strides = array<i32>} : memref<48x144xf32, #tpu.memory_space<vmem>>, vector<1x16xf32>,
    %swap3A_92 = arith.constant 7 : i32
    %swap3A_93 = arith.index_cast %swap3A_92 : i32 to index
    %swap3A_94 = arith.constant 128 : index
    %swap3A_95 = tpu.vector_load %arg16[%swap3A_93, %swap3A_94] {strides = array<i32>} : memref<48x144xf32, #tpu.memory_space<vmem>>, vector<1x16xf32>,
    %swap3A_96 = vector.shape_cast %swap3A_95 : vector<1x16xf32> to vector<16xf32>
    %swap3A_97 = vector.shape_cast %select_n3A : vector<16xf32> to vector<1x16xf32>
    tpu.vector_store %arg16[%swap3A_93, %swap3A_94], %swap3A_97 {strides = array<i32>} : memref<48x144xf32, #tpu.memory_space<vmem>>, vector<1x16xf32>,
    %swap3A_98 = arith.constant 7 : i32
    %swap3A_99 = arith.index_cast %swap3A_98 : i32 to index
    %swap3A_100 = arith.constant 128 : index
    %swap3A_101 = tpu.vector_load %arg17[%swap3A_99, %swap3A_100] {strides = array<i32>} : memref<48x144xf32, #tpu.memory_space<vmem>>, vector<1x16xf32>,
    %swap3A_102 = vector.shape_cast %swap3A_101 : vector<1x16xf32> to vector<16xf32>
    %swap3A_103 = vector.shape_cast %select_n3A : vector<16xf32> to vector<1x16xf32>
    tpu.vector_store %arg17[%swap3A_99, %swap3A_100], %swap3A_103 {strides = array<i32>} : memref<48x144xf32, #tpu.memory_space<vmem>>, vector<1x16xf32>,
    %swap3A_104 = arith.constant 8 : i32
    %swap3A_105 = arith.index_cast %swap3A_104 : i32 to index
    %swap3A_106 = arith.constant 128 : index
    %swap3A_107 = tpu.vector_load %arg16[%swap3A_105, %swap3A_106] {strides = array<i32>} : memref<48x144xf32, #tpu.memory_space<vmem>>, vector<1x16xf32>,
    %swap3A_108 = vector.shape_cast %swap3A_107 : vector<1x16xf32> to vector<16xf32>
    %swap3A_109 = vector.shape_cast %select_n3A : vector<16xf32> to vector<1x16xf32>
    tpu.vector_store %arg16[%swap3A_105, %swap3A_106], %swap3A_109 {strides = array<i32>} : memref<48x144xf32, #tpu.memory_space<vmem>>, vector<1x16xf32>,
    %swap3A_110 = arith.constant 8 : i32
    %swap3A_111 = arith.index_cast %swap3A_110 : i32 to index
    %swap3A_112 = arith.constant 128 : index
    %swap3A_113 = tpu.vector_load %arg17[%swap3A_111, %swap3A_112] {strides = array<i32>} : memref<48x144xf32, #tpu.memory_space<vmem>>, vector<1x16xf32>,
    %swap3A_114 = vector.shape_cast %swap3A_113 : vector<1x16xf32> to vector<16xf32>
    %swap3A_115 = vector.shape_cast %select_n3A : vector<16xf32> to vector<1x16xf32>
    tpu.vector_store %arg17[%swap3A_111, %swap3A_112], %swap3A_115 {strides = array<i32>} : memref<48x144xf32, #tpu.memory_space<vmem>>, vector<1x16xf32>,
    %swap3A_116 = arith.constant 9 : i32
    %swap3A_117 = arith.index_cast %swap3A_116 : i32 to index
    %swap3A_118 = arith.constant 128 : index
    %swap3A_119 = tpu.vector_load %arg16[%swap3A_117, %swap3A_118] {strides = array<i32>} : memref<48x144xf32, #tpu.memory_space<vmem>>, vector<1x16xf32>,
    %swap3A_120 = vector.shape_cast %swap3A_119 : vector<1x16xf32> to vector<16xf32>
    %swap3A_121 = vector.shape_cast %select_n3A : vector<16xf32> to vector<1x16xf32>
    tpu.vector_store %arg16[%swap3A_117, %swap3A_118], %swap3A_121 {strides = array<i32>} : memref<48x144xf32, #tpu.memory_space<vmem>>, vector<1x16xf32>,
    %swap3A_122 = arith.constant 9 : i32
    %swap3A_123 = arith.index_cast %swap3A_122 : i32 to index
    %swap3A_124 = arith.constant 128 : index
    %swap3A_125 = tpu.vector_load %arg17[%swap3A_123, %swap3A_124] {strides = array<i32>} : memref<48x144xf32, #tpu.memory_space<vmem>>, vector<1x16xf32>,
    %swap3A_126 = vector.shape_cast %swap3A_125 : vector<1x16xf32> to vector<16xf32>
    %swap3A_127 = vector.shape_cast %select_n3A : vector<16xf32> to vector<1x16xf32>
    tpu.vector_store %arg17[%swap3A_123, %swap3A_124], %swap3A_127 {strides = array<i32>} : memref<48x144xf32, #tpu.memory_space<vmem>>, vector<1x16xf32>,
    %swap3A_128 = arith.constant 10 : i32
    %swap3A_129 = arith.index_cast %swap3A_128 : i32 to index
    %swap3A_130 = arith.constant 128 : index
    %swap3A_131 = tpu.vector_load %arg16[%swap3A_129, %swap3A_130] {strides = array<i32>} : memref<48x144xf32, #tpu.memory_space<vmem>>, vector<1x16xf32>,
    %swap3A_132 = vector.shape_cast %swap3A_131 : vector<1x16xf32> to vector<16xf32>
    %swap3A_133 = vector.shape_cast %select_n3A : vector<16xf32> to vector<1x16xf32>
    tpu.vector_store %arg16[%swap3A_129, %swap3A_130], %swap3A_133 {strides = array<i32>} : memref<48x144xf32, #tpu.memory_space<vmem>>, vector<1x16xf32>,
    %swap3A_134 = arith.constant 10 : i32
    %swap3A_135 = arith.index_cast %swap3A_134 : i32 to index
    %swap3A_136 = arith.constant 128 : index
    %swap3A_137 = tpu.vector_load %arg17[%swap3A_135, %swap3A_136] {strides = array<i32>} : memref<48x144xf32, #tpu.memory_space<vmem>>, vector<1x16xf32>,
    %swap3A_138 = vector.shape_cast %swap3A_137 : vector<1x16xf32> to vector<16xf32>
    %swap3A_139 = vector.shape_cast %select_n3A : vector<16xf32> to vector<1x16xf32>
    tpu.vector_store %arg17[%swap3A_135, %swap3A_136], %swap3A_139 {strides = array<i32>} : memref<48x144xf32, #tpu.memory_space<vmem>>, vector<1x16xf32>,
    %swap3A_140 = arith.constant 11 : i32
    %swap3A_141 = arith.index_cast %swap3A_140 : i32 to index
    %swap3A_142 = arith.constant 128 : index
    %swap3A_143 = tpu.vector_load %arg16[%swap3A_141, %swap3A_142] {strides = array<i32>} : memref<48x144xf32, #tpu.memory_space<vmem>>, vector<1x16xf32>,
    %swap3A_144 = vector.shape_cast %swap3A_143 : vector<1x16xf32> to vector<16xf32>
    %swap3A_145 = vector.shape_cast %select_n3A : vector<16xf32> to vector<1x16xf32>
    tpu.vector_store %arg16[%swap3A_141, %swap3A_142], %swap3A_145 {strides = array<i32>} : memref<48x144xf32, #tpu.memory_space<vmem>>, vector<1x16xf32>,
    %swap3A_146 = arith.constant 11 : i32
    %swap3A_147 = arith.index_cast %swap3A_146 : i32 to index
    %swap3A_148 = arith.constant 128 : index
    %swap3A_149 = tpu.vector_load %arg17[%swap3A_147, %swap3A_148] {strides = array<i32>} : memref<48x144xf32, #tpu.memory_space<vmem>>, vector<1x16xf32>,
    %swap3A_150 = vector.shape_cast %swap3A_149 : vector<1x16xf32> to vector<16xf32>
    %swap3A_151 = vector.shape_cast %select_n3A : vector<16xf32> to vector<1x16xf32>
    tpu.vector_store %arg17[%swap3A_147, %swap3A_148], %swap3A_151 {strides = array<i32>} : memref<48x144xf32, #tpu.memory_space<vmem>>, vector<1x16xf32>,
    %swap3A_152 = arith.constant 12 : i32
    %swap3A_153 = arith.index_cast %swap3A_152 : i32 to index
    %swap3A_154 = arith.constant 128 : index
    %swap3A_155 = tpu.vector_load %arg16[%swap3A_153, %swap3A_154] {strides = array<i32>} : memref<48x144xf32, #tpu.memory_space<vmem>>, vector<1x16xf32>,
    %swap3A_156 = vector.shape_cast %swap3A_155 : vector<1x16xf32> to vector<16xf32>
    %swap3A_157 = vector.shape_cast %select_n3A : vector<16xf32> to vector<1x16xf32>
    tpu.vector_store %arg16[%swap3A_153, %swap3A_154], %swap3A_157 {strides = array<i32>} : memref<48x144xf32, #tpu.memory_space<vmem>>, vector<1x16xf32>,
    %swap3A_158 = arith.constant 12 : i32
    %swap3A_159 = arith.index_cast %swap3A_158 : i32 to index
    %swap3A_160 = arith.constant 128 : index
    %swap3A_161 = tpu.vector_load %arg17[%swap3A_159, %swap3A_160] {strides = array<i32>} : memref<48x144xf32, #tpu.memory_space<vmem>>, vector<1x16xf32>,
    %swap3A_162 = vector.shape_cast %swap3A_161 : vector<1x16xf32> to vector<16xf32>
    %swap3A_163 = vector.shape_cast %select_n3A : vector<16xf32> to vector<1x16xf32>
    tpu.vector_store %arg17[%swap3A_159, %swap3A_160], %swap3A_163 {strides = array<i32>} : memref<48x144xf32, #tpu.memory_space<vmem>>, vector<1x16xf32>,
    %swap3A_164 = arith.constant 13 : i32
    %swap3A_165 = arith.index_cast %swap3A_164 : i32 to index
    %swap3A_166 = arith.constant 128 : index
    %swap3A_167 = tpu.vector_load %arg16[%swap3A_165, %swap3A_166] {strides = array<i32>} : memref<48x144xf32, #tpu.memory_space<vmem>>, vector<1x16xf32>,
    %swap3A_168 = vector.shape_cast %swap3A_167 : vector<1x16xf32> to vector<16xf32>
    %swap3A_169 = vector.shape_cast %select_n3A : vector<16xf32> to vector<1x16xf32>
    tpu.vector_store %arg16[%swap3A_165, %swap3A_166], %swap3A_169 {strides = array<i32>} : memref<48x144xf32, #tpu.memory_space<vmem>>, vector<1x16xf32>,
    %swap3A_170 = arith.constant 13 : i32
    %swap3A_171 = arith.index_cast %swap3A_170 : i32 to index
    %swap3A_172 = arith.constant 128 : index
    %swap3A_173 = tpu.vector_load %arg17[%swap3A_171, %swap3A_172] {strides = array<i32>} : memref<48x144xf32, #tpu.memory_space<vmem>>, vector<1x16xf32>,
    %swap3A_174 = vector.shape_cast %swap3A_173 : vector<1x16xf32> to vector<16xf32>
    %swap3A_175 = vector.shape_cast %select_n3A : vector<16xf32> to vector<1x16xf32>
    tpu.vector_store %arg17[%swap3A_171, %swap3A_172], %swap3A_175 {strides = array<i32>} : memref<48x144xf32, #tpu.memory_space<vmem>>, vector<1x16xf32>,
    %swap3A_176 = arith.constant 14 : i32
    %swap3A_177 = arith.index_cast %swap3A_176 : i32 to index
    %swap3A_178 = arith.constant 128 : index
    %swap3A_179 = tpu.vector_load %arg16[%swap3A_177, %swap3A_178] {strides = array<i32>} : memref<48x144xf32, #tpu.memory_space<vmem>>, vector<1x16xf32>,
    %swap3A_180 = vector.shape_cast %swap3A_179 : vector<1x16xf32> to vector<16xf32>
    %swap3A_181 = vector.shape_cast %select_n3A : vector<16xf32> to vector<1x16xf32>
    tpu.vector_store %arg16[%swap3A_177, %swap3A_178], %swap3A_181 {strides = array<i32>} : memref<48x144xf32, #tpu.memory_space<vmem>>, vector<1x16xf32>,
    %swap3A_182 = arith.constant 14 : i32
    %swap3A_183 = arith.index_cast %swap3A_182 : i32 to index
    %swap3A_184 = arith.constant 128 : index
    %swap3A_185 = tpu.vector_load %arg17[%swap3A_183, %swap3A_184] {strides = array<i32>} : memref<48x144xf32, #tpu.memory_space<vmem>>, vector<1x16xf32>,
    %swap3A_186 = vector.shape_cast %swap3A_185 : vector<1x16xf32> to vector<16xf32>
    %swap3A_187 = vector.shape_cast %select_n3A : vector<16xf32> to vector<1x16xf32>
    tpu.vector_store %arg17[%swap3A_183, %swap3A_184], %swap3A_187 {strides = array<i32>} : memref<48x144xf32, #tpu.memory_space<vmem>>, vector<1x16xf32>,
    %swap3A_188 = arith.constant 15 : i32
    %swap3A_189 = arith.index_cast %swap3A_188 : i32 to index
    %swap3A_190 = arith.constant 128 : index
    %swap3A_191 = tpu.vector_load %arg16[%swap3A_189, %swap3A_190] {strides = array<i32>} : memref<48x144xf32, #tpu.memory_space<vmem>>, vector<1x16xf32>,
    %swap3A_192 = vector.shape_cast %swap3A_191 : vector<1x16xf32> to vector<16xf32>
    %swap3A_193 = vector.shape_cast %select_n3A : vector<16xf32> to vector<1x16xf32>
    tpu.vector_store %arg16[%swap3A_189, %swap3A_190], %swap3A_193 {strides = array<i32>} : memref<48x144xf32, #tpu.memory_space<vmem>>, vector<1x16xf32>,
    %swap3A_194 = arith.constant 15 : i32
    %swap3A_195 = arith.index_cast %swap3A_194 : i32 to index
    %swap3A_196 = arith.constant 128 : index
    %swap3A_197 = tpu.vector_load %arg17[%swap3A_195, %swap3A_196] {strides = array<i32>} : memref<48x144xf32, #tpu.memory_space<vmem>>, vector<1x16xf32>,
    %swap3A_198 = vector.shape_cast %swap3A_197 : vector<1x16xf32> to vector<16xf32>
    %swap3A_199 = vector.shape_cast %select_n3A : vector<16xf32> to vector<1x16xf32>
    tpu.vector_store %arg17[%swap3A_195, %swap3A_196], %swap3A_199 {strides = array<i32>} : memref<48x144xf32, #tpu.memory_space<vmem>>, vector<1x16xf32>,
    %swap3A_200 = arith.constant 16 : i32
    %swap3A_201 = arith.index_cast %swap3A_200 : i32 to index
    %swap3A_202 = arith.constant 128 : index
    %swap3A_203 = tpu.vector_load %arg16[%swap3A_201, %swap3A_202] {strides = array<i32>} : memref<48x144xf32, #tpu.memory_space<vmem>>, vector<1x16xf32>,
    %swap3A_204 = vector.shape_cast %swap3A_203 : vector<1x16xf32> to vector<16xf32>
    %swap3A_205 = vector.shape_cast %select_n3A : vector<16xf32> to vector<1x16xf32>
    tpu.vector_store %arg16[%swap3A_201, %swap3A_202], %swap3A_205 {strides = array<i32>} : memref<48x144xf32, #tpu.memory_space<vmem>>, vector<1x16xf32>,
    %swap3A_206 = arith.constant 16 : i32
    %swap3A_207 = arith.index_cast %swap3A_206 : i32 to index
    %swap3A_208 = arith.constant 128 : index
    %swap3A_209 = tpu.vector_load %arg17[%swap3A_207, %swap3A_208] {strides = array<i32>} : memref<48x144xf32, #tpu.memory_space<vmem>>, vector<1x16xf32>,
    %swap3A_210 = vector.shape_cast %swap3A_209 : vector<1x16xf32> to vector<16xf32>
    %swap3A_211 = vector.shape_cast %select_n3A : vector<16xf32> to vector<1x16xf32>
    tpu.vector_store %arg17[%swap3A_207, %swap3A_208], %swap3A_211 {strides = array<i32>} : memref<48x144xf32, #tpu.memory_space<vmem>>, vector<1x16xf32>,
    %swap3A_212 = arith.constant 17 : i32
    %swap3A_213 = arith.index_cast %swap3A_212 : i32 to index
    %swap3A_214 = arith.constant 128 : index
    %swap3A_215 = tpu.vector_load %arg16[%swap3A_213, %swap3A_214] {strides = array<i32>} : memref<48x144xf32, #tpu.memory_space<vmem>>, vector<1x16xf32>,
    %swap3A_216 = vector.shape_cast %swap3A_215 : vector<1x16xf32> to vector<16xf32>
    %swap3A_217 = vector.shape_cast %select_n3A : vector<16xf32> to vector<1x16xf32>
    tpu.vector_store %arg16[%swap3A_213, %swap3A_214], %swap3A_217 {strides = array<i32>} : memref<48x144xf32, #tpu.memory_space<vmem>>, vector<1x16xf32>,
    %swap3A_218 = arith.constant 17 : i32
    %swap3A_219 = arith.index_cast %swap3A_218 : i32 to index
    %swap3A_220 = arith.constant 128 : index
    %swap3A_221 = tpu.vector_load %arg17[%swap3A_219, %swap3A_220] {strides = array<i32>} : memref<48x144xf32, #tpu.memory_space<vmem>>, vector<1x16xf32>,
    %swap3A_222 = vector.shape_cast %swap3A_221 : vector<1x16xf32> to vector<16xf32>
    %swap3A_223 = vector.shape_cast %select_n3A : vector<16xf32> to vector<1x16xf32>
    tpu.vector_store %arg17[%swap3A_219, %swap3A_220], %swap3A_223 {strides = array<i32>} : memref<48x144xf32, #tpu.memory_space<vmem>>, vector<1x16xf32>,
    %swap3A_224 = arith.constant 18 : i32
    %swap3A_225 = arith.index_cast %swap3A_224 : i32 to index
    %swap3A_226 = arith.constant 128 : index
    %swap3A_227 = tpu.vector_load %arg16[%swap3A_225, %swap3A_226] {strides = array<i32>} : memref<48x144xf32, #tpu.memory_space<vmem>>, vector<1x16xf32>,
    %swap3A_228 = vector.shape_cast %swap3A_227 : vector<1x16xf32> to vector<16xf32>
    %swap3A_229 = vector.shape_cast %select_n3A : vector<16xf32> to vector<1x16xf32>
    tpu.vector_store %arg16[%swap3A_225, %swap3A_226], %swap3A_229 {strides = array<i32>} : memref<48x144xf32, #tpu.memory_space<vmem>>, vector<1x16xf32>,
    %swap3A_230 = arith.constant 18 : i32
    %swap3A_231 = arith.index_cast %swap3A_230 : i32 to index
    %swap3A_232 = arith.constant 128 : index
    %swap3A_233 = tpu.vector_load %arg17[%swap3A_231, %swap3A_232] {strides = array<i32>} : memref<48x144xf32, #tpu.memory_space<vmem>>, vector<1x16xf32>,
    %swap3A_234 = vector.shape_cast %swap3A_233 : vector<1x16xf32> to vector<16xf32>
    %swap3A_235 = vector.shape_cast %select_n3A : vector<16xf32> to vector<1x16xf32>
    tpu.vector_store %arg17[%swap3A_231, %swap3A_232], %swap3A_235 {strides = array<i32>} : memref<48x144xf32, #tpu.memory_space<vmem>>, vector<1x16xf32>,
    %swap3A_236 = arith.constant 19 : i32
    %swap3A_237 = arith.index_cast %swap3A_236 : i32 to index
    %swap3A_238 = arith.constant 128 : index
    %swap3A_239 = tpu.vector_load %arg16[%swap3A_237, %swap3A_238] {strides = array<i32>} : memref<48x144xf32, #tpu.memory_space<vmem>>, vector<1x16xf32>,
    %swap3A_240 = vector.shape_cast %swap3A_239 : vector<1x16xf32> to vector<16xf32>
    %swap3A_241 = vector.shape_cast %select_n3A : vector<16xf32> to vector<1x16xf32>
    tpu.vector_store %arg16[%swap3A_237, %swap3A_238], %swap3A_241 {strides = array<i32>} : memref<48x144xf32, #tpu.memory_space<vmem>>, vector<1x16xf32>,
    %swap3A_242 = arith.constant 19 : i32
    %swap3A_243 = arith.index_cast %swap3A_242 : i32 to index
    %swap3A_244 = arith.constant 128 : index
    %swap3A_245 = tpu.vector_load %arg17[%swap3A_243, %swap3A_244] {strides = array<i32>} : memref<48x144xf32, #tpu.memory_space<vmem>>, vector<1x16xf32>,
    %swap3A_246 = vector.shape_cast %swap3A_245 : vector<1x16xf32> to vector<16xf32>
    %swap3A_247 = vector.shape_cast %select_n3A : vector<16xf32> to vector<1x16xf32>
    tpu.vector_store %arg17[%swap3A_243, %swap3A_244], %swap3A_247 {strides = array<i32>} : memref<48x144xf32, #tpu.memory_space<vmem>>, vector<1x16xf32>,
    %swap3A_248 = arith.constant 20 : i32
    %swap3A_249 = arith.index_cast %swap3A_248 : i32 to index
    %swap3A_250 = arith.constant 128 : index
    %swap3A_251 = tpu.vector_load %arg16[%swap3A_249, %swap3A_250] {strides = array<i32>} : memref<48x144xf32, #tpu.memory_space<vmem>>, vector<1x16xf32>,
    %swap3A_252 = vector.shape_cast %swap3A_251 : vector<1x16xf32> to vector<16xf32>
    %swap3A_253 = vector.shape_cast %select_n3A : vector<16xf32> to vector<1x16xf32>
    tpu.vector_store %arg16[%swap3A_249, %swap3A_250], %swap3A_253 {strides = array<i32>} : memref<48x144xf32, #tpu.memory_space<vmem>>, vector<1x16xf32>,
    %swap3A_254 = arith.constant 20 : i32
    %swap3A_255 = arith.index_cast %swap3A_254 : i32 to index
    %swap3A_256 = arith.constant 128 : index
    %swap3A_257 = tpu.vector_load %arg17[%swap3A_255, %swap3A_256] {strides = array<i32>} : memref<48x144xf32, #tpu.memory_space<vmem>>, vector<1x16xf32>,
    %swap3A_258 = vector.shape_cast %swap3A_257 : vector<1x16xf32> to vector<16xf32>
    %swap3A_259 = vector.shape_cast %select_n3A : vector<16xf32> to vector<1x16xf32>
    tpu.vector_store %arg17[%swap3A_255, %swap3A_256], %swap3A_259 {strides = array<i32>} : memref<48x144xf32, #tpu.memory_space<vmem>>, vector<1x16xf32>,
    %swap3A_260 = arith.constant 21 : i32
    %swap3A_261 = arith.index_cast %swap3A_260 : i32 to index
    %swap3A_262 = arith.constant 128 : index
    %swap3A_263 = tpu.vector_load %arg16[%swap3A_261, %swap3A_262] {strides = array<i32>} : memref<48x144xf32, #tpu.memory_space<vmem>>, vector<1x16xf32>,
    %swap3A_264 = vector.shape_cast %swap3A_263 : vector<1x16xf32> to vector<16xf32>
    %swap3A_265 = vector.shape_cast %select_n3A : vector<16xf32> to vector<1x16xf32>
    tpu.vector_store %arg16[%swap3A_261, %swap3A_262], %swap3A_265 {strides = array<i32>} : memref<48x144xf32, #tpu.memory_space<vmem>>, vector<1x16xf32>,
    %swap3A_266 = arith.constant 21 : i32
    %swap3A_267 = arith.index_cast %swap3A_266 : i32 to index
    %swap3A_268 = arith.constant 128 : index
    %swap3A_269 = tpu.vector_load %arg17[%swap3A_267, %swap3A_268] {strides = array<i32>} : memref<48x144xf32, #tpu.memory_space<vmem>>, vector<1x16xf32>,
    %swap3A_270 = vector.shape_cast %swap3A_269 : vector<1x16xf32> to vector<16xf32>
    %swap3A_271 = vector.shape_cast %select_n3A : vector<16xf32> to vector<1x16xf32>
    tpu.vector_store %arg17[%swap3A_267, %swap3A_268], %swap3A_271 {strides = array<i32>} : memref<48x144xf32, #tpu.memory_space<vmem>>, vector<1x16xf32>,
    %swap3A_272 = arith.constant 22 : i32
    %swap3A_273 = arith.index_cast %swap3A_272 : i32 to index
    %swap3A_274 = arith.constant 128 : index
    %swap3A_275 = tpu.vector_load %arg16[%swap3A_273, %swap3A_274] {strides = array<i32>} : memref<48x144xf32, #tpu.memory_space<vmem>>, vector<1x16xf32>,
    %swap3A_276 = vector.shape_cast %swap3A_275 : vector<1x16xf32> to vector<16xf32>
    %swap3A_277 = vector.shape_cast %select_n3A : vector<16xf32> to vector<1x16xf32>
    tpu.vector_store %arg16[%swap3A_273, %swap3A_274], %swap3A_277 {strides = array<i32>} : memref<48x144xf32, #tpu.memory_space<vmem>>, vector<1x16xf32>,
    %swap3A_278 = arith.constant 22 : i32
    %swap3A_279 = arith.index_cast %swap3A_278 : i32 to index
    %swap3A_280 = arith.constant 128 : index
    %swap3A_281 = tpu.vector_load %arg17[%swap3A_279, %swap3A_280] {strides = array<i32>} : memref<48x144xf32, #tpu.memory_space<vmem>>, vector<1x16xf32>,
    %swap3A_282 = vector.shape_cast %swap3A_281 : vector<1x16xf32> to vector<16xf32>
    %swap3A_283 = vector.shape_cast %select_n3A : vector<16xf32> to vector<1x16xf32>
    tpu.vector_store %arg17[%swap3A_279, %swap3A_280], %swap3A_283 {strides = array<i32>} : memref<48x144xf32, #tpu.memory_space<vmem>>, vector<1x16xf32>,
    %swap3A_284 = arith.constant 23 : i32
    %swap3A_285 = arith.index_cast %swap3A_284 : i32 to index
    %swap3A_286 = arith.constant 128 : index
    %swap3A_287 = tpu.vector_load %arg16[%swap3A_285, %swap3A_286] {strides = array<i32>} : memref<48x144xf32, #tpu.memory_space<vmem>>, vector<1x16xf32>,
    %swap3A_288 = vector.shape_cast %swap3A_287 : vector<1x16xf32> to vector<16xf32>
    %swap3A_289 = vector.shape_cast %select_n3A : vector<16xf32> to vector<1x16xf32>
    tpu.vector_store %arg16[%swap3A_285, %swap3A_286], %swap3A_289 {strides = array<i32>} : memref<48x144xf32, #tpu.memory_space<vmem>>, vector<1x16xf32>,
    %swap3A_290 = arith.constant 23 : i32
    %swap3A_291 = arith.index_cast %swap3A_290 : i32 to index
    %swap3A_292 = arith.constant 128 : index
    %swap3A_293 = tpu.vector_load %arg17[%swap3A_291, %swap3A_292] {strides = array<i32>} : memref<48x144xf32, #tpu.memory_space<vmem>>, vector<1x16xf32>,
    %swap3A_294 = vector.shape_cast %swap3A_293 : vector<1x16xf32> to vector<16xf32>
    %swap3A_295 = vector.shape_cast %select_n3A : vector<16xf32> to vector<1x16xf32>
    tpu.vector_store %arg17[%swap3A_291, %swap3A_292], %swap3A_295 {strides = array<i32>} : memref<48x144xf32, #tpu.memory_space<vmem>>, vector<1x16xf32>,
    %swap3A_296 = arith.constant 24 : i32
    %swap3A_297 = arith.index_cast %swap3A_296 : i32 to index
    %swap3A_298 = arith.constant 128 : index
    %swap3A_299 = tpu.vector_load %arg16[%swap3A_297, %swap3A_298] {strides = array<i32>} : memref<48x144xf32, #tpu.memory_space<vmem>>, vector<1x16xf32>,
    %swap3A_300 = vector.shape_cast %swap3A_299 : vector<1x16xf32> to vector<16xf32>
    %swap3A_301 = vector.shape_cast %select_n3A : vector<16xf32> to vector<1x16xf32>
    tpu.vector_store %arg16[%swap3A_297, %swap3A_298], %swap3A_301 {strides = array<i32>} : memref<48x144xf32, #tpu.memory_space<vmem>>, vector<1x16xf32>,
    %swap3A_302 = arith.constant 24 : i32
    %swap3A_303 = arith.index_cast %swap3A_302 : i32 to index
    %swap3A_304 = arith.constant 128 : index
    %swap3A_305 = tpu.vector_load %arg17[%swap3A_303, %swap3A_304] {strides = array<i32>} : memref<48x144xf32, #tpu.memory_space<vmem>>, vector<1x16xf32>,
    %swap3A_306 = vector.shape_cast %swap3A_305 : vector<1x16xf32> to vector<16xf32>
    %swap3A_307 = vector.shape_cast %select_n3A : vector<16xf32> to vector<1x16xf32>
    tpu.vector_store %arg17[%swap3A_303, %swap3A_304], %swap3A_307 {strides = array<i32>} : memref<48x144xf32, #tpu.memory_space<vmem>>, vector<1x16xf32>,
    %swap3A_308 = arith.constant 25 : i32
    %swap3A_309 = arith.index_cast %swap3A_308 : i32 to index
    %swap3A_310 = arith.constant 128 : index
    %swap3A_311 = tpu.vector_load %arg16[%swap3A_309, %swap3A_310] {strides = array<i32>} : memref<48x144xf32, #tpu.memory_space<vmem>>, vector<1x16xf32>,
    %swap3A_312 = vector.shape_cast %swap3A_311 : vector<1x16xf32> to vector<16xf32>
    %swap3A_313 = vector.shape_cast %select_n3A : vector<16xf32> to vector<1x16xf32>
    tpu.vector_store %arg16[%swap3A_309, %swap3A_310], %swap3A_313 {strides = array<i32>} : memref<48x144xf32, #tpu.memory_space<vmem>>, vector<1x16xf32>,
    %swap3A_314 = arith.constant 25 : i32
    %swap3A_315 = arith.index_cast %swap3A_314 : i32 to index
    %swap3A_316 = arith.constant 128 : index
    %swap3A_317 = tpu.vector_load %arg17[%swap3A_315, %swap3A_316] {strides = array<i32>} : memref<48x144xf32, #tpu.memory_space<vmem>>, vector<1x16xf32>,
    %swap3A_318 = vector.shape_cast %swap3A_317 : vector<1x16xf32> to vector<16xf32>
    %swap3A_319 = vector.shape_cast %select_n3A : vector<16xf32> to vector<1x16xf32>
    tpu.vector_store %arg17[%swap3A_315, %swap3A_316], %swap3A_319 {strides = array<i32>} : memref<48x144xf32, #tpu.memory_space<vmem>>, vector<1x16xf32>,
    %swap3A_320 = arith.constant 26 : i32
    %swap3A_321 = arith.index_cast %swap3A_320 : i32 to index
    %swap3A_322 = arith.constant 128 : index
    %swap3A_323 = tpu.vector_load %arg16[%swap3A_321, %swap3A_322] {strides = array<i32>} : memref<48x144xf32, #tpu.memory_space<vmem>>, vector<1x16xf32>,
    %swap3A_324 = vector.shape_cast %swap3A_323 : vector<1x16xf32> to vector<16xf32>
    %swap3A_325 = vector.shape_cast %select_n3A : vector<16xf32> to vector<1x16xf32>
    tpu.vector_store %arg16[%swap3A_321, %swap3A_322], %swap3A_325 {strides = array<i32>} : memref<48x144xf32, #tpu.memory_space<vmem>>, vector<1x16xf32>,
    %swap3A_326 = arith.constant 26 : i32
    %swap3A_327 = arith.index_cast %swap3A_326 : i32 to index
    %swap3A_328 = arith.constant 128 : index
    %swap3A_329 = tpu.vector_load %arg17[%swap3A_327, %swap3A_328] {strides = array<i32>} : memref<48x144xf32, #tpu.memory_space<vmem>>, vector<1x16xf32>,
    %swap3A_330 = vector.shape_cast %swap3A_329 : vector<1x16xf32> to vector<16xf32>
    %swap3A_331 = vector.shape_cast %select_n3A : vector<16xf32> to vector<1x16xf32>
    tpu.vector_store %arg17[%swap3A_327, %swap3A_328], %swap3A_331 {strides = array<i32>} : memref<48x144xf32, #tpu.memory_space<vmem>>, vector<1x16xf32>,
    %swap3A_332 = arith.constant 27 : i32
    %swap3A_333 = arith.index_cast %swap3A_332 : i32 to index
    %swap3A_334 = arith.constant 128 : index
    %swap3A_335 = tpu.vector_load %arg16[%swap3A_333, %swap3A_334] {strides = array<i32>} : memref<48x144xf32, #tpu.memory_space<vmem>>, vector<1x16xf32>,
    %swap3A_336 = vector.shape_cast %swap3A_335 : vector<1x16xf32> to vector<16xf32>
    %swap3A_337 = vector.shape_cast %select_n3A : vector<16xf32> to vector<1x16xf32>
    tpu.vector_store %arg16[%swap3A_333, %swap3A_334], %swap3A_337 {strides = array<i32>} : memref<48x144xf32, #tpu.memory_space<vmem>>, vector<1x16xf32>,
    %swap3A_338 = arith.constant 27 : i32
    %swap3A_339 = arith.index_cast %swap3A_338 : i32 to index
    %swap3A_340 = arith.constant 128 : index
    %swap3A_341 = tpu.vector_load %arg17[%swap3A_339, %swap3A_340] {strides = array<i32>} : memref<48x144xf32, #tpu.memory_space<vmem>>, vector<1x16xf32>,
    %swap3A_342 = vector.shape_cast %swap3A_341 : vector<1x16xf32> to vector<16xf32>
    %swap3A_343 = vector.shape_cast %select_n3A : vector<16xf32> to vector<1x16xf32>
    tpu.vector_store %arg17[%swap3A_339, %swap3A_340], %swap3A_343 {strides = array<i32>} : memref<48x144xf32, #tpu.memory_space<vmem>>, vector<1x16xf32>,
    %swap3A_344 = arith.constant 28 : i32
    %swap3A_345 = arith.index_cast %swap3A_344 : i32 to index
    %swap3A_346 = arith.constant 128 : index
    %swap3A_347 = tpu.vector_load %arg16[%swap3A_345, %swap3A_346] {strides = array<i32>} : memref<48x144xf32, #tpu.memory_space<vmem>>, vector<1x16xf32>,
    %swap3A_348 = vector.shape_cast %swap3A_347 : vector<1x16xf32> to vector<16xf32>
    %swap3A_349 = vector.shape_cast %select_n3A : vector<16xf32> to vector<1x16xf32>
    tpu.vector_store %arg16[%swap3A_345, %swap3A_346], %swap3A_349 {strides = array<i32>} : memref<48x144xf32, #tpu.memory_space<vmem>>, vector<1x16xf32>,
    %swap3A_350 = arith.constant 28 : i32
    %swap3A_351 = arith.index_cast %swap3A_350 : i32 to index
    %swap3A_352 = arith.constant 128 : index
    %swap3A_353 = tpu.vector_load %arg17[%swap3A_351, %swap3A_352] {strides = array<i32>} : memref<48x144xf32, #tpu.memory_space<vmem>>, vector<1x16xf32>,
    %swap3A_354 = vector.shape_cast %swap3A_353 : vector<1x16xf32> to vector<16xf32>
    %swap3A_355 = vector.shape_cast %select_n3A : vector<16xf32> to vector<1x16xf32>
    tpu.vector_store %arg17[%swap3A_351, %swap3A_352], %swap3A_355 {strides = array<i32>} : memref<48x144xf32, #tpu.memory_space<vmem>>, vector<1x16xf32>,
    %swap3A_356 = arith.constant 29 : i32
    %swap3A_357 = arith.index_cast %swap3A_356 : i32 to index
    %swap3A_358 = arith.constant 128 : index
    %swap3A_359 = tpu.vector_load %arg16[%swap3A_357, %swap3A_358] {strides = array<i32>} : memref<48x144xf32, #tpu.memory_space<vmem>>, vector<1x16xf32>,
    %swap3A_360 = vector.shape_cast %swap3A_359 : vector<1x16xf32> to vector<16xf32>
    %swap3A_361 = vector.shape_cast %select_n3A : vector<16xf32> to vector<1x16xf32>
    tpu.vector_store %arg16[%swap3A_357, %swap3A_358], %swap3A_361 {strides = array<i32>} : memref<48x144xf32, #tpu.memory_space<vmem>>, vector<1x16xf32>,
    %swap3A_362 = arith.constant 29 : i32
    %swap3A_363 = arith.index_cast %swap3A_362 : i32 to index
    %swap3A_364 = arith.constant 128 : index
    %swap3A_365 = tpu.vector_load %arg17[%swap3A_363, %swap3A_364] {strides = array<i32>} : memref<48x144xf32, #tpu.memory_space<vmem>>, vector<1x16xf32>,
    %swap3A_366 = vector.shape_cast %swap3A_365 : vector<1x16xf32> to vector<16xf32>
    %swap3A_367 = vector.shape_cast %select_n3A : vector<16xf32> to vector<1x16xf32>
    tpu.vector_store %arg17[%swap3A_363, %swap3A_364], %swap3A_367 {strides = array<i32>} : memref<48x144xf32, #tpu.memory_space<vmem>>, vector<1x16xf32>,
    %swap3A_368 = arith.constant 30 : i32
    %swap3A_369 = arith.index_cast %swap3A_368 : i32 to index
    %swap3A_370 = arith.constant 128 : index
    %swap3A_371 = tpu.vector_load %arg16[%swap3A_369, %swap3A_370] {strides = array<i32>} : memref<48x144xf32, #tpu.memory_space<vmem>>, vector<1x16xf32>,
    %swap3A_372 = vector.shape_cast %swap3A_371 : vector<1x16xf32> to vector<16xf32>
    %swap3A_373 = vector.shape_cast %select_n3A : vector<16xf32> to vector<1x16xf32>
    tpu.vector_store %arg16[%swap3A_369, %swap3A_370], %swap3A_373 {strides = array<i32>} : memref<48x144xf32, #tpu.memory_space<vmem>>, vector<1x16xf32>,
    %swap3A_374 = arith.constant 30 : i32
    %swap3A_375 = arith.index_cast %swap3A_374 : i32 to index
    %swap3A_376 = arith.constant 128 : index
    %swap3A_377 = tpu.vector_load %arg17[%swap3A_375, %swap3A_376] {strides = array<i32>} : memref<48x144xf32, #tpu.memory_space<vmem>>, vector<1x16xf32>,
    %swap3A_378 = vector.shape_cast %swap3A_377 : vector<1x16xf32> to vector<16xf32>
    %swap3A_379 = vector.shape_cast %select_n3A : vector<16xf32> to vector<1x16xf32>
    tpu.vector_store %arg17[%swap3A_375, %swap3A_376], %swap3A_379 {strides = array<i32>} : memref<48x144xf32, #tpu.memory_space<vmem>>, vector<1x16xf32>,
    %swap3A_380 = arith.constant 31 : i32
    %swap3A_381 = arith.index_cast %swap3A_380 : i32 to index
    %swap3A_382 = arith.constant 128 : index
    %swap3A_383 = tpu.vector_load %arg16[%swap3A_381, %swap3A_382] {strides = array<i32>} : memref<48x144xf32, #tpu.memory_space<vmem>>, vector<1x16xf32>,
    %swap3A_384 = vector.shape_cast %swap3A_383 : vector<1x16xf32> to vector<16xf32>
    %swap3A_385 = vector.shape_cast %select_n3A : vector<16xf32> to vector<1x16xf32>
    tpu.vector_store %arg16[%swap3A_381, %swap3A_382], %swap3A_385 {strides = array<i32>} : memref<48x144xf32, #tpu.memory_space<vmem>>, vector<1x16xf32>,
    %swap3A_386 = arith.constant 31 : i32
    %swap3A_387 = arith.index_cast %swap3A_386 : i32 to index
    %swap3A_388 = arith.constant 128 : index
    %swap3A_389 = tpu.vector_load %arg17[%swap3A_387, %swap3A_388] {strides = array<i32>} : memref<48x144xf32, #tpu.memory_space<vmem>>, vector<1x16xf32>,
    %swap3A_390 = vector.shape_cast %swap3A_389 : vector<1x16xf32> to vector<16xf32>
    %swap3A_391 = vector.shape_cast %select_n3A : vector<16xf32> to vector<1x16xf32>
    tpu.vector_store %arg17[%swap3A_387, %swap3A_388], %swap3A_391 {strides = array<i32>} : memref<48x144xf32, #tpu.memory_space<vmem>>, vector<1x16xf32>,
    %swap3A_392 = arith.constant 32 : i32
    %swap3A_393 = arith.index_cast %swap3A_392 : i32 to index
    %swap3A_394 = arith.constant 128 : index
    %swap3A_395 = tpu.vector_load %arg16[%swap3A_393, %swap3A_394] {strides = array<i32>} : memref<48x144xf32, #tpu.memory_space<vmem>>, vector<1x16xf32>,
    %swap3A_396 = vector.shape_cast %swap3A_395 : vector<1x16xf32> to vector<16xf32>
    %swap3A_397 = vector.shape_cast %select_n3A : vector<16xf32> to vector<1x16xf32>
    tpu.vector_store %arg16[%swap3A_393, %swap3A_394], %swap3A_397 {strides = array<i32>} : memref<48x144xf32, #tpu.memory_space<vmem>>, vector<1x16xf32>,
    %swap3A_398 = arith.constant 32 : i32
    %swap3A_399 = arith.index_cast %swap3A_398 : i32 to index
    %swap3A_400 = arith.constant 128 : index
    %swap3A_401 = tpu.vector_load %arg17[%swap3A_399, %swap3A_400] {strides = array<i32>} : memref<48x144xf32, #tpu.memory_space<vmem>>, vector<1x16xf32>,
    %swap3A_402 = vector.shape_cast %swap3A_401 : vector<1x16xf32> to vector<16xf32>
    %swap3A_403 = vector.shape_cast %select_n3A : vector<16xf32> to vector<1x16xf32>
    tpu.vector_store %arg17[%swap3A_399, %swap3A_400], %swap3A_403 {strides = array<i32>} : memref<48x144xf32, #tpu.memory_space<vmem>>, vector<1x16xf32>,
    %swap3A_404 = arith.constant 33 : i32
    %swap3A_405 = arith.index_cast %swap3A_404 : i32 to index
    %swap3A_406 = arith.constant 128 : index
    %swap3A_407 = tpu.vector_load %arg16[%swap3A_405, %swap3A_406] {strides = array<i32>} : memref<48x144xf32, #tpu.memory_space<vmem>>, vector<1x16xf32>,
    %swap3A_408 = vector.shape_cast %swap3A_407 : vector<1x16xf32> to vector<16xf32>
    %swap3A_409 = vector.shape_cast %select_n3A : vector<16xf32> to vector<1x16xf32>
    tpu.vector_store %arg16[%swap3A_405, %swap3A_406], %swap3A_409 {strides = array<i32>} : memref<48x144xf32, #tpu.memory_space<vmem>>, vector<1x16xf32>,
    %swap3A_410 = arith.constant 33 : i32
    %swap3A_411 = arith.index_cast %swap3A_410 : i32 to index
    %swap3A_412 = arith.constant 128 : index
    %swap3A_413 = tpu.vector_load %arg17[%swap3A_411, %swap3A_412] {strides = array<i32>} : memref<48x144xf32, #tpu.memory_space<vmem>>, vector<1x16xf32>,
    %swap3A_414 = vector.shape_cast %swap3A_413 : vector<1x16xf32> to vector<16xf32>
    %swap3A_415 = vector.shape_cast %select_n3A : vector<16xf32> to vector<1x16xf32>
    tpu.vector_store %arg17[%swap3A_411, %swap3A_412], %swap3A_415 {strides = array<i32>} : memref<48x144xf32, #tpu.memory_space<vmem>>, vector<1x16xf32>,
    %swap3A_416 = arith.constant 34 : i32
    %swap3A_417 = arith.index_cast %swap3A_416 : i32 to index
    %swap3A_418 = arith.constant 128 : index
    %swap3A_419 = tpu.vector_load %arg16[%swap3A_417, %swap3A_418] {strides = array<i32>} : memref<48x144xf32, #tpu.memory_space<vmem>>, vector<1x16xf32>,
    %swap3A_420 = vector.shape_cast %swap3A_419 : vector<1x16xf32> to vector<16xf32>
    %swap3A_421 = vector.shape_cast %select_n3A : vector<16xf32> to vector<1x16xf32>
    tpu.vector_store %arg16[%swap3A_417, %swap3A_418], %swap3A_421 {strides = array<i32>} : memref<48x144xf32, #tpu.memory_space<vmem>>, vector<1x16xf32>,
    %swap3A_422 = arith.constant 34 : i32
    %swap3A_423 = arith.index_cast %swap3A_422 : i32 to index
    %swap3A_424 = arith.constant 128 : index
    %swap3A_425 = tpu.vector_load %arg17[%swap3A_423, %swap3A_424] {strides = array<i32>} : memref<48x144xf32, #tpu.memory_space<vmem>>, vector<1x16xf32>,
    %swap3A_426 = vector.shape_cast %swap3A_425 : vector<1x16xf32> to vector<16xf32>
    %swap3A_427 = vector.shape_cast %select_n3A : vector<16xf32> to vector<1x16xf32>
    tpu.vector_store %arg17[%swap3A_423, %swap3A_424], %swap3A_427 {strides = array<i32>} : memref<48x144xf32, #tpu.memory_space<vmem>>, vector<1x16xf32>,
    %swap3A_428 = arith.constant 35 : i32
    %swap3A_429 = arith.index_cast %swap3A_428 : i32 to index
    %swap3A_430 = arith.constant 128 : index
    %swap3A_431 = tpu.vector_load %arg16[%swap3A_429, %swap3A_430] {strides = array<i32>} : memref<48x144xf32, #tpu.memory_space<vmem>>, vector<1x16xf32>,
    %swap3A_432 = vector.shape_cast %swap3A_431 : vector<1x16xf32> to vector<16xf32>
    %swap3A_433 = vector.shape_cast %select_n3A : vector<16xf32> to vector<1x16xf32>
    tpu.vector_store %arg16[%swap3A_429, %swap3A_430], %swap3A_433 {strides = array<i32>} : memref<48x144xf32, #tpu.memory_space<vmem>>, vector<1x16xf32>,
    %swap3A_434 = arith.constant 35 : i32
    %swap3A_435 = arith.index_cast %swap3A_434 : i32 to index
    %swap3A_436 = arith.constant 128 : index
    %swap3A_437 = tpu.vector_load %arg17[%swap3A_435, %swap3A_436] {strides = array<i32>} : memref<48x144xf32, #tpu.memory_space<vmem>>, vector<1x16xf32>,
    %swap3A_438 = vector.shape_cast %swap3A_437 : vector<1x16xf32> to vector<16xf32>
    %swap3A_439 = vector.shape_cast %select_n3A : vector<16xf32> to vector<1x16xf32>
    tpu.vector_store %arg17[%swap3A_435, %swap3A_436], %swap3A_439 {strides = array<i32>} : memref<48x144xf32, #tpu.memory_space<vmem>>, vector<1x16xf32>,
    %swap3A_440 = arith.constant 36 : i32
    %swap3A_441 = arith.index_cast %swap3A_440 : i32 to index
    %swap3A_442 = arith.constant 128 : index
    %swap3A_443 = tpu.vector_load %arg16[%swap3A_441, %swap3A_442] {strides = array<i32>} : memref<48x144xf32, #tpu.memory_space<vmem>>, vector<1x16xf32>,
    %swap3A_444 = vector.shape_cast %swap3A_443 : vector<1x16xf32> to vector<16xf32>
    %swap3A_445 = vector.shape_cast %select_n3A : vector<16xf32> to vector<1x16xf32>
    tpu.vector_store %arg16[%swap3A_441, %swap3A_442], %swap3A_445 {strides = array<i32>} : memref<48x144xf32, #tpu.memory_space<vmem>>, vector<1x16xf32>,
    %swap3A_446 = arith.constant 36 : i32
    %swap3A_447 = arith.index_cast %swap3A_446 : i32 to index
    %swap3A_448 = arith.constant 128 : index
    %swap3A_449 = tpu.vector_load %arg17[%swap3A_447, %swap3A_448] {strides = array<i32>} : memref<48x144xf32, #tpu.memory_space<vmem>>, vector<1x16xf32>,
    %swap3A_450 = vector.shape_cast %swap3A_449 : vector<1x16xf32> to vector<16xf32>
    %swap3A_451 = vector.shape_cast %select_n3A : vector<16xf32> to vector<1x16xf32>
    tpu.vector_store %arg17[%swap3A_447, %swap3A_448], %swap3A_451 {strides = array<i32>} : memref<48x144xf32, #tpu.memory_space<vmem>>, vector<1x16xf32>,
    %swap3A_452 = arith.constant 37 : i32
    %swap3A_453 = arith.index_cast %swap3A_452 : i32 to index
    %swap3A_454 = arith.constant 128 : index
    %swap3A_455 = tpu.vector_load %arg16[%swap3A_453, %swap3A_454] {strides = array<i32>} : memref<48x144xf32, #tpu.memory_space<vmem>>, vector<1x16xf32>,
    %swap3A_456 = vector.shape_cast %swap3A_455 : vector<1x16xf32> to vector<16xf32>
    %swap3A_457 = vector.shape_cast %select_n3A : vector<16xf32> to vector<1x16xf32>
    tpu.vector_store %arg16[%swap3A_453, %swap3A_454], %swap3A_457 {strides = array<i32>} : memref<48x144xf32, #tpu.memory_space<vmem>>, vector<1x16xf32>,
    %swap3A_458 = arith.constant 37 : i32
    %swap3A_459 = arith.index_cast %swap3A_458 : i32 to index
    %swap3A_460 = arith.constant 128 : index
    %swap3A_461 = tpu.vector_load %arg17[%swap3A_459, %swap3A_460] {strides = array<i32>} : memref<48x144xf32, #tpu.memory_space<vmem>>, vector<1x16xf32>,
    %swap3A_462 = vector.shape_cast %swap3A_461 : vector<1x16xf32> to vector<16xf32>
    %swap3A_463 = vector.shape_cast %select_n3A : vector<16xf32> to vector<1x16xf32>
    tpu.vector_store %arg17[%swap3A_459, %swap3A_460], %swap3A_463 {strides = array<i32>} : memref<48x144xf32, #tpu.memory_space<vmem>>, vector<1x16xf32>,
    %swap3A_464 = arith.constant 38 : i32
    %swap3A_465 = arith.index_cast %swap3A_464 : i32 to index
    %swap3A_466 = arith.constant 128 : index
    %swap3A_467 = tpu.vector_load %arg16[%swap3A_465, %swap3A_466] {strides = array<i32>} : memref<48x144xf32, #tpu.memory_space<vmem>>, vector<1x16xf32>,
    %swap3A_468 = vector.shape_cast %swap3A_467 : vector<1x16xf32> to vector<16xf32>
    %swap3A_469 = vector.shape_cast %select_n3A : vector<16xf32> to vector<1x16xf32>
    tpu.vector_store %arg16[%swap3A_465, %swap3A_466], %swap3A_469 {strides = array<i32>} : memref<48x144xf32, #tpu.memory_space<vmem>>, vector<1x16xf32>,
    %swap3A_470 = arith.constant 38 : i32
    %swap3A_471 = arith.index_cast %swap3A_470 : i32 to index
    %swap3A_472 = arith.constant 128 : index
    %swap3A_473 = tpu.vector_load %arg17[%swap3A_471, %swap3A_472] {strides = array<i32>} : memref<48x144xf32, #tpu.memory_space<vmem>>, vector<1x16xf32>,
    %swap3A_474 = vector.shape_cast %swap3A_473 : vector<1x16xf32> to vector<16xf32>
    %swap3A_475 = vector.shape_cast %select_n3A : vector<16xf32> to vector<1x16xf32>
    tpu.vector_store %arg17[%swap3A_471, %swap3A_472], %swap3A_475 {strides = array<i32>} : memref<48x144xf32, #tpu.memory_space<vmem>>, vector<1x16xf32>,
    %swap3A_476 = arith.constant 39 : i32
    %swap3A_477 = arith.index_cast %swap3A_476 : i32 to index
    %swap3A_478 = arith.constant 128 : index
    %swap3A_479 = tpu.vector_load %arg16[%swap3A_477, %swap3A_478] {strides = array<i32>} : memref<48x144xf32, #tpu.memory_space<vmem>>, vector<1x16xf32>,
    %swap3A_480 = vector.shape_cast %swap3A_479 : vector<1x16xf32> to vector<16xf32>
    %swap3A_481 = vector.shape_cast %select_n3A : vector<16xf32> to vector<1x16xf32>
    tpu.vector_store %arg16[%swap3A_477, %swap3A_478], %swap3A_481 {strides = array<i32>} : memref<48x144xf32, #tpu.memory_space<vmem>>, vector<1x16xf32>,
    %swap3A_482 = arith.constant 39 : i32
    %swap3A_483 = arith.index_cast %swap3A_482 : i32 to index
    %swap3A_484 = arith.constant 128 : index
    %swap3A_485 = tpu.vector_load %arg17[%swap3A_483, %swap3A_484] {strides = array<i32>} : memref<48x144xf32, #tpu.memory_space<vmem>>, vector<1x16xf32>,
    %swap3A_486 = vector.shape_cast %swap3A_485 : vector<1x16xf32> to vector<16xf32>
    %swap3A_487 = vector.shape_cast %select_n3A : vector<16xf32> to vector<1x16xf32>
    tpu.vector_store %arg17[%swap3A_483, %swap3A_484], %swap3A_487 {strides = array<i32>} : memref<48x144xf32, #tpu.memory_space<vmem>>, vector<1x16xf32>,
    %swap3A_488 = arith.constant 40 : i32
    %swap3A_489 = arith.index_cast %swap3A_488 : i32 to index
    %swap3A_490 = arith.constant 128 : index
    %swap3A_491 = tpu.vector_load %arg16[%swap3A_489, %swap3A_490] {strides = array<i32>} : memref<48x144xf32, #tpu.memory_space<vmem>>, vector<1x16xf32>,
    %swap3A_492 = vector.shape_cast %swap3A_491 : vector<1x16xf32> to vector<16xf32>
    %swap3A_493 = vector.shape_cast %select_n3A : vector<16xf32> to vector<1x16xf32>
    tpu.vector_store %arg16[%swap3A_489, %swap3A_490], %swap3A_493 {strides = array<i32>} : memref<48x144xf32, #tpu.memory_space<vmem>>, vector<1x16xf32>,
    %swap3A_494 = arith.constant 40 : i32
    %swap3A_495 = arith.index_cast %swap3A_494 : i32 to index
    %swap3A_496 = arith.constant 128 : index
    %swap3A_497 = tpu.vector_load %arg17[%swap3A_495, %swap3A_496] {strides = array<i32>} : memref<48x144xf32, #tpu.memory_space<vmem>>, vector<1x16xf32>,
    %swap3A_498 = vector.shape_cast %swap3A_497 : vector<1x16xf32> to vector<16xf32>
    %swap3A_499 = vector.shape_cast %select_n3A : vector<16xf32> to vector<1x16xf32>
    tpu.vector_store %arg17[%swap3A_495, %swap3A_496], %swap3A_499 {strides = array<i32>} : memref<48x144xf32, #tpu.memory_space<vmem>>, vector<1x16xf32>,
    %swap3A_500 = arith.constant 41 : i32
    %swap3A_501 = arith.index_cast %swap3A_500 : i32 to index
    %swap3A_502 = arith.constant 128 : index
    %swap3A_503 = tpu.vector_load %arg16[%swap3A_501, %swap3A_502] {strides = array<i32>} : memref<48x144xf32, #tpu.memory_space<vmem>>, vector<1x16xf32>,
    %swap3A_504 = vector.shape_cast %swap3A_503 : vector<1x16xf32> to vector<16xf32>
    %swap3A_505 = vector.shape_cast %select_n3A : vector<16xf32> to vector<1x16xf32>
    tpu.vector_store %arg16[%swap3A_501, %swap3A_502], %swap3A_505 {strides = array<i32>} : memref<48x144xf32, #tpu.memory_space<vmem>>, vector<1x16xf32>,
    %swap3A_506 = arith.constant 41 : i32
    %swap3A_507 = arith.index_cast %swap3A_506 : i32 to index
    %swap3A_508 = arith.constant 128 : index
    %swap3A_509 = tpu.vector_load %arg17[%swap3A_507, %swap3A_508] {strides = array<i32>} : memref<48x144xf32, #tpu.memory_space<vmem>>, vector<1x16xf32>,
    %swap3A_510 = vector.shape_cast %swap3A_509 : vector<1x16xf32> to vector<16xf32>
    %swap3A_511 = vector.shape_cast %select_n3A : vector<16xf32> to vector<1x16xf32>
    tpu.vector_store %arg17[%swap3A_507, %swap3A_508], %swap3A_511 {strides = array<i32>} : memref<48x144xf32, #tpu.memory_space<vmem>>, vector<1x16xf32>,
    %swap3A_512 = arith.constant 42 : i32
    %swap3A_513 = arith.index_cast %swap3A_512 : i32 to index
    %swap3A_514 = arith.constant 128 : index
    %swap3A_515 = tpu.vector_load %arg16[%swap3A_513, %swap3A_514] {strides = array<i32>} : memref<48x144xf32, #tpu.memory_space<vmem>>, vector<1x16xf32>,
    %swap3A_516 = vector.shape_cast %swap3A_515 : vector<1x16xf32> to vector<16xf32>
    %swap3A_517 = vector.shape_cast %select_n3A : vector<16xf32> to vector<1x16xf32>
    tpu.vector_store %arg16[%swap3A_513, %swap3A_514], %swap3A_517 {strides = array<i32>} : memref<48x144xf32, #tpu.memory_space<vmem>>, vector<1x16xf32>,
    %swap3A_518 = arith.constant 42 : i32
    %swap3A_519 = arith.index_cast %swap3A_518 : i32 to index
    %swap3A_520 = arith.constant 128 : index
    %swap3A_521 = tpu.vector_load %arg17[%swap3A_519, %swap3A_520] {strides = array<i32>} : memref<48x144xf32, #tpu.memory_space<vmem>>, vector<1x16xf32>,
    %swap3A_522 = vector.shape_cast %swap3A_521 : vector<1x16xf32> to vector<16xf32>
    %swap3A_523 = vector.shape_cast %select_n3A : vector<16xf32> to vector<1x16xf32>
    tpu.vector_store %arg17[%swap3A_519, %swap3A_520], %swap3A_523 {strides = array<i32>} : memref<48x144xf32, #tpu.memory_space<vmem>>, vector<1x16xf32>,
    %swap3A_524 = arith.constant 43 : i32
    %swap3A_525 = arith.index_cast %swap3A_524 : i32 to index
    %swap3A_526 = arith.constant 128 : index
    %swap3A_527 = tpu.vector_load %arg16[%swap3A_525, %swap3A_526] {strides = array<i32>} : memref<48x144xf32, #tpu.memory_space<vmem>>, vector<1x16xf32>,
    %swap3A_528 = vector.shape_cast %swap3A_527 : vector<1x16xf32> to vector<16xf32>
    %swap3A_529 = vector.shape_cast %select_n3A : vector<16xf32> to vector<1x16xf32>
    tpu.vector_store %arg16[%swap3A_525, %swap3A_526], %swap3A_529 {strides = array<i32>} : memref<48x144xf32, #tpu.memory_space<vmem>>, vector<1x16xf32>,
    %swap3A_530 = arith.constant 43 : i32
    %swap3A_531 = arith.index_cast %swap3A_530 : i32 to index
    %swap3A_532 = arith.constant 128 : index
    %swap3A_533 = tpu.vector_load %arg17[%swap3A_531, %swap3A_532] {strides = array<i32>} : memref<48x144xf32, #tpu.memory_space<vmem>>, vector<1x16xf32>,
    %swap3A_534 = vector.shape_cast %swap3A_533 : vector<1x16xf32> to vector<16xf32>
    %swap3A_535 = vector.shape_cast %select_n3A : vector<16xf32> to vector<1x16xf32>
    tpu.vector_store %arg17[%swap3A_531, %swap3A_532], %swap3A_535 {strides = array<i32>} : memref<48x144xf32, #tpu.memory_space<vmem>>, vector<1x16xf32>,
    %swap3A_536 = arith.constant 44 : i32
    %swap3A_537 = arith.index_cast %swap3A_536 : i32 to index
    %swap3A_538 = arith.constant 128 : index
    %swap3A_539 = tpu.vector_load %arg16[%swap3A_537, %swap3A_538] {strides = array<i32>} : memref<48x144xf32, #tpu.memory_space<vmem>>, vector<1x16xf32>,
    %swap3A_540 = vector.shape_cast %swap3A_539 : vector<1x16xf32> to vector<16xf32>
    %swap3A_541 = vector.shape_cast %select_n3A : vector<16xf32> to vector<1x16xf32>
    tpu.vector_store %arg16[%swap3A_537, %swap3A_538], %swap3A_541 {strides = array<i32>} : memref<48x144xf32, #tpu.memory_space<vmem>>, vector<1x16xf32>,
    %swap3A_542 = arith.constant 44 : i32
    %swap3A_543 = arith.index_cast %swap3A_542 : i32 to index
    %swap3A_544 = arith.constant 128 : index
    %swap3A_545 = tpu.vector_load %arg17[%swap3A_543, %swap3A_544] {strides = array<i32>} : memref<48x144xf32, #tpu.memory_space<vmem>>, vector<1x16xf32>,
    %swap3A_546 = vector.shape_cast %swap3A_545 : vector<1x16xf32> to vector<16xf32>
    %swap3A_547 = vector.shape_cast %select_n3A : vector<16xf32> to vector<1x16xf32>
    tpu.vector_store %arg17[%swap3A_543, %swap3A_544], %swap3A_547 {strides = array<i32>} : memref<48x144xf32, #tpu.memory_space<vmem>>, vector<1x16xf32>,
    %swap3A_548 = arith.constant 45 : i32
    %swap3A_549 = arith.index_cast %swap3A_548 : i32 to index
    %swap3A_550 = arith.constant 128 : index
    %swap3A_551 = tpu.vector_load %arg16[%swap3A_549, %swap3A_550] {strides = array<i32>} : memref<48x144xf32, #tpu.memory_space<vmem>>, vector<1x16xf32>,
    %swap3A_552 = vector.shape_cast %swap3A_551 : vector<1x16xf32> to vector<16xf32>
    %swap3A_553 = vector.shape_cast %select_n3A : vector<16xf32> to vector<1x16xf32>
    tpu.vector_store %arg16[%swap3A_549, %swap3A_550], %swap3A_553 {strides = array<i32>} : memref<48x144xf32, #tpu.memory_space<vmem>>, vector<1x16xf32>,
    %swap3A_554 = arith.constant 45 : i32
    %swap3A_555 = arith.index_cast %swap3A_554 : i32 to index
    %swap3A_556 = arith.constant 128 : index
    %swap3A_557 = tpu.vector_load %arg17[%swap3A_555, %swap3A_556] {strides = array<i32>} : memref<48x144xf32, #tpu.memory_space<vmem>>, vector<1x16xf32>,
    %swap3A_558 = vector.shape_cast %swap3A_557 : vector<1x16xf32> to vector<16xf32>
    %swap3A_559 = vector.shape_cast %select_n3A : vector<16xf32> to vector<1x16xf32>
    tpu.vector_store %arg17[%swap3A_555, %swap3A_556], %swap3A_559 {strides = array<i32>} : memref<48x144xf32, #tpu.memory_space<vmem>>, vector<1x16xf32>,
    %swap3A_560 = arith.constant 46 : i32
    %swap3A_561 = arith.index_cast %swap3A_560 : i32 to index
    %swap3A_562 = arith.constant 128 : index
    %swap3A_563 = tpu.vector_load %arg16[%swap3A_561, %swap3A_562] {strides = array<i32>} : memref<48x144xf32, #tpu.memory_space<vmem>>, vector<1x16xf32>,
    %swap3A_564 = vector.shape_cast %swap3A_563 : vector<1x16xf32> to vector<16xf32>
    %swap3A_565 = vector.shape_cast %select_n3A : vector<16xf32> to vector<1x16xf32>
    tpu.vector_store %arg16[%swap3A_561, %swap3A_562], %swap3A_565 {strides = array<i32>} : memref<48x144xf32, #tpu.memory_space<vmem>>, vector<1x16xf32>,
    %swap3A_566 = arith.constant 46 : i32
    %swap3A_567 = arith.index_cast %swap3A_566 : i32 to index
    %swap3A_568 = arith.constant 128 : index
    %swap3A_569 = tpu.vector_load %arg17[%swap3A_567, %swap3A_568] {strides = array<i32>} : memref<48x144xf32, #tpu.memory_space<vmem>>, vector<1x16xf32>,
    %swap3A_570 = vector.shape_cast %swap3A_569 : vector<1x16xf32> to vector<16xf32>
    %swap3A_571 = vector.shape_cast %select_n3A : vector<16xf32> to vector<1x16xf32>
    tpu.vector_store %arg17[%swap3A_567, %swap3A_568], %swap3A_571 {strides = array<i32>} : memref<48x144xf32, #tpu.memory_space<vmem>>, vector<1x16xf32>,
    %swap3A_572 = arith.constant 47 : i32
    %swap3A_573 = arith.index_cast %swap3A_572 : i32 to index
    %swap3A_574 = arith.constant 128 : index
    %swap3A_575 = tpu.vector_load %arg16[%swap3A_573, %swap3A_574] {strides = array<i32>} : memref<48x144xf32, #tpu.memory_space<vmem>>, vector<1x16xf32>,
    %swap3A_576 = vector.shape_cast %swap3A_575 : vector<1x16xf32> to vector<16xf32>
    %swap3A_577 = vector.shape_cast %select_n3A : vector<16xf32> to vector<1x16xf32>
    tpu.vector_store %arg16[%swap3A_573, %swap3A_574], %swap3A_577 {strides = array<i32>} : memref<48x144xf32, #tpu.memory_space<vmem>>, vector<1x16xf32>,
    %swap3A_578 = arith.constant 47 : i32
    %swap3A_579 = arith.index_cast %swap3A_578 : i32 to index
    %swap3A_580 = arith.constant 128 : index
    %swap3A_581 = tpu.vector_load %arg17[%swap3A_579, %swap3A_580] {strides = array<i32>} : memref<48x144xf32, #tpu.memory_space<vmem>>, vector<1x16xf32>,
    %swap3A_582 = vector.shape_cast %swap3A_581 : vector<1x16xf32> to vector<16xf32>
    %swap3A_583 = vector.shape_cast %select_n3A : vector<16xf32> to vector<1x16xf32>
    tpu.vector_store %arg17[%swap3A_579, %swap3A_580], %swap3A_583 {strides = array<i32>} : memref<48x144xf32, #tpu.memory_space<vmem>>, vector<1x16xf32>,
    %add3A_584 = arith.constant 0 : i32
    %add3A_585 = arith.addi %mul3A_2, %add3A_584 : i32
    %dma_start3A = tpu.memref_slice %arg4[%add3A_585] : memref<320000xi32, #tpu.memory_space<hbm>> -> memref<48xi32, #tpu.memory_space<hbm>>
    %dma_start3A_586 = tpu.memref_slice %arg4[%add3A_585] : memref<320000xi32, #tpu.memory_space<hbm>> -> memref<48xi32, #tpu.memory_space<hbm>>
    tpu.enqueue_dma source(%dma_start3A_586 : memref<48xi32, #tpu.memory_space<hbm>>) target(%arg8 : memref<48xi32, #tpu.memory_space<vmem>>) target_semaphore(%arg25 : memref<!tpu.dma_semaphore, #tpu.memory_space<semaphore_mem>>)
    %add3A_587 = arith.constant 48 : i32
    %add3A_588 = arith.addi %mul3A_2, %add3A_587 : i32
    %dma_start3A_589 = tpu.memref_slice %arg4[%add3A_588] : memref<320000xi32, #tpu.memory_space<hbm>> -> memref<48xi32, #tpu.memory_space<hbm>>
    %dma_start3A_590 = tpu.memref_slice %arg4[%add3A_588] : memref<320000xi32, #tpu.memory_space<hbm>> -> memref<48xi32, #tpu.memory_space<hbm>>
    tpu.enqueue_dma source(%dma_start3A_590 : memref<48xi32, #tpu.memory_space<hbm>>) target(%arg9 : memref<48xi32, #tpu.memory_space<vmem>>) target_semaphore(%arg26 : memref<!tpu.dma_semaphore, #tpu.memory_space<semaphore_mem>>)
    %add3A_591 = arith.constant 0 : i32
    %add3A_592 = arith.addi %mul3A_2, %add3A_591 : i32
    %dma_start3A_593 = tpu.memref_slice %arg5[%add3A_592] : memref<320000xi32, #tpu.memory_space<hbm>> -> memref<48xi32, #tpu.memory_space<hbm>>
    %dma_start3A_594 = tpu.memref_slice %arg5[%add3A_592] : memref<320000xi32, #tpu.memory_space<hbm>> -> memref<48xi32, #tpu.memory_space<hbm>>
    tpu.enqueue_dma source(%dma_start3A_594 : memref<48xi32, #tpu.memory_space<hbm>>) target(%arg10 : memref<48xi32, #tpu.memory_space<vmem>>) target_semaphore(%arg27 : memref<!tpu.dma_semaphore, #tpu.memory_space<semaphore_mem>>)
    %add3A_595 = arith.constant 48 : i32
    %add3A_596 = arith.addi %mul3A_2, %add3A_595 : i32
    %dma_start3A_597 = tpu.memref_slice %arg5[%add3A_596] : memref<320000xi32, #tpu.memory_space<hbm>> -> memref<48xi32, #tpu.memory_space<hbm>>
    %dma_start3A_598 = tpu.memref_slice %arg5[%add3A_596] : memref<320000xi32, #tpu.memory_space<hbm>> -> memref<48xi32, #tpu.memory_space<hbm>>
    tpu.enqueue_dma source(%dma_start3A_598 : memref<48xi32, #tpu.memory_space<hbm>>) target(%arg11 : memref<48xi32, #tpu.memory_space<vmem>>) target_semaphore(%arg28 : memref<!tpu.dma_semaphore, #tpu.memory_space<semaphore_mem>>)
    %dma_wait3A = tpu.memref_slice %arg4[%mul3A_2] : memref<320000xi32, #tpu.memory_space<hbm>> -> memref<48xi32, #tpu.memory_space<hbm>>
    %dma_wait3A_599 = tpu.memref_slice %arg4[%mul3A_2] : memref<320000xi32, #tpu.memory_space<hbm>> -> memref<48xi32, #tpu.memory_space<hbm>>
    tpu.wait_dma2 semaphore(%arg25 : memref<!tpu.dma_semaphore, #tpu.memory_space<semaphore_mem>>) src(%dma_wait3A_599 : memref<48xi32, #tpu.memory_space<hbm>>) dst(%arg8 : memref<48xi32, #tpu.memory_space<vmem>>)
    %dma_start3A_600 = arith.constant 0 : i32
    %dma_start3A_601 = arith.constant 0 : i32
    %dma_start3A_602 = tpu.memref_slice %arg2[%dma_start3A_600, %dma_start3A_601] : memref<10000x128xf32, #tpu.memory_space<hbm>> -> memref<10000x128xf32, #tpu.memory_space<hbm>>
    tpu.enqueue_indirect_dma source(%dma_start3A_602 : memref<10000x128xf32, #tpu.memory_space<hbm>>) target(%arg12 : memref<48x128xf32, #tpu.memory_space<vmem>>) offsets(%arg8 : memref<48xi32, #tpu.memory_space<vmem>>) semaphore(%arg19 : memref<!tpu.dma_semaphore, #tpu.memory_space<semaphore_mem>>)
    %add3A_603 = arith.constant 0 : i32
    %add3A_604 = arith.addi %mul3A_2, %add3A_603 : i32
    %dma_start3A_605 = arith.constant 0 : i32
    %dma_start3A_606 = tpu.memref_slice %arg3[%add3A_604, %dma_start3A_605] : memref<320000x128xf32, #tpu.memory_space<hbm>> -> memref<48x128xf32, #tpu.memory_space<hbm>>
    %dma_start3A_607 = arith.constant 0 : i32
    %dma_start3A_608 = tpu.memref_slice %arg3[%add3A_604, %dma_start3A_607] : memref<320000x128xf32, #tpu.memory_space<hbm>> -> memref<48x128xf32, #tpu.memory_space<hbm>>
    tpu.enqueue_dma source(%dma_start3A_608 : memref<48x128xf32, #tpu.memory_space<hbm>>) target(%arg14 : memref<48x128xf32, #tpu.memory_space<vmem>>) target_semaphore(%arg21 : memref<!tpu.dma_semaphore, #tpu.memory_space<semaphore_mem>>)
    %barrier3A = arith.constant 0 : index
    tpu.barrier barrier_id(%barrier3A)
    %scan3A = arith.constant 0 : i32
    %scan3A_609 = arith.constant 0 : i32
    %scan3A_610 = arith.constant 104 : i32
    %scan3A_611 = arith.addi %scan3A_609, %scan3A_610 : i32
    %scan3A_612 = arith.constant 1 : i32
    scf.for %scan3A_3252 = %scan3A_609 to %scan3A_611 step %scan3A_612  : i32 {
      %mul3A_3253 = arith.constant 2 : i32
      %mul3A_3254 = arith.muli %mul3A_3253, %scan3A_3252 : i32
      %add3A_3255 = arith.constant 0 : i32
      %add3A_3256 = arith.addi %mul3A_3254, %add3A_3255 : i32
      %add3A_3257 = arith.constant 1 : i32
      %add3A_3258 = arith.addi %add3A_3256, %add3A_3257 : i32
      %lt3A = arith.constant 208 : i32
      %lt3A_3259 = arith.cmpi slt, %add3A_3258, %lt3A : i32
      %convert_element_type3A = arith.extui %lt3A_3259 : i1 to i32
      %cond3A = arith.constant 0 : i32
      %cond3A_3260 = arith.cmpi ne, %convert_element_type3A, %cond3A : i32
      scf.if %cond3A_3260 {
        %add3A_3398 = arith.constant 1 : i32
        %add3A_3399 = arith.addi %add3A_3256, %add3A_3398 : i32
        %mul3A_3400 = arith.constant 48 : i32
        %mul3A_3401 = arith.muli %add3A_3399, %mul3A_3400 : i32
        %add3A_3402 = arith.addi %mul3A_2, %mul3A_3401 : i32
        %dma_wait3A_3403 = tpu.memref_slice %arg4[%add3A_3402] : memref<320000xi32, #tpu.memory_space<hbm>> -> memref<48xi32, #tpu.memory_space<hbm>>
        %dma_wait3A_3404 = tpu.memref_slice %arg4[%add3A_3402] : memref<320000xi32, #tpu.memory_space<hbm>> -> memref<48xi32, #tpu.memory_space<hbm>>
        tpu.wait_dma2 semaphore(%arg26 : memref<!tpu.dma_semaphore, #tpu.memory_space<semaphore_mem>>) src(%dma_wait3A_3404 : memref<48xi32, #tpu.memory_space<hbm>>) dst(%arg9 : memref<48xi32, #tpu.memory_space<vmem>>)
        %add3A_3405 = arith.constant 1 : i32
        %add3A_3406 = arith.addi %add3A_3256, %add3A_3405 : i32
        %dma_start3A_3407 = arith.constant 0 : i32
        %dma_start3A_3408 = arith.constant 0 : i32
        %dma_start3A_3409 = tpu.memref_slice %arg2[%dma_start3A_3407, %dma_start3A_3408] : memref<10000x128xf32, #tpu.memory_space<hbm>> -> memref<10000x128xf32, #tpu.memory_space<hbm>>
        tpu.enqueue_indirect_dma source(%dma_start3A_3409 : memref<10000x128xf32, #tpu.memory_space<hbm>>) target(%arg13 : memref<48x128xf32, #tpu.memory_space<vmem>>) offsets(%arg9 : memref<48xi32, #tpu.memory_space<vmem>>) semaphore(%arg20 : memref<!tpu.dma_semaphore, #tpu.memory_space<semaphore_mem>>)
        %mul3A_3410 = arith.constant 48 : i32
        %mul3A_3411 = arith.muli %add3A_3406, %mul3A_3410 : i32
        %add3A_3412 = arith.addi %mul3A_2, %mul3A_3411 : i32
        %dma_start3A_3413 = arith.constant 0 : i32
        %dma_start3A_3414 = tpu.memref_slice %arg3[%add3A_3412, %dma_start3A_3413] : memref<320000x128xf32, #tpu.memory_space<hbm>> -> memref<48x128xf32, #tpu.memory_space<hbm>>
        %dma_start3A_3415 = arith.constant 0 : i32
        %dma_start3A_3416 = tpu.memref_slice %arg3[%add3A_3412, %dma_start3A_3415] : memref<320000x128xf32, #tpu.memory_space<hbm>> -> memref<48x128xf32, #tpu.memory_space<hbm>>
        tpu.enqueue_dma source(%dma_start3A_3416 : memref<48x128xf32, #tpu.memory_space<hbm>>) target(%arg15 : memref<48x128xf32, #tpu.memory_space<vmem>>) target_semaphore(%arg22 : memref<!tpu.dma_semaphore, #tpu.memory_space<semaphore_mem>>)
      } else {
      }
      %dma_wait3A_3261 = arith.constant 0 : i32
      %dma_wait3A_3262 = arith.constant 0 : i32
      %dma_wait3A_3263 = tpu.memref_slice %arg2[%dma_wait3A_3261, %dma_wait3A_3262] : memref<10000x128xf32, #tpu.memory_space<hbm>> -> memref<10000x128xf32, #tpu.memory_space<hbm>>
      tpu.wait_indirect_dma semaphore(%arg19 : memref<!tpu.dma_semaphore, #tpu.memory_space<semaphore_mem>>) src(%dma_wait3A_3263 : memref<10000x128xf32, #tpu.memory_space<hbm>>) dst(%arg12 : memref<48x128xf32, #tpu.memory_space<vmem>>)
      %mul3A_3264 = arith.constant 48 : i32
      %mul3A_3265 = arith.muli %add3A_3256, %mul3A_3264 : i32
      %add3A_3266 = arith.addi %mul3A_2, %mul3A_3265 : i32
      %dma_wait3A_3267 = arith.constant 0 : i32
      %dma_wait3A_3268 = tpu.memref_slice %arg3[%add3A_3266, %dma_wait3A_3267] : memref<320000x128xf32, #tpu.memory_space<hbm>> -> memref<48x128xf32, #tpu.memory_space<hbm>>
      %dma_wait3A_3269 = arith.constant 0 : i32
      %dma_wait3A_3270 = tpu.memref_slice %arg3[%add3A_3266, %dma_wait3A_3269] : memref<320000x128xf32, #tpu.memory_space<hbm>> -> memref<48x128xf32, #tpu.memory_space<hbm>>
      tpu.wait_dma2 semaphore(%arg21 : memref<!tpu.dma_semaphore, #tpu.memory_space<semaphore_mem>>) src(%dma_wait3A_3270 : memref<48x128xf32, #tpu.memory_space<hbm>>) dst(%arg14 : memref<48x128xf32, #tpu.memory_space<vmem>>)
      %ge3A = arith.constant 2 : i32
      %ge3A_3271 = arith.cmpi sge, %add3A_3256, %ge3A : i32
      %convert_element_type3A_3272 = arith.extui %ge3A_3271 : i1 to i32
      %cond3A_3273 = arith.constant 0 : i32
      %cond3A_3274 = arith.cmpi ne, %convert_element_type3A_3272, %cond3A_3273 : i32
      scf.if %cond3A_3274 {
        %get3A_3398 = arith.constant 0 : index
        %get3A_3399 = tpu.vector_load %arg10[%get3A_3398] {strides = array<i32>} : memref<48xi32, #tpu.memory_space<vmem>>, vector<16xi32>,
        %get3A_3400 = vector.shape_cast %get3A_3399 : vector<16xi32> to vector<16xi32>
        %dma_wait3A_3401 = arith.constant 0 : i32
        %dma_wait3A_3402 = arith.constant 0 : i32
        %dma_wait3A_3403 = tpu.memref_slice %arg16[%dma_wait3A_3401, %dma_wait3A_3402] : memref<48x144xf32, #tpu.memory_space<vmem>> -> memref<16x144xf32, #tpu.memory_space<vmem>>
        %dma_wait3A_3404 = arith.constant 0 : i32
        %dma_wait3A_3405 = arith.constant 0 : i32
        %dma_wait3A_3406 = tpu.memref_slice %arg18[%dma_wait3A_3404, %dma_wait3A_3405] : memref<10000x144xf32, #tpu.memory_space<vmem_shared>> -> memref<10000x144xf32, #tpu.memory_space<vmem_shared>>
        tpu.wait_indirect_dma semaphore(%arg23 : memref<!tpu.dma_semaphore, #tpu.memory_space<semaphore_mem>>) src(%dma_wait3A_3403 : memref<16x144xf32, #tpu.memory_space<vmem>>) dst(%dma_wait3A_3406 : memref<10000x144xf32, #tpu.memory_space<vmem_shared>>)
        %get3A_3407 = arith.constant 16 : index
        %get3A_3408 = tpu.vector_load %arg10[%get3A_3407] {strides = array<i32>} : memref<48xi32, #tpu.memory_space<vmem>>, vector<16xi32>,
        %get3A_3409 = vector.shape_cast %get3A_3408 : vector<16xi32> to vector<16xi32>
        %dma_wait3A_3410 = arith.constant 16 : i32
        %dma_wait3A_3411 = arith.constant 0 : i32
        %dma_wait3A_3412 = tpu.memref_slice %arg16[%dma_wait3A_3410, %dma_wait3A_3411] : memref<48x144xf32, #tpu.memory_space<vmem>> -> memref<16x144xf32, #tpu.memory_space<vmem>>
        %dma_wait3A_3413 = arith.constant 0 : i32
        %dma_wait3A_3414 = arith.constant 0 : i32
        %dma_wait3A_3415 = tpu.memref_slice %arg18[%dma_wait3A_3413, %dma_wait3A_3414] : memref<10000x144xf32, #tpu.memory_space<vmem_shared>> -> memref<10000x144xf32, #tpu.memory_space<vmem_shared>>
        tpu.wait_indirect_dma semaphore(%arg23 : memref<!tpu.dma_semaphore, #tpu.memory_space<semaphore_mem>>) src(%dma_wait3A_3412 : memref<16x144xf32, #tpu.memory_space<vmem>>) dst(%dma_wait3A_3415 : memref<10000x144xf32, #tpu.memory_space<vmem_shared>>)
        %get3A_3416 = arith.constant 32 : index
        %get3A_3417 = tpu.vector_load %arg10[%get3A_3416] {strides = array<i32>} : memref<48xi32, #tpu.memory_space<vmem>>, vector<16xi32>,
        %get3A_3418 = vector.shape_cast %get3A_3417 : vector<16xi32> to vector<16xi32>
        %dma_wait3A_3419 = arith.constant 32 : i32
        %dma_wait3A_3420 = arith.constant 0 : i32
        %dma_wait3A_3421 = tpu.memref_slice %arg16[%dma_wait3A_3419, %dma_wait3A_3420] : memref<48x144xf32, #tpu.memory_space<vmem>> -> memref<16x144xf32, #tpu.memory_space<vmem>>
        %dma_wait3A_3422 = arith.constant 0 : i32
        %dma_wait3A_3423 = arith.constant 0 : i32
        %dma_wait3A_3424 = tpu.memref_slice %arg18[%dma_wait3A_3422, %dma_wait3A_3423] : memref<10000x144xf32, #tpu.memory_space<vmem_shared>> -> memref<10000x144xf32, #tpu.memory_space<vmem_shared>>
        tpu.wait_indirect_dma semaphore(%arg23 : memref<!tpu.dma_semaphore, #tpu.memory_space<semaphore_mem>>) src(%dma_wait3A_3421 : memref<16x144xf32, #tpu.memory_space<vmem>>) dst(%dma_wait3A_3424 : memref<10000x144xf32, #tpu.memory_space<vmem_shared>>)
      } else {
      }
      %add3A_3275 = arith.constant 2 : i32
      %add3A_3276 = arith.addi %add3A_3256, %add3A_3275 : i32
      %lt3A_3277 = arith.constant 208 : i32
      %lt3A_3278 = arith.cmpi slt, %add3A_3276, %lt3A_3277 : i32
      %convert_element_type3A_3279 = arith.extui %lt3A_3278 : i1 to i32
      %cond3A_3280 = arith.constant 0 : i32
      %cond3A_3281 = arith.cmpi ne, %convert_element_type3A_3279, %cond3A_3280 : i32
      scf.if %cond3A_3281 {
        %add3A_3398 = arith.constant 2 : i32
        %add3A_3399 = arith.addi %add3A_3256, %add3A_3398 : i32
        %mul3A_3400 = arith.constant 48 : i32
        %mul3A_3401 = arith.muli %add3A_3399, %mul3A_3400 : i32
        %add3A_3402 = arith.addi %mul3A_2, %mul3A_3401 : i32
        %dma_start3A_3403 = tpu.memref_slice %arg4[%add3A_3402] : memref<320000xi32, #tpu.memory_space<hbm>> -> memref<48xi32, #tpu.memory_space<hbm>>
        %dma_start3A_3404 = tpu.memref_slice %arg4[%add3A_3402] : memref<320000xi32, #tpu.memory_space<hbm>> -> memref<48xi32, #tpu.memory_space<hbm>>
        tpu.enqueue_dma source(%dma_start3A_3404 : memref<48xi32, #tpu.memory_space<hbm>>) target(%arg8 : memref<48xi32, #tpu.memory_space<vmem>>) target_semaphore(%arg25 : memref<!tpu.dma_semaphore, #tpu.memory_space<semaphore_mem>>)
      } else {
      }
      %parallel_loop3A = arith.constant 0 : i32
      %parallel_loop3A_3282 = arith.constant 48 : i32
      %parallel_loop3A_3283 = arith.constant 1 : i32
      scf.for %parallel_loop3A_3398 = %parallel_loop3A to %parallel_loop3A_3282 step %parallel_loop3A_3283  : i32 {
        %parallel_loop3A_3399 = arith.index_cast %parallel_loop3A_3398 : i32 to index
        %parallel_loop3A_3400 = arith.constant 0 : index
        %parallel_loop3A_3401 = tpu.vector_load %arg12[%parallel_loop3A_3399, %parallel_loop3A_3400] {strides = array<i32>} : memref<48x128xf32, #tpu.memory_space<vmem>>, vector<1x16xf32>,
        %parallel_loop3A_3402 = vector.shape_cast %parallel_loop3A_3401 : vector<1x16xf32> to vector<16xf32>
        %parallel_loop3A_3403 = arith.index_cast %parallel_loop3A_3398 : i32 to index
        %parallel_loop3A_3404 = arith.constant 0 : index
        %parallel_loop3A_3405 = tpu.vector_load %arg14[%parallel_loop3A_3403, %parallel_loop3A_3404] {strides = array<i32>} : memref<48x128xf32, #tpu.memory_space<vmem>>, vector<1x16xf32>,
        %parallel_loop3A_3406 = vector.shape_cast %parallel_loop3A_3405 : vector<1x16xf32> to vector<16xf32>
        %parallel_loop3A_3407 = arith.addf %parallel_loop3A_3402, %parallel_loop3A_3406 : vector<16xf32>
        %parallel_loop3A_3408 = arith.constant 0.000000e+00 : f32
        %parallel_loop3A_3409 = vector.broadcast %parallel_loop3A_3408 : f32 to vector<16xf32>
        %parallel_loop3A_3410 = arith.maximumf %parallel_loop3A_3407, %parallel_loop3A_3409 : vector<16xf32>
        %parallel_loop3A_3411 = arith.index_cast %parallel_loop3A_3398 : i32 to index
        %parallel_loop3A_3412 = arith.constant 0 : index
        %parallel_loop3A_3413 = tpu.vector_load %arg16[%parallel_loop3A_3411, %parallel_loop3A_3412] {strides = array<i32>} : memref<48x144xf32, #tpu.memory_space<vmem>>, vector<1x16xf32>,
        %parallel_loop3A_3414 = vector.shape_cast %parallel_loop3A_3413 : vector<1x16xf32> to vector<16xf32>
        %parallel_loop3A_3415 = vector.shape_cast %parallel_loop3A_3410 : vector<16xf32> to vector<1x16xf32>
        tpu.vector_store %arg16[%parallel_loop3A_3411, %parallel_loop3A_3412], %parallel_loop3A_3415 {strides = array<i32>} : memref<48x144xf32, #tpu.memory_space<vmem>>, vector<1x16xf32>,
        %parallel_loop3A_3416 = arith.index_cast %parallel_loop3A_3398 : i32 to index
        %parallel_loop3A_3417 = arith.constant 16 : index
        %parallel_loop3A_3418 = tpu.vector_load %arg12[%parallel_loop3A_3416, %parallel_loop3A_3417] {strides = array<i32>} : memref<48x128xf32, #tpu.memory_space<vmem>>, vector<1x16xf32>,
        %parallel_loop3A_3419 = vector.shape_cast %parallel_loop3A_3418 : vector<1x16xf32> to vector<16xf32>
        %parallel_loop3A_3420 = arith.index_cast %parallel_loop3A_3398 : i32 to index
        %parallel_loop3A_3421 = arith.constant 16 : index
        %parallel_loop3A_3422 = tpu.vector_load %arg14[%parallel_loop3A_3420, %parallel_loop3A_3421] {strides = array<i32>} : memref<48x128xf32, #tpu.memory_space<vmem>>, vector<1x16xf32>,
        %parallel_loop3A_3423 = vector.shape_cast %parallel_loop3A_3422 : vector<1x16xf32> to vector<16xf32>
        %parallel_loop3A_3424 = arith.addf %parallel_loop3A_3419, %parallel_loop3A_3423 : vector<16xf32>
        %parallel_loop3A_3425 = arith.constant 0.000000e+00 : f32
        %parallel_loop3A_3426 = vector.broadcast %parallel_loop3A_3425 : f32 to vector<16xf32>
        %parallel_loop3A_3427 = arith.maximumf %parallel_loop3A_3424, %parallel_loop3A_3426 : vector<16xf32>
        %parallel_loop3A_3428 = arith.index_cast %parallel_loop3A_3398 : i32 to index
        %parallel_loop3A_3429 = arith.constant 16 : index
        %parallel_loop3A_3430 = tpu.vector_load %arg16[%parallel_loop3A_3428, %parallel_loop3A_3429] {strides = array<i32>} : memref<48x144xf32, #tpu.memory_space<vmem>>, vector<1x16xf32>,
        %parallel_loop3A_3431 = vector.shape_cast %parallel_loop3A_3430 : vector<1x16xf32> to vector<16xf32>
        %parallel_loop3A_3432 = vector.shape_cast %parallel_loop3A_3427 : vector<16xf32> to vector<1x16xf32>
        tpu.vector_store %arg16[%parallel_loop3A_3428, %parallel_loop3A_3429], %parallel_loop3A_3432 {strides = array<i32>} : memref<48x144xf32, #tpu.memory_space<vmem>>, vector<1x16xf32>,
        %parallel_loop3A_3433 = arith.index_cast %parallel_loop3A_3398 : i32 to index
        %parallel_loop3A_3434 = arith.constant 32 : index
        %parallel_loop3A_3435 = tpu.vector_load %arg12[%parallel_loop3A_3433, %parallel_loop3A_3434] {strides = array<i32>} : memref<48x128xf32, #tpu.memory_space<vmem>>, vector<1x16xf32>,
        %parallel_loop3A_3436 = vector.shape_cast %parallel_loop3A_3435 : vector<1x16xf32> to vector<16xf32>
        %parallel_loop3A_3437 = arith.index_cast %parallel_loop3A_3398 : i32 to index
        %parallel_loop3A_3438 = arith.constant 32 : index
        %parallel_loop3A_3439 = tpu.vector_load %arg14[%parallel_loop3A_3437, %parallel_loop3A_3438] {strides = array<i32>} : memref<48x128xf32, #tpu.memory_space<vmem>>, vector<1x16xf32>,
        %parallel_loop3A_3440 = vector.shape_cast %parallel_loop3A_3439 : vector<1x16xf32> to vector<16xf32>
        %parallel_loop3A_3441 = arith.addf %parallel_loop3A_3436, %parallel_loop3A_3440 : vector<16xf32>
        %parallel_loop3A_3442 = arith.constant 0.000000e+00 : f32
        %parallel_loop3A_3443 = vector.broadcast %parallel_loop3A_3442 : f32 to vector<16xf32>
        %parallel_loop3A_3444 = arith.maximumf %parallel_loop3A_3441, %parallel_loop3A_3443 : vector<16xf32>
        %parallel_loop3A_3445 = arith.index_cast %parallel_loop3A_3398 : i32 to index
        %parallel_loop3A_3446 = arith.constant 32 : index
        %parallel_loop3A_3447 = tpu.vector_load %arg16[%parallel_loop3A_3445, %parallel_loop3A_3446] {strides = array<i32>} : memref<48x144xf32, #tpu.memory_space<vmem>>, vector<1x16xf32>,
        %parallel_loop3A_3448 = vector.shape_cast %parallel_loop3A_3447 : vector<1x16xf32> to vector<16xf32>
        %parallel_loop3A_3449 = vector.shape_cast %parallel_loop3A_3444 : vector<16xf32> to vector<1x16xf32>
        tpu.vector_store %arg16[%parallel_loop3A_3445, %parallel_loop3A_3446], %parallel_loop3A_3449 {strides = array<i32>} : memref<48x144xf32, #tpu.memory_space<vmem>>, vector<1x16xf32>,
        %parallel_loop3A_3450 = arith.index_cast %parallel_loop3A_3398 : i32 to index
        %parallel_loop3A_3451 = arith.constant 48 : index
        %parallel_loop3A_3452 = tpu.vector_load %arg12[%parallel_loop3A_3450, %parallel_loop3A_3451] {strides = array<i32>} : memref<48x128xf32, #tpu.memory_space<vmem>>, vector<1x16xf32>,
        %parallel_loop3A_3453 = vector.shape_cast %parallel_loop3A_3452 : vector<1x16xf32> to vector<16xf32>
        %parallel_loop3A_3454 = arith.index_cast %parallel_loop3A_3398 : i32 to index
        %parallel_loop3A_3455 = arith.constant 48 : index
        %parallel_loop3A_3456 = tpu.vector_load %arg14[%parallel_loop3A_3454, %parallel_loop3A_3455] {strides = array<i32>} : memref<48x128xf32, #tpu.memory_space<vmem>>, vector<1x16xf32>,
        %parallel_loop3A_3457 = vector.shape_cast %parallel_loop3A_3456 : vector<1x16xf32> to vector<16xf32>
        %parallel_loop3A_3458 = arith.addf %parallel_loop3A_3453, %parallel_loop3A_3457 : vector<16xf32>
        %parallel_loop3A_3459 = arith.constant 0.000000e+00 : f32
        %parallel_loop3A_3460 = vector.broadcast %parallel_loop3A_3459 : f32 to vector<16xf32>
        %parallel_loop3A_3461 = arith.maximumf %parallel_loop3A_3458, %parallel_loop3A_3460 : vector<16xf32>
        %parallel_loop3A_3462 = arith.index_cast %parallel_loop3A_3398 : i32 to index
        %parallel_loop3A_3463 = arith.constant 48 : index
        %parallel_loop3A_3464 = tpu.vector_load %arg16[%parallel_loop3A_3462, %parallel_loop3A_3463] {strides = array<i32>} : memref<48x144xf32, #tpu.memory_space<vmem>>, vector<1x16xf32>,
        %parallel_loop3A_3465 = vector.shape_cast %parallel_loop3A_3464 : vector<1x16xf32> to vector<16xf32>
        %parallel_loop3A_3466 = vector.shape_cast %parallel_loop3A_3461 : vector<16xf32> to vector<1x16xf32>
        tpu.vector_store %arg16[%parallel_loop3A_3462, %parallel_loop3A_3463], %parallel_loop3A_3466 {strides = array<i32>} : memref<48x144xf32, #tpu.memory_space<vmem>>, vector<1x16xf32>,
        %parallel_loop3A_3467 = arith.index_cast %parallel_loop3A_3398 : i32 to index
        %parallel_loop3A_3468 = arith.constant 64 : index
        %parallel_loop3A_3469 = tpu.vector_load %arg12[%parallel_loop3A_3467, %parallel_loop3A_3468] {strides = array<i32>} : memref<48x128xf32, #tpu.memory_space<vmem>>, vector<1x16xf32>,
        %parallel_loop3A_3470 = vector.shape_cast %parallel_loop3A_3469 : vector<1x16xf32> to vector<16xf32>
        %parallel_loop3A_3471 = arith.index_cast %parallel_loop3A_3398 : i32 to index
        %parallel_loop3A_3472 = arith.constant 64 : index
        %parallel_loop3A_3473 = tpu.vector_load %arg14[%parallel_loop3A_3471, %parallel_loop3A_3472] {strides = array<i32>} : memref<48x128xf32, #tpu.memory_space<vmem>>, vector<1x16xf32>,
        %parallel_loop3A_3474 = vector.shape_cast %parallel_loop3A_3473 : vector<1x16xf32> to vector<16xf32>
        %parallel_loop3A_3475 = arith.addf %parallel_loop3A_3470, %parallel_loop3A_3474 : vector<16xf32>
        %parallel_loop3A_3476 = arith.constant 0.000000e+00 : f32
        %parallel_loop3A_3477 = vector.broadcast %parallel_loop3A_3476 : f32 to vector<16xf32>
        %parallel_loop3A_3478 = arith.maximumf %parallel_loop3A_3475, %parallel_loop3A_3477 : vector<16xf32>
        %parallel_loop3A_3479 = arith.index_cast %parallel_loop3A_3398 : i32 to index
        %parallel_loop3A_3480 = arith.constant 64 : index
        %parallel_loop3A_3481 = tpu.vector_load %arg16[%parallel_loop3A_3479, %parallel_loop3A_3480] {strides = array<i32>} : memref<48x144xf32, #tpu.memory_space<vmem>>, vector<1x16xf32>,
        %parallel_loop3A_3482 = vector.shape_cast %parallel_loop3A_3481 : vector<1x16xf32> to vector<16xf32>
        %parallel_loop3A_3483 = vector.shape_cast %parallel_loop3A_3478 : vector<16xf32> to vector<1x16xf32>
        tpu.vector_store %arg16[%parallel_loop3A_3479, %parallel_loop3A_3480], %parallel_loop3A_3483 {strides = array<i32>} : memref<48x144xf32, #tpu.memory_space<vmem>>, vector<1x16xf32>,
        %parallel_loop3A_3484 = arith.index_cast %parallel_loop3A_3398 : i32 to index
        %parallel_loop3A_3485 = arith.constant 80 : index
        %parallel_loop3A_3486 = tpu.vector_load %arg12[%parallel_loop3A_3484, %parallel_loop3A_3485] {strides = array<i32>} : memref<48x128xf32, #tpu.memory_space<vmem>>, vector<1x16xf32>,
        %parallel_loop3A_3487 = vector.shape_cast %parallel_loop3A_3486 : vector<1x16xf32> to vector<16xf32>
        %parallel_loop3A_3488 = arith.index_cast %parallel_loop3A_3398 : i32 to index
        %parallel_loop3A_3489 = arith.constant 80 : index
        %parallel_loop3A_3490 = tpu.vector_load %arg14[%parallel_loop3A_3488, %parallel_loop3A_3489] {strides = array<i32>} : memref<48x128xf32, #tpu.memory_space<vmem>>, vector<1x16xf32>,
        %parallel_loop3A_3491 = vector.shape_cast %parallel_loop3A_3490 : vector<1x16xf32> to vector<16xf32>
        %parallel_loop3A_3492 = arith.addf %parallel_loop3A_3487, %parallel_loop3A_3491 : vector<16xf32>
        %parallel_loop3A_3493 = arith.constant 0.000000e+00 : f32
        %parallel_loop3A_3494 = vector.broadcast %parallel_loop3A_3493 : f32 to vector<16xf32>
        %parallel_loop3A_3495 = arith.maximumf %parallel_loop3A_3492, %parallel_loop3A_3494 : vector<16xf32>
        %parallel_loop3A_3496 = arith.index_cast %parallel_loop3A_3398 : i32 to index
        %parallel_loop3A_3497 = arith.constant 80 : index
        %parallel_loop3A_3498 = tpu.vector_load %arg16[%parallel_loop3A_3496, %parallel_loop3A_3497] {strides = array<i32>} : memref<48x144xf32, #tpu.memory_space<vmem>>, vector<1x16xf32>,
        %parallel_loop3A_3499 = vector.shape_cast %parallel_loop3A_3498 : vector<1x16xf32> to vector<16xf32>
        %parallel_loop3A_3500 = vector.shape_cast %parallel_loop3A_3495 : vector<16xf32> to vector<1x16xf32>
        tpu.vector_store %arg16[%parallel_loop3A_3496, %parallel_loop3A_3497], %parallel_loop3A_3500 {strides = array<i32>} : memref<48x144xf32, #tpu.memory_space<vmem>>, vector<1x16xf32>,
        %parallel_loop3A_3501 = arith.index_cast %parallel_loop3A_3398 : i32 to index
        %parallel_loop3A_3502 = arith.constant 96 : index
        %parallel_loop3A_3503 = tpu.vector_load %arg12[%parallel_loop3A_3501, %parallel_loop3A_3502] {strides = array<i32>} : memref<48x128xf32, #tpu.memory_space<vmem>>, vector<1x16xf32>,
        %parallel_loop3A_3504 = vector.shape_cast %parallel_loop3A_3503 : vector<1x16xf32> to vector<16xf32>
        %parallel_loop3A_3505 = arith.index_cast %parallel_loop3A_3398 : i32 to index
        %parallel_loop3A_3506 = arith.constant 96 : index
        %parallel_loop3A_3507 = tpu.vector_load %arg14[%parallel_loop3A_3505, %parallel_loop3A_3506] {strides = array<i32>} : memref<48x128xf32, #tpu.memory_space<vmem>>, vector<1x16xf32>,
        %parallel_loop3A_3508 = vector.shape_cast %parallel_loop3A_3507 : vector<1x16xf32> to vector<16xf32>
        %parallel_loop3A_3509 = arith.addf %parallel_loop3A_3504, %parallel_loop3A_3508 : vector<16xf32>
        %parallel_loop3A_3510 = arith.constant 0.000000e+00 : f32
        %parallel_loop3A_3511 = vector.broadcast %parallel_loop3A_3510 : f32 to vector<16xf32>
        %parallel_loop3A_3512 = arith.maximumf %parallel_loop3A_3509, %parallel_loop3A_3511 : vector<16xf32>
        %parallel_loop3A_3513 = arith.index_cast %parallel_loop3A_3398 : i32 to index
        %parallel_loop3A_3514 = arith.constant 96 : index
        %parallel_loop3A_3515 = tpu.vector_load %arg16[%parallel_loop3A_3513, %parallel_loop3A_3514] {strides = array<i32>} : memref<48x144xf32, #tpu.memory_space<vmem>>, vector<1x16xf32>,
        %parallel_loop3A_3516 = vector.shape_cast %parallel_loop3A_3515 : vector<1x16xf32> to vector<16xf32>
        %parallel_loop3A_3517 = vector.shape_cast %parallel_loop3A_3512 : vector<16xf32> to vector<1x16xf32>
        tpu.vector_store %arg16[%parallel_loop3A_3513, %parallel_loop3A_3514], %parallel_loop3A_3517 {strides = array<i32>} : memref<48x144xf32, #tpu.memory_space<vmem>>, vector<1x16xf32>,
        %parallel_loop3A_3518 = arith.index_cast %parallel_loop3A_3398 : i32 to index
        %parallel_loop3A_3519 = arith.constant 112 : index
        %parallel_loop3A_3520 = tpu.vector_load %arg12[%parallel_loop3A_3518, %parallel_loop3A_3519] {strides = array<i32>} : memref<48x128xf32, #tpu.memory_space<vmem>>, vector<1x16xf32>,
        %parallel_loop3A_3521 = vector.shape_cast %parallel_loop3A_3520 : vector<1x16xf32> to vector<16xf32>
        %parallel_loop3A_3522 = arith.index_cast %parallel_loop3A_3398 : i32 to index
        %parallel_loop3A_3523 = arith.constant 112 : index
        %parallel_loop3A_3524 = tpu.vector_load %arg14[%parallel_loop3A_3522, %parallel_loop3A_3523] {strides = array<i32>} : memref<48x128xf32, #tpu.memory_space<vmem>>, vector<1x16xf32>,
        %parallel_loop3A_3525 = vector.shape_cast %parallel_loop3A_3524 : vector<1x16xf32> to vector<16xf32>
        %parallel_loop3A_3526 = arith.addf %parallel_loop3A_3521, %parallel_loop3A_3525 : vector<16xf32>
        %parallel_loop3A_3527 = arith.constant 0.000000e+00 : f32
        %parallel_loop3A_3528 = vector.broadcast %parallel_loop3A_3527 : f32 to vector<16xf32>
        %parallel_loop3A_3529 = arith.maximumf %parallel_loop3A_3526, %parallel_loop3A_3528 : vector<16xf32>
        %parallel_loop3A_3530 = arith.index_cast %parallel_loop3A_3398 : i32 to index
        %parallel_loop3A_3531 = arith.constant 112 : index
        %parallel_loop3A_3532 = tpu.vector_load %arg16[%parallel_loop3A_3530, %parallel_loop3A_3531] {strides = array<i32>} : memref<48x144xf32, #tpu.memory_space<vmem>>, vector<1x16xf32>,
        %parallel_loop3A_3533 = vector.shape_cast %parallel_loop3A_3532 : vector<1x16xf32> to vector<16xf32>
        %parallel_loop3A_3534 = vector.shape_cast %parallel_loop3A_3529 : vector<16xf32> to vector<1x16xf32>
        tpu.vector_store %arg16[%parallel_loop3A_3530, %parallel_loop3A_3531], %parallel_loop3A_3534 {strides = array<i32>} : memref<48x144xf32, #tpu.memory_space<vmem>>, vector<1x16xf32>,
      } {sc.loop_unroll_factor = 4 : i64, sc.parallel_access}
      %mul3A_3284 = arith.constant 48 : i32
      %mul3A_3285 = arith.muli %add3A_3256, %mul3A_3284 : i32
      %add3A_3286 = arith.addi %mul3A_2, %mul3A_3285 : i32
      %dma_wait3A_3287 = tpu.memref_slice %arg5[%add3A_3286] : memref<320000xi32, #tpu.memory_space<hbm>> -> memref<48xi32, #tpu.memory_space<hbm>>
      %dma_wait3A_3288 = tpu.memref_slice %arg5[%add3A_3286] : memref<320000xi32, #tpu.memory_space<hbm>> -> memref<48xi32, #tpu.memory_space<hbm>>
      tpu.wait_dma2 semaphore(%arg27 : memref<!tpu.dma_semaphore, #tpu.memory_space<semaphore_mem>>) src(%dma_wait3A_3288 : memref<48xi32, #tpu.memory_space<hbm>>) dst(%arg10 : memref<48xi32, #tpu.memory_space<vmem>>)
      %get3A_3289 = arith.constant 0 : index
      %get3A_3290 = tpu.vector_load %arg10[%get3A_3289] {strides = array<i32>} : memref<48xi32, #tpu.memory_space<vmem>>, vector<16xi32>,
      %get3A_3291 = vector.shape_cast %get3A_3290 : vector<16xi32> to vector<16xi32>
      %dma_start3A_3292 = arith.constant 0 : i32
      %dma_start3A_3293 = arith.constant 0 : i32
      %dma_start3A_3294 = tpu.memref_slice %arg16[%dma_start3A_3292, %dma_start3A_3293] : memref<48x144xf32, #tpu.memory_space<vmem>> -> memref<16x144xf32, #tpu.memory_space<vmem>>
      %dma_start3A_3295 = arith.constant 0 : i32
      %dma_start3A_3296 = arith.constant 0 : i32
      %dma_start3A_3297 = tpu.memref_slice %arg18[%dma_start3A_3295, %dma_start3A_3296] : memref<10000x144xf32, #tpu.memory_space<vmem_shared>> -> memref<10000x144xf32, #tpu.memory_space<vmem_shared>>
      tpu.enqueue_indirect_dma source(%dma_start3A_3294 : memref<16x144xf32, #tpu.memory_space<vmem>>) target(%dma_start3A_3297 : memref<10000x144xf32, #tpu.memory_space<vmem_shared>>) offsets(%get3A_3291 : vector<16xi32>) semaphore(%arg23 : memref<!tpu.dma_semaphore, #tpu.memory_space<semaphore_mem>>) {add = true}
      %get3A_3298 = arith.constant 16 : index
      %get3A_3299 = tpu.vector_load %arg10[%get3A_3298] {strides = array<i32>} : memref<48xi32, #tpu.memory_space<vmem>>, vector<16xi32>,
      %get3A_3300 = vector.shape_cast %get3A_3299 : vector<16xi32> to vector<16xi32>
      %dma_start3A_3301 = arith.constant 16 : i32
      %dma_start3A_3302 = arith.constant 0 : i32
      %dma_start3A_3303 = tpu.memref_slice %arg16[%dma_start3A_3301, %dma_start3A_3302] : memref<48x144xf32, #tpu.memory_space<vmem>> -> memref<16x144xf32, #tpu.memory_space<vmem>>
      %dma_start3A_3304 = arith.constant 0 : i32
      %dma_start3A_3305 = arith.constant 0 : i32
      %dma_start3A_3306 = tpu.memref_slice %arg18[%dma_start3A_3304, %dma_start3A_3305] : memref<10000x144xf32, #tpu.memory_space<vmem_shared>> -> memref<10000x144xf32, #tpu.memory_space<vmem_shared>>
      tpu.enqueue_indirect_dma source(%dma_start3A_3303 : memref<16x144xf32, #tpu.memory_space<vmem>>) target(%dma_start3A_3306 : memref<10000x144xf32, #tpu.memory_space<vmem_shared>>) offsets(%get3A_3300 : vector<16xi32>) semaphore(%arg23 : memref<!tpu.dma_semaphore, #tpu.memory_space<semaphore_mem>>) {add = true}
      %get3A_3307 = arith.constant 32 : index
      %get3A_3308 = tpu.vector_load %arg10[%get3A_3307] {strides = array<i32>} : memref<48xi32, #tpu.memory_space<vmem>>, vector<16xi32>,
      %get3A_3309 = vector.shape_cast %get3A_3308 : vector<16xi32> to vector<16xi32>
      %dma_start3A_3310 = arith.constant 32 : i32
      %dma_start3A_3311 = arith.constant 0 : i32
      %dma_start3A_3312 = tpu.memref_slice %arg16[%dma_start3A_3310, %dma_start3A_3311] : memref<48x144xf32, #tpu.memory_space<vmem>> -> memref<16x144xf32, #tpu.memory_space<vmem>>
      %dma_start3A_3313 = arith.constant 0 : i32
      %dma_start3A_3314 = arith.constant 0 : i32
      %dma_start3A_3315 = tpu.memref_slice %arg18[%dma_start3A_3313, %dma_start3A_3314] : memref<10000x144xf32, #tpu.memory_space<vmem_shared>> -> memref<10000x144xf32, #tpu.memory_space<vmem_shared>>
      tpu.enqueue_indirect_dma source(%dma_start3A_3312 : memref<16x144xf32, #tpu.memory_space<vmem>>) target(%dma_start3A_3315 : memref<10000x144xf32, #tpu.memory_space<vmem_shared>>) offsets(%get3A_3309 : vector<16xi32>) semaphore(%arg23 : memref<!tpu.dma_semaphore, #tpu.memory_space<semaphore_mem>>) {add = true}
      %add3A_3316 = arith.constant 2 : i32
      %add3A_3317 = arith.addi %add3A_3256, %add3A_3316 : i32
      %lt3A_3318 = arith.constant 208 : i32
      %lt3A_3319 = arith.cmpi slt, %add3A_3317, %lt3A_3318 : i32
      %convert_element_type3A_3320 = arith.extui %lt3A_3319 : i1 to i32
      %cond3A_3321 = arith.constant 0 : i32
      %cond3A_3322 = arith.cmpi ne, %convert_element_type3A_3320, %cond3A_3321 : i32
      scf.if %cond3A_3322 {
        %add3A_3398 = arith.constant 2 : i32
        %add3A_3399 = arith.addi %add3A_3256, %add3A_3398 : i32
        %mul3A_3400 = arith.constant 48 : i32
        %mul3A_3401 = arith.muli %add3A_3399, %mul3A_3400 : i32
        %add3A_3402 = arith.addi %mul3A_2, %mul3A_3401 : i32
        %dma_start3A_3403 = tpu.memref_slice %arg5[%add3A_3402] : memref<320000xi32, #tpu.memory_space<hbm>> -> memref<48xi32, #tpu.memory_space<hbm>>
        %dma_start3A_3404 = tpu.memref_slice %arg5[%add3A_3402] : memref<320000xi32, #tpu.memory_space<hbm>> -> memref<48xi32, #tpu.memory_space<hbm>>
        tpu.enqueue_dma source(%dma_start3A_3404 : memref<48xi32, #tpu.memory_space<hbm>>) target(%arg10 : memref<48xi32, #tpu.memory_space<vmem>>) target_semaphore(%arg27 : memref<!tpu.dma_semaphore, #tpu.memory_space<semaphore_mem>>)
      } else {
      }
      %mul3A_3323 = arith.constant 2 : i32
      %mul3A_3324 = arith.muli %mul3A_3323, %scan3A_3252 : i32
      %add3A_3325 = arith.constant 1 : i32
      %add3A_3326 = arith.addi %mul3A_3324, %add3A_3325 : i32
      %add3A_3327 = arith.constant 1 : i32
      %add3A_3328 = arith.addi %add3A_3326, %add3A_3327 : i32
      %lt3A_3329 = arith.constant 208 : i32
      %lt3A_3330 = arith.cmpi slt, %add3A_3328, %lt3A_3329 : i32
      %convert_element_type3A_3331 = arith.extui %lt3A_3330 : i1 to i32
      %cond3A_3332 = arith.constant 0 : i32
      %cond3A_3333 = arith.cmpi ne, %convert_element_type3A_3331, %cond3A_3332 : i32
      scf.if %cond3A_3333 {
        %add3A_3398 = arith.constant 1 : i32
        %add3A_3399 = arith.addi %add3A_3326, %add3A_3398 : i32
        %mul3A_3400 = arith.constant 48 : i32
        %mul3A_3401 = arith.muli %add3A_3399, %mul3A_3400 : i32
        %add3A_3402 = arith.addi %mul3A_2, %mul3A_3401 : i32
        %dma_wait3A_3403 = tpu.memref_slice %arg4[%add3A_3402] : memref<320000xi32, #tpu.memory_space<hbm>> -> memref<48xi32, #tpu.memory_space<hbm>>
        %dma_wait3A_3404 = tpu.memref_slice %arg4[%add3A_3402] : memref<320000xi32, #tpu.memory_space<hbm>> -> memref<48xi32, #tpu.memory_space<hbm>>
        tpu.wait_dma2 semaphore(%arg25 : memref<!tpu.dma_semaphore, #tpu.memory_space<semaphore_mem>>) src(%dma_wait3A_3404 : memref<48xi32, #tpu.memory_space<hbm>>) dst(%arg8 : memref<48xi32, #tpu.memory_space<vmem>>)
        %add3A_3405 = arith.constant 1 : i32
        %add3A_3406 = arith.addi %add3A_3326, %add3A_3405 : i32
        %dma_start3A_3407 = arith.constant 0 : i32
        %dma_start3A_3408 = arith.constant 0 : i32
        %dma_start3A_3409 = tpu.memref_slice %arg2[%dma_start3A_3407, %dma_start3A_3408] : memref<10000x128xf32, #tpu.memory_space<hbm>> -> memref<10000x128xf32, #tpu.memory_space<hbm>>
        tpu.enqueue_indirect_dma source(%dma_start3A_3409 : memref<10000x128xf32, #tpu.memory_space<hbm>>) target(%arg12 : memref<48x128xf32, #tpu.memory_space<vmem>>) offsets(%arg8 : memref<48xi32, #tpu.memory_space<vmem>>) semaphore(%arg19 : memref<!tpu.dma_semaphore, #tpu.memory_space<semaphore_mem>>)
        %mul3A_3410 = arith.constant 48 : i32
        %mul3A_3411 = arith.muli %add3A_3406, %mul3A_3410 : i32
        %add3A_3412 = arith.addi %mul3A_2, %mul3A_3411 : i32
        %dma_start3A_3413 = arith.constant 0 : i32
        %dma_start3A_3414 = tpu.memref_slice %arg3[%add3A_3412, %dma_start3A_3413] : memref<320000x128xf32, #tpu.memory_space<hbm>> -> memref<48x128xf32, #tpu.memory_space<hbm>>
        %dma_start3A_3415 = arith.constant 0 : i32
        %dma_start3A_3416 = tpu.memref_slice %arg3[%add3A_3412, %dma_start3A_3415] : memref<320000x128xf32, #tpu.memory_space<hbm>> -> memref<48x128xf32, #tpu.memory_space<hbm>>
        tpu.enqueue_dma source(%dma_start3A_3416 : memref<48x128xf32, #tpu.memory_space<hbm>>) target(%arg14 : memref<48x128xf32, #tpu.memory_space<vmem>>) target_semaphore(%arg21 : memref<!tpu.dma_semaphore, #tpu.memory_space<semaphore_mem>>)
      } else {
      }
      %dma_wait3A_3334 = arith.constant 0 : i32
      %dma_wait3A_3335 = arith.constant 0 : i32
      %dma_wait3A_3336 = tpu.memref_slice %arg2[%dma_wait3A_3334, %dma_wait3A_3335] : memref<10000x128xf32, #tpu.memory_space<hbm>> -> memref<10000x128xf32, #tpu.memory_space<hbm>>
      tpu.wait_indirect_dma semaphore(%arg20 : memref<!tpu.dma_semaphore, #tpu.memory_space<semaphore_mem>>) src(%dma_wait3A_3336 : memref<10000x128xf32, #tpu.memory_space<hbm>>) dst(%arg13 : memref<48x128xf32, #tpu.memory_space<vmem>>)
      %mul3A_3337 = arith.constant 48 : i32
      %mul3A_3338 = arith.muli %add3A_3326, %mul3A_3337 : i32
      %add3A_3339 = arith.addi %mul3A_2, %mul3A_3338 : i32
      %dma_wait3A_3340 = arith.constant 0 : i32
      %dma_wait3A_3341 = tpu.memref_slice %arg3[%add3A_3339, %dma_wait3A_3340] : memref<320000x128xf32, #tpu.memory_space<hbm>> -> memref<48x128xf32, #tpu.memory_space<hbm>>
      %dma_wait3A_3342 = arith.constant 0 : i32
      %dma_wait3A_3343 = tpu.memref_slice %arg3[%add3A_3339, %dma_wait3A_3342] : memref<320000x128xf32, #tpu.memory_space<hbm>> -> memref<48x128xf32, #tpu.memory_space<hbm>>
      tpu.wait_dma2 semaphore(%arg22 : memref<!tpu.dma_semaphore, #tpu.memory_space<semaphore_mem>>) src(%dma_wait3A_3343 : memref<48x128xf32, #tpu.memory_space<hbm>>) dst(%arg15 : memref<48x128xf32, #tpu.memory_space<vmem>>)
      %ge3A_3344 = arith.constant 2 : i32
      %ge3A_3345 = arith.cmpi sge, %add3A_3326, %ge3A_3344 : i32
      %convert_element_type3A_3346 = arith.extui %ge3A_3345 : i1 to i32
      %cond3A_3347 = arith.constant 0 : i32
      %cond3A_3348 = arith.cmpi ne, %convert_element_type3A_3346, %cond3A_3347 : i32
      scf.if %cond3A_3348 {
        %get3A_3398 = arith.constant 0 : index
        %get3A_3399 = tpu.vector_load %arg11[%get3A_3398] {strides = array<i32>} : memref<48xi32, #tpu.memory_space<vmem>>, vector<16xi32>,
        %get3A_3400 = vector.shape_cast %get3A_3399 : vector<16xi32> to vector<16xi32>
        %dma_wait3A_3401 = arith.constant 0 : i32
        %dma_wait3A_3402 = arith.constant 0 : i32
        %dma_wait3A_3403 = tpu.memref_slice %arg17[%dma_wait3A_3401, %dma_wait3A_3402] : memref<48x144xf32, #tpu.memory_space<vmem>> -> memref<16x144xf32, #tpu.memory_space<vmem>>
        %dma_wait3A_3404 = arith.constant 0 : i32
        %dma_wait3A_3405 = arith.constant 0 : i32
        %dma_wait3A_3406 = tpu.memref_slice %arg18[%dma_wait3A_3404, %dma_wait3A_3405] : memref<10000x144xf32, #tpu.memory_space<vmem_shared>> -> memref<10000x144xf32, #tpu.memory_space<vmem_shared>>
        tpu.wait_indirect_dma semaphore(%arg24 : memref<!tpu.dma_semaphore, #tpu.memory_space<semaphore_mem>>) src(%dma_wait3A_3403 : memref<16x144xf32, #tpu.memory_space<vmem>>) dst(%dma_wait3A_3406 : memref<10000x144xf32, #tpu.memory_space<vmem_shared>>)
        %get3A_3407 = arith.constant 16 : index
        %get3A_3408 = tpu.vector_load %arg11[%get3A_3407] {strides = array<i32>} : memref<48xi32, #tpu.memory_space<vmem>>, vector<16xi32>,
        %get3A_3409 = vector.shape_cast %get3A_3408 : vector<16xi32> to vector<16xi32>
        %dma_wait3A_3410 = arith.constant 16 : i32
        %dma_wait3A_3411 = arith.constant 0 : i32
        %dma_wait3A_3412 = tpu.memref_slice %arg17[%dma_wait3A_3410, %dma_wait3A_3411] : memref<48x144xf32, #tpu.memory_space<vmem>> -> memref<16x144xf32, #tpu.memory_space<vmem>>
        %dma_wait3A_3413 = arith.constant 0 : i32
        %dma_wait3A_3414 = arith.constant 0 : i32
        %dma_wait3A_3415 = tpu.memref_slice %arg18[%dma_wait3A_3413, %dma_wait3A_3414] : memref<10000x144xf32, #tpu.memory_space<vmem_shared>> -> memref<10000x144xf32, #tpu.memory_space<vmem_shared>>
        tpu.wait_indirect_dma semaphore(%arg24 : memref<!tpu.dma_semaphore, #tpu.memory_space<semaphore_mem>>) src(%dma_wait3A_3412 : memref<16x144xf32, #tpu.memory_space<vmem>>) dst(%dma_wait3A_3415 : memref<10000x144xf32, #tpu.memory_space<vmem_shared>>)
        %get3A_3416 = arith.constant 32 : index
        %get3A_3417 = tpu.vector_load %arg11[%get3A_3416] {strides = array<i32>} : memref<48xi32, #tpu.memory_space<vmem>>, vector<16xi32>,
        %get3A_3418 = vector.shape_cast %get3A_3417 : vector<16xi32> to vector<16xi32>
        %dma_wait3A_3419 = arith.constant 32 : i32
        %dma_wait3A_3420 = arith.constant 0 : i32
        %dma_wait3A_3421 = tpu.memref_slice %arg17[%dma_wait3A_3419, %dma_wait3A_3420] : memref<48x144xf32, #tpu.memory_space<vmem>> -> memref<16x144xf32, #tpu.memory_space<vmem>>
        %dma_wait3A_3422 = arith.constant 0 : i32
        %dma_wait3A_3423 = arith.constant 0 : i32
        %dma_wait3A_3424 = tpu.memref_slice %arg18[%dma_wait3A_3422, %dma_wait3A_3423] : memref<10000x144xf32, #tpu.memory_space<vmem_shared>> -> memref<10000x144xf32, #tpu.memory_space<vmem_shared>>
        tpu.wait_indirect_dma semaphore(%arg24 : memref<!tpu.dma_semaphore, #tpu.memory_space<semaphore_mem>>) src(%dma_wait3A_3421 : memref<16x144xf32, #tpu.memory_space<vmem>>) dst(%dma_wait3A_3424 : memref<10000x144xf32, #tpu.memory_space<vmem_shared>>)
      } else {
      }
      %add3A_3349 = arith.constant 2 : i32
      %add3A_3350 = arith.addi %add3A_3326, %add3A_3349 : i32
      %lt3A_3351 = arith.constant 208 : i32
      %lt3A_3352 = arith.cmpi slt, %add3A_3350, %lt3A_3351 : i32
      %convert_element_type3A_3353 = arith.extui %lt3A_3352 : i1 to i32
      %cond3A_3354 = arith.constant 0 : i32
      %cond3A_3355 = arith.cmpi ne, %convert_element_type3A_3353, %cond3A_3354 : i32
      scf.if %cond3A_3355 {
        %add3A_3398 = arith.constant 2 : i32
        %add3A_3399 = arith.addi %add3A_3326, %add3A_3398 : i32
        %mul3A_3400 = arith.constant 48 : i32
        %mul3A_3401 = arith.muli %add3A_3399, %mul3A_3400 : i32
        %add3A_3402 = arith.addi %mul3A_2, %mul3A_3401 : i32
        %dma_start3A_3403 = tpu.memref_slice %arg4[%add3A_3402] : memref<320000xi32, #tpu.memory_space<hbm>> -> memref<48xi32, #tpu.memory_space<hbm>>
        %dma_start3A_3404 = tpu.memref_slice %arg4[%add3A_3402] : memref<320000xi32, #tpu.memory_space<hbm>> -> memref<48xi32, #tpu.memory_space<hbm>>
        tpu.enqueue_dma source(%dma_start3A_3404 : memref<48xi32, #tpu.memory_space<hbm>>) target(%arg9 : memref<48xi32, #tpu.memory_space<vmem>>) target_semaphore(%arg26 : memref<!tpu.dma_semaphore, #tpu.memory_space<semaphore_mem>>)
      } else {
      }
      %parallel_loop3A_3356 = arith.constant 0 : i32
      %parallel_loop3A_3357 = arith.constant 48 : i32
      %parallel_loop3A_3358 = arith.constant 1 : i32
      scf.for %parallel_loop3A_3398 = %parallel_loop3A_3356 to %parallel_loop3A_3357 step %parallel_loop3A_3358  : i32 {
        %parallel_loop3A_3399 = arith.index_cast %parallel_loop3A_3398 : i32 to index
        %parallel_loop3A_3400 = arith.constant 0 : index
        %parallel_loop3A_3401 = tpu.vector_load %arg13[%parallel_loop3A_3399, %parallel_loop3A_3400] {strides = array<i32>} : memref<48x128xf32, #tpu.memory_space<vmem>>, vector<1x16xf32>,
        %parallel_loop3A_3402 = vector.shape_cast %parallel_loop3A_3401 : vector<1x16xf32> to vector<16xf32>
        %parallel_loop3A_3403 = arith.index_cast %parallel_loop3A_3398 : i32 to index
        %parallel_loop3A_3404 = arith.constant 0 : index
        %parallel_loop3A_3405 = tpu.vector_load %arg15[%parallel_loop3A_3403, %parallel_loop3A_3404] {strides = array<i32>} : memref<48x128xf32, #tpu.memory_space<vmem>>, vector<1x16xf32>,
        %parallel_loop3A_3406 = vector.shape_cast %parallel_loop3A_3405 : vector<1x16xf32> to vector<16xf32>
        %parallel_loop3A_3407 = arith.addf %parallel_loop3A_3402, %parallel_loop3A_3406 : vector<16xf32>
        %parallel_loop3A_3408 = arith.constant 0.000000e+00 : f32
        %parallel_loop3A_3409 = vector.broadcast %parallel_loop3A_3408 : f32 to vector<16xf32>
        %parallel_loop3A_3410 = arith.maximumf %parallel_loop3A_3407, %parallel_loop3A_3409 : vector<16xf32>
        %parallel_loop3A_3411 = arith.index_cast %parallel_loop3A_3398 : i32 to index
        %parallel_loop3A_3412 = arith.constant 0 : index
        %parallel_loop3A_3413 = tpu.vector_load %arg17[%parallel_loop3A_3411, %parallel_loop3A_3412] {strides = array<i32>} : memref<48x144xf32, #tpu.memory_space<vmem>>, vector<1x16xf32>,
        %parallel_loop3A_3414 = vector.shape_cast %parallel_loop3A_3413 : vector<1x16xf32> to vector<16xf32>
        %parallel_loop3A_3415 = vector.shape_cast %parallel_loop3A_3410 : vector<16xf32> to vector<1x16xf32>
        tpu.vector_store %arg17[%parallel_loop3A_3411, %parallel_loop3A_3412], %parallel_loop3A_3415 {strides = array<i32>} : memref<48x144xf32, #tpu.memory_space<vmem>>, vector<1x16xf32>,
        %parallel_loop3A_3416 = arith.index_cast %parallel_loop3A_3398 : i32 to index
        %parallel_loop3A_3417 = arith.constant 16 : index
        %parallel_loop3A_3418 = tpu.vector_load %arg13[%parallel_loop3A_3416, %parallel_loop3A_3417] {strides = array<i32>} : memref<48x128xf32, #tpu.memory_space<vmem>>, vector<1x16xf32>,
        %parallel_loop3A_3419 = vector.shape_cast %parallel_loop3A_3418 : vector<1x16xf32> to vector<16xf32>
        %parallel_loop3A_3420 = arith.index_cast %parallel_loop3A_3398 : i32 to index
        %parallel_loop3A_3421 = arith.constant 16 : index
        %parallel_loop3A_3422 = tpu.vector_load %arg15[%parallel_loop3A_3420, %parallel_loop3A_3421] {strides = array<i32>} : memref<48x128xf32, #tpu.memory_space<vmem>>, vector<1x16xf32>,
        %parallel_loop3A_3423 = vector.shape_cast %parallel_loop3A_3422 : vector<1x16xf32> to vector<16xf32>
        %parallel_loop3A_3424 = arith.addf %parallel_loop3A_3419, %parallel_loop3A_3423 : vector<16xf32>
        %parallel_loop3A_3425 = arith.constant 0.000000e+00 : f32
        %parallel_loop3A_3426 = vector.broadcast %parallel_loop3A_3425 : f32 to vector<16xf32>
        %parallel_loop3A_3427 = arith.maximumf %parallel_loop3A_3424, %parallel_loop3A_3426 : vector<16xf32>
        %parallel_loop3A_3428 = arith.index_cast %parallel_loop3A_3398 : i32 to index
        %parallel_loop3A_3429 = arith.constant 16 : index
        %parallel_loop3A_3430 = tpu.vector_load %arg17[%parallel_loop3A_3428, %parallel_loop3A_3429] {strides = array<i32>} : memref<48x144xf32, #tpu.memory_space<vmem>>, vector<1x16xf32>,
        %parallel_loop3A_3431 = vector.shape_cast %parallel_loop3A_3430 : vector<1x16xf32> to vector<16xf32>
        %parallel_loop3A_3432 = vector.shape_cast %parallel_loop3A_3427 : vector<16xf32> to vector<1x16xf32>
        tpu.vector_store %arg17[%parallel_loop3A_3428, %parallel_loop3A_3429], %parallel_loop3A_3432 {strides = array<i32>} : memref<48x144xf32, #tpu.memory_space<vmem>>, vector<1x16xf32>,
        %parallel_loop3A_3433 = arith.index_cast %parallel_loop3A_3398 : i32 to index
        %parallel_loop3A_3434 = arith.constant 32 : index
        %parallel_loop3A_3435 = tpu.vector_load %arg13[%parallel_loop3A_3433, %parallel_loop3A_3434] {strides = array<i32>} : memref<48x128xf32, #tpu.memory_space<vmem>>, vector<1x16xf32>,
        %parallel_loop3A_3436 = vector.shape_cast %parallel_loop3A_3435 : vector<1x16xf32> to vector<16xf32>
        %parallel_loop3A_3437 = arith.index_cast %parallel_loop3A_3398 : i32 to index
        %parallel_loop3A_3438 = arith.constant 32 : index
        %parallel_loop3A_3439 = tpu.vector_load %arg15[%parallel_loop3A_3437, %parallel_loop3A_3438] {strides = array<i32>} : memref<48x128xf32, #tpu.memory_space<vmem>>, vector<1x16xf32>,
        %parallel_loop3A_3440 = vector.shape_cast %parallel_loop3A_3439 : vector<1x16xf32> to vector<16xf32>
        %parallel_loop3A_3441 = arith.addf %parallel_loop3A_3436, %parallel_loop3A_3440 : vector<16xf32>
        %parallel_loop3A_3442 = arith.constant 0.000000e+00 : f32
        %parallel_loop3A_3443 = vector.broadcast %parallel_loop3A_3442 : f32 to vector<16xf32>
        %parallel_loop3A_3444 = arith.maximumf %parallel_loop3A_3441, %parallel_loop3A_3443 : vector<16xf32>
        %parallel_loop3A_3445 = arith.index_cast %parallel_loop3A_3398 : i32 to index
        %parallel_loop3A_3446 = arith.constant 32 : index
        %parallel_loop3A_3447 = tpu.vector_load %arg17[%parallel_loop3A_3445, %parallel_loop3A_3446] {strides = array<i32>} : memref<48x144xf32, #tpu.memory_space<vmem>>, vector<1x16xf32>,
        %parallel_loop3A_3448 = vector.shape_cast %parallel_loop3A_3447 : vector<1x16xf32> to vector<16xf32>
        %parallel_loop3A_3449 = vector.shape_cast %parallel_loop3A_3444 : vector<16xf32> to vector<1x16xf32>
        tpu.vector_store %arg17[%parallel_loop3A_3445, %parallel_loop3A_3446], %parallel_loop3A_3449 {strides = array<i32>} : memref<48x144xf32, #tpu.memory_space<vmem>>, vector<1x16xf32>,
        %parallel_loop3A_3450 = arith.index_cast %parallel_loop3A_3398 : i32 to index
        %parallel_loop3A_3451 = arith.constant 48 : index
        %parallel_loop3A_3452 = tpu.vector_load %arg13[%parallel_loop3A_3450, %parallel_loop3A_3451] {strides = array<i32>} : memref<48x128xf32, #tpu.memory_space<vmem>>, vector<1x16xf32>,
        %parallel_loop3A_3453 = vector.shape_cast %parallel_loop3A_3452 : vector<1x16xf32> to vector<16xf32>
        %parallel_loop3A_3454 = arith.index_cast %parallel_loop3A_3398 : i32 to index
        %parallel_loop3A_3455 = arith.constant 48 : index
        %parallel_loop3A_3456 = tpu.vector_load %arg15[%parallel_loop3A_3454, %parallel_loop3A_3455] {strides = array<i32>} : memref<48x128xf32, #tpu.memory_space<vmem>>, vector<1x16xf32>,
        %parallel_loop3A_3457 = vector.shape_cast %parallel_loop3A_3456 : vector<1x16xf32> to vector<16xf32>
        %parallel_loop3A_3458 = arith.addf %parallel_loop3A_3453, %parallel_loop3A_3457 : vector<16xf32>
        %parallel_loop3A_3459 = arith.constant 0.000000e+00 : f32
        %parallel_loop3A_3460 = vector.broadcast %parallel_loop3A_3459 : f32 to vector<16xf32>
        %parallel_loop3A_3461 = arith.maximumf %parallel_loop3A_3458, %parallel_loop3A_3460 : vector<16xf32>
        %parallel_loop3A_3462 = arith.index_cast %parallel_loop3A_3398 : i32 to index
        %parallel_loop3A_3463 = arith.constant 48 : index
        %parallel_loop3A_3464 = tpu.vector_load %arg17[%parallel_loop3A_3462, %parallel_loop3A_3463] {strides = array<i32>} : memref<48x144xf32, #tpu.memory_space<vmem>>, vector<1x16xf32>,
        %parallel_loop3A_3465 = vector.shape_cast %parallel_loop3A_3464 : vector<1x16xf32> to vector<16xf32>
        %parallel_loop3A_3466 = vector.shape_cast %parallel_loop3A_3461 : vector<16xf32> to vector<1x16xf32>
        tpu.vector_store %arg17[%parallel_loop3A_3462, %parallel_loop3A_3463], %parallel_loop3A_3466 {strides = array<i32>} : memref<48x144xf32, #tpu.memory_space<vmem>>, vector<1x16xf32>,
        %parallel_loop3A_3467 = arith.index_cast %parallel_loop3A_3398 : i32 to index
        %parallel_loop3A_3468 = arith.constant 64 : index
        %parallel_loop3A_3469 = tpu.vector_load %arg13[%parallel_loop3A_3467, %parallel_loop3A_3468] {strides = array<i32>} : memref<48x128xf32, #tpu.memory_space<vmem>>, vector<1x16xf32>,
        %parallel_loop3A_3470 = vector.shape_cast %parallel_loop3A_3469 : vector<1x16xf32> to vector<16xf32>
        %parallel_loop3A_3471 = arith.index_cast %parallel_loop3A_3398 : i32 to index
        %parallel_loop3A_3472 = arith.constant 64 : index
        %parallel_loop3A_3473 = tpu.vector_load %arg15[%parallel_loop3A_3471, %parallel_loop3A_3472] {strides = array<i32>} : memref<48x128xf32, #tpu.memory_space<vmem>>, vector<1x16xf32>,
        %parallel_loop3A_3474 = vector.shape_cast %parallel_loop3A_3473 : vector<1x16xf32> to vector<16xf32>
        %parallel_loop3A_3475 = arith.addf %parallel_loop3A_3470, %parallel_loop3A_3474 : vector<16xf32>
        %parallel_loop3A_3476 = arith.constant 0.000000e+00 : f32
        %parallel_loop3A_3477 = vector.broadcast %parallel_loop3A_3476 : f32 to vector<16xf32>
        %parallel_loop3A_3478 = arith.maximumf %parallel_loop3A_3475, %parallel_loop3A_3477 : vector<16xf32>
        %parallel_loop3A_3479 = arith.index_cast %parallel_loop3A_3398 : i32 to index
        %parallel_loop3A_3480 = arith.constant 64 : index
        %parallel_loop3A_3481 = tpu.vector_load %arg17[%parallel_loop3A_3479, %parallel_loop3A_3480] {strides = array<i32>} : memref<48x144xf32, #tpu.memory_space<vmem>>, vector<1x16xf32>,
        %parallel_loop3A_3482 = vector.shape_cast %parallel_loop3A_3481 : vector<1x16xf32> to vector<16xf32>
        %parallel_loop3A_3483 = vector.shape_cast %parallel_loop3A_3478 : vector<16xf32> to vector<1x16xf32>
        tpu.vector_store %arg17[%parallel_loop3A_3479, %parallel_loop3A_3480], %parallel_loop3A_3483 {strides = array<i32>} : memref<48x144xf32, #tpu.memory_space<vmem>>, vector<1x16xf32>,
        %parallel_loop3A_3484 = arith.index_cast %parallel_loop3A_3398 : i32 to index
        %parallel_loop3A_3485 = arith.constant 80 : index
        %parallel_loop3A_3486 = tpu.vector_load %arg13[%parallel_loop3A_3484, %parallel_loop3A_3485] {strides = array<i32>} : memref<48x128xf32, #tpu.memory_space<vmem>>, vector<1x16xf32>,
        %parallel_loop3A_3487 = vector.shape_cast %parallel_loop3A_3486 : vector<1x16xf32> to vector<16xf32>
        %parallel_loop3A_3488 = arith.index_cast %parallel_loop3A_3398 : i32 to index
        %parallel_loop3A_3489 = arith.constant 80 : index
        %parallel_loop3A_3490 = tpu.vector_load %arg15[%parallel_loop3A_3488, %parallel_loop3A_3489] {strides = array<i32>} : memref<48x128xf32, #tpu.memory_space<vmem>>, vector<1x16xf32>,
        %parallel_loop3A_3491 = vector.shape_cast %parallel_loop3A_3490 : vector<1x16xf32> to vector<16xf32>
        %parallel_loop3A_3492 = arith.addf %parallel_loop3A_3487, %parallel_loop3A_3491 : vector<16xf32>
        %parallel_loop3A_3493 = arith.constant 0.000000e+00 : f32
        %parallel_loop3A_3494 = vector.broadcast %parallel_loop3A_3493 : f32 to vector<16xf32>
        %parallel_loop3A_3495 = arith.maximumf %parallel_loop3A_3492, %parallel_loop3A_3494 : vector<16xf32>
        %parallel_loop3A_3496 = arith.index_cast %parallel_loop3A_3398 : i32 to index
        %parallel_loop3A_3497 = arith.constant 80 : index
        %parallel_loop3A_3498 = tpu.vector_load %arg17[%parallel_loop3A_3496, %parallel_loop3A_3497] {strides = array<i32>} : memref<48x144xf32, #tpu.memory_space<vmem>>, vector<1x16xf32>,
        %parallel_loop3A_3499 = vector.shape_cast %parallel_loop3A_3498 : vector<1x16xf32> to vector<16xf32>
        %parallel_loop3A_3500 = vector.shape_cast %parallel_loop3A_3495 : vector<16xf32> to vector<1x16xf32>
        tpu.vector_store %arg17[%parallel_loop3A_3496, %parallel_loop3A_3497], %parallel_loop3A_3500 {strides = array<i32>} : memref<48x144xf32, #tpu.memory_space<vmem>>, vector<1x16xf32>,
        %parallel_loop3A_3501 = arith.index_cast %parallel_loop3A_3398 : i32 to index
        %parallel_loop3A_3502 = arith.constant 96 : index
        %parallel_loop3A_3503 = tpu.vector_load %arg13[%parallel_loop3A_3501, %parallel_loop3A_3502] {strides = array<i32>} : memref<48x128xf32, #tpu.memory_space<vmem>>, vector<1x16xf32>,
        %parallel_loop3A_3504 = vector.shape_cast %parallel_loop3A_3503 : vector<1x16xf32> to vector<16xf32>
        %parallel_loop3A_3505 = arith.index_cast %parallel_loop3A_3398 : i32 to index
        %parallel_loop3A_3506 = arith.constant 96 : index
        %parallel_loop3A_3507 = tpu.vector_load %arg15[%parallel_loop3A_3505, %parallel_loop3A_3506] {strides = array<i32>} : memref<48x128xf32, #tpu.memory_space<vmem>>, vector<1x16xf32>,
        %parallel_loop3A_3508 = vector.shape_cast %parallel_loop3A_3507 : vector<1x16xf32> to vector<16xf32>
        %parallel_loop3A_3509 = arith.addf %parallel_loop3A_3504, %parallel_loop3A_3508 : vector<16xf32>
        %parallel_loop3A_3510 = arith.constant 0.000000e+00 : f32
        %parallel_loop3A_3511 = vector.broadcast %parallel_loop3A_3510 : f32 to vector<16xf32>
        %parallel_loop3A_3512 = arith.maximumf %parallel_loop3A_3509, %parallel_loop3A_3511 : vector<16xf32>
        %parallel_loop3A_3513 = arith.index_cast %parallel_loop3A_3398 : i32 to index
        %parallel_loop3A_3514 = arith.constant 96 : index
        %parallel_loop3A_3515 = tpu.vector_load %arg17[%parallel_loop3A_3513, %parallel_loop3A_3514] {strides = array<i32>} : memref<48x144xf32, #tpu.memory_space<vmem>>, vector<1x16xf32>,
        %parallel_loop3A_3516 = vector.shape_cast %parallel_loop3A_3515 : vector<1x16xf32> to vector<16xf32>
        %parallel_loop3A_3517 = vector.shape_cast %parallel_loop3A_3512 : vector<16xf32> to vector<1x16xf32>
        tpu.vector_store %arg17[%parallel_loop3A_3513, %parallel_loop3A_3514], %parallel_loop3A_3517 {strides = array<i32>} : memref<48x144xf32, #tpu.memory_space<vmem>>, vector<1x16xf32>,
        %parallel_loop3A_3518 = arith.index_cast %parallel_loop3A_3398 : i32 to index
        %parallel_loop3A_3519 = arith.constant 112 : index
        %parallel_loop3A_3520 = tpu.vector_load %arg13[%parallel_loop3A_3518, %parallel_loop3A_3519] {strides = array<i32>} : memref<48x128xf32, #tpu.memory_space<vmem>>, vector<1x16xf32>,
        %parallel_loop3A_3521 = vector.shape_cast %parallel_loop3A_3520 : vector<1x16xf32> to vector<16xf32>
        %parallel_loop3A_3522 = arith.index_cast %parallel_loop3A_3398 : i32 to index
        %parallel_loop3A_3523 = arith.constant 112 : index
        %parallel_loop3A_3524 = tpu.vector_load %arg15[%parallel_loop3A_3522, %parallel_loop3A_3523] {strides = array<i32>} : memref<48x128xf32, #tpu.memory_space<vmem>>, vector<1x16xf32>,
        %parallel_loop3A_3525 = vector.shape_cast %parallel_loop3A_3524 : vector<1x16xf32> to vector<16xf32>
        %parallel_loop3A_3526 = arith.addf %parallel_loop3A_3521, %parallel_loop3A_3525 : vector<16xf32>
        %parallel_loop3A_3527 = arith.constant 0.000000e+00 : f32
        %parallel_loop3A_3528 = vector.broadcast %parallel_loop3A_3527 : f32 to vector<16xf32>
        %parallel_loop3A_3529 = arith.maximumf %parallel_loop3A_3526, %parallel_loop3A_3528 : vector<16xf32>
        %parallel_loop3A_3530 = arith.index_cast %parallel_loop3A_3398 : i32 to index
        %parallel_loop3A_3531 = arith.constant 112 : index
        %parallel_loop3A_3532 = tpu.vector_load %arg17[%parallel_loop3A_3530, %parallel_loop3A_3531] {strides = array<i32>} : memref<48x144xf32, #tpu.memory_space<vmem>>, vector<1x16xf32>,
        %parallel_loop3A_3533 = vector.shape_cast %parallel_loop3A_3532 : vector<1x16xf32> to vector<16xf32>
        %parallel_loop3A_3534 = vector.shape_cast %parallel_loop3A_3529 : vector<16xf32> to vector<1x16xf32>
        tpu.vector_store %arg17[%parallel_loop3A_3530, %parallel_loop3A_3531], %parallel_loop3A_3534 {strides = array<i32>} : memref<48x144xf32, #tpu.memory_space<vmem>>, vector<1x16xf32>,
      } {sc.loop_unroll_factor = 4 : i64, sc.parallel_access}
      %mul3A_3359 = arith.constant 48 : i32
      %mul3A_3360 = arith.muli %add3A_3326, %mul3A_3359 : i32
      %add3A_3361 = arith.addi %mul3A_2, %mul3A_3360 : i32
      %dma_wait3A_3362 = tpu.memref_slice %arg5[%add3A_3361] : memref<320000xi32, #tpu.memory_space<hbm>> -> memref<48xi32, #tpu.memory_space<hbm>>
      %dma_wait3A_3363 = tpu.memref_slice %arg5[%add3A_3361] : memref<320000xi32, #tpu.memory_space<hbm>> -> memref<48xi32, #tpu.memory_space<hbm>>
      tpu.wait_dma2 semaphore(%arg28 : memref<!tpu.dma_semaphore, #tpu.memory_space<semaphore_mem>>) src(%dma_wait3A_3363 : memref<48xi32, #tpu.memory_space<hbm>>) dst(%arg11 : memref<48xi32, #tpu.memory_space<vmem>>)
      %get3A_3364 = arith.constant 0 : index
      %get3A_3365 = tpu.vector_load %arg11[%get3A_3364] {strides = array<i32>} : memref<48xi32, #tpu.memory_space<vmem>>, vector<16xi32>,
      %get3A_3366 = vector.shape_cast %get3A_3365 : vector<16xi32> to vector<16xi32>
      %dma_start3A_3367 = arith.constant 0 : i32
      %dma_start3A_3368 = arith.constant 0 : i32
      %dma_start3A_3369 = tpu.memref_slice %arg17[%dma_start3A_3367, %dma_start3A_3368] : memref<48x144xf32, #tpu.memory_space<vmem>> -> memref<16x144xf32, #tpu.memory_space<vmem>>
      %dma_start3A_3370 = arith.constant 0 : i32
      %dma_start3A_3371 = arith.constant 0 : i32
      %dma_start3A_3372 = tpu.memref_slice %arg18[%dma_start3A_3370, %dma_start3A_3371] : memref<10000x144xf32, #tpu.memory_space<vmem_shared>> -> memref<10000x144xf32, #tpu.memory_space<vmem_shared>>
      tpu.enqueue_indirect_dma source(%dma_start3A_3369 : memref<16x144xf32, #tpu.memory_space<vmem>>) target(%dma_start3A_3372 : memref<10000x144xf32, #tpu.memory_space<vmem_shared>>) offsets(%get3A_3366 : vector<16xi32>) semaphore(%arg24 : memref<!tpu.dma_semaphore, #tpu.memory_space<semaphore_mem>>) {add = true}
      %get3A_3373 = arith.constant 16 : index
      %get3A_3374 = tpu.vector_load %arg11[%get3A_3373] {strides = array<i32>} : memref<48xi32, #tpu.memory_space<vmem>>, vector<16xi32>,
      %get3A_3375 = vector.shape_cast %get3A_3374 : vector<16xi32> to vector<16xi32>
      %dma_start3A_3376 = arith.constant 16 : i32
      %dma_start3A_3377 = arith.constant 0 : i32
      %dma_start3A_3378 = tpu.memref_slice %arg17[%dma_start3A_3376, %dma_start3A_3377] : memref<48x144xf32, #tpu.memory_space<vmem>> -> memref<16x144xf32, #tpu.memory_space<vmem>>
      %dma_start3A_3379 = arith.constant 0 : i32
      %dma_start3A_3380 = arith.constant 0 : i32
      %dma_start3A_3381 = tpu.memref_slice %arg18[%dma_start3A_3379, %dma_start3A_3380] : memref<10000x144xf32, #tpu.memory_space<vmem_shared>> -> memref<10000x144xf32, #tpu.memory_space<vmem_shared>>
      tpu.enqueue_indirect_dma source(%dma_start3A_3378 : memref<16x144xf32, #tpu.memory_space<vmem>>) target(%dma_start3A_3381 : memref<10000x144xf32, #tpu.memory_space<vmem_shared>>) offsets(%get3A_3375 : vector<16xi32>) semaphore(%arg24 : memref<!tpu.dma_semaphore, #tpu.memory_space<semaphore_mem>>) {add = true}
      %get3A_3382 = arith.constant 32 : index
      %get3A_3383 = tpu.vector_load %arg11[%get3A_3382] {strides = array<i32>} : memref<48xi32, #tpu.memory_space<vmem>>, vector<16xi32>,
      %get3A_3384 = vector.shape_cast %get3A_3383 : vector<16xi32> to vector<16xi32>
      %dma_start3A_3385 = arith.constant 32 : i32
      %dma_start3A_3386 = arith.constant 0 : i32
      %dma_start3A_3387 = tpu.memref_slice %arg17[%dma_start3A_3385, %dma_start3A_3386] : memref<48x144xf32, #tpu.memory_space<vmem>> -> memref<16x144xf32, #tpu.memory_space<vmem>>
      %dma_start3A_3388 = arith.constant 0 : i32
      %dma_start3A_3389 = arith.constant 0 : i32
      %dma_start3A_3390 = tpu.memref_slice %arg18[%dma_start3A_3388, %dma_start3A_3389] : memref<10000x144xf32, #tpu.memory_space<vmem_shared>> -> memref<10000x144xf32, #tpu.memory_space<vmem_shared>>
      tpu.enqueue_indirect_dma source(%dma_start3A_3387 : memref<16x144xf32, #tpu.memory_space<vmem>>) target(%dma_start3A_3390 : memref<10000x144xf32, #tpu.memory_space<vmem_shared>>) offsets(%get3A_3384 : vector<16xi32>) semaphore(%arg24 : memref<!tpu.dma_semaphore, #tpu.memory_space<semaphore_mem>>) {add = true}
      %add3A_3391 = arith.constant 2 : i32
      %add3A_3392 = arith.addi %add3A_3326, %add3A_3391 : i32
      %lt3A_3393 = arith.constant 208 : i32
      %lt3A_3394 = arith.cmpi slt, %add3A_3392, %lt3A_3393 : i32
      %convert_element_type3A_3395 = arith.extui %lt3A_3394 : i1 to i32
      %cond3A_3396 = arith.constant 0 : i32
      %cond3A_3397 = arith.cmpi ne, %convert_element_type3A_3395, %cond3A_3396 : i32
      scf.if %cond3A_3397 {
        %add3A_3398 = arith.constant 2 : i32
        %add3A_3399 = arith.addi %add3A_3326, %add3A_3398 : i32
        %mul3A_3400 = arith.constant 48 : i32
        %mul3A_3401 = arith.muli %add3A_3399, %mul3A_3400 : i32
        %add3A_3402 = arith.addi %mul3A_2, %mul3A_3401 : i32
        %dma_start3A_3403 = tpu.memref_slice %arg5[%add3A_3402] : memref<320000xi32, #tpu.memory_space<hbm>> -> memref<48xi32, #tpu.memory_space<hbm>>
        %dma_start3A_3404 = tpu.memref_slice %arg5[%add3A_3402] : memref<320000xi32, #tpu.memory_space<hbm>> -> memref<48xi32, #tpu.memory_space<hbm>>
        tpu.enqueue_dma source(%dma_start3A_3404 : memref<48xi32, #tpu.memory_space<hbm>>) target(%arg11 : memref<48xi32, #tpu.memory_space<vmem>>) target_semaphore(%arg28 : memref<!tpu.dma_semaphore, #tpu.memory_space<semaphore_mem>>)
      } else {
      }
    }
    %scan3A_613 = arith.constant 104 : i32
    %get3A = arith.constant 0 : index
    %get3A_614 = tpu.vector_load %arg10[%get3A] {strides = array<i32>} : memref<48xi32, #tpu.memory_space<vmem>>, vector<16xi32>,
    %get3A_615 = vector.shape_cast %get3A_614 : vector<16xi32> to vector<16xi32>
    %dma_wait3A_616 = arith.constant 0 : i32
    %dma_wait3A_617 = arith.constant 0 : i32
    %dma_wait3A_618 = tpu.memref_slice %arg16[%dma_wait3A_616, %dma_wait3A_617] : memref<48x144xf32, #tpu.memory_space<vmem>> -> memref<16x144xf32, #tpu.memory_space<vmem>>
    %dma_wait3A_619 = arith.constant 0 : i32
    %dma_wait3A_620 = arith.constant 0 : i32
    %dma_wait3A_621 = tpu.memref_slice %arg18[%dma_wait3A_619, %dma_wait3A_620] : memref<10000x144xf32, #tpu.memory_space<vmem_shared>> -> memref<10000x144xf32, #tpu.memory_space<vmem_shared>>
    tpu.wait_indirect_dma semaphore(%arg23 : memref<!tpu.dma_semaphore, #tpu.memory_space<semaphore_mem>>) src(%dma_wait3A_618 : memref<16x144xf32, #tpu.memory_space<vmem>>) dst(%dma_wait3A_621 : memref<10000x144xf32, #tpu.memory_space<vmem_shared>>)
    %get3A_622 = arith.constant 16 : index
    %get3A_623 = tpu.vector_load %arg10[%get3A_622] {strides = array<i32>} : memref<48xi32, #tpu.memory_space<vmem>>, vector<16xi32>,
    %get3A_624 = vector.shape_cast %get3A_623 : vector<16xi32> to vector<16xi32>
    %dma_wait3A_625 = arith.constant 16 : i32
    %dma_wait3A_626 = arith.constant 0 : i32
    %dma_wait3A_627 = tpu.memref_slice %arg16[%dma_wait3A_625, %dma_wait3A_626] : memref<48x144xf32, #tpu.memory_space<vmem>> -> memref<16x144xf32, #tpu.memory_space<vmem>>
    %dma_wait3A_628 = arith.constant 0 : i32
    %dma_wait3A_629 = arith.constant 0 : i32
    %dma_wait3A_630 = tpu.memref_slice %arg18[%dma_wait3A_628, %dma_wait3A_629] : memref<10000x144xf32, #tpu.memory_space<vmem_shared>> -> memref<10000x144xf32, #tpu.memory_space<vmem_shared>>
    tpu.wait_indirect_dma semaphore(%arg23 : memref<!tpu.dma_semaphore, #tpu.memory_space<semaphore_mem>>) src(%dma_wait3A_627 : memref<16x144xf32, #tpu.memory_space<vmem>>) dst(%dma_wait3A_630 : memref<10000x144xf32, #tpu.memory_space<vmem_shared>>)
    %get3A_631 = arith.constant 32 : index
    %get3A_632 = tpu.vector_load %arg10[%get3A_631] {strides = array<i32>} : memref<48xi32, #tpu.memory_space<vmem>>, vector<16xi32>,
    %get3A_633 = vector.shape_cast %get3A_632 : vector<16xi32> to vector<16xi32>
    %dma_wait3A_634 = arith.constant 32 : i32
    %dma_wait3A_635 = arith.constant 0 : i32
    %dma_wait3A_636 = tpu.memref_slice %arg16[%dma_wait3A_634, %dma_wait3A_635] : memref<48x144xf32, #tpu.memory_space<vmem>> -> memref<16x144xf32, #tpu.memory_space<vmem>>
    %dma_wait3A_637 = arith.constant 0 : i32
    %dma_wait3A_638 = arith.constant 0 : i32
    %dma_wait3A_639 = tpu.memref_slice %arg18[%dma_wait3A_637, %dma_wait3A_638] : memref<10000x144xf32, #tpu.memory_space<vmem_shared>> -> memref<10000x144xf32, #tpu.memory_space<vmem_shared>>
    tpu.wait_indirect_dma semaphore(%arg23 : memref<!tpu.dma_semaphore, #tpu.memory_space<semaphore_mem>>) src(%dma_wait3A_636 : memref<16x144xf32, #tpu.memory_space<vmem>>) dst(%dma_wait3A_639 : memref<10000x144xf32, #tpu.memory_space<vmem_shared>>)
    %get3A_640 = arith.constant 0 : index
    %get3A_641 = tpu.vector_load %arg11[%get3A_640] {strides = array<i32>} : memref<48xi32, #tpu.memory_space<vmem>>, vector<16xi32>,
    %get3A_642 = vector.shape_cast %get3A_641 : vector<16xi32> to vector<16xi32>
    %dma_wait3A_643 = arith.constant 0 : i32
    %dma_wait3A_644 = arith.constant 0 : i32
    %dma_wait3A_645 = tpu.memref_slice %arg17[%dma_wait3A_643, %dma_wait3A_644] : memref<48x144xf32, #tpu.memory_space<vmem>> -> memref<16x144xf32, #tpu.memory_space<vmem>>
    %dma_wait3A_646 = arith.constant 0 : i32
    %dma_wait3A_647 = arith.constant 0 : i32
    %dma_wait3A_648 = tpu.memref_slice %arg18[%dma_wait3A_646, %dma_wait3A_647] : memref<10000x144xf32, #tpu.memory_space<vmem_shared>> -> memref<10000x144xf32, #tpu.memory_space<vmem_shared>>
    tpu.wait_indirect_dma semaphore(%arg24 : memref<!tpu.dma_semaphore, #tpu.memory_space<semaphore_mem>>) src(%dma_wait3A_645 : memref<16x144xf32, #tpu.memory_space<vmem>>) dst(%dma_wait3A_648 : memref<10000x144xf32, #tpu.memory_space<vmem_shared>>)
    %get3A_649 = arith.constant 16 : index
    %get3A_650 = tpu.vector_load %arg11[%get3A_649] {strides = array<i32>} : memref<48xi32, #tpu.memory_space<vmem>>, vector<16xi32>,
    %get3A_651 = vector.shape_cast %get3A_650 : vector<16xi32> to vector<16xi32>
    %dma_wait3A_652 = arith.constant 16 : i32
    %dma_wait3A_653 = arith.constant 0 : i32
    %dma_wait3A_654 = tpu.memref_slice %arg17[%dma_wait3A_652, %dma_wait3A_653] : memref<48x144xf32, #tpu.memory_space<vmem>> -> memref<16x144xf32, #tpu.memory_space<vmem>>
    %dma_wait3A_655 = arith.constant 0 : i32
    %dma_wait3A_656 = arith.constant 0 : i32
    %dma_wait3A_657 = tpu.memref_slice %arg18[%dma_wait3A_655, %dma_wait3A_656] : memref<10000x144xf32, #tpu.memory_space<vmem_shared>> -> memref<10000x144xf32, #tpu.memory_space<vmem_shared>>
    tpu.wait_indirect_dma semaphore(%arg24 : memref<!tpu.dma_semaphore, #tpu.memory_space<semaphore_mem>>) src(%dma_wait3A_654 : memref<16x144xf32, #tpu.memory_space<vmem>>) dst(%dma_wait3A_657 : memref<10000x144xf32, #tpu.memory_space<vmem_shared>>)
    %get3A_658 = arith.constant 32 : index
    %get3A_659 = tpu.vector_load %arg11[%get3A_658] {strides = array<i32>} : memref<48xi32, #tpu.memory_space<vmem>>, vector<16xi32>,
    %get3A_660 = vector.shape_cast %get3A_659 : vector<16xi32> to vector<16xi32>
    %dma_wait3A_661 = arith.constant 32 : i32
    %dma_wait3A_662 = arith.constant 0 : i32
    %dma_wait3A_663 = tpu.memref_slice %arg17[%dma_wait3A_661, %dma_wait3A_662] : memref<48x144xf32, #tpu.memory_space<vmem>> -> memref<16x144xf32, #tpu.memory_space<vmem>>
    %dma_wait3A_664 = arith.constant 0 : i32
    %dma_wait3A_665 = arith.constant 0 : i32
    %dma_wait3A_666 = tpu.memref_slice %arg18[%dma_wait3A_664, %dma_wait3A_665] : memref<10000x144xf32, #tpu.memory_space<vmem_shared>> -> memref<10000x144xf32, #tpu.memory_space<vmem_shared>>
    tpu.wait_indirect_dma semaphore(%arg24 : memref<!tpu.dma_semaphore, #tpu.memory_space<semaphore_mem>>) src(%dma_wait3A_663 : memref<16x144xf32, #tpu.memory_space<vmem>>) dst(%dma_wait3A_666 : memref<10000x144xf32, #tpu.memory_space<vmem_shared>>)
    %add3A_667 = arith.constant 9984 : i32
    %add3A_668 = arith.addi %mul3A_2, %add3A_667 : i32
    "tpu.region"() ({
      %run_scoped3A = tpu.sem_alloc : memref<!tpu.dma_semaphore, #tpu.memory_space<semaphore_mem>>
      %dma_start3A_3252 = arith.constant 0 : i32
      %dma_start3A_3253 = tpu.memref_slice %arg8[%dma_start3A_3252] : memref<48xi32, #tpu.memory_space<vmem>> -> memref<16xi32, #tpu.memory_space<vmem>>
      %dma_start3A_3254 = tpu.memref_slice %arg4[%add3A_668] : memref<320000xi32, #tpu.memory_space<hbm>> -> memref<16xi32, #tpu.memory_space<hbm>>
      %dma_start3A_3255 = arith.constant 0 : i32
      %dma_start3A_3256 = tpu.memref_slice %arg8[%dma_start3A_3255] : memref<48xi32, #tpu.memory_space<vmem>> -> memref<16xi32, #tpu.memory_space<vmem>>
      %dma_start3A_3257 = tpu.memref_slice %arg4[%add3A_668] : memref<320000xi32, #tpu.memory_space<hbm>> -> memref<16xi32, #tpu.memory_space<hbm>>
      tpu.enqueue_dma source(%dma_start3A_3257 : memref<16xi32, #tpu.memory_space<hbm>>) target(%dma_start3A_3256 : memref<16xi32, #tpu.memory_space<vmem>>) target_semaphore(%run_scoped3A : memref<!tpu.dma_semaphore, #tpu.memory_space<semaphore_mem>>)
      %dma_wait3A_3258 = arith.constant 0 : i32
      %dma_wait3A_3259 = tpu.memref_slice %arg8[%dma_wait3A_3258] : memref<48xi32, #tpu.memory_space<vmem>> -> memref<16xi32, #tpu.memory_space<vmem>>
      %dma_wait3A_3260 = tpu.memref_slice %arg4[%add3A_668] : memref<320000xi32, #tpu.memory_space<hbm>> -> memref<16xi32, #tpu.memory_space<hbm>>
      %dma_wait3A_3261 = arith.constant 0 : i32
      %dma_wait3A_3262 = tpu.memref_slice %arg8[%dma_wait3A_3261] : memref<48xi32, #tpu.memory_space<vmem>> -> memref<16xi32, #tpu.memory_space<vmem>>
      %dma_wait3A_3263 = tpu.memref_slice %arg4[%add3A_668] : memref<320000xi32, #tpu.memory_space<hbm>> -> memref<16xi32, #tpu.memory_space<hbm>>
      tpu.wait_dma2 semaphore(%run_scoped3A : memref<!tpu.dma_semaphore, #tpu.memory_space<semaphore_mem>>) src(%dma_wait3A_3263 : memref<16xi32, #tpu.memory_space<hbm>>) dst(%dma_wait3A_3262 : memref<16xi32, #tpu.memory_space<vmem>>)
      tpu.yield
    }) : () -> ()
    "tpu.region"() ({
      %run_scoped3A = tpu.sem_alloc : memref<!tpu.dma_semaphore, #tpu.memory_space<semaphore_mem>>
      %dma_start3A_3252 = arith.constant 0 : i32
      %dma_start3A_3253 = tpu.memref_slice %arg10[%dma_start3A_3252] : memref<48xi32, #tpu.memory_space<vmem>> -> memref<16xi32, #tpu.memory_space<vmem>>
      %dma_start3A_3254 = tpu.memref_slice %arg5[%add3A_668] : memref<320000xi32, #tpu.memory_space<hbm>> -> memref<16xi32, #tpu.memory_space<hbm>>
      %dma_start3A_3255 = arith.constant 0 : i32
      %dma_start3A_3256 = tpu.memref_slice %arg10[%dma_start3A_3255] : memref<48xi32, #tpu.memory_space<vmem>> -> memref<16xi32, #tpu.memory_space<vmem>>
      %dma_start3A_3257 = tpu.memref_slice %arg5[%add3A_668] : memref<320000xi32, #tpu.memory_space<hbm>> -> memref<16xi32, #tpu.memory_space<hbm>>
      tpu.enqueue_dma source(%dma_start3A_3257 : memref<16xi32, #tpu.memory_space<hbm>>) target(%dma_start3A_3256 : memref<16xi32, #tpu.memory_space<vmem>>) target_semaphore(%run_scoped3A : memref<!tpu.dma_semaphore, #tpu.memory_space<semaphore_mem>>)
      %dma_wait3A_3258 = arith.constant 0 : i32
      %dma_wait3A_3259 = tpu.memref_slice %arg10[%dma_wait3A_3258] : memref<48xi32, #tpu.memory_space<vmem>> -> memref<16xi32, #tpu.memory_space<vmem>>
      %dma_wait3A_3260 = tpu.memref_slice %arg5[%add3A_668] : memref<320000xi32, #tpu.memory_space<hbm>> -> memref<16xi32, #tpu.memory_space<hbm>>
      %dma_wait3A_3261 = arith.constant 0 : i32
      %dma_wait3A_3262 = tpu.memref_slice %arg10[%dma_wait3A_3261] : memref<48xi32, #tpu.memory_space<vmem>> -> memref<16xi32, #tpu.memory_space<vmem>>
      %dma_wait3A_3263 = tpu.memref_slice %arg5[%add3A_668] : memref<320000xi32, #tpu.memory_space<hbm>> -> memref<16xi32, #tpu.memory_space<hbm>>
      tpu.wait_dma2 semaphore(%run_scoped3A : memref<!tpu.dma_semaphore, #tpu.memory_space<semaphore_mem>>) src(%dma_wait3A_3263 : memref<16xi32, #tpu.memory_space<hbm>>) dst(%dma_wait3A_3262 : memref<16xi32, #tpu.memory_space<vmem>>)
      tpu.yield
    }) : () -> ()
    %dma_start3A_669 = arith.constant 0 : i32
    %dma_start3A_670 = arith.constant 0 : i32
    %dma_start3A_671 = tpu.memref_slice %arg12[%dma_start3A_669, %dma_start3A_670] : memref<48x128xf32, #tpu.memory_space<vmem>> -> memref<16x128xf32, #tpu.memory_space<vmem>>
    %dma_start3A_672 = arith.constant 0 : i32
    %dma_start3A_673 = tpu.memref_slice %arg8[%dma_start3A_672] : memref<48xi32, #tpu.memory_space<vmem>> -> memref<16xi32, #tpu.memory_space<vmem>>
    %dma_start3A_674 = arith.constant 0 : i32
    %dma_start3A_675 = arith.constant 0 : i32
    %dma_start3A_676 = tpu.memref_slice %arg2[%dma_start3A_674, %dma_start3A_675] : memref<10000x128xf32, #tpu.memory_space<hbm>> -> memref<10000x128xf32, #tpu.memory_space<hbm>>
    tpu.enqueue_indirect_dma source(%dma_start3A_676 : memref<10000x128xf32, #tpu.memory_space<hbm>>) target(%dma_start3A_671 : memref<16x128xf32, #tpu.memory_space<vmem>>) offsets(%dma_start3A_673 : memref<16xi32, #tpu.memory_space<vmem>>) semaphore(%arg19 : memref<!tpu.dma_semaphore, #tpu.memory_space<semaphore_mem>>)
    %dma_wait3A_677 = arith.constant 0 : i32
    %dma_wait3A_678 = arith.constant 0 : i32
    %dma_wait3A_679 = tpu.memref_slice %arg12[%dma_wait3A_677, %dma_wait3A_678] : memref<48x128xf32, #tpu.memory_space<vmem>> -> memref<16x128xf32, #tpu.memory_space<vmem>>
    %dma_wait3A_680 = arith.constant 0 : i32
    %dma_wait3A_681 = tpu.memref_slice %arg8[%dma_wait3A_680] : memref<48xi32, #tpu.memory_space<vmem>> -> memref<16xi32, #tpu.memory_space<vmem>>
    %dma_wait3A_682 = arith.constant 0 : i32
    %dma_wait3A_683 = arith.constant 0 : i32
    %dma_wait3A_684 = tpu.memref_slice %arg2[%dma_wait3A_682, %dma_wait3A_683] : memref<10000x128xf32, #tpu.memory_space<hbm>> -> memref<10000x128xf32, #tpu.memory_space<hbm>>
    tpu.wait_indirect_dma semaphore(%arg19 : memref<!tpu.dma_semaphore, #tpu.memory_space<semaphore_mem>>) src(%dma_wait3A_684 : memref<10000x128xf32, #tpu.memory_space<hbm>>) dst(%dma_wait3A_679 : memref<16x128xf32, #tpu.memory_space<vmem>>)
    "tpu.region"() ({
      %run_scoped3A = tpu.sem_alloc : memref<!tpu.dma_semaphore, #tpu.memory_space<semaphore_mem>>
      %dma_start3A_3252 = arith.constant 0 : i32
      %dma_start3A_3253 = arith.constant 0 : i32
      %dma_start3A_3254 = tpu.memref_slice %arg14[%dma_start3A_3252, %dma_start3A_3253] : memref<48x128xf32, #tpu.memory_space<vmem>> -> memref<16x128xf32, #tpu.memory_space<vmem>>
      %dma_start3A_3255 = arith.constant 0 : i32
      %dma_start3A_3256 = tpu.memref_slice %arg3[%add3A_668, %dma_start3A_3255] : memref<320000x128xf32, #tpu.memory_space<hbm>> -> memref<16x128xf32, #tpu.memory_space<hbm>>
      %dma_start3A_3257 = arith.constant 0 : i32
      %dma_start3A_3258 = arith.constant 0 : i32
      %dma_start3A_3259 = tpu.memref_slice %arg14[%dma_start3A_3257, %dma_start3A_3258] : memref<48x128xf32, #tpu.memory_space<vmem>> -> memref<16x128xf32, #tpu.memory_space<vmem>>
      %dma_start3A_3260 = arith.constant 0 : i32
      %dma_start3A_3261 = tpu.memref_slice %arg3[%add3A_668, %dma_start3A_3260] : memref<320000x128xf32, #tpu.memory_space<hbm>> -> memref<16x128xf32, #tpu.memory_space<hbm>>
      tpu.enqueue_dma source(%dma_start3A_3261 : memref<16x128xf32, #tpu.memory_space<hbm>>) target(%dma_start3A_3259 : memref<16x128xf32, #tpu.memory_space<vmem>>) target_semaphore(%run_scoped3A : memref<!tpu.dma_semaphore, #tpu.memory_space<semaphore_mem>>)
      %dma_wait3A_3262 = arith.constant 0 : i32
      %dma_wait3A_3263 = arith.constant 0 : i32
      %dma_wait3A_3264 = tpu.memref_slice %arg14[%dma_wait3A_3262, %dma_wait3A_3263] : memref<48x128xf32, #tpu.memory_space<vmem>> -> memref<16x128xf32, #tpu.memory_space<vmem>>
      %dma_wait3A_3265 = arith.constant 0 : i32
      %dma_wait3A_3266 = tpu.memref_slice %arg3[%add3A_668, %dma_wait3A_3265] : memref<320000x128xf32, #tpu.memory_space<hbm>> -> memref<16x128xf32, #tpu.memory_space<hbm>>
      %dma_wait3A_3267 = arith.constant 0 : i32
      %dma_wait3A_3268 = arith.constant 0 : i32
      %dma_wait3A_3269 = tpu.memref_slice %arg14[%dma_wait3A_3267, %dma_wait3A_3268] : memref<48x128xf32, #tpu.memory_space<vmem>> -> memref<16x128xf32, #tpu.memory_space<vmem>>
      %dma_wait3A_3270 = arith.constant 0 : i32
      %dma_wait3A_3271 = tpu.memref_slice %arg3[%add3A_668, %dma_wait3A_3270] : memref<320000x128xf32, #tpu.memory_space<hbm>> -> memref<16x128xf32, #tpu.memory_space<hbm>>
      tpu.wait_dma2 semaphore(%run_scoped3A : memref<!tpu.dma_semaphore, #tpu.memory_space<semaphore_mem>>) src(%dma_wait3A_3271 : memref<16x128xf32, #tpu.memory_space<hbm>>) dst(%dma_wait3A_3269 : memref<16x128xf32, #tpu.memory_space<vmem>>)
      tpu.yield
    }) : () -> ()
    %get3A_685 = arith.constant 0 : i32
    %get3A_686 = arith.index_cast %get3A_685 : i32 to index
    %get3A_687 = arith.constant 0 : index
    %get3A_688 = tpu.vector_load %arg12[%get3A_686, %get3A_687] {strides = array<i32>} : memref<48x128xf32, #tpu.memory_space<vmem>>, vector<1x16xf32>,
    %get3A_689 = vector.shape_cast %get3A_688 : vector<1x16xf32> to vector<16xf32>
    %get3A_690 = arith.constant 0 : i32
    %get3A_691 = arith.index_cast %get3A_690 : i32 to index
    %get3A_692 = arith.constant 0 : index
    %get3A_693 = tpu.vector_load %arg14[%get3A_691, %get3A_692] {strides = array<i32>} : memref<48x128xf32, #tpu.memory_space<vmem>>, vector<1x16xf32>,
    %get3A_694 = vector.shape_cast %get3A_693 : vector<1x16xf32> to vector<16xf32>
    %add3A_695 = arith.addf %get3A_689, %get3A_694 : vector<16xf32>
    %max3A = arith.constant 0.000000e+00 : f32
    %max3A_696 = vector.broadcast %max3A : f32 to vector<16xf32>
    %max3A_697 = arith.maximumf %add3A_695, %max3A_696 : vector<16xf32>
    %swap3A_698 = arith.constant 0 : i32
    %swap3A_699 = arith.index_cast %swap3A_698 : i32 to index
    %swap3A_700 = arith.constant 0 : index
    %swap3A_701 = tpu.vector_load %arg16[%swap3A_699, %swap3A_700] {strides = array<i32>} : memref<48x144xf32, #tpu.memory_space<vmem>>, vector<1x16xf32>,
    %swap3A_702 = vector.shape_cast %swap3A_701 : vector<1x16xf32> to vector<16xf32>
    %swap3A_703 = vector.shape_cast %max3A_697 : vector<16xf32> to vector<1x16xf32>
    tpu.vector_store %arg16[%swap3A_699, %swap3A_700], %swap3A_703 {strides = array<i32>} : memref<48x144xf32, #tpu.memory_space<vmem>>, vector<1x16xf32>,
    %get3A_704 = arith.constant 0 : i32
    %get3A_705 = arith.index_cast %get3A_704 : i32 to index
    %get3A_706 = arith.constant 16 : index
    %get3A_707 = tpu.vector_load %arg12[%get3A_705, %get3A_706] {strides = array<i32>} : memref<48x128xf32, #tpu.memory_space<vmem>>, vector<1x16xf32>,
    %get3A_708 = vector.shape_cast %get3A_707 : vector<1x16xf32> to vector<16xf32>
    %get3A_709 = arith.constant 0 : i32
    %get3A_710 = arith.index_cast %get3A_709 : i32 to index
    %get3A_711 = arith.constant 16 : index
    %get3A_712 = tpu.vector_load %arg14[%get3A_710, %get3A_711] {strides = array<i32>} : memref<48x128xf32, #tpu.memory_space<vmem>>, vector<1x16xf32>,
    %get3A_713 = vector.shape_cast %get3A_712 : vector<1x16xf32> to vector<16xf32>
    %add3A_714 = arith.addf %get3A_708, %get3A_713 : vector<16xf32>
    %max3A_715 = arith.constant 0.000000e+00 : f32
    %max3A_716 = vector.broadcast %max3A_715 : f32 to vector<16xf32>
    %max3A_717 = arith.maximumf %add3A_714, %max3A_716 : vector<16xf32>
    %swap3A_718 = arith.constant 0 : i32
    %swap3A_719 = arith.index_cast %swap3A_718 : i32 to index
    %swap3A_720 = arith.constant 16 : index
    %swap3A_721 = tpu.vector_load %arg16[%swap3A_719, %swap3A_720] {strides = array<i32>} : memref<48x144xf32, #tpu.memory_space<vmem>>, vector<1x16xf32>,
    %swap3A_722 = vector.shape_cast %swap3A_721 : vector<1x16xf32> to vector<16xf32>
    %swap3A_723 = vector.shape_cast %max3A_717 : vector<16xf32> to vector<1x16xf32>
    tpu.vector_store %arg16[%swap3A_719, %swap3A_720], %swap3A_723 {strides = array<i32>} : memref<48x144xf32, #tpu.memory_space<vmem>>, vector<1x16xf32>,
    %get3A_724 = arith.constant 0 : i32
    %get3A_725 = arith.index_cast %get3A_724 : i32 to index
    %get3A_726 = arith.constant 32 : index
    %get3A_727 = tpu.vector_load %arg12[%get3A_725, %get3A_726] {strides = array<i32>} : memref<48x128xf32, #tpu.memory_space<vmem>>, vector<1x16xf32>,
    %get3A_728 = vector.shape_cast %get3A_727 : vector<1x16xf32> to vector<16xf32>
    %get3A_729 = arith.constant 0 : i32
    %get3A_730 = arith.index_cast %get3A_729 : i32 to index
    %get3A_731 = arith.constant 32 : index
    %get3A_732 = tpu.vector_load %arg14[%get3A_730, %get3A_731] {strides = array<i32>} : memref<48x128xf32, #tpu.memory_space<vmem>>, vector<1x16xf32>,
    %get3A_733 = vector.shape_cast %get3A_732 : vector<1x16xf32> to vector<16xf32>
    %add3A_734 = arith.addf %get3A_728, %get3A_733 : vector<16xf32>
    %max3A_735 = arith.constant 0.000000e+00 : f32
    %max3A_736 = vector.broadcast %max3A_735 : f32 to vector<16xf32>
    %max3A_737 = arith.maximumf %add3A_734, %max3A_736 : vector<16xf32>
    %swap3A_738 = arith.constant 0 : i32
    %swap3A_739 = arith.index_cast %swap3A_738 : i32 to index
    %swap3A_740 = arith.constant 32 : index
    %swap3A_741 = tpu.vector_load %arg16[%swap3A_739, %swap3A_740] {strides = array<i32>} : memref<48x144xf32, #tpu.memory_space<vmem>>, vector<1x16xf32>,
    %swap3A_742 = vector.shape_cast %swap3A_741 : vector<1x16xf32> to vector<16xf32>
    %swap3A_743 = vector.shape_cast %max3A_737 : vector<16xf32> to vector<1x16xf32>
    tpu.vector_store %arg16[%swap3A_739, %swap3A_740], %swap3A_743 {strides = array<i32>} : memref<48x144xf32, #tpu.memory_space<vmem>>, vector<1x16xf32>,
    %get3A_744 = arith.constant 0 : i32
    %get3A_745 = arith.index_cast %get3A_744 : i32 to index
    %get3A_746 = arith.constant 48 : index
    %get3A_747 = tpu.vector_load %arg12[%get3A_745, %get3A_746] {strides = array<i32>} : memref<48x128xf32, #tpu.memory_space<vmem>>, vector<1x16xf32>,
    %get3A_748 = vector.shape_cast %get3A_747 : vector<1x16xf32> to vector<16xf32>
    %get3A_749 = arith.constant 0 : i32
    %get3A_750 = arith.index_cast %get3A_749 : i32 to index
    %get3A_751 = arith.constant 48 : index
    %get3A_752 = tpu.vector_load %arg14[%get3A_750, %get3A_751] {strides = array<i32>} : memref<48x128xf32, #tpu.memory_space<vmem>>, vector<1x16xf32>,
    %get3A_753 = vector.shape_cast %get3A_752 : vector<1x16xf32> to vector<16xf32>
    %add3A_754 = arith.addf %get3A_748, %get3A_753 : vector<16xf32>
    %max3A_755 = arith.constant 0.000000e+00 : f32
    %max3A_756 = vector.broadcast %max3A_755 : f32 to vector<16xf32>
    %max3A_757 = arith.maximumf %add3A_754, %max3A_756 : vector<16xf32>
    %swap3A_758 = arith.constant 0 : i32
    %swap3A_759 = arith.index_cast %swap3A_758 : i32 to index
    %swap3A_760 = arith.constant 48 : index
    %swap3A_761 = tpu.vector_load %arg16[%swap3A_759, %swap3A_760] {strides = array<i32>} : memref<48x144xf32, #tpu.memory_space<vmem>>, vector<1x16xf32>,
    %swap3A_762 = vector.shape_cast %swap3A_761 : vector<1x16xf32> to vector<16xf32>
    %swap3A_763 = vector.shape_cast %max3A_757 : vector<16xf32> to vector<1x16xf32>
    tpu.vector_store %arg16[%swap3A_759, %swap3A_760], %swap3A_763 {strides = array<i32>} : memref<48x144xf32, #tpu.memory_space<vmem>>, vector<1x16xf32>,
    %get3A_764 = arith.constant 0 : i32
    %get3A_765 = arith.index_cast %get3A_764 : i32 to index
    %get3A_766 = arith.constant 64 : index
    %get3A_767 = tpu.vector_load %arg12[%get3A_765, %get3A_766] {strides = array<i32>} : memref<48x128xf32, #tpu.memory_space<vmem>>, vector<1x16xf32>,
    %get3A_768 = vector.shape_cast %get3A_767 : vector<1x16xf32> to vector<16xf32>
    %get3A_769 = arith.constant 0 : i32
    %get3A_770 = arith.index_cast %get3A_769 : i32 to index
    %get3A_771 = arith.constant 64 : index
    %get3A_772 = tpu.vector_load %arg14[%get3A_770, %get3A_771] {strides = array<i32>} : memref<48x128xf32, #tpu.memory_space<vmem>>, vector<1x16xf32>,
    %get3A_773 = vector.shape_cast %get3A_772 : vector<1x16xf32> to vector<16xf32>
    %add3A_774 = arith.addf %get3A_768, %get3A_773 : vector<16xf32>
    %max3A_775 = arith.constant 0.000000e+00 : f32
    %max3A_776 = vector.broadcast %max3A_775 : f32 to vector<16xf32>
    %max3A_777 = arith.maximumf %add3A_774, %max3A_776 : vector<16xf32>
    %swap3A_778 = arith.constant 0 : i32
    %swap3A_779 = arith.index_cast %swap3A_778 : i32 to index
    %swap3A_780 = arith.constant 64 : index
    %swap3A_781 = tpu.vector_load %arg16[%swap3A_779, %swap3A_780] {strides = array<i32>} : memref<48x144xf32, #tpu.memory_space<vmem>>, vector<1x16xf32>,
    %swap3A_782 = vector.shape_cast %swap3A_781 : vector<1x16xf32> to vector<16xf32>
    %swap3A_783 = vector.shape_cast %max3A_777 : vector<16xf32> to vector<1x16xf32>
    tpu.vector_store %arg16[%swap3A_779, %swap3A_780], %swap3A_783 {strides = array<i32>} : memref<48x144xf32, #tpu.memory_space<vmem>>, vector<1x16xf32>,
    %get3A_784 = arith.constant 0 : i32
    %get3A_785 = arith.index_cast %get3A_784 : i32 to index
    %get3A_786 = arith.constant 80 : index
    %get3A_787 = tpu.vector_load %arg12[%get3A_785, %get3A_786] {strides = array<i32>} : memref<48x128xf32, #tpu.memory_space<vmem>>, vector<1x16xf32>,
    %get3A_788 = vector.shape_cast %get3A_787 : vector<1x16xf32> to vector<16xf32>
    %get3A_789 = arith.constant 0 : i32
    %get3A_790 = arith.index_cast %get3A_789 : i32 to index
    %get3A_791 = arith.constant 80 : index
    %get3A_792 = tpu.vector_load %arg14[%get3A_790, %get3A_791] {strides = array<i32>} : memref<48x128xf32, #tpu.memory_space<vmem>>, vector<1x16xf32>,
    %get3A_793 = vector.shape_cast %get3A_792 : vector<1x16xf32> to vector<16xf32>
    %add3A_794 = arith.addf %get3A_788, %get3A_793 : vector<16xf32>
    %max3A_795 = arith.constant 0.000000e+00 : f32
    %max3A_796 = vector.broadcast %max3A_795 : f32 to vector<16xf32>
    %max3A_797 = arith.maximumf %add3A_794, %max3A_796 : vector<16xf32>
    %swap3A_798 = arith.constant 0 : i32
    %swap3A_799 = arith.index_cast %swap3A_798 : i32 to index
    %swap3A_800 = arith.constant 80 : index
    %swap3A_801 = tpu.vector_load %arg16[%swap3A_799, %swap3A_800] {strides = array<i32>} : memref<48x144xf32, #tpu.memory_space<vmem>>, vector<1x16xf32>,
    %swap3A_802 = vector.shape_cast %swap3A_801 : vector<1x16xf32> to vector<16xf32>
    %swap3A_803 = vector.shape_cast %max3A_797 : vector<16xf32> to vector<1x16xf32>
    tpu.vector_store %arg16[%swap3A_799, %swap3A_800], %swap3A_803 {strides = array<i32>} : memref<48x144xf32, #tpu.memory_space<vmem>>, vector<1x16xf32>,
    %get3A_804 = arith.constant 0 : i32
    %get3A_805 = arith.index_cast %get3A_804 : i32 to index
    %get3A_806 = arith.constant 96 : index
    %get3A_807 = tpu.vector_load %arg12[%get3A_805, %get3A_806] {strides = array<i32>} : memref<48x128xf32, #tpu.memory_space<vmem>>, vector<1x16xf32>,
    %get3A_808 = vector.shape_cast %get3A_807 : vector<1x16xf32> to vector<16xf32>
    %get3A_809 = arith.constant 0 : i32
    %get3A_810 = arith.index_cast %get3A_809 : i32 to index
    %get3A_811 = arith.constant 96 : index
    %get3A_812 = tpu.vector_load %arg14[%get3A_810, %get3A_811] {strides = array<i32>} : memref<48x128xf32, #tpu.memory_space<vmem>>, vector<1x16xf32>,
    %get3A_813 = vector.shape_cast %get3A_812 : vector<1x16xf32> to vector<16xf32>
    %add3A_814 = arith.addf %get3A_808, %get3A_813 : vector<16xf32>
    %max3A_815 = arith.constant 0.000000e+00 : f32
    %max3A_816 = vector.broadcast %max3A_815 : f32 to vector<16xf32>
    %max3A_817 = arith.maximumf %add3A_814, %max3A_816 : vector<16xf32>
    %swap3A_818 = arith.constant 0 : i32
    %swap3A_819 = arith.index_cast %swap3A_818 : i32 to index
    %swap3A_820 = arith.constant 96 : index
    %swap3A_821 = tpu.vector_load %arg16[%swap3A_819, %swap3A_820] {strides = array<i32>} : memref<48x144xf32, #tpu.memory_space<vmem>>, vector<1x16xf32>,
    %swap3A_822 = vector.shape_cast %swap3A_821 : vector<1x16xf32> to vector<16xf32>
    %swap3A_823 = vector.shape_cast %max3A_817 : vector<16xf32> to vector<1x16xf32>
    tpu.vector_store %arg16[%swap3A_819, %swap3A_820], %swap3A_823 {strides = array<i32>} : memref<48x144xf32, #tpu.memory_space<vmem>>, vector<1x16xf32>,
    %get3A_824 = arith.constant 0 : i32
    %get3A_825 = arith.index_cast %get3A_824 : i32 to index
    %get3A_826 = arith.constant 112 : index
    %get3A_827 = tpu.vector_load %arg12[%get3A_825, %get3A_826] {strides = array<i32>} : memref<48x128xf32, #tpu.memory_space<vmem>>, vector<1x16xf32>,
    %get3A_828 = vector.shape_cast %get3A_827 : vector<1x16xf32> to vector<16xf32>
    %get3A_829 = arith.constant 0 : i32
    %get3A_830 = arith.index_cast %get3A_829 : i32 to index
    %get3A_831 = arith.constant 112 : index
    %get3A_832 = tpu.vector_load %arg14[%get3A_830, %get3A_831] {strides = array<i32>} : memref<48x128xf32, #tpu.memory_space<vmem>>, vector<1x16xf32>,
    %get3A_833 = vector.shape_cast %get3A_832 : vector<1x16xf32> to vector<16xf32>
    %add3A_834 = arith.addf %get3A_828, %get3A_833 : vector<16xf32>
    %max3A_835 = arith.constant 0.000000e+00 : f32
    %max3A_836 = vector.broadcast %max3A_835 : f32 to vector<16xf32>
    %max3A_837 = arith.maximumf %add3A_834, %max3A_836 : vector<16xf32>
    %swap3A_838 = arith.constant 0 : i32
    %swap3A_839 = arith.index_cast %swap3A_838 : i32 to index
    %swap3A_840 = arith.constant 112 : index
    %swap3A_841 = tpu.vector_load %arg16[%swap3A_839, %swap3A_840] {strides = array<i32>} : memref<48x144xf32, #tpu.memory_space<vmem>>, vector<1x16xf32>,
    %swap3A_842 = vector.shape_cast %swap3A_841 : vector<1x16xf32> to vector<16xf32>
    %swap3A_843 = vector.shape_cast %max3A_837 : vector<16xf32> to vector<1x16xf32>
    tpu.vector_store %arg16[%swap3A_839, %swap3A_840], %swap3A_843 {strides = array<i32>} : memref<48x144xf32, #tpu.memory_space<vmem>>, vector<1x16xf32>,
    %get3A_844 = arith.constant 1 : i32
    %get3A_845 = arith.index_cast %get3A_844 : i32 to index
    %get3A_846 = arith.constant 0 : index
    %get3A_847 = tpu.vector_load %arg12[%get3A_845, %get3A_846] {strides = array<i32>} : memref<48x128xf32, #tpu.memory_space<vmem>>, vector<1x16xf32>,
    %get3A_848 = vector.shape_cast %get3A_847 : vector<1x16xf32> to vector<16xf32>
    %get3A_849 = arith.constant 1 : i32
    %get3A_850 = arith.index_cast %get3A_849 : i32 to index
    %get3A_851 = arith.constant 0 : index
    %get3A_852 = tpu.vector_load %arg14[%get3A_850, %get3A_851] {strides = array<i32>} : memref<48x128xf32, #tpu.memory_space<vmem>>, vector<1x16xf32>,
    %get3A_853 = vector.shape_cast %get3A_852 : vector<1x16xf32> to vector<16xf32>
    %add3A_854 = arith.addf %get3A_848, %get3A_853 : vector<16xf32>
    %max3A_855 = arith.constant 0.000000e+00 : f32
    %max3A_856 = vector.broadcast %max3A_855 : f32 to vector<16xf32>
    %max3A_857 = arith.maximumf %add3A_854, %max3A_856 : vector<16xf32>
    %swap3A_858 = arith.constant 1 : i32
    %swap3A_859 = arith.index_cast %swap3A_858 : i32 to index
    %swap3A_860 = arith.constant 0 : index
    %swap3A_861 = tpu.vector_load %arg16[%swap3A_859, %swap3A_860] {strides = array<i32>} : memref<48x144xf32, #tpu.memory_space<vmem>>, vector<1x16xf32>,
    %swap3A_862 = vector.shape_cast %swap3A_861 : vector<1x16xf32> to vector<16xf32>
    %swap3A_863 = vector.shape_cast %max3A_857 : vector<16xf32> to vector<1x16xf32>
    tpu.vector_store %arg16[%swap3A_859, %swap3A_860], %swap3A_863 {strides = array<i32>} : memref<48x144xf32, #tpu.memory_space<vmem>>, vector<1x16xf32>,
    %get3A_864 = arith.constant 1 : i32
    %get3A_865 = arith.index_cast %get3A_864 : i32 to index
    %get3A_866 = arith.constant 16 : index
    %get3A_867 = tpu.vector_load %arg12[%get3A_865, %get3A_866] {strides = array<i32>} : memref<48x128xf32, #tpu.memory_space<vmem>>, vector<1x16xf32>,
    %get3A_868 = vector.shape_cast %get3A_867 : vector<1x16xf32> to vector<16xf32>
    %get3A_869 = arith.constant 1 : i32
    %get3A_870 = arith.index_cast %get3A_869 : i32 to index
    %get3A_871 = arith.constant 16 : index
    %get3A_872 = tpu.vector_load %arg14[%get3A_870, %get3A_871] {strides = array<i32>} : memref<48x128xf32, #tpu.memory_space<vmem>>, vector<1x16xf32>,
    %get3A_873 = vector.shape_cast %get3A_872 : vector<1x16xf32> to vector<16xf32>
    %add3A_874 = arith.addf %get3A_868, %get3A_873 : vector<16xf32>
    %max3A_875 = arith.constant 0.000000e+00 : f32
    %max3A_876 = vector.broadcast %max3A_875 : f32 to vector<16xf32>
    %max3A_877 = arith.maximumf %add3A_874, %max3A_876 : vector<16xf32>
    %swap3A_878 = arith.constant 1 : i32
    %swap3A_879 = arith.index_cast %swap3A_878 : i32 to index
    %swap3A_880 = arith.constant 16 : index
    %swap3A_881 = tpu.vector_load %arg16[%swap3A_879, %swap3A_880] {strides = array<i32>} : memref<48x144xf32, #tpu.memory_space<vmem>>, vector<1x16xf32>,
    %swap3A_882 = vector.shape_cast %swap3A_881 : vector<1x16xf32> to vector<16xf32>
    %swap3A_883 = vector.shape_cast %max3A_877 : vector<16xf32> to vector<1x16xf32>
    tpu.vector_store %arg16[%swap3A_879, %swap3A_880], %swap3A_883 {strides = array<i32>} : memref<48x144xf32, #tpu.memory_space<vmem>>, vector<1x16xf32>,
    %get3A_884 = arith.constant 1 : i32
    %get3A_885 = arith.index_cast %get3A_884 : i32 to index
    %get3A_886 = arith.constant 32 : index
    %get3A_887 = tpu.vector_load %arg12[%get3A_885, %get3A_886] {strides = array<i32>} : memref<48x128xf32, #tpu.memory_space<vmem>>, vector<1x16xf32>,
    %get3A_888 = vector.shape_cast %get3A_887 : vector<1x16xf32> to vector<16xf32>
    %get3A_889 = arith.constant 1 : i32
    %get3A_890 = arith.index_cast %get3A_889 : i32 to index
    %get3A_891 = arith.constant 32 : index
    %get3A_892 = tpu.vector_load %arg14[%get3A_890, %get3A_891] {strides = array<i32>} : memref<48x128xf32, #tpu.memory_space<vmem>>, vector<1x16xf32>,
    %get3A_893 = vector.shape_cast %get3A_892 : vector<1x16xf32> to vector<16xf32>
    %add3A_894 = arith.addf %get3A_888, %get3A_893 : vector<16xf32>
    %max3A_895 = arith.constant 0.000000e+00 : f32
    %max3A_896 = vector.broadcast %max3A_895 : f32 to vector<16xf32>
    %max3A_897 = arith.maximumf %add3A_894, %max3A_896 : vector<16xf32>
    %swap3A_898 = arith.constant 1 : i32
    %swap3A_899 = arith.index_cast %swap3A_898 : i32 to index
    %swap3A_900 = arith.constant 32 : index
    %swap3A_901 = tpu.vector_load %arg16[%swap3A_899, %swap3A_900] {strides = array<i32>} : memref<48x144xf32, #tpu.memory_space<vmem>>, vector<1x16xf32>,
    %swap3A_902 = vector.shape_cast %swap3A_901 : vector<1x16xf32> to vector<16xf32>
    %swap3A_903 = vector.shape_cast %max3A_897 : vector<16xf32> to vector<1x16xf32>
    tpu.vector_store %arg16[%swap3A_899, %swap3A_900], %swap3A_903 {strides = array<i32>} : memref<48x144xf32, #tpu.memory_space<vmem>>, vector<1x16xf32>,
    %get3A_904 = arith.constant 1 : i32
    %get3A_905 = arith.index_cast %get3A_904 : i32 to index
    %get3A_906 = arith.constant 48 : index
    %get3A_907 = tpu.vector_load %arg12[%get3A_905, %get3A_906] {strides = array<i32>} : memref<48x128xf32, #tpu.memory_space<vmem>>, vector<1x16xf32>,
    %get3A_908 = vector.shape_cast %get3A_907 : vector<1x16xf32> to vector<16xf32>
    %get3A_909 = arith.constant 1 : i32
    %get3A_910 = arith.index_cast %get3A_909 : i32 to index
    %get3A_911 = arith.constant 48 : index
    %get3A_912 = tpu.vector_load %arg14[%get3A_910, %get3A_911] {strides = array<i32>} : memref<48x128xf32, #tpu.memory_space<vmem>>, vector<1x16xf32>,
    %get3A_913 = vector.shape_cast %get3A_912 : vector<1x16xf32> to vector<16xf32>
    %add3A_914 = arith.addf %get3A_908, %get3A_913 : vector<16xf32>
    %max3A_915 = arith.constant 0.000000e+00 : f32
    %max3A_916 = vector.broadcast %max3A_915 : f32 to vector<16xf32>
    %max3A_917 = arith.maximumf %add3A_914, %max3A_916 : vector<16xf32>
    %swap3A_918 = arith.constant 1 : i32
    %swap3A_919 = arith.index_cast %swap3A_918 : i32 to index
    %swap3A_920 = arith.constant 48 : index
    %swap3A_921 = tpu.vector_load %arg16[%swap3A_919, %swap3A_920] {strides = array<i32>} : memref<48x144xf32, #tpu.memory_space<vmem>>, vector<1x16xf32>,
    %swap3A_922 = vector.shape_cast %swap3A_921 : vector<1x16xf32> to vector<16xf32>
    %swap3A_923 = vector.shape_cast %max3A_917 : vector<16xf32> to vector<1x16xf32>
    tpu.vector_store %arg16[%swap3A_919, %swap3A_920], %swap3A_923 {strides = array<i32>} : memref<48x144xf32, #tpu.memory_space<vmem>>, vector<1x16xf32>,
    %get3A_924 = arith.constant 1 : i32
    %get3A_925 = arith.index_cast %get3A_924 : i32 to index
    %get3A_926 = arith.constant 64 : index
    %get3A_927 = tpu.vector_load %arg12[%get3A_925, %get3A_926] {strides = array<i32>} : memref<48x128xf32, #tpu.memory_space<vmem>>, vector<1x16xf32>,
    %get3A_928 = vector.shape_cast %get3A_927 : vector<1x16xf32> to vector<16xf32>
    %get3A_929 = arith.constant 1 : i32
    %get3A_930 = arith.index_cast %get3A_929 : i32 to index
    %get3A_931 = arith.constant 64 : index
    %get3A_932 = tpu.vector_load %arg14[%get3A_930, %get3A_931] {strides = array<i32>} : memref<48x128xf32, #tpu.memory_space<vmem>>, vector<1x16xf32>,
    %get3A_933 = vector.shape_cast %get3A_932 : vector<1x16xf32> to vector<16xf32>
    %add3A_934 = arith.addf %get3A_928, %get3A_933 : vector<16xf32>
    %max3A_935 = arith.constant 0.000000e+00 : f32
    %max3A_936 = vector.broadcast %max3A_935 : f32 to vector<16xf32>
    %max3A_937 = arith.maximumf %add3A_934, %max3A_936 : vector<16xf32>
    %swap3A_938 = arith.constant 1 : i32
    %swap3A_939 = arith.index_cast %swap3A_938 : i32 to index
    %swap3A_940 = arith.constant 64 : index
    %swap3A_941 = tpu.vector_load %arg16[%swap3A_939, %swap3A_940] {strides = array<i32>} : memref<48x144xf32, #tpu.memory_space<vmem>>, vector<1x16xf32>,
    %swap3A_942 = vector.shape_cast %swap3A_941 : vector<1x16xf32> to vector<16xf32>
    %swap3A_943 = vector.shape_cast %max3A_937 : vector<16xf32> to vector<1x16xf32>
    tpu.vector_store %arg16[%swap3A_939, %swap3A_940], %swap3A_943 {strides = array<i32>} : memref<48x144xf32, #tpu.memory_space<vmem>>, vector<1x16xf32>,
    %get3A_944 = arith.constant 1 : i32
    %get3A_945 = arith.index_cast %get3A_944 : i32 to index
    %get3A_946 = arith.constant 80 : index
    %get3A_947 = tpu.vector_load %arg12[%get3A_945, %get3A_946] {strides = array<i32>} : memref<48x128xf32, #tpu.memory_space<vmem>>, vector<1x16xf32>,
    %get3A_948 = vector.shape_cast %get3A_947 : vector<1x16xf32> to vector<16xf32>
    %get3A_949 = arith.constant 1 : i32
    %get3A_950 = arith.index_cast %get3A_949 : i32 to index
    %get3A_951 = arith.constant 80 : index
    %get3A_952 = tpu.vector_load %arg14[%get3A_950, %get3A_951] {strides = array<i32>} : memref<48x128xf32, #tpu.memory_space<vmem>>, vector<1x16xf32>,
    %get3A_953 = vector.shape_cast %get3A_952 : vector<1x16xf32> to vector<16xf32>
    %add3A_954 = arith.addf %get3A_948, %get3A_953 : vector<16xf32>
    %max3A_955 = arith.constant 0.000000e+00 : f32
    %max3A_956 = vector.broadcast %max3A_955 : f32 to vector<16xf32>
    %max3A_957 = arith.maximumf %add3A_954, %max3A_956 : vector<16xf32>
    %swap3A_958 = arith.constant 1 : i32
    %swap3A_959 = arith.index_cast %swap3A_958 : i32 to index
    %swap3A_960 = arith.constant 80 : index
    %swap3A_961 = tpu.vector_load %arg16[%swap3A_959, %swap3A_960] {strides = array<i32>} : memref<48x144xf32, #tpu.memory_space<vmem>>, vector<1x16xf32>,
    %swap3A_962 = vector.shape_cast %swap3A_961 : vector<1x16xf32> to vector<16xf32>
    %swap3A_963 = vector.shape_cast %max3A_957 : vector<16xf32> to vector<1x16xf32>
    tpu.vector_store %arg16[%swap3A_959, %swap3A_960], %swap3A_963 {strides = array<i32>} : memref<48x144xf32, #tpu.memory_space<vmem>>, vector<1x16xf32>,
    %get3A_964 = arith.constant 1 : i32
    %get3A_965 = arith.index_cast %get3A_964 : i32 to index
    %get3A_966 = arith.constant 96 : index
    %get3A_967 = tpu.vector_load %arg12[%get3A_965, %get3A_966] {strides = array<i32>} : memref<48x128xf32, #tpu.memory_space<vmem>>, vector<1x16xf32>,
    %get3A_968 = vector.shape_cast %get3A_967 : vector<1x16xf32> to vector<16xf32>
    %get3A_969 = arith.constant 1 : i32
    %get3A_970 = arith.index_cast %get3A_969 : i32 to index
    %get3A_971 = arith.constant 96 : index
    %get3A_972 = tpu.vector_load %arg14[%get3A_970, %get3A_971] {strides = array<i32>} : memref<48x128xf32, #tpu.memory_space<vmem>>, vector<1x16xf32>,
    %get3A_973 = vector.shape_cast %get3A_972 : vector<1x16xf32> to vector<16xf32>
    %add3A_974 = arith.addf %get3A_968, %get3A_973 : vector<16xf32>
    %max3A_975 = arith.constant 0.000000e+00 : f32
    %max3A_976 = vector.broadcast %max3A_975 : f32 to vector<16xf32>
    %max3A_977 = arith.maximumf %add3A_974, %max3A_976 : vector<16xf32>
    %swap3A_978 = arith.constant 1 : i32
    %swap3A_979 = arith.index_cast %swap3A_978 : i32 to index
    %swap3A_980 = arith.constant 96 : index
    %swap3A_981 = tpu.vector_load %arg16[%swap3A_979, %swap3A_980] {strides = array<i32>} : memref<48x144xf32, #tpu.memory_space<vmem>>, vector<1x16xf32>,
    %swap3A_982 = vector.shape_cast %swap3A_981 : vector<1x16xf32> to vector<16xf32>
    %swap3A_983 = vector.shape_cast %max3A_977 : vector<16xf32> to vector<1x16xf32>
    tpu.vector_store %arg16[%swap3A_979, %swap3A_980], %swap3A_983 {strides = array<i32>} : memref<48x144xf32, #tpu.memory_space<vmem>>, vector<1x16xf32>,
    %get3A_984 = arith.constant 1 : i32
    %get3A_985 = arith.index_cast %get3A_984 : i32 to index
    %get3A_986 = arith.constant 112 : index
    %get3A_987 = tpu.vector_load %arg12[%get3A_985, %get3A_986] {strides = array<i32>} : memref<48x128xf32, #tpu.memory_space<vmem>>, vector<1x16xf32>,
    %get3A_988 = vector.shape_cast %get3A_987 : vector<1x16xf32> to vector<16xf32>
    %get3A_989 = arith.constant 1 : i32
    %get3A_990 = arith.index_cast %get3A_989 : i32 to index
    %get3A_991 = arith.constant 112 : index
    %get3A_992 = tpu.vector_load %arg14[%get3A_990, %get3A_991] {strides = array<i32>} : memref<48x128xf32, #tpu.memory_space<vmem>>, vector<1x16xf32>,
    %get3A_993 = vector.shape_cast %get3A_992 : vector<1x16xf32> to vector<16xf32>
    %add3A_994 = arith.addf %get3A_988, %get3A_993 : vector<16xf32>
    %max3A_995 = arith.constant 0.000000e+00 : f32
    %max3A_996 = vector.broadcast %max3A_995 : f32 to vector<16xf32>
    %max3A_997 = arith.maximumf %add3A_994, %max3A_996 : vector<16xf32>
    %swap3A_998 = arith.constant 1 : i32
    %swap3A_999 = arith.index_cast %swap3A_998 : i32 to index
    %swap3A_1000 = arith.constant 112 : index
    %swap3A_1001 = tpu.vector_load %arg16[%swap3A_999, %swap3A_1000] {strides = array<i32>} : memref<48x144xf32, #tpu.memory_space<vmem>>, vector<1x16xf32>,
    %swap3A_1002 = vector.shape_cast %swap3A_1001 : vector<1x16xf32> to vector<16xf32>
    %swap3A_1003 = vector.shape_cast %max3A_997 : vector<16xf32> to vector<1x16xf32>
    tpu.vector_store %arg16[%swap3A_999, %swap3A_1000], %swap3A_1003 {strides = array<i32>} : memref<48x144xf32, #tpu.memory_space<vmem>>, vector<1x16xf32>,
    %get3A_1004 = arith.constant 2 : i32
    %get3A_1005 = arith.index_cast %get3A_1004 : i32 to index
    %get3A_1006 = arith.constant 0 : index
    %get3A_1007 = tpu.vector_load %arg12[%get3A_1005, %get3A_1006] {strides = array<i32>} : memref<48x128xf32, #tpu.memory_space<vmem>>, vector<1x16xf32>,
    %get3A_1008 = vector.shape_cast %get3A_1007 : vector<1x16xf32> to vector<16xf32>
    %get3A_1009 = arith.constant 2 : i32
    %get3A_1010 = arith.index_cast %get3A_1009 : i32 to index
    %get3A_1011 = arith.constant 0 : index
    %get3A_1012 = tpu.vector_load %arg14[%get3A_1010, %get3A_1011] {strides = array<i32>} : memref<48x128xf32, #tpu.memory_space<vmem>>, vector<1x16xf32>,
    %get3A_1013 = vector.shape_cast %get3A_1012 : vector<1x16xf32> to vector<16xf32>
    %add3A_1014 = arith.addf %get3A_1008, %get3A_1013 : vector<16xf32>
    %max3A_1015 = arith.constant 0.000000e+00 : f32
    %max3A_1016 = vector.broadcast %max3A_1015 : f32 to vector<16xf32>
    %max3A_1017 = arith.maximumf %add3A_1014, %max3A_1016 : vector<16xf32>
    %swap3A_1018 = arith.constant 2 : i32
    %swap3A_1019 = arith.index_cast %swap3A_1018 : i32 to index
    %swap3A_1020 = arith.constant 0 : index
    %swap3A_1021 = tpu.vector_load %arg16[%swap3A_1019, %swap3A_1020] {strides = array<i32>} : memref<48x144xf32, #tpu.memory_space<vmem>>, vector<1x16xf32>,
    %swap3A_1022 = vector.shape_cast %swap3A_1021 : vector<1x16xf32> to vector<16xf32>
    %swap3A_1023 = vector.shape_cast %max3A_1017 : vector<16xf32> to vector<1x16xf32>
    tpu.vector_store %arg16[%swap3A_1019, %swap3A_1020], %swap3A_1023 {strides = array<i32>} : memref<48x144xf32, #tpu.memory_space<vmem>>, vector<1x16xf32>,
    %get3A_1024 = arith.constant 2 : i32
    %get3A_1025 = arith.index_cast %get3A_1024 : i32 to index
    %get3A_1026 = arith.constant 16 : index
    %get3A_1027 = tpu.vector_load %arg12[%get3A_1025, %get3A_1026] {strides = array<i32>} : memref<48x128xf32, #tpu.memory_space<vmem>>, vector<1x16xf32>,
    %get3A_1028 = vector.shape_cast %get3A_1027 : vector<1x16xf32> to vector<16xf32>
    %get3A_1029 = arith.constant 2 : i32
    %get3A_1030 = arith.index_cast %get3A_1029 : i32 to index
    %get3A_1031 = arith.constant 16 : index
    %get3A_1032 = tpu.vector_load %arg14[%get3A_1030, %get3A_1031] {strides = array<i32>} : memref<48x128xf32, #tpu.memory_space<vmem>>, vector<1x16xf32>,
    %get3A_1033 = vector.shape_cast %get3A_1032 : vector<1x16xf32> to vector<16xf32>
    %add3A_1034 = arith.addf %get3A_1028, %get3A_1033 : vector<16xf32>
    %max3A_1035 = arith.constant 0.000000e+00 : f32
    %max3A_1036 = vector.broadcast %max3A_1035 : f32 to vector<16xf32>
    %max3A_1037 = arith.maximumf %add3A_1034, %max3A_1036 : vector<16xf32>
    %swap3A_1038 = arith.constant 2 : i32
    %swap3A_1039 = arith.index_cast %swap3A_1038 : i32 to index
    %swap3A_1040 = arith.constant 16 : index
    %swap3A_1041 = tpu.vector_load %arg16[%swap3A_1039, %swap3A_1040] {strides = array<i32>} : memref<48x144xf32, #tpu.memory_space<vmem>>, vector<1x16xf32>,
    %swap3A_1042 = vector.shape_cast %swap3A_1041 : vector<1x16xf32> to vector<16xf32>
    %swap3A_1043 = vector.shape_cast %max3A_1037 : vector<16xf32> to vector<1x16xf32>
    tpu.vector_store %arg16[%swap3A_1039, %swap3A_1040], %swap3A_1043 {strides = array<i32>} : memref<48x144xf32, #tpu.memory_space<vmem>>, vector<1x16xf32>,
    %get3A_1044 = arith.constant 2 : i32
    %get3A_1045 = arith.index_cast %get3A_1044 : i32 to index
    %get3A_1046 = arith.constant 32 : index
    %get3A_1047 = tpu.vector_load %arg12[%get3A_1045, %get3A_1046] {strides = array<i32>} : memref<48x128xf32, #tpu.memory_space<vmem>>, vector<1x16xf32>,
    %get3A_1048 = vector.shape_cast %get3A_1047 : vector<1x16xf32> to vector<16xf32>
    %get3A_1049 = arith.constant 2 : i32
    %get3A_1050 = arith.index_cast %get3A_1049 : i32 to index
    %get3A_1051 = arith.constant 32 : index
    %get3A_1052 = tpu.vector_load %arg14[%get3A_1050, %get3A_1051] {strides = array<i32>} : memref<48x128xf32, #tpu.memory_space<vmem>>, vector<1x16xf32>,
    %get3A_1053 = vector.shape_cast %get3A_1052 : vector<1x16xf32> to vector<16xf32>
    %add3A_1054 = arith.addf %get3A_1048, %get3A_1053 : vector<16xf32>
    %max3A_1055 = arith.constant 0.000000e+00 : f32
    %max3A_1056 = vector.broadcast %max3A_1055 : f32 to vector<16xf32>
    %max3A_1057 = arith.maximumf %add3A_1054, %max3A_1056 : vector<16xf32>
    %swap3A_1058 = arith.constant 2 : i32
    %swap3A_1059 = arith.index_cast %swap3A_1058 : i32 to index
    %swap3A_1060 = arith.constant 32 : index
    %swap3A_1061 = tpu.vector_load %arg16[%swap3A_1059, %swap3A_1060] {strides = array<i32>} : memref<48x144xf32, #tpu.memory_space<vmem>>, vector<1x16xf32>,
    %swap3A_1062 = vector.shape_cast %swap3A_1061 : vector<1x16xf32> to vector<16xf32>
    %swap3A_1063 = vector.shape_cast %max3A_1057 : vector<16xf32> to vector<1x16xf32>
    tpu.vector_store %arg16[%swap3A_1059, %swap3A_1060], %swap3A_1063 {strides = array<i32>} : memref<48x144xf32, #tpu.memory_space<vmem>>, vector<1x16xf32>,
    %get3A_1064 = arith.constant 2 : i32
    %get3A_1065 = arith.index_cast %get3A_1064 : i32 to index
    %get3A_1066 = arith.constant 48 : index
    %get3A_1067 = tpu.vector_load %arg12[%get3A_1065, %get3A_1066] {strides = array<i32>} : memref<48x128xf32, #tpu.memory_space<vmem>>, vector<1x16xf32>,
    %get3A_1068 = vector.shape_cast %get3A_1067 : vector<1x16xf32> to vector<16xf32>
    %get3A_1069 = arith.constant 2 : i32
    %get3A_1070 = arith.index_cast %get3A_1069 : i32 to index
    %get3A_1071 = arith.constant 48 : index
    %get3A_1072 = tpu.vector_load %arg14[%get3A_1070, %get3A_1071] {strides = array<i32>} : memref<48x128xf32, #tpu.memory_space<vmem>>, vector<1x16xf32>,
    %get3A_1073 = vector.shape_cast %get3A_1072 : vector<1x16xf32> to vector<16xf32>
    %add3A_1074 = arith.addf %get3A_1068, %get3A_1073 : vector<16xf32>
    %max3A_1075 = arith.constant 0.000000e+00 : f32
    %max3A_1076 = vector.broadcast %max3A_1075 : f32 to vector<16xf32>
    %max3A_1077 = arith.maximumf %add3A_1074, %max3A_1076 : vector<16xf32>
    %swap3A_1078 = arith.constant 2 : i32
    %swap3A_1079 = arith.index_cast %swap3A_1078 : i32 to index
    %swap3A_1080 = arith.constant 48 : index
    %swap3A_1081 = tpu.vector_load %arg16[%swap3A_1079, %swap3A_1080] {strides = array<i32>} : memref<48x144xf32, #tpu.memory_space<vmem>>, vector<1x16xf32>,
    %swap3A_1082 = vector.shape_cast %swap3A_1081 : vector<1x16xf32> to vector<16xf32>
    %swap3A_1083 = vector.shape_cast %max3A_1077 : vector<16xf32> to vector<1x16xf32>
    tpu.vector_store %arg16[%swap3A_1079, %swap3A_1080], %swap3A_1083 {strides = array<i32>} : memref<48x144xf32, #tpu.memory_space<vmem>>, vector<1x16xf32>,
    %get3A_1084 = arith.constant 2 : i32
    %get3A_1085 = arith.index_cast %get3A_1084 : i32 to index
    %get3A_1086 = arith.constant 64 : index
    %get3A_1087 = tpu.vector_load %arg12[%get3A_1085, %get3A_1086] {strides = array<i32>} : memref<48x128xf32, #tpu.memory_space<vmem>>, vector<1x16xf32>,
    %get3A_1088 = vector.shape_cast %get3A_1087 : vector<1x16xf32> to vector<16xf32>
    %get3A_1089 = arith.constant 2 : i32
    %get3A_1090 = arith.index_cast %get3A_1089 : i32 to index
    %get3A_1091 = arith.constant 64 : index
    %get3A_1092 = tpu.vector_load %arg14[%get3A_1090, %get3A_1091] {strides = array<i32>} : memref<48x128xf32, #tpu.memory_space<vmem>>, vector<1x16xf32>,
    %get3A_1093 = vector.shape_cast %get3A_1092 : vector<1x16xf32> to vector<16xf32>
    %add3A_1094 = arith.addf %get3A_1088, %get3A_1093 : vector<16xf32>
    %max3A_1095 = arith.constant 0.000000e+00 : f32
    %max3A_1096 = vector.broadcast %max3A_1095 : f32 to vector<16xf32>
    %max3A_1097 = arith.maximumf %add3A_1094, %max3A_1096 : vector<16xf32>
    %swap3A_1098 = arith.constant 2 : i32
    %swap3A_1099 = arith.index_cast %swap3A_1098 : i32 to index
    %swap3A_1100 = arith.constant 64 : index
    %swap3A_1101 = tpu.vector_load %arg16[%swap3A_1099, %swap3A_1100] {strides = array<i32>} : memref<48x144xf32, #tpu.memory_space<vmem>>, vector<1x16xf32>,
    %swap3A_1102 = vector.shape_cast %swap3A_1101 : vector<1x16xf32> to vector<16xf32>
    %swap3A_1103 = vector.shape_cast %max3A_1097 : vector<16xf32> to vector<1x16xf32>
    tpu.vector_store %arg16[%swap3A_1099, %swap3A_1100], %swap3A_1103 {strides = array<i32>} : memref<48x144xf32, #tpu.memory_space<vmem>>, vector<1x16xf32>,
    %get3A_1104 = arith.constant 2 : i32
    %get3A_1105 = arith.index_cast %get3A_1104 : i32 to index
    %get3A_1106 = arith.constant 80 : index
    %get3A_1107 = tpu.vector_load %arg12[%get3A_1105, %get3A_1106] {strides = array<i32>} : memref<48x128xf32, #tpu.memory_space<vmem>>, vector<1x16xf32>,
    %get3A_1108 = vector.shape_cast %get3A_1107 : vector<1x16xf32> to vector<16xf32>
    %get3A_1109 = arith.constant 2 : i32
    %get3A_1110 = arith.index_cast %get3A_1109 : i32 to index
    %get3A_1111 = arith.constant 80 : index
    %get3A_1112 = tpu.vector_load %arg14[%get3A_1110, %get3A_1111] {strides = array<i32>} : memref<48x128xf32, #tpu.memory_space<vmem>>, vector<1x16xf32>,
    %get3A_1113 = vector.shape_cast %get3A_1112 : vector<1x16xf32> to vector<16xf32>
    %add3A_1114 = arith.addf %get3A_1108, %get3A_1113 : vector<16xf32>
    %max3A_1115 = arith.constant 0.000000e+00 : f32
    %max3A_1116 = vector.broadcast %max3A_1115 : f32 to vector<16xf32>
    %max3A_1117 = arith.maximumf %add3A_1114, %max3A_1116 : vector<16xf32>
    %swap3A_1118 = arith.constant 2 : i32
    %swap3A_1119 = arith.index_cast %swap3A_1118 : i32 to index
    %swap3A_1120 = arith.constant 80 : index
    %swap3A_1121 = tpu.vector_load %arg16[%swap3A_1119, %swap3A_1120] {strides = array<i32>} : memref<48x144xf32, #tpu.memory_space<vmem>>, vector<1x16xf32>,
    %swap3A_1122 = vector.shape_cast %swap3A_1121 : vector<1x16xf32> to vector<16xf32>
    %swap3A_1123 = vector.shape_cast %max3A_1117 : vector<16xf32> to vector<1x16xf32>
    tpu.vector_store %arg16[%swap3A_1119, %swap3A_1120], %swap3A_1123 {strides = array<i32>} : memref<48x144xf32, #tpu.memory_space<vmem>>, vector<1x16xf32>,
    %get3A_1124 = arith.constant 2 : i32
    %get3A_1125 = arith.index_cast %get3A_1124 : i32 to index
    %get3A_1126 = arith.constant 96 : index
    %get3A_1127 = tpu.vector_load %arg12[%get3A_1125, %get3A_1126] {strides = array<i32>} : memref<48x128xf32, #tpu.memory_space<vmem>>, vector<1x16xf32>,
    %get3A_1128 = vector.shape_cast %get3A_1127 : vector<1x16xf32> to vector<16xf32>
    %get3A_1129 = arith.constant 2 : i32
    %get3A_1130 = arith.index_cast %get3A_1129 : i32 to index
    %get3A_1131 = arith.constant 96 : index
    %get3A_1132 = tpu.vector_load %arg14[%get3A_1130, %get3A_1131] {strides = array<i32>} : memref<48x128xf32, #tpu.memory_space<vmem>>, vector<1x16xf32>,
    %get3A_1133 = vector.shape_cast %get3A_1132 : vector<1x16xf32> to vector<16xf32>
    %add3A_1134 = arith.addf %get3A_1128, %get3A_1133 : vector<16xf32>
    %max3A_1135 = arith.constant 0.000000e+00 : f32
    %max3A_1136 = vector.broadcast %max3A_1135 : f32 to vector<16xf32>
    %max3A_1137 = arith.maximumf %add3A_1134, %max3A_1136 : vector<16xf32>
    %swap3A_1138 = arith.constant 2 : i32
    %swap3A_1139 = arith.index_cast %swap3A_1138 : i32 to index
    %swap3A_1140 = arith.constant 96 : index
    %swap3A_1141 = tpu.vector_load %arg16[%swap3A_1139, %swap3A_1140] {strides = array<i32>} : memref<48x144xf32, #tpu.memory_space<vmem>>, vector<1x16xf32>,
    %swap3A_1142 = vector.shape_cast %swap3A_1141 : vector<1x16xf32> to vector<16xf32>
    %swap3A_1143 = vector.shape_cast %max3A_1137 : vector<16xf32> to vector<1x16xf32>
    tpu.vector_store %arg16[%swap3A_1139, %swap3A_1140], %swap3A_1143 {strides = array<i32>} : memref<48x144xf32, #tpu.memory_space<vmem>>, vector<1x16xf32>,
    %get3A_1144 = arith.constant 2 : i32
    %get3A_1145 = arith.index_cast %get3A_1144 : i32 to index
    %get3A_1146 = arith.constant 112 : index
    %get3A_1147 = tpu.vector_load %arg12[%get3A_1145, %get3A_1146] {strides = array<i32>} : memref<48x128xf32, #tpu.memory_space<vmem>>, vector<1x16xf32>,
    %get3A_1148 = vector.shape_cast %get3A_1147 : vector<1x16xf32> to vector<16xf32>
    %get3A_1149 = arith.constant 2 : i32
    %get3A_1150 = arith.index_cast %get3A_1149 : i32 to index
    %get3A_1151 = arith.constant 112 : index
    %get3A_1152 = tpu.vector_load %arg14[%get3A_1150, %get3A_1151] {strides = array<i32>} : memref<48x128xf32, #tpu.memory_space<vmem>>, vector<1x16xf32>,
    %get3A_1153 = vector.shape_cast %get3A_1152 : vector<1x16xf32> to vector<16xf32>
    %add3A_1154 = arith.addf %get3A_1148, %get3A_1153 : vector<16xf32>
    %max3A_1155 = arith.constant 0.000000e+00 : f32
    %max3A_1156 = vector.broadcast %max3A_1155 : f32 to vector<16xf32>
    %max3A_1157 = arith.maximumf %add3A_1154, %max3A_1156 : vector<16xf32>
    %swap3A_1158 = arith.constant 2 : i32
    %swap3A_1159 = arith.index_cast %swap3A_1158 : i32 to index
    %swap3A_1160 = arith.constant 112 : index
    %swap3A_1161 = tpu.vector_load %arg16[%swap3A_1159, %swap3A_1160] {strides = array<i32>} : memref<48x144xf32, #tpu.memory_space<vmem>>, vector<1x16xf32>,
    %swap3A_1162 = vector.shape_cast %swap3A_1161 : vector<1x16xf32> to vector<16xf32>
    %swap3A_1163 = vector.shape_cast %max3A_1157 : vector<16xf32> to vector<1x16xf32>
    tpu.vector_store %arg16[%swap3A_1159, %swap3A_1160], %swap3A_1163 {strides = array<i32>} : memref<48x144xf32, #tpu.memory_space<vmem>>, vector<1x16xf32>,
    %get3A_1164 = arith.constant 3 : i32
    %get3A_1165 = arith.index_cast %get3A_1164 : i32 to index
    %get3A_1166 = arith.constant 0 : index
    %get3A_1167 = tpu.vector_load %arg12[%get3A_1165, %get3A_1166] {strides = array<i32>} : memref<48x128xf32, #tpu.memory_space<vmem>>, vector<1x16xf32>,
    %get3A_1168 = vector.shape_cast %get3A_1167 : vector<1x16xf32> to vector<16xf32>
    %get3A_1169 = arith.constant 3 : i32
    %get3A_1170 = arith.index_cast %get3A_1169 : i32 to index
    %get3A_1171 = arith.constant 0 : index
    %get3A_1172 = tpu.vector_load %arg14[%get3A_1170, %get3A_1171] {strides = array<i32>} : memref<48x128xf32, #tpu.memory_space<vmem>>, vector<1x16xf32>,
    %get3A_1173 = vector.shape_cast %get3A_1172 : vector<1x16xf32> to vector<16xf32>
    %add3A_1174 = arith.addf %get3A_1168, %get3A_1173 : vector<16xf32>
    %max3A_1175 = arith.constant 0.000000e+00 : f32
    %max3A_1176 = vector.broadcast %max3A_1175 : f32 to vector<16xf32>
    %max3A_1177 = arith.maximumf %add3A_1174, %max3A_1176 : vector<16xf32>
    %swap3A_1178 = arith.constant 3 : i32
    %swap3A_1179 = arith.index_cast %swap3A_1178 : i32 to index
    %swap3A_1180 = arith.constant 0 : index
    %swap3A_1181 = tpu.vector_load %arg16[%swap3A_1179, %swap3A_1180] {strides = array<i32>} : memref<48x144xf32, #tpu.memory_space<vmem>>, vector<1x16xf32>,
    %swap3A_1182 = vector.shape_cast %swap3A_1181 : vector<1x16xf32> to vector<16xf32>
    %swap3A_1183 = vector.shape_cast %max3A_1177 : vector<16xf32> to vector<1x16xf32>
    tpu.vector_store %arg16[%swap3A_1179, %swap3A_1180], %swap3A_1183 {strides = array<i32>} : memref<48x144xf32, #tpu.memory_space<vmem>>, vector<1x16xf32>,
    %get3A_1184 = arith.constant 3 : i32
    %get3A_1185 = arith.index_cast %get3A_1184 : i32 to index
    %get3A_1186 = arith.constant 16 : index
    %get3A_1187 = tpu.vector_load %arg12[%get3A_1185, %get3A_1186] {strides = array<i32>} : memref<48x128xf32, #tpu.memory_space<vmem>>, vector<1x16xf32>,
    %get3A_1188 = vector.shape_cast %get3A_1187 : vector<1x16xf32> to vector<16xf32>
    %get3A_1189 = arith.constant 3 : i32
    %get3A_1190 = arith.index_cast %get3A_1189 : i32 to index
    %get3A_1191 = arith.constant 16 : index
    %get3A_1192 = tpu.vector_load %arg14[%get3A_1190, %get3A_1191] {strides = array<i32>} : memref<48x128xf32, #tpu.memory_space<vmem>>, vector<1x16xf32>,
    %get3A_1193 = vector.shape_cast %get3A_1192 : vector<1x16xf32> to vector<16xf32>
    %add3A_1194 = arith.addf %get3A_1188, %get3A_1193 : vector<16xf32>
    %max3A_1195 = arith.constant 0.000000e+00 : f32
    %max3A_1196 = vector.broadcast %max3A_1195 : f32 to vector<16xf32>
    %max3A_1197 = arith.maximumf %add3A_1194, %max3A_1196 : vector<16xf32>
    %swap3A_1198 = arith.constant 3 : i32
    %swap3A_1199 = arith.index_cast %swap3A_1198 : i32 to index
    %swap3A_1200 = arith.constant 16 : index
    %swap3A_1201 = tpu.vector_load %arg16[%swap3A_1199, %swap3A_1200] {strides = array<i32>} : memref<48x144xf32, #tpu.memory_space<vmem>>, vector<1x16xf32>,
    %swap3A_1202 = vector.shape_cast %swap3A_1201 : vector<1x16xf32> to vector<16xf32>
    %swap3A_1203 = vector.shape_cast %max3A_1197 : vector<16xf32> to vector<1x16xf32>
    tpu.vector_store %arg16[%swap3A_1199, %swap3A_1200], %swap3A_1203 {strides = array<i32>} : memref<48x144xf32, #tpu.memory_space<vmem>>, vector<1x16xf32>,
    %get3A_1204 = arith.constant 3 : i32
    %get3A_1205 = arith.index_cast %get3A_1204 : i32 to index
    %get3A_1206 = arith.constant 32 : index
    %get3A_1207 = tpu.vector_load %arg12[%get3A_1205, %get3A_1206] {strides = array<i32>} : memref<48x128xf32, #tpu.memory_space<vmem>>, vector<1x16xf32>,
    %get3A_1208 = vector.shape_cast %get3A_1207 : vector<1x16xf32> to vector<16xf32>
    %get3A_1209 = arith.constant 3 : i32
    %get3A_1210 = arith.index_cast %get3A_1209 : i32 to index
    %get3A_1211 = arith.constant 32 : index
    %get3A_1212 = tpu.vector_load %arg14[%get3A_1210, %get3A_1211] {strides = array<i32>} : memref<48x128xf32, #tpu.memory_space<vmem>>, vector<1x16xf32>,
    %get3A_1213 = vector.shape_cast %get3A_1212 : vector<1x16xf32> to vector<16xf32>
    %add3A_1214 = arith.addf %get3A_1208, %get3A_1213 : vector<16xf32>
    %max3A_1215 = arith.constant 0.000000e+00 : f32
    %max3A_1216 = vector.broadcast %max3A_1215 : f32 to vector<16xf32>
    %max3A_1217 = arith.maximumf %add3A_1214, %max3A_1216 : vector<16xf32>
    %swap3A_1218 = arith.constant 3 : i32
    %swap3A_1219 = arith.index_cast %swap3A_1218 : i32 to index
    %swap3A_1220 = arith.constant 32 : index
    %swap3A_1221 = tpu.vector_load %arg16[%swap3A_1219, %swap3A_1220] {strides = array<i32>} : memref<48x144xf32, #tpu.memory_space<vmem>>, vector<1x16xf32>,
    %swap3A_1222 = vector.shape_cast %swap3A_1221 : vector<1x16xf32> to vector<16xf32>
    %swap3A_1223 = vector.shape_cast %max3A_1217 : vector<16xf32> to vector<1x16xf32>
    tpu.vector_store %arg16[%swap3A_1219, %swap3A_1220], %swap3A_1223 {strides = array<i32>} : memref<48x144xf32, #tpu.memory_space<vmem>>, vector<1x16xf32>,
    %get3A_1224 = arith.constant 3 : i32
    %get3A_1225 = arith.index_cast %get3A_1224 : i32 to index
    %get3A_1226 = arith.constant 48 : index
    %get3A_1227 = tpu.vector_load %arg12[%get3A_1225, %get3A_1226] {strides = array<i32>} : memref<48x128xf32, #tpu.memory_space<vmem>>, vector<1x16xf32>,
    %get3A_1228 = vector.shape_cast %get3A_1227 : vector<1x16xf32> to vector<16xf32>
    %get3A_1229 = arith.constant 3 : i32
    %get3A_1230 = arith.index_cast %get3A_1229 : i32 to index
    %get3A_1231 = arith.constant 48 : index
    %get3A_1232 = tpu.vector_load %arg14[%get3A_1230, %get3A_1231] {strides = array<i32>} : memref<48x128xf32, #tpu.memory_space<vmem>>, vector<1x16xf32>,
    %get3A_1233 = vector.shape_cast %get3A_1232 : vector<1x16xf32> to vector<16xf32>
    %add3A_1234 = arith.addf %get3A_1228, %get3A_1233 : vector<16xf32>
    %max3A_1235 = arith.constant 0.000000e+00 : f32
    %max3A_1236 = vector.broadcast %max3A_1235 : f32 to vector<16xf32>
    %max3A_1237 = arith.maximumf %add3A_1234, %max3A_1236 : vector<16xf32>
    %swap3A_1238 = arith.constant 3 : i32
    %swap3A_1239 = arith.index_cast %swap3A_1238 : i32 to index
    %swap3A_1240 = arith.constant 48 : index
    %swap3A_1241 = tpu.vector_load %arg16[%swap3A_1239, %swap3A_1240] {strides = array<i32>} : memref<48x144xf32, #tpu.memory_space<vmem>>, vector<1x16xf32>,
    %swap3A_1242 = vector.shape_cast %swap3A_1241 : vector<1x16xf32> to vector<16xf32>
    %swap3A_1243 = vector.shape_cast %max3A_1237 : vector<16xf32> to vector<1x16xf32>
    tpu.vector_store %arg16[%swap3A_1239, %swap3A_1240], %swap3A_1243 {strides = array<i32>} : memref<48x144xf32, #tpu.memory_space<vmem>>, vector<1x16xf32>,
    %get3A_1244 = arith.constant 3 : i32
    %get3A_1245 = arith.index_cast %get3A_1244 : i32 to index
    %get3A_1246 = arith.constant 64 : index
    %get3A_1247 = tpu.vector_load %arg12[%get3A_1245, %get3A_1246] {strides = array<i32>} : memref<48x128xf32, #tpu.memory_space<vmem>>, vector<1x16xf32>,
    %get3A_1248 = vector.shape_cast %get3A_1247 : vector<1x16xf32> to vector<16xf32>
    %get3A_1249 = arith.constant 3 : i32
    %get3A_1250 = arith.index_cast %get3A_1249 : i32 to index
    %get3A_1251 = arith.constant 64 : index
    %get3A_1252 = tpu.vector_load %arg14[%get3A_1250, %get3A_1251] {strides = array<i32>} : memref<48x128xf32, #tpu.memory_space<vmem>>, vector<1x16xf32>,
    %get3A_1253 = vector.shape_cast %get3A_1252 : vector<1x16xf32> to vector<16xf32>
    %add3A_1254 = arith.addf %get3A_1248, %get3A_1253 : vector<16xf32>
    %max3A_1255 = arith.constant 0.000000e+00 : f32
    %max3A_1256 = vector.broadcast %max3A_1255 : f32 to vector<16xf32>
    %max3A_1257 = arith.maximumf %add3A_1254, %max3A_1256 : vector<16xf32>
    %swap3A_1258 = arith.constant 3 : i32
    %swap3A_1259 = arith.index_cast %swap3A_1258 : i32 to index
    %swap3A_1260 = arith.constant 64 : index
    %swap3A_1261 = tpu.vector_load %arg16[%swap3A_1259, %swap3A_1260] {strides = array<i32>} : memref<48x144xf32, #tpu.memory_space<vmem>>, vector<1x16xf32>,
    %swap3A_1262 = vector.shape_cast %swap3A_1261 : vector<1x16xf32> to vector<16xf32>
    %swap3A_1263 = vector.shape_cast %max3A_1257 : vector<16xf32> to vector<1x16xf32>
    tpu.vector_store %arg16[%swap3A_1259, %swap3A_1260], %swap3A_1263 {strides = array<i32>} : memref<48x144xf32, #tpu.memory_space<vmem>>, vector<1x16xf32>,
    %get3A_1264 = arith.constant 3 : i32
    %get3A_1265 = arith.index_cast %get3A_1264 : i32 to index
    %get3A_1266 = arith.constant 80 : index
    %get3A_1267 = tpu.vector_load %arg12[%get3A_1265, %get3A_1266] {strides = array<i32>} : memref<48x128xf32, #tpu.memory_space<vmem>>, vector<1x16xf32>,
    %get3A_1268 = vector.shape_cast %get3A_1267 : vector<1x16xf32> to vector<16xf32>
    %get3A_1269 = arith.constant 3 : i32
    %get3A_1270 = arith.index_cast %get3A_1269 : i32 to index
    %get3A_1271 = arith.constant 80 : index
    %get3A_1272 = tpu.vector_load %arg14[%get3A_1270, %get3A_1271] {strides = array<i32>} : memref<48x128xf32, #tpu.memory_space<vmem>>, vector<1x16xf32>,
    %get3A_1273 = vector.shape_cast %get3A_1272 : vector<1x16xf32> to vector<16xf32>
    %add3A_1274 = arith.addf %get3A_1268, %get3A_1273 : vector<16xf32>
    %max3A_1275 = arith.constant 0.000000e+00 : f32
    %max3A_1276 = vector.broadcast %max3A_1275 : f32 to vector<16xf32>
    %max3A_1277 = arith.maximumf %add3A_1274, %max3A_1276 : vector<16xf32>
    %swap3A_1278 = arith.constant 3 : i32
    %swap3A_1279 = arith.index_cast %swap3A_1278 : i32 to index
    %swap3A_1280 = arith.constant 80 : index
    %swap3A_1281 = tpu.vector_load %arg16[%swap3A_1279, %swap3A_1280] {strides = array<i32>} : memref<48x144xf32, #tpu.memory_space<vmem>>, vector<1x16xf32>,
    %swap3A_1282 = vector.shape_cast %swap3A_1281 : vector<1x16xf32> to vector<16xf32>
    %swap3A_1283 = vector.shape_cast %max3A_1277 : vector<16xf32> to vector<1x16xf32>
    tpu.vector_store %arg16[%swap3A_1279, %swap3A_1280], %swap3A_1283 {strides = array<i32>} : memref<48x144xf32, #tpu.memory_space<vmem>>, vector<1x16xf32>,
    %get3A_1284 = arith.constant 3 : i32
    %get3A_1285 = arith.index_cast %get3A_1284 : i32 to index
    %get3A_1286 = arith.constant 96 : index
    %get3A_1287 = tpu.vector_load %arg12[%get3A_1285, %get3A_1286] {strides = array<i32>} : memref<48x128xf32, #tpu.memory_space<vmem>>, vector<1x16xf32>,
    %get3A_1288 = vector.shape_cast %get3A_1287 : vector<1x16xf32> to vector<16xf32>
    %get3A_1289 = arith.constant 3 : i32
    %get3A_1290 = arith.index_cast %get3A_1289 : i32 to index
    %get3A_1291 = arith.constant 96 : index
    %get3A_1292 = tpu.vector_load %arg14[%get3A_1290, %get3A_1291] {strides = array<i32>} : memref<48x128xf32, #tpu.memory_space<vmem>>, vector<1x16xf32>,
    %get3A_1293 = vector.shape_cast %get3A_1292 : vector<1x16xf32> to vector<16xf32>
    %add3A_1294 = arith.addf %get3A_1288, %get3A_1293 : vector<16xf32>
    %max3A_1295 = arith.constant 0.000000e+00 : f32
    %max3A_1296 = vector.broadcast %max3A_1295 : f32 to vector<16xf32>
    %max3A_1297 = arith.maximumf %add3A_1294, %max3A_1296 : vector<16xf32>
    %swap3A_1298 = arith.constant 3 : i32
    %swap3A_1299 = arith.index_cast %swap3A_1298 : i32 to index
    %swap3A_1300 = arith.constant 96 : index
    %swap3A_1301 = tpu.vector_load %arg16[%swap3A_1299, %swap3A_1300] {strides = array<i32>} : memref<48x144xf32, #tpu.memory_space<vmem>>, vector<1x16xf32>,
    %swap3A_1302 = vector.shape_cast %swap3A_1301 : vector<1x16xf32> to vector<16xf32>
    %swap3A_1303 = vector.shape_cast %max3A_1297 : vector<16xf32> to vector<1x16xf32>
    tpu.vector_store %arg16[%swap3A_1299, %swap3A_1300], %swap3A_1303 {strides = array<i32>} : memref<48x144xf32, #tpu.memory_space<vmem>>, vector<1x16xf32>,
    %get3A_1304 = arith.constant 3 : i32
    %get3A_1305 = arith.index_cast %get3A_1304 : i32 to index
    %get3A_1306 = arith.constant 112 : index
    %get3A_1307 = tpu.vector_load %arg12[%get3A_1305, %get3A_1306] {strides = array<i32>} : memref<48x128xf32, #tpu.memory_space<vmem>>, vector<1x16xf32>,
    %get3A_1308 = vector.shape_cast %get3A_1307 : vector<1x16xf32> to vector<16xf32>
    %get3A_1309 = arith.constant 3 : i32
    %get3A_1310 = arith.index_cast %get3A_1309 : i32 to index
    %get3A_1311 = arith.constant 112 : index
    %get3A_1312 = tpu.vector_load %arg14[%get3A_1310, %get3A_1311] {strides = array<i32>} : memref<48x128xf32, #tpu.memory_space<vmem>>, vector<1x16xf32>,
    %get3A_1313 = vector.shape_cast %get3A_1312 : vector<1x16xf32> to vector<16xf32>
    %add3A_1314 = arith.addf %get3A_1308, %get3A_1313 : vector<16xf32>
    %max3A_1315 = arith.constant 0.000000e+00 : f32
    %max3A_1316 = vector.broadcast %max3A_1315 : f32 to vector<16xf32>
    %max3A_1317 = arith.maximumf %add3A_1314, %max3A_1316 : vector<16xf32>
    %swap3A_1318 = arith.constant 3 : i32
    %swap3A_1319 = arith.index_cast %swap3A_1318 : i32 to index
    %swap3A_1320 = arith.constant 112 : index
    %swap3A_1321 = tpu.vector_load %arg16[%swap3A_1319, %swap3A_1320] {strides = array<i32>} : memref<48x144xf32, #tpu.memory_space<vmem>>, vector<1x16xf32>,
    %swap3A_1322 = vector.shape_cast %swap3A_1321 : vector<1x16xf32> to vector<16xf32>
    %swap3A_1323 = vector.shape_cast %max3A_1317 : vector<16xf32> to vector<1x16xf32>
    tpu.vector_store %arg16[%swap3A_1319, %swap3A_1320], %swap3A_1323 {strides = array<i32>} : memref<48x144xf32, #tpu.memory_space<vmem>>, vector<1x16xf32>,
    %get3A_1324 = arith.constant 4 : i32
    %get3A_1325 = arith.index_cast %get3A_1324 : i32 to index
    %get3A_1326 = arith.constant 0 : index
    %get3A_1327 = tpu.vector_load %arg12[%get3A_1325, %get3A_1326] {strides = array<i32>} : memref<48x128xf32, #tpu.memory_space<vmem>>, vector<1x16xf32>,
    %get3A_1328 = vector.shape_cast %get3A_1327 : vector<1x16xf32> to vector<16xf32>
    %get3A_1329 = arith.constant 4 : i32
    %get3A_1330 = arith.index_cast %get3A_1329 : i32 to index
    %get3A_1331 = arith.constant 0 : index
    %get3A_1332 = tpu.vector_load %arg14[%get3A_1330, %get3A_1331] {strides = array<i32>} : memref<48x128xf32, #tpu.memory_space<vmem>>, vector<1x16xf32>,
    %get3A_1333 = vector.shape_cast %get3A_1332 : vector<1x16xf32> to vector<16xf32>
    %add3A_1334 = arith.addf %get3A_1328, %get3A_1333 : vector<16xf32>
    %max3A_1335 = arith.constant 0.000000e+00 : f32
    %max3A_1336 = vector.broadcast %max3A_1335 : f32 to vector<16xf32>
    %max3A_1337 = arith.maximumf %add3A_1334, %max3A_1336 : vector<16xf32>
    %swap3A_1338 = arith.constant 4 : i32
    %swap3A_1339 = arith.index_cast %swap3A_1338 : i32 to index
    %swap3A_1340 = arith.constant 0 : index
    %swap3A_1341 = tpu.vector_load %arg16[%swap3A_1339, %swap3A_1340] {strides = array<i32>} : memref<48x144xf32, #tpu.memory_space<vmem>>, vector<1x16xf32>,
    %swap3A_1342 = vector.shape_cast %swap3A_1341 : vector<1x16xf32> to vector<16xf32>
    %swap3A_1343 = vector.shape_cast %max3A_1337 : vector<16xf32> to vector<1x16xf32>
    tpu.vector_store %arg16[%swap3A_1339, %swap3A_1340], %swap3A_1343 {strides = array<i32>} : memref<48x144xf32, #tpu.memory_space<vmem>>, vector<1x16xf32>,
    %get3A_1344 = arith.constant 4 : i32
    %get3A_1345 = arith.index_cast %get3A_1344 : i32 to index
    %get3A_1346 = arith.constant 16 : index
    %get3A_1347 = tpu.vector_load %arg12[%get3A_1345, %get3A_1346] {strides = array<i32>} : memref<48x128xf32, #tpu.memory_space<vmem>>, vector<1x16xf32>,
    %get3A_1348 = vector.shape_cast %get3A_1347 : vector<1x16xf32> to vector<16xf32>
    %get3A_1349 = arith.constant 4 : i32
    %get3A_1350 = arith.index_cast %get3A_1349 : i32 to index
    %get3A_1351 = arith.constant 16 : index
    %get3A_1352 = tpu.vector_load %arg14[%get3A_1350, %get3A_1351] {strides = array<i32>} : memref<48x128xf32, #tpu.memory_space<vmem>>, vector<1x16xf32>,
    %get3A_1353 = vector.shape_cast %get3A_1352 : vector<1x16xf32> to vector<16xf32>
    %add3A_1354 = arith.addf %get3A_1348, %get3A_1353 : vector<16xf32>
    %max3A_1355 = arith.constant 0.000000e+00 : f32
    %max3A_1356 = vector.broadcast %max3A_1355 : f32 to vector<16xf32>
    %max3A_1357 = arith.maximumf %add3A_1354, %max3A_1356 : vector<16xf32>
    %swap3A_1358 = arith.constant 4 : i32
    %swap3A_1359 = arith.index_cast %swap3A_1358 : i32 to index
    %swap3A_1360 = arith.constant 16 : index
    %swap3A_1361 = tpu.vector_load %arg16[%swap3A_1359, %swap3A_1360] {strides = array<i32>} : memref<48x144xf32, #tpu.memory_space<vmem>>, vector<1x16xf32>,
    %swap3A_1362 = vector.shape_cast %swap3A_1361 : vector<1x16xf32> to vector<16xf32>
    %swap3A_1363 = vector.shape_cast %max3A_1357 : vector<16xf32> to vector<1x16xf32>
    tpu.vector_store %arg16[%swap3A_1359, %swap3A_1360], %swap3A_1363 {strides = array<i32>} : memref<48x144xf32, #tpu.memory_space<vmem>>, vector<1x16xf32>,
    %get3A_1364 = arith.constant 4 : i32
    %get3A_1365 = arith.index_cast %get3A_1364 : i32 to index
    %get3A_1366 = arith.constant 32 : index
    %get3A_1367 = tpu.vector_load %arg12[%get3A_1365, %get3A_1366] {strides = array<i32>} : memref<48x128xf32, #tpu.memory_space<vmem>>, vector<1x16xf32>,
    %get3A_1368 = vector.shape_cast %get3A_1367 : vector<1x16xf32> to vector<16xf32>
    %get3A_1369 = arith.constant 4 : i32
    %get3A_1370 = arith.index_cast %get3A_1369 : i32 to index
    %get3A_1371 = arith.constant 32 : index
    %get3A_1372 = tpu.vector_load %arg14[%get3A_1370, %get3A_1371] {strides = array<i32>} : memref<48x128xf32, #tpu.memory_space<vmem>>, vector<1x16xf32>,
    %get3A_1373 = vector.shape_cast %get3A_1372 : vector<1x16xf32> to vector<16xf32>
    %add3A_1374 = arith.addf %get3A_1368, %get3A_1373 : vector<16xf32>
    %max3A_1375 = arith.constant 0.000000e+00 : f32
    %max3A_1376 = vector.broadcast %max3A_1375 : f32 to vector<16xf32>
    %max3A_1377 = arith.maximumf %add3A_1374, %max3A_1376 : vector<16xf32>
    %swap3A_1378 = arith.constant 4 : i32
    %swap3A_1379 = arith.index_cast %swap3A_1378 : i32 to index
    %swap3A_1380 = arith.constant 32 : index
    %swap3A_1381 = tpu.vector_load %arg16[%swap3A_1379, %swap3A_1380] {strides = array<i32>} : memref<48x144xf32, #tpu.memory_space<vmem>>, vector<1x16xf32>,
    %swap3A_1382 = vector.shape_cast %swap3A_1381 : vector<1x16xf32> to vector<16xf32>
    %swap3A_1383 = vector.shape_cast %max3A_1377 : vector<16xf32> to vector<1x16xf32>
    tpu.vector_store %arg16[%swap3A_1379, %swap3A_1380], %swap3A_1383 {strides = array<i32>} : memref<48x144xf32, #tpu.memory_space<vmem>>, vector<1x16xf32>,
    %get3A_1384 = arith.constant 4 : i32
    %get3A_1385 = arith.index_cast %get3A_1384 : i32 to index
    %get3A_1386 = arith.constant 48 : index
    %get3A_1387 = tpu.vector_load %arg12[%get3A_1385, %get3A_1386] {strides = array<i32>} : memref<48x128xf32, #tpu.memory_space<vmem>>, vector<1x16xf32>,
    %get3A_1388 = vector.shape_cast %get3A_1387 : vector<1x16xf32> to vector<16xf32>
    %get3A_1389 = arith.constant 4 : i32
    %get3A_1390 = arith.index_cast %get3A_1389 : i32 to index
    %get3A_1391 = arith.constant 48 : index
    %get3A_1392 = tpu.vector_load %arg14[%get3A_1390, %get3A_1391] {strides = array<i32>} : memref<48x128xf32, #tpu.memory_space<vmem>>, vector<1x16xf32>,
    %get3A_1393 = vector.shape_cast %get3A_1392 : vector<1x16xf32> to vector<16xf32>
    %add3A_1394 = arith.addf %get3A_1388, %get3A_1393 : vector<16xf32>
    %max3A_1395 = arith.constant 0.000000e+00 : f32
    %max3A_1396 = vector.broadcast %max3A_1395 : f32 to vector<16xf32>
    %max3A_1397 = arith.maximumf %add3A_1394, %max3A_1396 : vector<16xf32>
    %swap3A_1398 = arith.constant 4 : i32
    %swap3A_1399 = arith.index_cast %swap3A_1398 : i32 to index
    %swap3A_1400 = arith.constant 48 : index
    %swap3A_1401 = tpu.vector_load %arg16[%swap3A_1399, %swap3A_1400] {strides = array<i32>} : memref<48x144xf32, #tpu.memory_space<vmem>>, vector<1x16xf32>,
    %swap3A_1402 = vector.shape_cast %swap3A_1401 : vector<1x16xf32> to vector<16xf32>
    %swap3A_1403 = vector.shape_cast %max3A_1397 : vector<16xf32> to vector<1x16xf32>
    tpu.vector_store %arg16[%swap3A_1399, %swap3A_1400], %swap3A_1403 {strides = array<i32>} : memref<48x144xf32, #tpu.memory_space<vmem>>, vector<1x16xf32>,
    %get3A_1404 = arith.constant 4 : i32
    %get3A_1405 = arith.index_cast %get3A_1404 : i32 to index
    %get3A_1406 = arith.constant 64 : index
    %get3A_1407 = tpu.vector_load %arg12[%get3A_1405, %get3A_1406] {strides = array<i32>} : memref<48x128xf32, #tpu.memory_space<vmem>>, vector<1x16xf32>,
    %get3A_1408 = vector.shape_cast %get3A_1407 : vector<1x16xf32> to vector<16xf32>
    %get3A_1409 = arith.constant 4 : i32
    %get3A_1410 = arith.index_cast %get3A_1409 : i32 to index
    %get3A_1411 = arith.constant 64 : index
    %get3A_1412 = tpu.vector_load %arg14[%get3A_1410, %get3A_1411] {strides = array<i32>} : memref<48x128xf32, #tpu.memory_space<vmem>>, vector<1x16xf32>,
    %get3A_1413 = vector.shape_cast %get3A_1412 : vector<1x16xf32> to vector<16xf32>
    %add3A_1414 = arith.addf %get3A_1408, %get3A_1413 : vector<16xf32>
    %max3A_1415 = arith.constant 0.000000e+00 : f32
    %max3A_1416 = vector.broadcast %max3A_1415 : f32 to vector<16xf32>
    %max3A_1417 = arith.maximumf %add3A_1414, %max3A_1416 : vector<16xf32>
    %swap3A_1418 = arith.constant 4 : i32
    %swap3A_1419 = arith.index_cast %swap3A_1418 : i32 to index
    %swap3A_1420 = arith.constant 64 : index
    %swap3A_1421 = tpu.vector_load %arg16[%swap3A_1419, %swap3A_1420] {strides = array<i32>} : memref<48x144xf32, #tpu.memory_space<vmem>>, vector<1x16xf32>,
    %swap3A_1422 = vector.shape_cast %swap3A_1421 : vector<1x16xf32> to vector<16xf32>
    %swap3A_1423 = vector.shape_cast %max3A_1417 : vector<16xf32> to vector<1x16xf32>
    tpu.vector_store %arg16[%swap3A_1419, %swap3A_1420], %swap3A_1423 {strides = array<i32>} : memref<48x144xf32, #tpu.memory_space<vmem>>, vector<1x16xf32>,
    %get3A_1424 = arith.constant 4 : i32
    %get3A_1425 = arith.index_cast %get3A_1424 : i32 to index
    %get3A_1426 = arith.constant 80 : index
    %get3A_1427 = tpu.vector_load %arg12[%get3A_1425, %get3A_1426] {strides = array<i32>} : memref<48x128xf32, #tpu.memory_space<vmem>>, vector<1x16xf32>,
    %get3A_1428 = vector.shape_cast %get3A_1427 : vector<1x16xf32> to vector<16xf32>
    %get3A_1429 = arith.constant 4 : i32
    %get3A_1430 = arith.index_cast %get3A_1429 : i32 to index
    %get3A_1431 = arith.constant 80 : index
    %get3A_1432 = tpu.vector_load %arg14[%get3A_1430, %get3A_1431] {strides = array<i32>} : memref<48x128xf32, #tpu.memory_space<vmem>>, vector<1x16xf32>,
    %get3A_1433 = vector.shape_cast %get3A_1432 : vector<1x16xf32> to vector<16xf32>
    %add3A_1434 = arith.addf %get3A_1428, %get3A_1433 : vector<16xf32>
    %max3A_1435 = arith.constant 0.000000e+00 : f32
    %max3A_1436 = vector.broadcast %max3A_1435 : f32 to vector<16xf32>
    %max3A_1437 = arith.maximumf %add3A_1434, %max3A_1436 : vector<16xf32>
    %swap3A_1438 = arith.constant 4 : i32
    %swap3A_1439 = arith.index_cast %swap3A_1438 : i32 to index
    %swap3A_1440 = arith.constant 80 : index
    %swap3A_1441 = tpu.vector_load %arg16[%swap3A_1439, %swap3A_1440] {strides = array<i32>} : memref<48x144xf32, #tpu.memory_space<vmem>>, vector<1x16xf32>,
    %swap3A_1442 = vector.shape_cast %swap3A_1441 : vector<1x16xf32> to vector<16xf32>
    %swap3A_1443 = vector.shape_cast %max3A_1437 : vector<16xf32> to vector<1x16xf32>
    tpu.vector_store %arg16[%swap3A_1439, %swap3A_1440], %swap3A_1443 {strides = array<i32>} : memref<48x144xf32, #tpu.memory_space<vmem>>, vector<1x16xf32>,
    %get3A_1444 = arith.constant 4 : i32
    %get3A_1445 = arith.index_cast %get3A_1444 : i32 to index
    %get3A_1446 = arith.constant 96 : index
    %get3A_1447 = tpu.vector_load %arg12[%get3A_1445, %get3A_1446] {strides = array<i32>} : memref<48x128xf32, #tpu.memory_space<vmem>>, vector<1x16xf32>,
    %get3A_1448 = vector.shape_cast %get3A_1447 : vector<1x16xf32> to vector<16xf32>
    %get3A_1449 = arith.constant 4 : i32
    %get3A_1450 = arith.index_cast %get3A_1449 : i32 to index
    %get3A_1451 = arith.constant 96 : index
    %get3A_1452 = tpu.vector_load %arg14[%get3A_1450, %get3A_1451] {strides = array<i32>} : memref<48x128xf32, #tpu.memory_space<vmem>>, vector<1x16xf32>,
    %get3A_1453 = vector.shape_cast %get3A_1452 : vector<1x16xf32> to vector<16xf32>
    %add3A_1454 = arith.addf %get3A_1448, %get3A_1453 : vector<16xf32>
    %max3A_1455 = arith.constant 0.000000e+00 : f32
    %max3A_1456 = vector.broadcast %max3A_1455 : f32 to vector<16xf32>
    %max3A_1457 = arith.maximumf %add3A_1454, %max3A_1456 : vector<16xf32>
    %swap3A_1458 = arith.constant 4 : i32
    %swap3A_1459 = arith.index_cast %swap3A_1458 : i32 to index
    %swap3A_1460 = arith.constant 96 : index
    %swap3A_1461 = tpu.vector_load %arg16[%swap3A_1459, %swap3A_1460] {strides = array<i32>} : memref<48x144xf32, #tpu.memory_space<vmem>>, vector<1x16xf32>,
    %swap3A_1462 = vector.shape_cast %swap3A_1461 : vector<1x16xf32> to vector<16xf32>
    %swap3A_1463 = vector.shape_cast %max3A_1457 : vector<16xf32> to vector<1x16xf32>
    tpu.vector_store %arg16[%swap3A_1459, %swap3A_1460], %swap3A_1463 {strides = array<i32>} : memref<48x144xf32, #tpu.memory_space<vmem>>, vector<1x16xf32>,
    %get3A_1464 = arith.constant 4 : i32
    %get3A_1465 = arith.index_cast %get3A_1464 : i32 to index
    %get3A_1466 = arith.constant 112 : index
    %get3A_1467 = tpu.vector_load %arg12[%get3A_1465, %get3A_1466] {strides = array<i32>} : memref<48x128xf32, #tpu.memory_space<vmem>>, vector<1x16xf32>,
    %get3A_1468 = vector.shape_cast %get3A_1467 : vector<1x16xf32> to vector<16xf32>
    %get3A_1469 = arith.constant 4 : i32
    %get3A_1470 = arith.index_cast %get3A_1469 : i32 to index
    %get3A_1471 = arith.constant 112 : index
    %get3A_1472 = tpu.vector_load %arg14[%get3A_1470, %get3A_1471] {strides = array<i32>} : memref<48x128xf32, #tpu.memory_space<vmem>>, vector<1x16xf32>,
    %get3A_1473 = vector.shape_cast %get3A_1472 : vector<1x16xf32> to vector<16xf32>
    %add3A_1474 = arith.addf %get3A_1468, %get3A_1473 : vector<16xf32>
    %max3A_1475 = arith.constant 0.000000e+00 : f32
    %max3A_1476 = vector.broadcast %max3A_1475 : f32 to vector<16xf32>
    %max3A_1477 = arith.maximumf %add3A_1474, %max3A_1476 : vector<16xf32>
    %swap3A_1478 = arith.constant 4 : i32
    %swap3A_1479 = arith.index_cast %swap3A_1478 : i32 to index
    %swap3A_1480 = arith.constant 112 : index
    %swap3A_1481 = tpu.vector_load %arg16[%swap3A_1479, %swap3A_1480] {strides = array<i32>} : memref<48x144xf32, #tpu.memory_space<vmem>>, vector<1x16xf32>,
    %swap3A_1482 = vector.shape_cast %swap3A_1481 : vector<1x16xf32> to vector<16xf32>
    %swap3A_1483 = vector.shape_cast %max3A_1477 : vector<16xf32> to vector<1x16xf32>
    tpu.vector_store %arg16[%swap3A_1479, %swap3A_1480], %swap3A_1483 {strides = array<i32>} : memref<48x144xf32, #tpu.memory_space<vmem>>, vector<1x16xf32>,
    %get3A_1484 = arith.constant 5 : i32
    %get3A_1485 = arith.index_cast %get3A_1484 : i32 to index
    %get3A_1486 = arith.constant 0 : index
    %get3A_1487 = tpu.vector_load %arg12[%get3A_1485, %get3A_1486] {strides = array<i32>} : memref<48x128xf32, #tpu.memory_space<vmem>>, vector<1x16xf32>,
    %get3A_1488 = vector.shape_cast %get3A_1487 : vector<1x16xf32> to vector<16xf32>
    %get3A_1489 = arith.constant 5 : i32
    %get3A_1490 = arith.index_cast %get3A_1489 : i32 to index
    %get3A_1491 = arith.constant 0 : index
    %get3A_1492 = tpu.vector_load %arg14[%get3A_1490, %get3A_1491] {strides = array<i32>} : memref<48x128xf32, #tpu.memory_space<vmem>>, vector<1x16xf32>,
    %get3A_1493 = vector.shape_cast %get3A_1492 : vector<1x16xf32> to vector<16xf32>
    %add3A_1494 = arith.addf %get3A_1488, %get3A_1493 : vector<16xf32>
    %max3A_1495 = arith.constant 0.000000e+00 : f32
    %max3A_1496 = vector.broadcast %max3A_1495 : f32 to vector<16xf32>
    %max3A_1497 = arith.maximumf %add3A_1494, %max3A_1496 : vector<16xf32>
    %swap3A_1498 = arith.constant 5 : i32
    %swap3A_1499 = arith.index_cast %swap3A_1498 : i32 to index
    %swap3A_1500 = arith.constant 0 : index
    %swap3A_1501 = tpu.vector_load %arg16[%swap3A_1499, %swap3A_1500] {strides = array<i32>} : memref<48x144xf32, #tpu.memory_space<vmem>>, vector<1x16xf32>,
    %swap3A_1502 = vector.shape_cast %swap3A_1501 : vector<1x16xf32> to vector<16xf32>
    %swap3A_1503 = vector.shape_cast %max3A_1497 : vector<16xf32> to vector<1x16xf32>
    tpu.vector_store %arg16[%swap3A_1499, %swap3A_1500], %swap3A_1503 {strides = array<i32>} : memref<48x144xf32, #tpu.memory_space<vmem>>, vector<1x16xf32>,
    %get3A_1504 = arith.constant 5 : i32
    %get3A_1505 = arith.index_cast %get3A_1504 : i32 to index
    %get3A_1506 = arith.constant 16 : index
    %get3A_1507 = tpu.vector_load %arg12[%get3A_1505, %get3A_1506] {strides = array<i32>} : memref<48x128xf32, #tpu.memory_space<vmem>>, vector<1x16xf32>,
    %get3A_1508 = vector.shape_cast %get3A_1507 : vector<1x16xf32> to vector<16xf32>
    %get3A_1509 = arith.constant 5 : i32
    %get3A_1510 = arith.index_cast %get3A_1509 : i32 to index
    %get3A_1511 = arith.constant 16 : index
    %get3A_1512 = tpu.vector_load %arg14[%get3A_1510, %get3A_1511] {strides = array<i32>} : memref<48x128xf32, #tpu.memory_space<vmem>>, vector<1x16xf32>,
    %get3A_1513 = vector.shape_cast %get3A_1512 : vector<1x16xf32> to vector<16xf32>
    %add3A_1514 = arith.addf %get3A_1508, %get3A_1513 : vector<16xf32>
    %max3A_1515 = arith.constant 0.000000e+00 : f32
    %max3A_1516 = vector.broadcast %max3A_1515 : f32 to vector<16xf32>
    %max3A_1517 = arith.maximumf %add3A_1514, %max3A_1516 : vector<16xf32>
    %swap3A_1518 = arith.constant 5 : i32
    %swap3A_1519 = arith.index_cast %swap3A_1518 : i32 to index
    %swap3A_1520 = arith.constant 16 : index
    %swap3A_1521 = tpu.vector_load %arg16[%swap3A_1519, %swap3A_1520] {strides = array<i32>} : memref<48x144xf32, #tpu.memory_space<vmem>>, vector<1x16xf32>,
    %swap3A_1522 = vector.shape_cast %swap3A_1521 : vector<1x16xf32> to vector<16xf32>
    %swap3A_1523 = vector.shape_cast %max3A_1517 : vector<16xf32> to vector<1x16xf32>
    tpu.vector_store %arg16[%swap3A_1519, %swap3A_1520], %swap3A_1523 {strides = array<i32>} : memref<48x144xf32, #tpu.memory_space<vmem>>, vector<1x16xf32>,
    %get3A_1524 = arith.constant 5 : i32
    %get3A_1525 = arith.index_cast %get3A_1524 : i32 to index
    %get3A_1526 = arith.constant 32 : index
    %get3A_1527 = tpu.vector_load %arg12[%get3A_1525, %get3A_1526] {strides = array<i32>} : memref<48x128xf32, #tpu.memory_space<vmem>>, vector<1x16xf32>,
    %get3A_1528 = vector.shape_cast %get3A_1527 : vector<1x16xf32> to vector<16xf32>
    %get3A_1529 = arith.constant 5 : i32
    %get3A_1530 = arith.index_cast %get3A_1529 : i32 to index
    %get3A_1531 = arith.constant 32 : index
    %get3A_1532 = tpu.vector_load %arg14[%get3A_1530, %get3A_1531] {strides = array<i32>} : memref<48x128xf32, #tpu.memory_space<vmem>>, vector<1x16xf32>,
    %get3A_1533 = vector.shape_cast %get3A_1532 : vector<1x16xf32> to vector<16xf32>
    %add3A_1534 = arith.addf %get3A_1528, %get3A_1533 : vector<16xf32>
    %max3A_1535 = arith.constant 0.000000e+00 : f32
    %max3A_1536 = vector.broadcast %max3A_1535 : f32 to vector<16xf32>
    %max3A_1537 = arith.maximumf %add3A_1534, %max3A_1536 : vector<16xf32>
    %swap3A_1538 = arith.constant 5 : i32
    %swap3A_1539 = arith.index_cast %swap3A_1538 : i32 to index
    %swap3A_1540 = arith.constant 32 : index
    %swap3A_1541 = tpu.vector_load %arg16[%swap3A_1539, %swap3A_1540] {strides = array<i32>} : memref<48x144xf32, #tpu.memory_space<vmem>>, vector<1x16xf32>,
    %swap3A_1542 = vector.shape_cast %swap3A_1541 : vector<1x16xf32> to vector<16xf32>
    %swap3A_1543 = vector.shape_cast %max3A_1537 : vector<16xf32> to vector<1x16xf32>
    tpu.vector_store %arg16[%swap3A_1539, %swap3A_1540], %swap3A_1543 {strides = array<i32>} : memref<48x144xf32, #tpu.memory_space<vmem>>, vector<1x16xf32>,
    %get3A_1544 = arith.constant 5 : i32
    %get3A_1545 = arith.index_cast %get3A_1544 : i32 to index
    %get3A_1546 = arith.constant 48 : index
    %get3A_1547 = tpu.vector_load %arg12[%get3A_1545, %get3A_1546] {strides = array<i32>} : memref<48x128xf32, #tpu.memory_space<vmem>>, vector<1x16xf32>,
    %get3A_1548 = vector.shape_cast %get3A_1547 : vector<1x16xf32> to vector<16xf32>
    %get3A_1549 = arith.constant 5 : i32
    %get3A_1550 = arith.index_cast %get3A_1549 : i32 to index
    %get3A_1551 = arith.constant 48 : index
    %get3A_1552 = tpu.vector_load %arg14[%get3A_1550, %get3A_1551] {strides = array<i32>} : memref<48x128xf32, #tpu.memory_space<vmem>>, vector<1x16xf32>,
    %get3A_1553 = vector.shape_cast %get3A_1552 : vector<1x16xf32> to vector<16xf32>
    %add3A_1554 = arith.addf %get3A_1548, %get3A_1553 : vector<16xf32>
    %max3A_1555 = arith.constant 0.000000e+00 : f32
    %max3A_1556 = vector.broadcast %max3A_1555 : f32 to vector<16xf32>
    %max3A_1557 = arith.maximumf %add3A_1554, %max3A_1556 : vector<16xf32>
    %swap3A_1558 = arith.constant 5 : i32
    %swap3A_1559 = arith.index_cast %swap3A_1558 : i32 to index
    %swap3A_1560 = arith.constant 48 : index
    %swap3A_1561 = tpu.vector_load %arg16[%swap3A_1559, %swap3A_1560] {strides = array<i32>} : memref<48x144xf32, #tpu.memory_space<vmem>>, vector<1x16xf32>,
    %swap3A_1562 = vector.shape_cast %swap3A_1561 : vector<1x16xf32> to vector<16xf32>
    %swap3A_1563 = vector.shape_cast %max3A_1557 : vector<16xf32> to vector<1x16xf32>
    tpu.vector_store %arg16[%swap3A_1559, %swap3A_1560], %swap3A_1563 {strides = array<i32>} : memref<48x144xf32, #tpu.memory_space<vmem>>, vector<1x16xf32>,
    %get3A_1564 = arith.constant 5 : i32
    %get3A_1565 = arith.index_cast %get3A_1564 : i32 to index
    %get3A_1566 = arith.constant 64 : index
    %get3A_1567 = tpu.vector_load %arg12[%get3A_1565, %get3A_1566] {strides = array<i32>} : memref<48x128xf32, #tpu.memory_space<vmem>>, vector<1x16xf32>,
    %get3A_1568 = vector.shape_cast %get3A_1567 : vector<1x16xf32> to vector<16xf32>
    %get3A_1569 = arith.constant 5 : i32
    %get3A_1570 = arith.index_cast %get3A_1569 : i32 to index
    %get3A_1571 = arith.constant 64 : index
    %get3A_1572 = tpu.vector_load %arg14[%get3A_1570, %get3A_1571] {strides = array<i32>} : memref<48x128xf32, #tpu.memory_space<vmem>>, vector<1x16xf32>,
    %get3A_1573 = vector.shape_cast %get3A_1572 : vector<1x16xf32> to vector<16xf32>
    %add3A_1574 = arith.addf %get3A_1568, %get3A_1573 : vector<16xf32>
    %max3A_1575 = arith.constant 0.000000e+00 : f32
    %max3A_1576 = vector.broadcast %max3A_1575 : f32 to vector<16xf32>
    %max3A_1577 = arith.maximumf %add3A_1574, %max3A_1576 : vector<16xf32>
    %swap3A_1578 = arith.constant 5 : i32
    %swap3A_1579 = arith.index_cast %swap3A_1578 : i32 to index
    %swap3A_1580 = arith.constant 64 : index
    %swap3A_1581 = tpu.vector_load %arg16[%swap3A_1579, %swap3A_1580] {strides = array<i32>} : memref<48x144xf32, #tpu.memory_space<vmem>>, vector<1x16xf32>,
    %swap3A_1582 = vector.shape_cast %swap3A_1581 : vector<1x16xf32> to vector<16xf32>
    %swap3A_1583 = vector.shape_cast %max3A_1577 : vector<16xf32> to vector<1x16xf32>
    tpu.vector_store %arg16[%swap3A_1579, %swap3A_1580], %swap3A_1583 {strides = array<i32>} : memref<48x144xf32, #tpu.memory_space<vmem>>, vector<1x16xf32>,
    %get3A_1584 = arith.constant 5 : i32
    %get3A_1585 = arith.index_cast %get3A_1584 : i32 to index
    %get3A_1586 = arith.constant 80 : index
    %get3A_1587 = tpu.vector_load %arg12[%get3A_1585, %get3A_1586] {strides = array<i32>} : memref<48x128xf32, #tpu.memory_space<vmem>>, vector<1x16xf32>,
    %get3A_1588 = vector.shape_cast %get3A_1587 : vector<1x16xf32> to vector<16xf32>
    %get3A_1589 = arith.constant 5 : i32
    %get3A_1590 = arith.index_cast %get3A_1589 : i32 to index
    %get3A_1591 = arith.constant 80 : index
    %get3A_1592 = tpu.vector_load %arg14[%get3A_1590, %get3A_1591] {strides = array<i32>} : memref<48x128xf32, #tpu.memory_space<vmem>>, vector<1x16xf32>,
    %get3A_1593 = vector.shape_cast %get3A_1592 : vector<1x16xf32> to vector<16xf32>
    %add3A_1594 = arith.addf %get3A_1588, %get3A_1593 : vector<16xf32>
    %max3A_1595 = arith.constant 0.000000e+00 : f32
    %max3A_1596 = vector.broadcast %max3A_1595 : f32 to vector<16xf32>
    %max3A_1597 = arith.maximumf %add3A_1594, %max3A_1596 : vector<16xf32>
    %swap3A_1598 = arith.constant 5 : i32
    %swap3A_1599 = arith.index_cast %swap3A_1598 : i32 to index
    %swap3A_1600 = arith.constant 80 : index
    %swap3A_1601 = tpu.vector_load %arg16[%swap3A_1599, %swap3A_1600] {strides = array<i32>} : memref<48x144xf32, #tpu.memory_space<vmem>>, vector<1x16xf32>,
    %swap3A_1602 = vector.shape_cast %swap3A_1601 : vector<1x16xf32> to vector<16xf32>
    %swap3A_1603 = vector.shape_cast %max3A_1597 : vector<16xf32> to vector<1x16xf32>
    tpu.vector_store %arg16[%swap3A_1599, %swap3A_1600], %swap3A_1603 {strides = array<i32>} : memref<48x144xf32, #tpu.memory_space<vmem>>, vector<1x16xf32>,
    %get3A_1604 = arith.constant 5 : i32
    %get3A_1605 = arith.index_cast %get3A_1604 : i32 to index
    %get3A_1606 = arith.constant 96 : index
    %get3A_1607 = tpu.vector_load %arg12[%get3A_1605, %get3A_1606] {strides = array<i32>} : memref<48x128xf32, #tpu.memory_space<vmem>>, vector<1x16xf32>,
    %get3A_1608 = vector.shape_cast %get3A_1607 : vector<1x16xf32> to vector<16xf32>
    %get3A_1609 = arith.constant 5 : i32
    %get3A_1610 = arith.index_cast %get3A_1609 : i32 to index
    %get3A_1611 = arith.constant 96 : index
    %get3A_1612 = tpu.vector_load %arg14[%get3A_1610, %get3A_1611] {strides = array<i32>} : memref<48x128xf32, #tpu.memory_space<vmem>>, vector<1x16xf32>,
    %get3A_1613 = vector.shape_cast %get3A_1612 : vector<1x16xf32> to vector<16xf32>
    %add3A_1614 = arith.addf %get3A_1608, %get3A_1613 : vector<16xf32>
    %max3A_1615 = arith.constant 0.000000e+00 : f32
    %max3A_1616 = vector.broadcast %max3A_1615 : f32 to vector<16xf32>
    %max3A_1617 = arith.maximumf %add3A_1614, %max3A_1616 : vector<16xf32>
    %swap3A_1618 = arith.constant 5 : i32
    %swap3A_1619 = arith.index_cast %swap3A_1618 : i32 to index
    %swap3A_1620 = arith.constant 96 : index
    %swap3A_1621 = tpu.vector_load %arg16[%swap3A_1619, %swap3A_1620] {strides = array<i32>} : memref<48x144xf32, #tpu.memory_space<vmem>>, vector<1x16xf32>,
    %swap3A_1622 = vector.shape_cast %swap3A_1621 : vector<1x16xf32> to vector<16xf32>
    %swap3A_1623 = vector.shape_cast %max3A_1617 : vector<16xf32> to vector<1x16xf32>
    tpu.vector_store %arg16[%swap3A_1619, %swap3A_1620], %swap3A_1623 {strides = array<i32>} : memref<48x144xf32, #tpu.memory_space<vmem>>, vector<1x16xf32>,
    %get3A_1624 = arith.constant 5 : i32
    %get3A_1625 = arith.index_cast %get3A_1624 : i32 to index
    %get3A_1626 = arith.constant 112 : index
    %get3A_1627 = tpu.vector_load %arg12[%get3A_1625, %get3A_1626] {strides = array<i32>} : memref<48x128xf32, #tpu.memory_space<vmem>>, vector<1x16xf32>,
    %get3A_1628 = vector.shape_cast %get3A_1627 : vector<1x16xf32> to vector<16xf32>
    %get3A_1629 = arith.constant 5 : i32
    %get3A_1630 = arith.index_cast %get3A_1629 : i32 to index
    %get3A_1631 = arith.constant 112 : index
    %get3A_1632 = tpu.vector_load %arg14[%get3A_1630, %get3A_1631] {strides = array<i32>} : memref<48x128xf32, #tpu.memory_space<vmem>>, vector<1x16xf32>,
    %get3A_1633 = vector.shape_cast %get3A_1632 : vector<1x16xf32> to vector<16xf32>
    %add3A_1634 = arith.addf %get3A_1628, %get3A_1633 : vector<16xf32>
    %max3A_1635 = arith.constant 0.000000e+00 : f32
    %max3A_1636 = vector.broadcast %max3A_1635 : f32 to vector<16xf32>
    %max3A_1637 = arith.maximumf %add3A_1634, %max3A_1636 : vector<16xf32>
    %swap3A_1638 = arith.constant 5 : i32
    %swap3A_1639 = arith.index_cast %swap3A_1638 : i32 to index
    %swap3A_1640 = arith.constant 112 : index
    %swap3A_1641 = tpu.vector_load %arg16[%swap3A_1639, %swap3A_1640] {strides = array<i32>} : memref<48x144xf32, #tpu.memory_space<vmem>>, vector<1x16xf32>,
    %swap3A_1642 = vector.shape_cast %swap3A_1641 : vector<1x16xf32> to vector<16xf32>
    %swap3A_1643 = vector.shape_cast %max3A_1637 : vector<16xf32> to vector<1x16xf32>
    tpu.vector_store %arg16[%swap3A_1639, %swap3A_1640], %swap3A_1643 {strides = array<i32>} : memref<48x144xf32, #tpu.memory_space<vmem>>, vector<1x16xf32>,
    %get3A_1644 = arith.constant 6 : i32
    %get3A_1645 = arith.index_cast %get3A_1644 : i32 to index
    %get3A_1646 = arith.constant 0 : index
    %get3A_1647 = tpu.vector_load %arg12[%get3A_1645, %get3A_1646] {strides = array<i32>} : memref<48x128xf32, #tpu.memory_space<vmem>>, vector<1x16xf32>,
    %get3A_1648 = vector.shape_cast %get3A_1647 : vector<1x16xf32> to vector<16xf32>
    %get3A_1649 = arith.constant 6 : i32
    %get3A_1650 = arith.index_cast %get3A_1649 : i32 to index
    %get3A_1651 = arith.constant 0 : index
    %get3A_1652 = tpu.vector_load %arg14[%get3A_1650, %get3A_1651] {strides = array<i32>} : memref<48x128xf32, #tpu.memory_space<vmem>>, vector<1x16xf32>,
    %get3A_1653 = vector.shape_cast %get3A_1652 : vector<1x16xf32> to vector<16xf32>
    %add3A_1654 = arith.addf %get3A_1648, %get3A_1653 : vector<16xf32>
    %max3A_1655 = arith.constant 0.000000e+00 : f32
    %max3A_1656 = vector.broadcast %max3A_1655 : f32 to vector<16xf32>
    %max3A_1657 = arith.maximumf %add3A_1654, %max3A_1656 : vector<16xf32>
    %swap3A_1658 = arith.constant 6 : i32
    %swap3A_1659 = arith.index_cast %swap3A_1658 : i32 to index
    %swap3A_1660 = arith.constant 0 : index
    %swap3A_1661 = tpu.vector_load %arg16[%swap3A_1659, %swap3A_1660] {strides = array<i32>} : memref<48x144xf32, #tpu.memory_space<vmem>>, vector<1x16xf32>,
    %swap3A_1662 = vector.shape_cast %swap3A_1661 : vector<1x16xf32> to vector<16xf32>
    %swap3A_1663 = vector.shape_cast %max3A_1657 : vector<16xf32> to vector<1x16xf32>
    tpu.vector_store %arg16[%swap3A_1659, %swap3A_1660], %swap3A_1663 {strides = array<i32>} : memref<48x144xf32, #tpu.memory_space<vmem>>, vector<1x16xf32>,
    %get3A_1664 = arith.constant 6 : i32
    %get3A_1665 = arith.index_cast %get3A_1664 : i32 to index
    %get3A_1666 = arith.constant 16 : index
    %get3A_1667 = tpu.vector_load %arg12[%get3A_1665, %get3A_1666] {strides = array<i32>} : memref<48x128xf32, #tpu.memory_space<vmem>>, vector<1x16xf32>,
    %get3A_1668 = vector.shape_cast %get3A_1667 : vector<1x16xf32> to vector<16xf32>
    %get3A_1669 = arith.constant 6 : i32
    %get3A_1670 = arith.index_cast %get3A_1669 : i32 to index
    %get3A_1671 = arith.constant 16 : index
    %get3A_1672 = tpu.vector_load %arg14[%get3A_1670, %get3A_1671] {strides = array<i32>} : memref<48x128xf32, #tpu.memory_space<vmem>>, vector<1x16xf32>,
    %get3A_1673 = vector.shape_cast %get3A_1672 : vector<1x16xf32> to vector<16xf32>
    %add3A_1674 = arith.addf %get3A_1668, %get3A_1673 : vector<16xf32>
    %max3A_1675 = arith.constant 0.000000e+00 : f32
    %max3A_1676 = vector.broadcast %max3A_1675 : f32 to vector<16xf32>
    %max3A_1677 = arith.maximumf %add3A_1674, %max3A_1676 : vector<16xf32>
    %swap3A_1678 = arith.constant 6 : i32
    %swap3A_1679 = arith.index_cast %swap3A_1678 : i32 to index
    %swap3A_1680 = arith.constant 16 : index
    %swap3A_1681 = tpu.vector_load %arg16[%swap3A_1679, %swap3A_1680] {strides = array<i32>} : memref<48x144xf32, #tpu.memory_space<vmem>>, vector<1x16xf32>,
    %swap3A_1682 = vector.shape_cast %swap3A_1681 : vector<1x16xf32> to vector<16xf32>
    %swap3A_1683 = vector.shape_cast %max3A_1677 : vector<16xf32> to vector<1x16xf32>
    tpu.vector_store %arg16[%swap3A_1679, %swap3A_1680], %swap3A_1683 {strides = array<i32>} : memref<48x144xf32, #tpu.memory_space<vmem>>, vector<1x16xf32>,
    %get3A_1684 = arith.constant 6 : i32
    %get3A_1685 = arith.index_cast %get3A_1684 : i32 to index
    %get3A_1686 = arith.constant 32 : index
    %get3A_1687 = tpu.vector_load %arg12[%get3A_1685, %get3A_1686] {strides = array<i32>} : memref<48x128xf32, #tpu.memory_space<vmem>>, vector<1x16xf32>,
    %get3A_1688 = vector.shape_cast %get3A_1687 : vector<1x16xf32> to vector<16xf32>
    %get3A_1689 = arith.constant 6 : i32
    %get3A_1690 = arith.index_cast %get3A_1689 : i32 to index
    %get3A_1691 = arith.constant 32 : index
    %get3A_1692 = tpu.vector_load %arg14[%get3A_1690, %get3A_1691] {strides = array<i32>} : memref<48x128xf32, #tpu.memory_space<vmem>>, vector<1x16xf32>,
    %get3A_1693 = vector.shape_cast %get3A_1692 : vector<1x16xf32> to vector<16xf32>
    %add3A_1694 = arith.addf %get3A_1688, %get3A_1693 : vector<16xf32>
    %max3A_1695 = arith.constant 0.000000e+00 : f32
    %max3A_1696 = vector.broadcast %max3A_1695 : f32 to vector<16xf32>
    %max3A_1697 = arith.maximumf %add3A_1694, %max3A_1696 : vector<16xf32>
    %swap3A_1698 = arith.constant 6 : i32
    %swap3A_1699 = arith.index_cast %swap3A_1698 : i32 to index
    %swap3A_1700 = arith.constant 32 : index
    %swap3A_1701 = tpu.vector_load %arg16[%swap3A_1699, %swap3A_1700] {strides = array<i32>} : memref<48x144xf32, #tpu.memory_space<vmem>>, vector<1x16xf32>,
    %swap3A_1702 = vector.shape_cast %swap3A_1701 : vector<1x16xf32> to vector<16xf32>
    %swap3A_1703 = vector.shape_cast %max3A_1697 : vector<16xf32> to vector<1x16xf32>
    tpu.vector_store %arg16[%swap3A_1699, %swap3A_1700], %swap3A_1703 {strides = array<i32>} : memref<48x144xf32, #tpu.memory_space<vmem>>, vector<1x16xf32>,
    %get3A_1704 = arith.constant 6 : i32
    %get3A_1705 = arith.index_cast %get3A_1704 : i32 to index
    %get3A_1706 = arith.constant 48 : index
    %get3A_1707 = tpu.vector_load %arg12[%get3A_1705, %get3A_1706] {strides = array<i32>} : memref<48x128xf32, #tpu.memory_space<vmem>>, vector<1x16xf32>,
    %get3A_1708 = vector.shape_cast %get3A_1707 : vector<1x16xf32> to vector<16xf32>
    %get3A_1709 = arith.constant 6 : i32
    %get3A_1710 = arith.index_cast %get3A_1709 : i32 to index
    %get3A_1711 = arith.constant 48 : index
    %get3A_1712 = tpu.vector_load %arg14[%get3A_1710, %get3A_1711] {strides = array<i32>} : memref<48x128xf32, #tpu.memory_space<vmem>>, vector<1x16xf32>,
    %get3A_1713 = vector.shape_cast %get3A_1712 : vector<1x16xf32> to vector<16xf32>
    %add3A_1714 = arith.addf %get3A_1708, %get3A_1713 : vector<16xf32>
    %max3A_1715 = arith.constant 0.000000e+00 : f32
    %max3A_1716 = vector.broadcast %max3A_1715 : f32 to vector<16xf32>
    %max3A_1717 = arith.maximumf %add3A_1714, %max3A_1716 : vector<16xf32>
    %swap3A_1718 = arith.constant 6 : i32
    %swap3A_1719 = arith.index_cast %swap3A_1718 : i32 to index
    %swap3A_1720 = arith.constant 48 : index
    %swap3A_1721 = tpu.vector_load %arg16[%swap3A_1719, %swap3A_1720] {strides = array<i32>} : memref<48x144xf32, #tpu.memory_space<vmem>>, vector<1x16xf32>,
    %swap3A_1722 = vector.shape_cast %swap3A_1721 : vector<1x16xf32> to vector<16xf32>
    %swap3A_1723 = vector.shape_cast %max3A_1717 : vector<16xf32> to vector<1x16xf32>
    tpu.vector_store %arg16[%swap3A_1719, %swap3A_1720], %swap3A_1723 {strides = array<i32>} : memref<48x144xf32, #tpu.memory_space<vmem>>, vector<1x16xf32>,
    %get3A_1724 = arith.constant 6 : i32
    %get3A_1725 = arith.index_cast %get3A_1724 : i32 to index
    %get3A_1726 = arith.constant 64 : index
    %get3A_1727 = tpu.vector_load %arg12[%get3A_1725, %get3A_1726] {strides = array<i32>} : memref<48x128xf32, #tpu.memory_space<vmem>>, vector<1x16xf32>,
    %get3A_1728 = vector.shape_cast %get3A_1727 : vector<1x16xf32> to vector<16xf32>
    %get3A_1729 = arith.constant 6 : i32
    %get3A_1730 = arith.index_cast %get3A_1729 : i32 to index
    %get3A_1731 = arith.constant 64 : index
    %get3A_1732 = tpu.vector_load %arg14[%get3A_1730, %get3A_1731] {strides = array<i32>} : memref<48x128xf32, #tpu.memory_space<vmem>>, vector<1x16xf32>,
    %get3A_1733 = vector.shape_cast %get3A_1732 : vector<1x16xf32> to vector<16xf32>
    %add3A_1734 = arith.addf %get3A_1728, %get3A_1733 : vector<16xf32>
    %max3A_1735 = arith.constant 0.000000e+00 : f32
    %max3A_1736 = vector.broadcast %max3A_1735 : f32 to vector<16xf32>
    %max3A_1737 = arith.maximumf %add3A_1734, %max3A_1736 : vector<16xf32>
    %swap3A_1738 = arith.constant 6 : i32
    %swap3A_1739 = arith.index_cast %swap3A_1738 : i32 to index
    %swap3A_1740 = arith.constant 64 : index
    %swap3A_1741 = tpu.vector_load %arg16[%swap3A_1739, %swap3A_1740] {strides = array<i32>} : memref<48x144xf32, #tpu.memory_space<vmem>>, vector<1x16xf32>,
    %swap3A_1742 = vector.shape_cast %swap3A_1741 : vector<1x16xf32> to vector<16xf32>
    %swap3A_1743 = vector.shape_cast %max3A_1737 : vector<16xf32> to vector<1x16xf32>
    tpu.vector_store %arg16[%swap3A_1739, %swap3A_1740], %swap3A_1743 {strides = array<i32>} : memref<48x144xf32, #tpu.memory_space<vmem>>, vector<1x16xf32>,
    %get3A_1744 = arith.constant 6 : i32
    %get3A_1745 = arith.index_cast %get3A_1744 : i32 to index
    %get3A_1746 = arith.constant 80 : index
    %get3A_1747 = tpu.vector_load %arg12[%get3A_1745, %get3A_1746] {strides = array<i32>} : memref<48x128xf32, #tpu.memory_space<vmem>>, vector<1x16xf32>,
    %get3A_1748 = vector.shape_cast %get3A_1747 : vector<1x16xf32> to vector<16xf32>
    %get3A_1749 = arith.constant 6 : i32
    %get3A_1750 = arith.index_cast %get3A_1749 : i32 to index
    %get3A_1751 = arith.constant 80 : index
    %get3A_1752 = tpu.vector_load %arg14[%get3A_1750, %get3A_1751] {strides = array<i32>} : memref<48x128xf32, #tpu.memory_space<vmem>>, vector<1x16xf32>,
    %get3A_1753 = vector.shape_cast %get3A_1752 : vector<1x16xf32> to vector<16xf32>
    %add3A_1754 = arith.addf %get3A_1748, %get3A_1753 : vector<16xf32>
    %max3A_1755 = arith.constant 0.000000e+00 : f32
    %max3A_1756 = vector.broadcast %max3A_1755 : f32 to vector<16xf32>
    %max3A_1757 = arith.maximumf %add3A_1754, %max3A_1756 : vector<16xf32>
    %swap3A_1758 = arith.constant 6 : i32
    %swap3A_1759 = arith.index_cast %swap3A_1758 : i32 to index
    %swap3A_1760 = arith.constant 80 : index
    %swap3A_1761 = tpu.vector_load %arg16[%swap3A_1759, %swap3A_1760] {strides = array<i32>} : memref<48x144xf32, #tpu.memory_space<vmem>>, vector<1x16xf32>,
    %swap3A_1762 = vector.shape_cast %swap3A_1761 : vector<1x16xf32> to vector<16xf32>
    %swap3A_1763 = vector.shape_cast %max3A_1757 : vector<16xf32> to vector<1x16xf32>
    tpu.vector_store %arg16[%swap3A_1759, %swap3A_1760], %swap3A_1763 {strides = array<i32>} : memref<48x144xf32, #tpu.memory_space<vmem>>, vector<1x16xf32>,
    %get3A_1764 = arith.constant 6 : i32
    %get3A_1765 = arith.index_cast %get3A_1764 : i32 to index
    %get3A_1766 = arith.constant 96 : index
    %get3A_1767 = tpu.vector_load %arg12[%get3A_1765, %get3A_1766] {strides = array<i32>} : memref<48x128xf32, #tpu.memory_space<vmem>>, vector<1x16xf32>,
    %get3A_1768 = vector.shape_cast %get3A_1767 : vector<1x16xf32> to vector<16xf32>
    %get3A_1769 = arith.constant 6 : i32
    %get3A_1770 = arith.index_cast %get3A_1769 : i32 to index
    %get3A_1771 = arith.constant 96 : index
    %get3A_1772 = tpu.vector_load %arg14[%get3A_1770, %get3A_1771] {strides = array<i32>} : memref<48x128xf32, #tpu.memory_space<vmem>>, vector<1x16xf32>,
    %get3A_1773 = vector.shape_cast %get3A_1772 : vector<1x16xf32> to vector<16xf32>
    %add3A_1774 = arith.addf %get3A_1768, %get3A_1773 : vector<16xf32>
    %max3A_1775 = arith.constant 0.000000e+00 : f32
    %max3A_1776 = vector.broadcast %max3A_1775 : f32 to vector<16xf32>
    %max3A_1777 = arith.maximumf %add3A_1774, %max3A_1776 : vector<16xf32>
    %swap3A_1778 = arith.constant 6 : i32
    %swap3A_1779 = arith.index_cast %swap3A_1778 : i32 to index
    %swap3A_1780 = arith.constant 96 : index
    %swap3A_1781 = tpu.vector_load %arg16[%swap3A_1779, %swap3A_1780] {strides = array<i32>} : memref<48x144xf32, #tpu.memory_space<vmem>>, vector<1x16xf32>,
    %swap3A_1782 = vector.shape_cast %swap3A_1781 : vector<1x16xf32> to vector<16xf32>
    %swap3A_1783 = vector.shape_cast %max3A_1777 : vector<16xf32> to vector<1x16xf32>
    tpu.vector_store %arg16[%swap3A_1779, %swap3A_1780], %swap3A_1783 {strides = array<i32>} : memref<48x144xf32, #tpu.memory_space<vmem>>, vector<1x16xf32>,
    %get3A_1784 = arith.constant 6 : i32
    %get3A_1785 = arith.index_cast %get3A_1784 : i32 to index
    %get3A_1786 = arith.constant 112 : index
    %get3A_1787 = tpu.vector_load %arg12[%get3A_1785, %get3A_1786] {strides = array<i32>} : memref<48x128xf32, #tpu.memory_space<vmem>>, vector<1x16xf32>,
    %get3A_1788 = vector.shape_cast %get3A_1787 : vector<1x16xf32> to vector<16xf32>
    %get3A_1789 = arith.constant 6 : i32
    %get3A_1790 = arith.index_cast %get3A_1789 : i32 to index
    %get3A_1791 = arith.constant 112 : index
    %get3A_1792 = tpu.vector_load %arg14[%get3A_1790, %get3A_1791] {strides = array<i32>} : memref<48x128xf32, #tpu.memory_space<vmem>>, vector<1x16xf32>,
    %get3A_1793 = vector.shape_cast %get3A_1792 : vector<1x16xf32> to vector<16xf32>
    %add3A_1794 = arith.addf %get3A_1788, %get3A_1793 : vector<16xf32>
    %max3A_1795 = arith.constant 0.000000e+00 : f32
    %max3A_1796 = vector.broadcast %max3A_1795 : f32 to vector<16xf32>
    %max3A_1797 = arith.maximumf %add3A_1794, %max3A_1796 : vector<16xf32>
    %swap3A_1798 = arith.constant 6 : i32
    %swap3A_1799 = arith.index_cast %swap3A_1798 : i32 to index
    %swap3A_1800 = arith.constant 112 : index
    %swap3A_1801 = tpu.vector_load %arg16[%swap3A_1799, %swap3A_1800] {strides = array<i32>} : memref<48x144xf32, #tpu.memory_space<vmem>>, vector<1x16xf32>,
    %swap3A_1802 = vector.shape_cast %swap3A_1801 : vector<1x16xf32> to vector<16xf32>
    %swap3A_1803 = vector.shape_cast %max3A_1797 : vector<16xf32> to vector<1x16xf32>
    tpu.vector_store %arg16[%swap3A_1799, %swap3A_1800], %swap3A_1803 {strides = array<i32>} : memref<48x144xf32, #tpu.memory_space<vmem>>, vector<1x16xf32>,
    %get3A_1804 = arith.constant 7 : i32
    %get3A_1805 = arith.index_cast %get3A_1804 : i32 to index
    %get3A_1806 = arith.constant 0 : index
    %get3A_1807 = tpu.vector_load %arg12[%get3A_1805, %get3A_1806] {strides = array<i32>} : memref<48x128xf32, #tpu.memory_space<vmem>>, vector<1x16xf32>,
    %get3A_1808 = vector.shape_cast %get3A_1807 : vector<1x16xf32> to vector<16xf32>
    %get3A_1809 = arith.constant 7 : i32
    %get3A_1810 = arith.index_cast %get3A_1809 : i32 to index
    %get3A_1811 = arith.constant 0 : index
    %get3A_1812 = tpu.vector_load %arg14[%get3A_1810, %get3A_1811] {strides = array<i32>} : memref<48x128xf32, #tpu.memory_space<vmem>>, vector<1x16xf32>,
    %get3A_1813 = vector.shape_cast %get3A_1812 : vector<1x16xf32> to vector<16xf32>
    %add3A_1814 = arith.addf %get3A_1808, %get3A_1813 : vector<16xf32>
    %max3A_1815 = arith.constant 0.000000e+00 : f32
    %max3A_1816 = vector.broadcast %max3A_1815 : f32 to vector<16xf32>
    %max3A_1817 = arith.maximumf %add3A_1814, %max3A_1816 : vector<16xf32>
    %swap3A_1818 = arith.constant 7 : i32
    %swap3A_1819 = arith.index_cast %swap3A_1818 : i32 to index
    %swap3A_1820 = arith.constant 0 : index
    %swap3A_1821 = tpu.vector_load %arg16[%swap3A_1819, %swap3A_1820] {strides = array<i32>} : memref<48x144xf32, #tpu.memory_space<vmem>>, vector<1x16xf32>,
    %swap3A_1822 = vector.shape_cast %swap3A_1821 : vector<1x16xf32> to vector<16xf32>
    %swap3A_1823 = vector.shape_cast %max3A_1817 : vector<16xf32> to vector<1x16xf32>
    tpu.vector_store %arg16[%swap3A_1819, %swap3A_1820], %swap3A_1823 {strides = array<i32>} : memref<48x144xf32, #tpu.memory_space<vmem>>, vector<1x16xf32>,
    %get3A_1824 = arith.constant 7 : i32
    %get3A_1825 = arith.index_cast %get3A_1824 : i32 to index
    %get3A_1826 = arith.constant 16 : index
    %get3A_1827 = tpu.vector_load %arg12[%get3A_1825, %get3A_1826] {strides = array<i32>} : memref<48x128xf32, #tpu.memory_space<vmem>>, vector<1x16xf32>,
    %get3A_1828 = vector.shape_cast %get3A_1827 : vector<1x16xf32> to vector<16xf32>
    %get3A_1829 = arith.constant 7 : i32
    %get3A_1830 = arith.index_cast %get3A_1829 : i32 to index
    %get3A_1831 = arith.constant 16 : index
    %get3A_1832 = tpu.vector_load %arg14[%get3A_1830, %get3A_1831] {strides = array<i32>} : memref<48x128xf32, #tpu.memory_space<vmem>>, vector<1x16xf32>,
    %get3A_1833 = vector.shape_cast %get3A_1832 : vector<1x16xf32> to vector<16xf32>
    %add3A_1834 = arith.addf %get3A_1828, %get3A_1833 : vector<16xf32>
    %max3A_1835 = arith.constant 0.000000e+00 : f32
    %max3A_1836 = vector.broadcast %max3A_1835 : f32 to vector<16xf32>
    %max3A_1837 = arith.maximumf %add3A_1834, %max3A_1836 : vector<16xf32>
    %swap3A_1838 = arith.constant 7 : i32
    %swap3A_1839 = arith.index_cast %swap3A_1838 : i32 to index
    %swap3A_1840 = arith.constant 16 : index
    %swap3A_1841 = tpu.vector_load %arg16[%swap3A_1839, %swap3A_1840] {strides = array<i32>} : memref<48x144xf32, #tpu.memory_space<vmem>>, vector<1x16xf32>,
    %swap3A_1842 = vector.shape_cast %swap3A_1841 : vector<1x16xf32> to vector<16xf32>
    %swap3A_1843 = vector.shape_cast %max3A_1837 : vector<16xf32> to vector<1x16xf32>
    tpu.vector_store %arg16[%swap3A_1839, %swap3A_1840], %swap3A_1843 {strides = array<i32>} : memref<48x144xf32, #tpu.memory_space<vmem>>, vector<1x16xf32>,
    %get3A_1844 = arith.constant 7 : i32
    %get3A_1845 = arith.index_cast %get3A_1844 : i32 to index
    %get3A_1846 = arith.constant 32 : index
    %get3A_1847 = tpu.vector_load %arg12[%get3A_1845, %get3A_1846] {strides = array<i32>} : memref<48x128xf32, #tpu.memory_space<vmem>>, vector<1x16xf32>,
    %get3A_1848 = vector.shape_cast %get3A_1847 : vector<1x16xf32> to vector<16xf32>
    %get3A_1849 = arith.constant 7 : i32
    %get3A_1850 = arith.index_cast %get3A_1849 : i32 to index
    %get3A_1851 = arith.constant 32 : index
    %get3A_1852 = tpu.vector_load %arg14[%get3A_1850, %get3A_1851] {strides = array<i32>} : memref<48x128xf32, #tpu.memory_space<vmem>>, vector<1x16xf32>,
    %get3A_1853 = vector.shape_cast %get3A_1852 : vector<1x16xf32> to vector<16xf32>
    %add3A_1854 = arith.addf %get3A_1848, %get3A_1853 : vector<16xf32>
    %max3A_1855 = arith.constant 0.000000e+00 : f32
    %max3A_1856 = vector.broadcast %max3A_1855 : f32 to vector<16xf32>
    %max3A_1857 = arith.maximumf %add3A_1854, %max3A_1856 : vector<16xf32>
    %swap3A_1858 = arith.constant 7 : i32
    %swap3A_1859 = arith.index_cast %swap3A_1858 : i32 to index
    %swap3A_1860 = arith.constant 32 : index
    %swap3A_1861 = tpu.vector_load %arg16[%swap3A_1859, %swap3A_1860] {strides = array<i32>} : memref<48x144xf32, #tpu.memory_space<vmem>>, vector<1x16xf32>,
    %swap3A_1862 = vector.shape_cast %swap3A_1861 : vector<1x16xf32> to vector<16xf32>
    %swap3A_1863 = vector.shape_cast %max3A_1857 : vector<16xf32> to vector<1x16xf32>
    tpu.vector_store %arg16[%swap3A_1859, %swap3A_1860], %swap3A_1863 {strides = array<i32>} : memref<48x144xf32, #tpu.memory_space<vmem>>, vector<1x16xf32>,
    %get3A_1864 = arith.constant 7 : i32
    %get3A_1865 = arith.index_cast %get3A_1864 : i32 to index
    %get3A_1866 = arith.constant 48 : index
    %get3A_1867 = tpu.vector_load %arg12[%get3A_1865, %get3A_1866] {strides = array<i32>} : memref<48x128xf32, #tpu.memory_space<vmem>>, vector<1x16xf32>,
    %get3A_1868 = vector.shape_cast %get3A_1867 : vector<1x16xf32> to vector<16xf32>
    %get3A_1869 = arith.constant 7 : i32
    %get3A_1870 = arith.index_cast %get3A_1869 : i32 to index
    %get3A_1871 = arith.constant 48 : index
    %get3A_1872 = tpu.vector_load %arg14[%get3A_1870, %get3A_1871] {strides = array<i32>} : memref<48x128xf32, #tpu.memory_space<vmem>>, vector<1x16xf32>,
    %get3A_1873 = vector.shape_cast %get3A_1872 : vector<1x16xf32> to vector<16xf32>
    %add3A_1874 = arith.addf %get3A_1868, %get3A_1873 : vector<16xf32>
    %max3A_1875 = arith.constant 0.000000e+00 : f32
    %max3A_1876 = vector.broadcast %max3A_1875 : f32 to vector<16xf32>
    %max3A_1877 = arith.maximumf %add3A_1874, %max3A_1876 : vector<16xf32>
    %swap3A_1878 = arith.constant 7 : i32
    %swap3A_1879 = arith.index_cast %swap3A_1878 : i32 to index
    %swap3A_1880 = arith.constant 48 : index
    %swap3A_1881 = tpu.vector_load %arg16[%swap3A_1879, %swap3A_1880] {strides = array<i32>} : memref<48x144xf32, #tpu.memory_space<vmem>>, vector<1x16xf32>,
    %swap3A_1882 = vector.shape_cast %swap3A_1881 : vector<1x16xf32> to vector<16xf32>
    %swap3A_1883 = vector.shape_cast %max3A_1877 : vector<16xf32> to vector<1x16xf32>
    tpu.vector_store %arg16[%swap3A_1879, %swap3A_1880], %swap3A_1883 {strides = array<i32>} : memref<48x144xf32, #tpu.memory_space<vmem>>, vector<1x16xf32>,
    %get3A_1884 = arith.constant 7 : i32
    %get3A_1885 = arith.index_cast %get3A_1884 : i32 to index
    %get3A_1886 = arith.constant 64 : index
    %get3A_1887 = tpu.vector_load %arg12[%get3A_1885, %get3A_1886] {strides = array<i32>} : memref<48x128xf32, #tpu.memory_space<vmem>>, vector<1x16xf32>,
    %get3A_1888 = vector.shape_cast %get3A_1887 : vector<1x16xf32> to vector<16xf32>
    %get3A_1889 = arith.constant 7 : i32
    %get3A_1890 = arith.index_cast %get3A_1889 : i32 to index
    %get3A_1891 = arith.constant 64 : index
    %get3A_1892 = tpu.vector_load %arg14[%get3A_1890, %get3A_1891] {strides = array<i32>} : memref<48x128xf32, #tpu.memory_space<vmem>>, vector<1x16xf32>,
    %get3A_1893 = vector.shape_cast %get3A_1892 : vector<1x16xf32> to vector<16xf32>
    %add3A_1894 = arith.addf %get3A_1888, %get3A_1893 : vector<16xf32>
    %max3A_1895 = arith.constant 0.000000e+00 : f32
    %max3A_1896 = vector.broadcast %max3A_1895 : f32 to vector<16xf32>
    %max3A_1897 = arith.maximumf %add3A_1894, %max3A_1896 : vector<16xf32>
    %swap3A_1898 = arith.constant 7 : i32
    %swap3A_1899 = arith.index_cast %swap3A_1898 : i32 to index
    %swap3A_1900 = arith.constant 64 : index
    %swap3A_1901 = tpu.vector_load %arg16[%swap3A_1899, %swap3A_1900] {strides = array<i32>} : memref<48x144xf32, #tpu.memory_space<vmem>>, vector<1x16xf32>,
    %swap3A_1902 = vector.shape_cast %swap3A_1901 : vector<1x16xf32> to vector<16xf32>
    %swap3A_1903 = vector.shape_cast %max3A_1897 : vector<16xf32> to vector<1x16xf32>
    tpu.vector_store %arg16[%swap3A_1899, %swap3A_1900], %swap3A_1903 {strides = array<i32>} : memref<48x144xf32, #tpu.memory_space<vmem>>, vector<1x16xf32>,
    %get3A_1904 = arith.constant 7 : i32
    %get3A_1905 = arith.index_cast %get3A_1904 : i32 to index
    %get3A_1906 = arith.constant 80 : index
    %get3A_1907 = tpu.vector_load %arg12[%get3A_1905, %get3A_1906] {strides = array<i32>} : memref<48x128xf32, #tpu.memory_space<vmem>>, vector<1x16xf32>,
    %get3A_1908 = vector.shape_cast %get3A_1907 : vector<1x16xf32> to vector<16xf32>
    %get3A_1909 = arith.constant 7 : i32
    %get3A_1910 = arith.index_cast %get3A_1909 : i32 to index
    %get3A_1911 = arith.constant 80 : index
    %get3A_1912 = tpu.vector_load %arg14[%get3A_1910, %get3A_1911] {strides = array<i32>} : memref<48x128xf32, #tpu.memory_space<vmem>>, vector<1x16xf32>,
    %get3A_1913 = vector.shape_cast %get3A_1912 : vector<1x16xf32> to vector<16xf32>
    %add3A_1914 = arith.addf %get3A_1908, %get3A_1913 : vector<16xf32>
    %max3A_1915 = arith.constant 0.000000e+00 : f32
    %max3A_1916 = vector.broadcast %max3A_1915 : f32 to vector<16xf32>
    %max3A_1917 = arith.maximumf %add3A_1914, %max3A_1916 : vector<16xf32>
    %swap3A_1918 = arith.constant 7 : i32
    %swap3A_1919 = arith.index_cast %swap3A_1918 : i32 to index
    %swap3A_1920 = arith.constant 80 : index
    %swap3A_1921 = tpu.vector_load %arg16[%swap3A_1919, %swap3A_1920] {strides = array<i32>} : memref<48x144xf32, #tpu.memory_space<vmem>>, vector<1x16xf32>,
    %swap3A_1922 = vector.shape_cast %swap3A_1921 : vector<1x16xf32> to vector<16xf32>
    %swap3A_1923 = vector.shape_cast %max3A_1917 : vector<16xf32> to vector<1x16xf32>
    tpu.vector_store %arg16[%swap3A_1919, %swap3A_1920], %swap3A_1923 {strides = array<i32>} : memref<48x144xf32, #tpu.memory_space<vmem>>, vector<1x16xf32>,
    %get3A_1924 = arith.constant 7 : i32
    %get3A_1925 = arith.index_cast %get3A_1924 : i32 to index
    %get3A_1926 = arith.constant 96 : index
    %get3A_1927 = tpu.vector_load %arg12[%get3A_1925, %get3A_1926] {strides = array<i32>} : memref<48x128xf32, #tpu.memory_space<vmem>>, vector<1x16xf32>,
    %get3A_1928 = vector.shape_cast %get3A_1927 : vector<1x16xf32> to vector<16xf32>
    %get3A_1929 = arith.constant 7 : i32
    %get3A_1930 = arith.index_cast %get3A_1929 : i32 to index
    %get3A_1931 = arith.constant 96 : index
    %get3A_1932 = tpu.vector_load %arg14[%get3A_1930, %get3A_1931] {strides = array<i32>} : memref<48x128xf32, #tpu.memory_space<vmem>>, vector<1x16xf32>,
    %get3A_1933 = vector.shape_cast %get3A_1932 : vector<1x16xf32> to vector<16xf32>
    %add3A_1934 = arith.addf %get3A_1928, %get3A_1933 : vector<16xf32>
    %max3A_1935 = arith.constant 0.000000e+00 : f32
    %max3A_1936 = vector.broadcast %max3A_1935 : f32 to vector<16xf32>
    %max3A_1937 = arith.maximumf %add3A_1934, %max3A_1936 : vector<16xf32>
    %swap3A_1938 = arith.constant 7 : i32
    %swap3A_1939 = arith.index_cast %swap3A_1938 : i32 to index
    %swap3A_1940 = arith.constant 96 : index
    %swap3A_1941 = tpu.vector_load %arg16[%swap3A_1939, %swap3A_1940] {strides = array<i32>} : memref<48x144xf32, #tpu.memory_space<vmem>>, vector<1x16xf32>,
    %swap3A_1942 = vector.shape_cast %swap3A_1941 : vector<1x16xf32> to vector<16xf32>
    %swap3A_1943 = vector.shape_cast %max3A_1937 : vector<16xf32> to vector<1x16xf32>
    tpu.vector_store %arg16[%swap3A_1939, %swap3A_1940], %swap3A_1943 {strides = array<i32>} : memref<48x144xf32, #tpu.memory_space<vmem>>, vector<1x16xf32>,
    %get3A_1944 = arith.constant 7 : i32
    %get3A_1945 = arith.index_cast %get3A_1944 : i32 to index
    %get3A_1946 = arith.constant 112 : index
    %get3A_1947 = tpu.vector_load %arg12[%get3A_1945, %get3A_1946] {strides = array<i32>} : memref<48x128xf32, #tpu.memory_space<vmem>>, vector<1x16xf32>,
    %get3A_1948 = vector.shape_cast %get3A_1947 : vector<1x16xf32> to vector<16xf32>
    %get3A_1949 = arith.constant 7 : i32
    %get3A_1950 = arith.index_cast %get3A_1949 : i32 to index
    %get3A_1951 = arith.constant 112 : index
    %get3A_1952 = tpu.vector_load %arg14[%get3A_1950, %get3A_1951] {strides = array<i32>} : memref<48x128xf32, #tpu.memory_space<vmem>>, vector<1x16xf32>,
    %get3A_1953 = vector.shape_cast %get3A_1952 : vector<1x16xf32> to vector<16xf32>
    %add3A_1954 = arith.addf %get3A_1948, %get3A_1953 : vector<16xf32>
    %max3A_1955 = arith.constant 0.000000e+00 : f32
    %max3A_1956 = vector.broadcast %max3A_1955 : f32 to vector<16xf32>
    %max3A_1957 = arith.maximumf %add3A_1954, %max3A_1956 : vector<16xf32>
    %swap3A_1958 = arith.constant 7 : i32
    %swap3A_1959 = arith.index_cast %swap3A_1958 : i32 to index
    %swap3A_1960 = arith.constant 112 : index
    %swap3A_1961 = tpu.vector_load %arg16[%swap3A_1959, %swap3A_1960] {strides = array<i32>} : memref<48x144xf32, #tpu.memory_space<vmem>>, vector<1x16xf32>,
    %swap3A_1962 = vector.shape_cast %swap3A_1961 : vector<1x16xf32> to vector<16xf32>
    %swap3A_1963 = vector.shape_cast %max3A_1957 : vector<16xf32> to vector<1x16xf32>
    tpu.vector_store %arg16[%swap3A_1959, %swap3A_1960], %swap3A_1963 {strides = array<i32>} : memref<48x144xf32, #tpu.memory_space<vmem>>, vector<1x16xf32>,
    %get3A_1964 = arith.constant 8 : i32
    %get3A_1965 = arith.index_cast %get3A_1964 : i32 to index
    %get3A_1966 = arith.constant 0 : index
    %get3A_1967 = tpu.vector_load %arg12[%get3A_1965, %get3A_1966] {strides = array<i32>} : memref<48x128xf32, #tpu.memory_space<vmem>>, vector<1x16xf32>,
    %get3A_1968 = vector.shape_cast %get3A_1967 : vector<1x16xf32> to vector<16xf32>
    %get3A_1969 = arith.constant 8 : i32
    %get3A_1970 = arith.index_cast %get3A_1969 : i32 to index
    %get3A_1971 = arith.constant 0 : index
    %get3A_1972 = tpu.vector_load %arg14[%get3A_1970, %get3A_1971] {strides = array<i32>} : memref<48x128xf32, #tpu.memory_space<vmem>>, vector<1x16xf32>,
    %get3A_1973 = vector.shape_cast %get3A_1972 : vector<1x16xf32> to vector<16xf32>
    %add3A_1974 = arith.addf %get3A_1968, %get3A_1973 : vector<16xf32>
    %max3A_1975 = arith.constant 0.000000e+00 : f32
    %max3A_1976 = vector.broadcast %max3A_1975 : f32 to vector<16xf32>
    %max3A_1977 = arith.maximumf %add3A_1974, %max3A_1976 : vector<16xf32>
    %swap3A_1978 = arith.constant 8 : i32
    %swap3A_1979 = arith.index_cast %swap3A_1978 : i32 to index
    %swap3A_1980 = arith.constant 0 : index
    %swap3A_1981 = tpu.vector_load %arg16[%swap3A_1979, %swap3A_1980] {strides = array<i32>} : memref<48x144xf32, #tpu.memory_space<vmem>>, vector<1x16xf32>,
    %swap3A_1982 = vector.shape_cast %swap3A_1981 : vector<1x16xf32> to vector<16xf32>
    %swap3A_1983 = vector.shape_cast %max3A_1977 : vector<16xf32> to vector<1x16xf32>
    tpu.vector_store %arg16[%swap3A_1979, %swap3A_1980], %swap3A_1983 {strides = array<i32>} : memref<48x144xf32, #tpu.memory_space<vmem>>, vector<1x16xf32>,
    %get3A_1984 = arith.constant 8 : i32
    %get3A_1985 = arith.index_cast %get3A_1984 : i32 to index
    %get3A_1986 = arith.constant 16 : index
    %get3A_1987 = tpu.vector_load %arg12[%get3A_1985, %get3A_1986] {strides = array<i32>} : memref<48x128xf32, #tpu.memory_space<vmem>>, vector<1x16xf32>,
    %get3A_1988 = vector.shape_cast %get3A_1987 : vector<1x16xf32> to vector<16xf32>
    %get3A_1989 = arith.constant 8 : i32
    %get3A_1990 = arith.index_cast %get3A_1989 : i32 to index
    %get3A_1991 = arith.constant 16 : index
    %get3A_1992 = tpu.vector_load %arg14[%get3A_1990, %get3A_1991] {strides = array<i32>} : memref<48x128xf32, #tpu.memory_space<vmem>>, vector<1x16xf32>,
    %get3A_1993 = vector.shape_cast %get3A_1992 : vector<1x16xf32> to vector<16xf32>
    %add3A_1994 = arith.addf %get3A_1988, %get3A_1993 : vector<16xf32>
    %max3A_1995 = arith.constant 0.000000e+00 : f32
    %max3A_1996 = vector.broadcast %max3A_1995 : f32 to vector<16xf32>
    %max3A_1997 = arith.maximumf %add3A_1994, %max3A_1996 : vector<16xf32>
    %swap3A_1998 = arith.constant 8 : i32
    %swap3A_1999 = arith.index_cast %swap3A_1998 : i32 to index
    %swap3A_2000 = arith.constant 16 : index
    %swap3A_2001 = tpu.vector_load %arg16[%swap3A_1999, %swap3A_2000] {strides = array<i32>} : memref<48x144xf32, #tpu.memory_space<vmem>>, vector<1x16xf32>,
    %swap3A_2002 = vector.shape_cast %swap3A_2001 : vector<1x16xf32> to vector<16xf32>
    %swap3A_2003 = vector.shape_cast %max3A_1997 : vector<16xf32> to vector<1x16xf32>
    tpu.vector_store %arg16[%swap3A_1999, %swap3A_2000], %swap3A_2003 {strides = array<i32>} : memref<48x144xf32, #tpu.memory_space<vmem>>, vector<1x16xf32>,
    %get3A_2004 = arith.constant 8 : i32
    %get3A_2005 = arith.index_cast %get3A_2004 : i32 to index
    %get3A_2006 = arith.constant 32 : index
    %get3A_2007 = tpu.vector_load %arg12[%get3A_2005, %get3A_2006] {strides = array<i32>} : memref<48x128xf32, #tpu.memory_space<vmem>>, vector<1x16xf32>,
    %get3A_2008 = vector.shape_cast %get3A_2007 : vector<1x16xf32> to vector<16xf32>
    %get3A_2009 = arith.constant 8 : i32
    %get3A_2010 = arith.index_cast %get3A_2009 : i32 to index
    %get3A_2011 = arith.constant 32 : index
    %get3A_2012 = tpu.vector_load %arg14[%get3A_2010, %get3A_2011] {strides = array<i32>} : memref<48x128xf32, #tpu.memory_space<vmem>>, vector<1x16xf32>,
    %get3A_2013 = vector.shape_cast %get3A_2012 : vector<1x16xf32> to vector<16xf32>
    %add3A_2014 = arith.addf %get3A_2008, %get3A_2013 : vector<16xf32>
    %max3A_2015 = arith.constant 0.000000e+00 : f32
    %max3A_2016 = vector.broadcast %max3A_2015 : f32 to vector<16xf32>
    %max3A_2017 = arith.maximumf %add3A_2014, %max3A_2016 : vector<16xf32>
    %swap3A_2018 = arith.constant 8 : i32
    %swap3A_2019 = arith.index_cast %swap3A_2018 : i32 to index
    %swap3A_2020 = arith.constant 32 : index
    %swap3A_2021 = tpu.vector_load %arg16[%swap3A_2019, %swap3A_2020] {strides = array<i32>} : memref<48x144xf32, #tpu.memory_space<vmem>>, vector<1x16xf32>,
    %swap3A_2022 = vector.shape_cast %swap3A_2021 : vector<1x16xf32> to vector<16xf32>
    %swap3A_2023 = vector.shape_cast %max3A_2017 : vector<16xf32> to vector<1x16xf32>
    tpu.vector_store %arg16[%swap3A_2019, %swap3A_2020], %swap3A_2023 {strides = array<i32>} : memref<48x144xf32, #tpu.memory_space<vmem>>, vector<1x16xf32>,
    %get3A_2024 = arith.constant 8 : i32
    %get3A_2025 = arith.index_cast %get3A_2024 : i32 to index
    %get3A_2026 = arith.constant 48 : index
    %get3A_2027 = tpu.vector_load %arg12[%get3A_2025, %get3A_2026] {strides = array<i32>} : memref<48x128xf32, #tpu.memory_space<vmem>>, vector<1x16xf32>,
    %get3A_2028 = vector.shape_cast %get3A_2027 : vector<1x16xf32> to vector<16xf32>
    %get3A_2029 = arith.constant 8 : i32
    %get3A_2030 = arith.index_cast %get3A_2029 : i32 to index
    %get3A_2031 = arith.constant 48 : index
    %get3A_2032 = tpu.vector_load %arg14[%get3A_2030, %get3A_2031] {strides = array<i32>} : memref<48x128xf32, #tpu.memory_space<vmem>>, vector<1x16xf32>,
    %get3A_2033 = vector.shape_cast %get3A_2032 : vector<1x16xf32> to vector<16xf32>
    %add3A_2034 = arith.addf %get3A_2028, %get3A_2033 : vector<16xf32>
    %max3A_2035 = arith.constant 0.000000e+00 : f32
    %max3A_2036 = vector.broadcast %max3A_2035 : f32 to vector<16xf32>
    %max3A_2037 = arith.maximumf %add3A_2034, %max3A_2036 : vector<16xf32>
    %swap3A_2038 = arith.constant 8 : i32
    %swap3A_2039 = arith.index_cast %swap3A_2038 : i32 to index
    %swap3A_2040 = arith.constant 48 : index
    %swap3A_2041 = tpu.vector_load %arg16[%swap3A_2039, %swap3A_2040] {strides = array<i32>} : memref<48x144xf32, #tpu.memory_space<vmem>>, vector<1x16xf32>,
    %swap3A_2042 = vector.shape_cast %swap3A_2041 : vector<1x16xf32> to vector<16xf32>
    %swap3A_2043 = vector.shape_cast %max3A_2037 : vector<16xf32> to vector<1x16xf32>
    tpu.vector_store %arg16[%swap3A_2039, %swap3A_2040], %swap3A_2043 {strides = array<i32>} : memref<48x144xf32, #tpu.memory_space<vmem>>, vector<1x16xf32>,
    %get3A_2044 = arith.constant 8 : i32
    %get3A_2045 = arith.index_cast %get3A_2044 : i32 to index
    %get3A_2046 = arith.constant 64 : index
    %get3A_2047 = tpu.vector_load %arg12[%get3A_2045, %get3A_2046] {strides = array<i32>} : memref<48x128xf32, #tpu.memory_space<vmem>>, vector<1x16xf32>,
    %get3A_2048 = vector.shape_cast %get3A_2047 : vector<1x16xf32> to vector<16xf32>
    %get3A_2049 = arith.constant 8 : i32
    %get3A_2050 = arith.index_cast %get3A_2049 : i32 to index
    %get3A_2051 = arith.constant 64 : index
    %get3A_2052 = tpu.vector_load %arg14[%get3A_2050, %get3A_2051] {strides = array<i32>} : memref<48x128xf32, #tpu.memory_space<vmem>>, vector<1x16xf32>,
    %get3A_2053 = vector.shape_cast %get3A_2052 : vector<1x16xf32> to vector<16xf32>
    %add3A_2054 = arith.addf %get3A_2048, %get3A_2053 : vector<16xf32>
    %max3A_2055 = arith.constant 0.000000e+00 : f32
    %max3A_2056 = vector.broadcast %max3A_2055 : f32 to vector<16xf32>
    %max3A_2057 = arith.maximumf %add3A_2054, %max3A_2056 : vector<16xf32>
    %swap3A_2058 = arith.constant 8 : i32
    %swap3A_2059 = arith.index_cast %swap3A_2058 : i32 to index
    %swap3A_2060 = arith.constant 64 : index
    %swap3A_2061 = tpu.vector_load %arg16[%swap3A_2059, %swap3A_2060] {strides = array<i32>} : memref<48x144xf32, #tpu.memory_space<vmem>>, vector<1x16xf32>,
    %swap3A_2062 = vector.shape_cast %swap3A_2061 : vector<1x16xf32> to vector<16xf32>
    %swap3A_2063 = vector.shape_cast %max3A_2057 : vector<16xf32> to vector<1x16xf32>
    tpu.vector_store %arg16[%swap3A_2059, %swap3A_2060], %swap3A_2063 {strides = array<i32>} : memref<48x144xf32, #tpu.memory_space<vmem>>, vector<1x16xf32>,
    %get3A_2064 = arith.constant 8 : i32
    %get3A_2065 = arith.index_cast %get3A_2064 : i32 to index
    %get3A_2066 = arith.constant 80 : index
    %get3A_2067 = tpu.vector_load %arg12[%get3A_2065, %get3A_2066] {strides = array<i32>} : memref<48x128xf32, #tpu.memory_space<vmem>>, vector<1x16xf32>,
    %get3A_2068 = vector.shape_cast %get3A_2067 : vector<1x16xf32> to vector<16xf32>
    %get3A_2069 = arith.constant 8 : i32
    %get3A_2070 = arith.index_cast %get3A_2069 : i32 to index
    %get3A_2071 = arith.constant 80 : index
    %get3A_2072 = tpu.vector_load %arg14[%get3A_2070, %get3A_2071] {strides = array<i32>} : memref<48x128xf32, #tpu.memory_space<vmem>>, vector<1x16xf32>,
    %get3A_2073 = vector.shape_cast %get3A_2072 : vector<1x16xf32> to vector<16xf32>
    %add3A_2074 = arith.addf %get3A_2068, %get3A_2073 : vector<16xf32>
    %max3A_2075 = arith.constant 0.000000e+00 : f32
    %max3A_2076 = vector.broadcast %max3A_2075 : f32 to vector<16xf32>
    %max3A_2077 = arith.maximumf %add3A_2074, %max3A_2076 : vector<16xf32>
    %swap3A_2078 = arith.constant 8 : i32
    %swap3A_2079 = arith.index_cast %swap3A_2078 : i32 to index
    %swap3A_2080 = arith.constant 80 : index
    %swap3A_2081 = tpu.vector_load %arg16[%swap3A_2079, %swap3A_2080] {strides = array<i32>} : memref<48x144xf32, #tpu.memory_space<vmem>>, vector<1x16xf32>,
    %swap3A_2082 = vector.shape_cast %swap3A_2081 : vector<1x16xf32> to vector<16xf32>
    %swap3A_2083 = vector.shape_cast %max3A_2077 : vector<16xf32> to vector<1x16xf32>
    tpu.vector_store %arg16[%swap3A_2079, %swap3A_2080], %swap3A_2083 {strides = array<i32>} : memref<48x144xf32, #tpu.memory_space<vmem>>, vector<1x16xf32>,
    %get3A_2084 = arith.constant 8 : i32
    %get3A_2085 = arith.index_cast %get3A_2084 : i32 to index
    %get3A_2086 = arith.constant 96 : index
    %get3A_2087 = tpu.vector_load %arg12[%get3A_2085, %get3A_2086] {strides = array<i32>} : memref<48x128xf32, #tpu.memory_space<vmem>>, vector<1x16xf32>,
    %get3A_2088 = vector.shape_cast %get3A_2087 : vector<1x16xf32> to vector<16xf32>
    %get3A_2089 = arith.constant 8 : i32
    %get3A_2090 = arith.index_cast %get3A_2089 : i32 to index
    %get3A_2091 = arith.constant 96 : index
    %get3A_2092 = tpu.vector_load %arg14[%get3A_2090, %get3A_2091] {strides = array<i32>} : memref<48x128xf32, #tpu.memory_space<vmem>>, vector<1x16xf32>,
    %get3A_2093 = vector.shape_cast %get3A_2092 : vector<1x16xf32> to vector<16xf32>
    %add3A_2094 = arith.addf %get3A_2088, %get3A_2093 : vector<16xf32>
    %max3A_2095 = arith.constant 0.000000e+00 : f32
    %max3A_2096 = vector.broadcast %max3A_2095 : f32 to vector<16xf32>
    %max3A_2097 = arith.maximumf %add3A_2094, %max3A_2096 : vector<16xf32>
    %swap3A_2098 = arith.constant 8 : i32
    %swap3A_2099 = arith.index_cast %swap3A_2098 : i32 to index
    %swap3A_2100 = arith.constant 96 : index
    %swap3A_2101 = tpu.vector_load %arg16[%swap3A_2099, %swap3A_2100] {strides = array<i32>} : memref<48x144xf32, #tpu.memory_space<vmem>>, vector<1x16xf32>,
    %swap3A_2102 = vector.shape_cast %swap3A_2101 : vector<1x16xf32> to vector<16xf32>
    %swap3A_2103 = vector.shape_cast %max3A_2097 : vector<16xf32> to vector<1x16xf32>
    tpu.vector_store %arg16[%swap3A_2099, %swap3A_2100], %swap3A_2103 {strides = array<i32>} : memref<48x144xf32, #tpu.memory_space<vmem>>, vector<1x16xf32>,
    %get3A_2104 = arith.constant 8 : i32
    %get3A_2105 = arith.index_cast %get3A_2104 : i32 to index
    %get3A_2106 = arith.constant 112 : index
    %get3A_2107 = tpu.vector_load %arg12[%get3A_2105, %get3A_2106] {strides = array<i32>} : memref<48x128xf32, #tpu.memory_space<vmem>>, vector<1x16xf32>,
    %get3A_2108 = vector.shape_cast %get3A_2107 : vector<1x16xf32> to vector<16xf32>
    %get3A_2109 = arith.constant 8 : i32
    %get3A_2110 = arith.index_cast %get3A_2109 : i32 to index
    %get3A_2111 = arith.constant 112 : index
    %get3A_2112 = tpu.vector_load %arg14[%get3A_2110, %get3A_2111] {strides = array<i32>} : memref<48x128xf32, #tpu.memory_space<vmem>>, vector<1x16xf32>,
    %get3A_2113 = vector.shape_cast %get3A_2112 : vector<1x16xf32> to vector<16xf32>
    %add3A_2114 = arith.addf %get3A_2108, %get3A_2113 : vector<16xf32>
    %max3A_2115 = arith.constant 0.000000e+00 : f32
    %max3A_2116 = vector.broadcast %max3A_2115 : f32 to vector<16xf32>
    %max3A_2117 = arith.maximumf %add3A_2114, %max3A_2116 : vector<16xf32>
    %swap3A_2118 = arith.constant 8 : i32
    %swap3A_2119 = arith.index_cast %swap3A_2118 : i32 to index
    %swap3A_2120 = arith.constant 112 : index
    %swap3A_2121 = tpu.vector_load %arg16[%swap3A_2119, %swap3A_2120] {strides = array<i32>} : memref<48x144xf32, #tpu.memory_space<vmem>>, vector<1x16xf32>,
    %swap3A_2122 = vector.shape_cast %swap3A_2121 : vector<1x16xf32> to vector<16xf32>
    %swap3A_2123 = vector.shape_cast %max3A_2117 : vector<16xf32> to vector<1x16xf32>
    tpu.vector_store %arg16[%swap3A_2119, %swap3A_2120], %swap3A_2123 {strides = array<i32>} : memref<48x144xf32, #tpu.memory_space<vmem>>, vector<1x16xf32>,
    %get3A_2124 = arith.constant 9 : i32
    %get3A_2125 = arith.index_cast %get3A_2124 : i32 to index
    %get3A_2126 = arith.constant 0 : index
    %get3A_2127 = tpu.vector_load %arg12[%get3A_2125, %get3A_2126] {strides = array<i32>} : memref<48x128xf32, #tpu.memory_space<vmem>>, vector<1x16xf32>,
    %get3A_2128 = vector.shape_cast %get3A_2127 : vector<1x16xf32> to vector<16xf32>
    %get3A_2129 = arith.constant 9 : i32
    %get3A_2130 = arith.index_cast %get3A_2129 : i32 to index
    %get3A_2131 = arith.constant 0 : index
    %get3A_2132 = tpu.vector_load %arg14[%get3A_2130, %get3A_2131] {strides = array<i32>} : memref<48x128xf32, #tpu.memory_space<vmem>>, vector<1x16xf32>,
    %get3A_2133 = vector.shape_cast %get3A_2132 : vector<1x16xf32> to vector<16xf32>
    %add3A_2134 = arith.addf %get3A_2128, %get3A_2133 : vector<16xf32>
    %max3A_2135 = arith.constant 0.000000e+00 : f32
    %max3A_2136 = vector.broadcast %max3A_2135 : f32 to vector<16xf32>
    %max3A_2137 = arith.maximumf %add3A_2134, %max3A_2136 : vector<16xf32>
    %swap3A_2138 = arith.constant 9 : i32
    %swap3A_2139 = arith.index_cast %swap3A_2138 : i32 to index
    %swap3A_2140 = arith.constant 0 : index
    %swap3A_2141 = tpu.vector_load %arg16[%swap3A_2139, %swap3A_2140] {strides = array<i32>} : memref<48x144xf32, #tpu.memory_space<vmem>>, vector<1x16xf32>,
    %swap3A_2142 = vector.shape_cast %swap3A_2141 : vector<1x16xf32> to vector<16xf32>
    %swap3A_2143 = vector.shape_cast %max3A_2137 : vector<16xf32> to vector<1x16xf32>
    tpu.vector_store %arg16[%swap3A_2139, %swap3A_2140], %swap3A_2143 {strides = array<i32>} : memref<48x144xf32, #tpu.memory_space<vmem>>, vector<1x16xf32>,
    %get3A_2144 = arith.constant 9 : i32
    %get3A_2145 = arith.index_cast %get3A_2144 : i32 to index
    %get3A_2146 = arith.constant 16 : index
    %get3A_2147 = tpu.vector_load %arg12[%get3A_2145, %get3A_2146] {strides = array<i32>} : memref<48x128xf32, #tpu.memory_space<vmem>>, vector<1x16xf32>,
    %get3A_2148 = vector.shape_cast %get3A_2147 : vector<1x16xf32> to vector<16xf32>
    %get3A_2149 = arith.constant 9 : i32
    %get3A_2150 = arith.index_cast %get3A_2149 : i32 to index
    %get3A_2151 = arith.constant 16 : index
    %get3A_2152 = tpu.vector_load %arg14[%get3A_2150, %get3A_2151] {strides = array<i32>} : memref<48x128xf32, #tpu.memory_space<vmem>>, vector<1x16xf32>,
    %get3A_2153 = vector.shape_cast %get3A_2152 : vector<1x16xf32> to vector<16xf32>
    %add3A_2154 = arith.addf %get3A_2148, %get3A_2153 : vector<16xf32>
    %max3A_2155 = arith.constant 0.000000e+00 : f32
    %max3A_2156 = vector.broadcast %max3A_2155 : f32 to vector<16xf32>
    %max3A_2157 = arith.maximumf %add3A_2154, %max3A_2156 : vector<16xf32>
    %swap3A_2158 = arith.constant 9 : i32
    %swap3A_2159 = arith.index_cast %swap3A_2158 : i32 to index
    %swap3A_2160 = arith.constant 16 : index
    %swap3A_2161 = tpu.vector_load %arg16[%swap3A_2159, %swap3A_2160] {strides = array<i32>} : memref<48x144xf32, #tpu.memory_space<vmem>>, vector<1x16xf32>,
    %swap3A_2162 = vector.shape_cast %swap3A_2161 : vector<1x16xf32> to vector<16xf32>
    %swap3A_2163 = vector.shape_cast %max3A_2157 : vector<16xf32> to vector<1x16xf32>
    tpu.vector_store %arg16[%swap3A_2159, %swap3A_2160], %swap3A_2163 {strides = array<i32>} : memref<48x144xf32, #tpu.memory_space<vmem>>, vector<1x16xf32>,
    %get3A_2164 = arith.constant 9 : i32
    %get3A_2165 = arith.index_cast %get3A_2164 : i32 to index
    %get3A_2166 = arith.constant 32 : index
    %get3A_2167 = tpu.vector_load %arg12[%get3A_2165, %get3A_2166] {strides = array<i32>} : memref<48x128xf32, #tpu.memory_space<vmem>>, vector<1x16xf32>,
    %get3A_2168 = vector.shape_cast %get3A_2167 : vector<1x16xf32> to vector<16xf32>
    %get3A_2169 = arith.constant 9 : i32
    %get3A_2170 = arith.index_cast %get3A_2169 : i32 to index
    %get3A_2171 = arith.constant 32 : index
    %get3A_2172 = tpu.vector_load %arg14[%get3A_2170, %get3A_2171] {strides = array<i32>} : memref<48x128xf32, #tpu.memory_space<vmem>>, vector<1x16xf32>,
    %get3A_2173 = vector.shape_cast %get3A_2172 : vector<1x16xf32> to vector<16xf32>
    %add3A_2174 = arith.addf %get3A_2168, %get3A_2173 : vector<16xf32>
    %max3A_2175 = arith.constant 0.000000e+00 : f32
    %max3A_2176 = vector.broadcast %max3A_2175 : f32 to vector<16xf32>
    %max3A_2177 = arith.maximumf %add3A_2174, %max3A_2176 : vector<16xf32>
    %swap3A_2178 = arith.constant 9 : i32
    %swap3A_2179 = arith.index_cast %swap3A_2178 : i32 to index
    %swap3A_2180 = arith.constant 32 : index
    %swap3A_2181 = tpu.vector_load %arg16[%swap3A_2179, %swap3A_2180] {strides = array<i32>} : memref<48x144xf32, #tpu.memory_space<vmem>>, vector<1x16xf32>,
    %swap3A_2182 = vector.shape_cast %swap3A_2181 : vector<1x16xf32> to vector<16xf32>
    %swap3A_2183 = vector.shape_cast %max3A_2177 : vector<16xf32> to vector<1x16xf32>
    tpu.vector_store %arg16[%swap3A_2179, %swap3A_2180], %swap3A_2183 {strides = array<i32>} : memref<48x144xf32, #tpu.memory_space<vmem>>, vector<1x16xf32>,
    %get3A_2184 = arith.constant 9 : i32
    %get3A_2185 = arith.index_cast %get3A_2184 : i32 to index
    %get3A_2186 = arith.constant 48 : index
    %get3A_2187 = tpu.vector_load %arg12[%get3A_2185, %get3A_2186] {strides = array<i32>} : memref<48x128xf32, #tpu.memory_space<vmem>>, vector<1x16xf32>,
    %get3A_2188 = vector.shape_cast %get3A_2187 : vector<1x16xf32> to vector<16xf32>
    %get3A_2189 = arith.constant 9 : i32
    %get3A_2190 = arith.index_cast %get3A_2189 : i32 to index
    %get3A_2191 = arith.constant 48 : index
    %get3A_2192 = tpu.vector_load %arg14[%get3A_2190, %get3A_2191] {strides = array<i32>} : memref<48x128xf32, #tpu.memory_space<vmem>>, vector<1x16xf32>,
    %get3A_2193 = vector.shape_cast %get3A_2192 : vector<1x16xf32> to vector<16xf32>
    %add3A_2194 = arith.addf %get3A_2188, %get3A_2193 : vector<16xf32>
    %max3A_2195 = arith.constant 0.000000e+00 : f32
    %max3A_2196 = vector.broadcast %max3A_2195 : f32 to vector<16xf32>
    %max3A_2197 = arith.maximumf %add3A_2194, %max3A_2196 : vector<16xf32>
    %swap3A_2198 = arith.constant 9 : i32
    %swap3A_2199 = arith.index_cast %swap3A_2198 : i32 to index
    %swap3A_2200 = arith.constant 48 : index
    %swap3A_2201 = tpu.vector_load %arg16[%swap3A_2199, %swap3A_2200] {strides = array<i32>} : memref<48x144xf32, #tpu.memory_space<vmem>>, vector<1x16xf32>,
    %swap3A_2202 = vector.shape_cast %swap3A_2201 : vector<1x16xf32> to vector<16xf32>
    %swap3A_2203 = vector.shape_cast %max3A_2197 : vector<16xf32> to vector<1x16xf32>
    tpu.vector_store %arg16[%swap3A_2199, %swap3A_2200], %swap3A_2203 {strides = array<i32>} : memref<48x144xf32, #tpu.memory_space<vmem>>, vector<1x16xf32>,
    %get3A_2204 = arith.constant 9 : i32
    %get3A_2205 = arith.index_cast %get3A_2204 : i32 to index
    %get3A_2206 = arith.constant 64 : index
    %get3A_2207 = tpu.vector_load %arg12[%get3A_2205, %get3A_2206] {strides = array<i32>} : memref<48x128xf32, #tpu.memory_space<vmem>>, vector<1x16xf32>,
    %get3A_2208 = vector.shape_cast %get3A_2207 : vector<1x16xf32> to vector<16xf32>
    %get3A_2209 = arith.constant 9 : i32
    %get3A_2210 = arith.index_cast %get3A_2209 : i32 to index
    %get3A_2211 = arith.constant 64 : index
    %get3A_2212 = tpu.vector_load %arg14[%get3A_2210, %get3A_2211] {strides = array<i32>} : memref<48x128xf32, #tpu.memory_space<vmem>>, vector<1x16xf32>,
    %get3A_2213 = vector.shape_cast %get3A_2212 : vector<1x16xf32> to vector<16xf32>
    %add3A_2214 = arith.addf %get3A_2208, %get3A_2213 : vector<16xf32>
    %max3A_2215 = arith.constant 0.000000e+00 : f32
    %max3A_2216 = vector.broadcast %max3A_2215 : f32 to vector<16xf32>
    %max3A_2217 = arith.maximumf %add3A_2214, %max3A_2216 : vector<16xf32>
    %swap3A_2218 = arith.constant 9 : i32
    %swap3A_2219 = arith.index_cast %swap3A_2218 : i32 to index
    %swap3A_2220 = arith.constant 64 : index
    %swap3A_2221 = tpu.vector_load %arg16[%swap3A_2219, %swap3A_2220] {strides = array<i32>} : memref<48x144xf32, #tpu.memory_space<vmem>>, vector<1x16xf32>,
    %swap3A_2222 = vector.shape_cast %swap3A_2221 : vector<1x16xf32> to vector<16xf32>
    %swap3A_2223 = vector.shape_cast %max3A_2217 : vector<16xf32> to vector<1x16xf32>
    tpu.vector_store %arg16[%swap3A_2219, %swap3A_2220], %swap3A_2223 {strides = array<i32>} : memref<48x144xf32, #tpu.memory_space<vmem>>, vector<1x16xf32>,
    %get3A_2224 = arith.constant 9 : i32
    %get3A_2225 = arith.index_cast %get3A_2224 : i32 to index
    %get3A_2226 = arith.constant 80 : index
    %get3A_2227 = tpu.vector_load %arg12[%get3A_2225, %get3A_2226] {strides = array<i32>} : memref<48x128xf32, #tpu.memory_space<vmem>>, vector<1x16xf32>,
    %get3A_2228 = vector.shape_cast %get3A_2227 : vector<1x16xf32> to vector<16xf32>
    %get3A_2229 = arith.constant 9 : i32
    %get3A_2230 = arith.index_cast %get3A_2229 : i32 to index
    %get3A_2231 = arith.constant 80 : index
    %get3A_2232 = tpu.vector_load %arg14[%get3A_2230, %get3A_2231] {strides = array<i32>} : memref<48x128xf32, #tpu.memory_space<vmem>>, vector<1x16xf32>,
    %get3A_2233 = vector.shape_cast %get3A_2232 : vector<1x16xf32> to vector<16xf32>
    %add3A_2234 = arith.addf %get3A_2228, %get3A_2233 : vector<16xf32>
    %max3A_2235 = arith.constant 0.000000e+00 : f32
    %max3A_2236 = vector.broadcast %max3A_2235 : f32 to vector<16xf32>
    %max3A_2237 = arith.maximumf %add3A_2234, %max3A_2236 : vector<16xf32>
    %swap3A_2238 = arith.constant 9 : i32
    %swap3A_2239 = arith.index_cast %swap3A_2238 : i32 to index
    %swap3A_2240 = arith.constant 80 : index
    %swap3A_2241 = tpu.vector_load %arg16[%swap3A_2239, %swap3A_2240] {strides = array<i32>} : memref<48x144xf32, #tpu.memory_space<vmem>>, vector<1x16xf32>,
    %swap3A_2242 = vector.shape_cast %swap3A_2241 : vector<1x16xf32> to vector<16xf32>
    %swap3A_2243 = vector.shape_cast %max3A_2237 : vector<16xf32> to vector<1x16xf32>
    tpu.vector_store %arg16[%swap3A_2239, %swap3A_2240], %swap3A_2243 {strides = array<i32>} : memref<48x144xf32, #tpu.memory_space<vmem>>, vector<1x16xf32>,
    %get3A_2244 = arith.constant 9 : i32
    %get3A_2245 = arith.index_cast %get3A_2244 : i32 to index
    %get3A_2246 = arith.constant 96 : index
    %get3A_2247 = tpu.vector_load %arg12[%get3A_2245, %get3A_2246] {strides = array<i32>} : memref<48x128xf32, #tpu.memory_space<vmem>>, vector<1x16xf32>,
    %get3A_2248 = vector.shape_cast %get3A_2247 : vector<1x16xf32> to vector<16xf32>
    %get3A_2249 = arith.constant 9 : i32
    %get3A_2250 = arith.index_cast %get3A_2249 : i32 to index
    %get3A_2251 = arith.constant 96 : index
    %get3A_2252 = tpu.vector_load %arg14[%get3A_2250, %get3A_2251] {strides = array<i32>} : memref<48x128xf32, #tpu.memory_space<vmem>>, vector<1x16xf32>,
    %get3A_2253 = vector.shape_cast %get3A_2252 : vector<1x16xf32> to vector<16xf32>
    %add3A_2254 = arith.addf %get3A_2248, %get3A_2253 : vector<16xf32>
    %max3A_2255 = arith.constant 0.000000e+00 : f32
    %max3A_2256 = vector.broadcast %max3A_2255 : f32 to vector<16xf32>
    %max3A_2257 = arith.maximumf %add3A_2254, %max3A_2256 : vector<16xf32>
    %swap3A_2258 = arith.constant 9 : i32
    %swap3A_2259 = arith.index_cast %swap3A_2258 : i32 to index
    %swap3A_2260 = arith.constant 96 : index
    %swap3A_2261 = tpu.vector_load %arg16[%swap3A_2259, %swap3A_2260] {strides = array<i32>} : memref<48x144xf32, #tpu.memory_space<vmem>>, vector<1x16xf32>,
    %swap3A_2262 = vector.shape_cast %swap3A_2261 : vector<1x16xf32> to vector<16xf32>
    %swap3A_2263 = vector.shape_cast %max3A_2257 : vector<16xf32> to vector<1x16xf32>
    tpu.vector_store %arg16[%swap3A_2259, %swap3A_2260], %swap3A_2263 {strides = array<i32>} : memref<48x144xf32, #tpu.memory_space<vmem>>, vector<1x16xf32>,
    %get3A_2264 = arith.constant 9 : i32
    %get3A_2265 = arith.index_cast %get3A_2264 : i32 to index
    %get3A_2266 = arith.constant 112 : index
    %get3A_2267 = tpu.vector_load %arg12[%get3A_2265, %get3A_2266] {strides = array<i32>} : memref<48x128xf32, #tpu.memory_space<vmem>>, vector<1x16xf32>,
    %get3A_2268 = vector.shape_cast %get3A_2267 : vector<1x16xf32> to vector<16xf32>
    %get3A_2269 = arith.constant 9 : i32
    %get3A_2270 = arith.index_cast %get3A_2269 : i32 to index
    %get3A_2271 = arith.constant 112 : index
    %get3A_2272 = tpu.vector_load %arg14[%get3A_2270, %get3A_2271] {strides = array<i32>} : memref<48x128xf32, #tpu.memory_space<vmem>>, vector<1x16xf32>,
    %get3A_2273 = vector.shape_cast %get3A_2272 : vector<1x16xf32> to vector<16xf32>
    %add3A_2274 = arith.addf %get3A_2268, %get3A_2273 : vector<16xf32>
    %max3A_2275 = arith.constant 0.000000e+00 : f32
    %max3A_2276 = vector.broadcast %max3A_2275 : f32 to vector<16xf32>
    %max3A_2277 = arith.maximumf %add3A_2274, %max3A_2276 : vector<16xf32>
    %swap3A_2278 = arith.constant 9 : i32
    %swap3A_2279 = arith.index_cast %swap3A_2278 : i32 to index
    %swap3A_2280 = arith.constant 112 : index
    %swap3A_2281 = tpu.vector_load %arg16[%swap3A_2279, %swap3A_2280] {strides = array<i32>} : memref<48x144xf32, #tpu.memory_space<vmem>>, vector<1x16xf32>,
    %swap3A_2282 = vector.shape_cast %swap3A_2281 : vector<1x16xf32> to vector<16xf32>
    %swap3A_2283 = vector.shape_cast %max3A_2277 : vector<16xf32> to vector<1x16xf32>
    tpu.vector_store %arg16[%swap3A_2279, %swap3A_2280], %swap3A_2283 {strides = array<i32>} : memref<48x144xf32, #tpu.memory_space<vmem>>, vector<1x16xf32>,
    %get3A_2284 = arith.constant 10 : i32
    %get3A_2285 = arith.index_cast %get3A_2284 : i32 to index
    %get3A_2286 = arith.constant 0 : index
    %get3A_2287 = tpu.vector_load %arg12[%get3A_2285, %get3A_2286] {strides = array<i32>} : memref<48x128xf32, #tpu.memory_space<vmem>>, vector<1x16xf32>,
    %get3A_2288 = vector.shape_cast %get3A_2287 : vector<1x16xf32> to vector<16xf32>
    %get3A_2289 = arith.constant 10 : i32
    %get3A_2290 = arith.index_cast %get3A_2289 : i32 to index
    %get3A_2291 = arith.constant 0 : index
    %get3A_2292 = tpu.vector_load %arg14[%get3A_2290, %get3A_2291] {strides = array<i32>} : memref<48x128xf32, #tpu.memory_space<vmem>>, vector<1x16xf32>,
    %get3A_2293 = vector.shape_cast %get3A_2292 : vector<1x16xf32> to vector<16xf32>
    %add3A_2294 = arith.addf %get3A_2288, %get3A_2293 : vector<16xf32>
    %max3A_2295 = arith.constant 0.000000e+00 : f32
    %max3A_2296 = vector.broadcast %max3A_2295 : f32 to vector<16xf32>
    %max3A_2297 = arith.maximumf %add3A_2294, %max3A_2296 : vector<16xf32>
    %swap3A_2298 = arith.constant 10 : i32
    %swap3A_2299 = arith.index_cast %swap3A_2298 : i32 to index
    %swap3A_2300 = arith.constant 0 : index
    %swap3A_2301 = tpu.vector_load %arg16[%swap3A_2299, %swap3A_2300] {strides = array<i32>} : memref<48x144xf32, #tpu.memory_space<vmem>>, vector<1x16xf32>,
    %swap3A_2302 = vector.shape_cast %swap3A_2301 : vector<1x16xf32> to vector<16xf32>
    %swap3A_2303 = vector.shape_cast %max3A_2297 : vector<16xf32> to vector<1x16xf32>
    tpu.vector_store %arg16[%swap3A_2299, %swap3A_2300], %swap3A_2303 {strides = array<i32>} : memref<48x144xf32, #tpu.memory_space<vmem>>, vector<1x16xf32>,
    %get3A_2304 = arith.constant 10 : i32
    %get3A_2305 = arith.index_cast %get3A_2304 : i32 to index
    %get3A_2306 = arith.constant 16 : index
    %get3A_2307 = tpu.vector_load %arg12[%get3A_2305, %get3A_2306] {strides = array<i32>} : memref<48x128xf32, #tpu.memory_space<vmem>>, vector<1x16xf32>,
    %get3A_2308 = vector.shape_cast %get3A_2307 : vector<1x16xf32> to vector<16xf32>
    %get3A_2309 = arith.constant 10 : i32
    %get3A_2310 = arith.index_cast %get3A_2309 : i32 to index
    %get3A_2311 = arith.constant 16 : index
    %get3A_2312 = tpu.vector_load %arg14[%get3A_2310, %get3A_2311] {strides = array<i32>} : memref<48x128xf32, #tpu.memory_space<vmem>>, vector<1x16xf32>,
    %get3A_2313 = vector.shape_cast %get3A_2312 : vector<1x16xf32> to vector<16xf32>
    %add3A_2314 = arith.addf %get3A_2308, %get3A_2313 : vector<16xf32>
    %max3A_2315 = arith.constant 0.000000e+00 : f32
    %max3A_2316 = vector.broadcast %max3A_2315 : f32 to vector<16xf32>
    %max3A_2317 = arith.maximumf %add3A_2314, %max3A_2316 : vector<16xf32>
    %swap3A_2318 = arith.constant 10 : i32
    %swap3A_2319 = arith.index_cast %swap3A_2318 : i32 to index
    %swap3A_2320 = arith.constant 16 : index
    %swap3A_2321 = tpu.vector_load %arg16[%swap3A_2319, %swap3A_2320] {strides = array<i32>} : memref<48x144xf32, #tpu.memory_space<vmem>>, vector<1x16xf32>,
    %swap3A_2322 = vector.shape_cast %swap3A_2321 : vector<1x16xf32> to vector<16xf32>
    %swap3A_2323 = vector.shape_cast %max3A_2317 : vector<16xf32> to vector<1x16xf32>
    tpu.vector_store %arg16[%swap3A_2319, %swap3A_2320], %swap3A_2323 {strides = array<i32>} : memref<48x144xf32, #tpu.memory_space<vmem>>, vector<1x16xf32>,
    %get3A_2324 = arith.constant 10 : i32
    %get3A_2325 = arith.index_cast %get3A_2324 : i32 to index
    %get3A_2326 = arith.constant 32 : index
    %get3A_2327 = tpu.vector_load %arg12[%get3A_2325, %get3A_2326] {strides = array<i32>} : memref<48x128xf32, #tpu.memory_space<vmem>>, vector<1x16xf32>,
    %get3A_2328 = vector.shape_cast %get3A_2327 : vector<1x16xf32> to vector<16xf32>
    %get3A_2329 = arith.constant 10 : i32
    %get3A_2330 = arith.index_cast %get3A_2329 : i32 to index
    %get3A_2331 = arith.constant 32 : index
    %get3A_2332 = tpu.vector_load %arg14[%get3A_2330, %get3A_2331] {strides = array<i32>} : memref<48x128xf32, #tpu.memory_space<vmem>>, vector<1x16xf32>,
    %get3A_2333 = vector.shape_cast %get3A_2332 : vector<1x16xf32> to vector<16xf32>
    %add3A_2334 = arith.addf %get3A_2328, %get3A_2333 : vector<16xf32>
    %max3A_2335 = arith.constant 0.000000e+00 : f32
    %max3A_2336 = vector.broadcast %max3A_2335 : f32 to vector<16xf32>
    %max3A_2337 = arith.maximumf %add3A_2334, %max3A_2336 : vector<16xf32>
    %swap3A_2338 = arith.constant 10 : i32
    %swap3A_2339 = arith.index_cast %swap3A_2338 : i32 to index
    %swap3A_2340 = arith.constant 32 : index
    %swap3A_2341 = tpu.vector_load %arg16[%swap3A_2339, %swap3A_2340] {strides = array<i32>} : memref<48x144xf32, #tpu.memory_space<vmem>>, vector<1x16xf32>,
    %swap3A_2342 = vector.shape_cast %swap3A_2341 : vector<1x16xf32> to vector<16xf32>
    %swap3A_2343 = vector.shape_cast %max3A_2337 : vector<16xf32> to vector<1x16xf32>
    tpu.vector_store %arg16[%swap3A_2339, %swap3A_2340], %swap3A_2343 {strides = array<i32>} : memref<48x144xf32, #tpu.memory_space<vmem>>, vector<1x16xf32>,
    %get3A_2344 = arith.constant 10 : i32
    %get3A_2345 = arith.index_cast %get3A_2344 : i32 to index
    %get3A_2346 = arith.constant 48 : index
    %get3A_2347 = tpu.vector_load %arg12[%get3A_2345, %get3A_2346] {strides = array<i32>} : memref<48x128xf32, #tpu.memory_space<vmem>>, vector<1x16xf32>,
    %get3A_2348 = vector.shape_cast %get3A_2347 : vector<1x16xf32> to vector<16xf32>
    %get3A_2349 = arith.constant 10 : i32
    %get3A_2350 = arith.index_cast %get3A_2349 : i32 to index
    %get3A_2351 = arith.constant 48 : index
    %get3A_2352 = tpu.vector_load %arg14[%get3A_2350, %get3A_2351] {strides = array<i32>} : memref<48x128xf32, #tpu.memory_space<vmem>>, vector<1x16xf32>,
    %get3A_2353 = vector.shape_cast %get3A_2352 : vector<1x16xf32> to vector<16xf32>
    %add3A_2354 = arith.addf %get3A_2348, %get3A_2353 : vector<16xf32>
    %max3A_2355 = arith.constant 0.000000e+00 : f32
    %max3A_2356 = vector.broadcast %max3A_2355 : f32 to vector<16xf32>
    %max3A_2357 = arith.maximumf %add3A_2354, %max3A_2356 : vector<16xf32>
    %swap3A_2358 = arith.constant 10 : i32
    %swap3A_2359 = arith.index_cast %swap3A_2358 : i32 to index
    %swap3A_2360 = arith.constant 48 : index
    %swap3A_2361 = tpu.vector_load %arg16[%swap3A_2359, %swap3A_2360] {strides = array<i32>} : memref<48x144xf32, #tpu.memory_space<vmem>>, vector<1x16xf32>,
    %swap3A_2362 = vector.shape_cast %swap3A_2361 : vector<1x16xf32> to vector<16xf32>
    %swap3A_2363 = vector.shape_cast %max3A_2357 : vector<16xf32> to vector<1x16xf32>
    tpu.vector_store %arg16[%swap3A_2359, %swap3A_2360], %swap3A_2363 {strides = array<i32>} : memref<48x144xf32, #tpu.memory_space<vmem>>, vector<1x16xf32>,
    %get3A_2364 = arith.constant 10 : i32
    %get3A_2365 = arith.index_cast %get3A_2364 : i32 to index
    %get3A_2366 = arith.constant 64 : index
    %get3A_2367 = tpu.vector_load %arg12[%get3A_2365, %get3A_2366] {strides = array<i32>} : memref<48x128xf32, #tpu.memory_space<vmem>>, vector<1x16xf32>,
    %get3A_2368 = vector.shape_cast %get3A_2367 : vector<1x16xf32> to vector<16xf32>
    %get3A_2369 = arith.constant 10 : i32
    %get3A_2370 = arith.index_cast %get3A_2369 : i32 to index
    %get3A_2371 = arith.constant 64 : index
    %get3A_2372 = tpu.vector_load %arg14[%get3A_2370, %get3A_2371] {strides = array<i32>} : memref<48x128xf32, #tpu.memory_space<vmem>>, vector<1x16xf32>,
    %get3A_2373 = vector.shape_cast %get3A_2372 : vector<1x16xf32> to vector<16xf32>
    %add3A_2374 = arith.addf %get3A_2368, %get3A_2373 : vector<16xf32>
    %max3A_2375 = arith.constant 0.000000e+00 : f32
    %max3A_2376 = vector.broadcast %max3A_2375 : f32 to vector<16xf32>
    %max3A_2377 = arith.maximumf %add3A_2374, %max3A_2376 : vector<16xf32>
    %swap3A_2378 = arith.constant 10 : i32
    %swap3A_2379 = arith.index_cast %swap3A_2378 : i32 to index
    %swap3A_2380 = arith.constant 64 : index
    %swap3A_2381 = tpu.vector_load %arg16[%swap3A_2379, %swap3A_2380] {strides = array<i32>} : memref<48x144xf32, #tpu.memory_space<vmem>>, vector<1x16xf32>,
    %swap3A_2382 = vector.shape_cast %swap3A_2381 : vector<1x16xf32> to vector<16xf32>
    %swap3A_2383 = vector.shape_cast %max3A_2377 : vector<16xf32> to vector<1x16xf32>
    tpu.vector_store %arg16[%swap3A_2379, %swap3A_2380], %swap3A_2383 {strides = array<i32>} : memref<48x144xf32, #tpu.memory_space<vmem>>, vector<1x16xf32>,
    %get3A_2384 = arith.constant 10 : i32
    %get3A_2385 = arith.index_cast %get3A_2384 : i32 to index
    %get3A_2386 = arith.constant 80 : index
    %get3A_2387 = tpu.vector_load %arg12[%get3A_2385, %get3A_2386] {strides = array<i32>} : memref<48x128xf32, #tpu.memory_space<vmem>>, vector<1x16xf32>,
    %get3A_2388 = vector.shape_cast %get3A_2387 : vector<1x16xf32> to vector<16xf32>
    %get3A_2389 = arith.constant 10 : i32
    %get3A_2390 = arith.index_cast %get3A_2389 : i32 to index
    %get3A_2391 = arith.constant 80 : index
    %get3A_2392 = tpu.vector_load %arg14[%get3A_2390, %get3A_2391] {strides = array<i32>} : memref<48x128xf32, #tpu.memory_space<vmem>>, vector<1x16xf32>,
    %get3A_2393 = vector.shape_cast %get3A_2392 : vector<1x16xf32> to vector<16xf32>
    %add3A_2394 = arith.addf %get3A_2388, %get3A_2393 : vector<16xf32>
    %max3A_2395 = arith.constant 0.000000e+00 : f32
    %max3A_2396 = vector.broadcast %max3A_2395 : f32 to vector<16xf32>
    %max3A_2397 = arith.maximumf %add3A_2394, %max3A_2396 : vector<16xf32>
    %swap3A_2398 = arith.constant 10 : i32
    %swap3A_2399 = arith.index_cast %swap3A_2398 : i32 to index
    %swap3A_2400 = arith.constant 80 : index
    %swap3A_2401 = tpu.vector_load %arg16[%swap3A_2399, %swap3A_2400] {strides = array<i32>} : memref<48x144xf32, #tpu.memory_space<vmem>>, vector<1x16xf32>,
    %swap3A_2402 = vector.shape_cast %swap3A_2401 : vector<1x16xf32> to vector<16xf32>
    %swap3A_2403 = vector.shape_cast %max3A_2397 : vector<16xf32> to vector<1x16xf32>
    tpu.vector_store %arg16[%swap3A_2399, %swap3A_2400], %swap3A_2403 {strides = array<i32>} : memref<48x144xf32, #tpu.memory_space<vmem>>, vector<1x16xf32>,
    %get3A_2404 = arith.constant 10 : i32
    %get3A_2405 = arith.index_cast %get3A_2404 : i32 to index
    %get3A_2406 = arith.constant 96 : index
    %get3A_2407 = tpu.vector_load %arg12[%get3A_2405, %get3A_2406] {strides = array<i32>} : memref<48x128xf32, #tpu.memory_space<vmem>>, vector<1x16xf32>,
    %get3A_2408 = vector.shape_cast %get3A_2407 : vector<1x16xf32> to vector<16xf32>
    %get3A_2409 = arith.constant 10 : i32
    %get3A_2410 = arith.index_cast %get3A_2409 : i32 to index
    %get3A_2411 = arith.constant 96 : index
    %get3A_2412 = tpu.vector_load %arg14[%get3A_2410, %get3A_2411] {strides = array<i32>} : memref<48x128xf32, #tpu.memory_space<vmem>>, vector<1x16xf32>,
    %get3A_2413 = vector.shape_cast %get3A_2412 : vector<1x16xf32> to vector<16xf32>
    %add3A_2414 = arith.addf %get3A_2408, %get3A_2413 : vector<16xf32>
    %max3A_2415 = arith.constant 0.000000e+00 : f32
    %max3A_2416 = vector.broadcast %max3A_2415 : f32 to vector<16xf32>
    %max3A_2417 = arith.maximumf %add3A_2414, %max3A_2416 : vector<16xf32>
    %swap3A_2418 = arith.constant 10 : i32
    %swap3A_2419 = arith.index_cast %swap3A_2418 : i32 to index
    %swap3A_2420 = arith.constant 96 : index
    %swap3A_2421 = tpu.vector_load %arg16[%swap3A_2419, %swap3A_2420] {strides = array<i32>} : memref<48x144xf32, #tpu.memory_space<vmem>>, vector<1x16xf32>,
    %swap3A_2422 = vector.shape_cast %swap3A_2421 : vector<1x16xf32> to vector<16xf32>
    %swap3A_2423 = vector.shape_cast %max3A_2417 : vector<16xf32> to vector<1x16xf32>
    tpu.vector_store %arg16[%swap3A_2419, %swap3A_2420], %swap3A_2423 {strides = array<i32>} : memref<48x144xf32, #tpu.memory_space<vmem>>, vector<1x16xf32>,
    %get3A_2424 = arith.constant 10 : i32
    %get3A_2425 = arith.index_cast %get3A_2424 : i32 to index
    %get3A_2426 = arith.constant 112 : index
    %get3A_2427 = tpu.vector_load %arg12[%get3A_2425, %get3A_2426] {strides = array<i32>} : memref<48x128xf32, #tpu.memory_space<vmem>>, vector<1x16xf32>,
    %get3A_2428 = vector.shape_cast %get3A_2427 : vector<1x16xf32> to vector<16xf32>
    %get3A_2429 = arith.constant 10 : i32
    %get3A_2430 = arith.index_cast %get3A_2429 : i32 to index
    %get3A_2431 = arith.constant 112 : index
    %get3A_2432 = tpu.vector_load %arg14[%get3A_2430, %get3A_2431] {strides = array<i32>} : memref<48x128xf32, #tpu.memory_space<vmem>>, vector<1x16xf32>,
    %get3A_2433 = vector.shape_cast %get3A_2432 : vector<1x16xf32> to vector<16xf32>
    %add3A_2434 = arith.addf %get3A_2428, %get3A_2433 : vector<16xf32>
    %max3A_2435 = arith.constant 0.000000e+00 : f32
    %max3A_2436 = vector.broadcast %max3A_2435 : f32 to vector<16xf32>
    %max3A_2437 = arith.maximumf %add3A_2434, %max3A_2436 : vector<16xf32>
    %swap3A_2438 = arith.constant 10 : i32
    %swap3A_2439 = arith.index_cast %swap3A_2438 : i32 to index
    %swap3A_2440 = arith.constant 112 : index
    %swap3A_2441 = tpu.vector_load %arg16[%swap3A_2439, %swap3A_2440] {strides = array<i32>} : memref<48x144xf32, #tpu.memory_space<vmem>>, vector<1x16xf32>,
    %swap3A_2442 = vector.shape_cast %swap3A_2441 : vector<1x16xf32> to vector<16xf32>
    %swap3A_2443 = vector.shape_cast %max3A_2437 : vector<16xf32> to vector<1x16xf32>
    tpu.vector_store %arg16[%swap3A_2439, %swap3A_2440], %swap3A_2443 {strides = array<i32>} : memref<48x144xf32, #tpu.memory_space<vmem>>, vector<1x16xf32>,
    %get3A_2444 = arith.constant 11 : i32
    %get3A_2445 = arith.index_cast %get3A_2444 : i32 to index
    %get3A_2446 = arith.constant 0 : index
    %get3A_2447 = tpu.vector_load %arg12[%get3A_2445, %get3A_2446] {strides = array<i32>} : memref<48x128xf32, #tpu.memory_space<vmem>>, vector<1x16xf32>,
    %get3A_2448 = vector.shape_cast %get3A_2447 : vector<1x16xf32> to vector<16xf32>
    %get3A_2449 = arith.constant 11 : i32
    %get3A_2450 = arith.index_cast %get3A_2449 : i32 to index
    %get3A_2451 = arith.constant 0 : index
    %get3A_2452 = tpu.vector_load %arg14[%get3A_2450, %get3A_2451] {strides = array<i32>} : memref<48x128xf32, #tpu.memory_space<vmem>>, vector<1x16xf32>,
    %get3A_2453 = vector.shape_cast %get3A_2452 : vector<1x16xf32> to vector<16xf32>
    %add3A_2454 = arith.addf %get3A_2448, %get3A_2453 : vector<16xf32>
    %max3A_2455 = arith.constant 0.000000e+00 : f32
    %max3A_2456 = vector.broadcast %max3A_2455 : f32 to vector<16xf32>
    %max3A_2457 = arith.maximumf %add3A_2454, %max3A_2456 : vector<16xf32>
    %swap3A_2458 = arith.constant 11 : i32
    %swap3A_2459 = arith.index_cast %swap3A_2458 : i32 to index
    %swap3A_2460 = arith.constant 0 : index
    %swap3A_2461 = tpu.vector_load %arg16[%swap3A_2459, %swap3A_2460] {strides = array<i32>} : memref<48x144xf32, #tpu.memory_space<vmem>>, vector<1x16xf32>,
    %swap3A_2462 = vector.shape_cast %swap3A_2461 : vector<1x16xf32> to vector<16xf32>
    %swap3A_2463 = vector.shape_cast %max3A_2457 : vector<16xf32> to vector<1x16xf32>
    tpu.vector_store %arg16[%swap3A_2459, %swap3A_2460], %swap3A_2463 {strides = array<i32>} : memref<48x144xf32, #tpu.memory_space<vmem>>, vector<1x16xf32>,
    %get3A_2464 = arith.constant 11 : i32
    %get3A_2465 = arith.index_cast %get3A_2464 : i32 to index
    %get3A_2466 = arith.constant 16 : index
    %get3A_2467 = tpu.vector_load %arg12[%get3A_2465, %get3A_2466] {strides = array<i32>} : memref<48x128xf32, #tpu.memory_space<vmem>>, vector<1x16xf32>,
    %get3A_2468 = vector.shape_cast %get3A_2467 : vector<1x16xf32> to vector<16xf32>
    %get3A_2469 = arith.constant 11 : i32
    %get3A_2470 = arith.index_cast %get3A_2469 : i32 to index
    %get3A_2471 = arith.constant 16 : index
    %get3A_2472 = tpu.vector_load %arg14[%get3A_2470, %get3A_2471] {strides = array<i32>} : memref<48x128xf32, #tpu.memory_space<vmem>>, vector<1x16xf32>,
    %get3A_2473 = vector.shape_cast %get3A_2472 : vector<1x16xf32> to vector<16xf32>
    %add3A_2474 = arith.addf %get3A_2468, %get3A_2473 : vector<16xf32>
    %max3A_2475 = arith.constant 0.000000e+00 : f32
    %max3A_2476 = vector.broadcast %max3A_2475 : f32 to vector<16xf32>
    %max3A_2477 = arith.maximumf %add3A_2474, %max3A_2476 : vector<16xf32>
    %swap3A_2478 = arith.constant 11 : i32
    %swap3A_2479 = arith.index_cast %swap3A_2478 : i32 to index
    %swap3A_2480 = arith.constant 16 : index
    %swap3A_2481 = tpu.vector_load %arg16[%swap3A_2479, %swap3A_2480] {strides = array<i32>} : memref<48x144xf32, #tpu.memory_space<vmem>>, vector<1x16xf32>,
    %swap3A_2482 = vector.shape_cast %swap3A_2481 : vector<1x16xf32> to vector<16xf32>
    %swap3A_2483 = vector.shape_cast %max3A_2477 : vector<16xf32> to vector<1x16xf32>
    tpu.vector_store %arg16[%swap3A_2479, %swap3A_2480], %swap3A_2483 {strides = array<i32>} : memref<48x144xf32, #tpu.memory_space<vmem>>, vector<1x16xf32>,
    %get3A_2484 = arith.constant 11 : i32
    %get3A_2485 = arith.index_cast %get3A_2484 : i32 to index
    %get3A_2486 = arith.constant 32 : index
    %get3A_2487 = tpu.vector_load %arg12[%get3A_2485, %get3A_2486] {strides = array<i32>} : memref<48x128xf32, #tpu.memory_space<vmem>>, vector<1x16xf32>,
    %get3A_2488 = vector.shape_cast %get3A_2487 : vector<1x16xf32> to vector<16xf32>
    %get3A_2489 = arith.constant 11 : i32
    %get3A_2490 = arith.index_cast %get3A_2489 : i32 to index
    %get3A_2491 = arith.constant 32 : index
    %get3A_2492 = tpu.vector_load %arg14[%get3A_2490, %get3A_2491] {strides = array<i32>} : memref<48x128xf32, #tpu.memory_space<vmem>>, vector<1x16xf32>,
    %get3A_2493 = vector.shape_cast %get3A_2492 : vector<1x16xf32> to vector<16xf32>
    %add3A_2494 = arith.addf %get3A_2488, %get3A_2493 : vector<16xf32>
    %max3A_2495 = arith.constant 0.000000e+00 : f32
    %max3A_2496 = vector.broadcast %max3A_2495 : f32 to vector<16xf32>
    %max3A_2497 = arith.maximumf %add3A_2494, %max3A_2496 : vector<16xf32>
    %swap3A_2498 = arith.constant 11 : i32
    %swap3A_2499 = arith.index_cast %swap3A_2498 : i32 to index
    %swap3A_2500 = arith.constant 32 : index
    %swap3A_2501 = tpu.vector_load %arg16[%swap3A_2499, %swap3A_2500] {strides = array<i32>} : memref<48x144xf32, #tpu.memory_space<vmem>>, vector<1x16xf32>,
    %swap3A_2502 = vector.shape_cast %swap3A_2501 : vector<1x16xf32> to vector<16xf32>
    %swap3A_2503 = vector.shape_cast %max3A_2497 : vector<16xf32> to vector<1x16xf32>
    tpu.vector_store %arg16[%swap3A_2499, %swap3A_2500], %swap3A_2503 {strides = array<i32>} : memref<48x144xf32, #tpu.memory_space<vmem>>, vector<1x16xf32>,
    %get3A_2504 = arith.constant 11 : i32
    %get3A_2505 = arith.index_cast %get3A_2504 : i32 to index
    %get3A_2506 = arith.constant 48 : index
    %get3A_2507 = tpu.vector_load %arg12[%get3A_2505, %get3A_2506] {strides = array<i32>} : memref<48x128xf32, #tpu.memory_space<vmem>>, vector<1x16xf32>,
    %get3A_2508 = vector.shape_cast %get3A_2507 : vector<1x16xf32> to vector<16xf32>
    %get3A_2509 = arith.constant 11 : i32
    %get3A_2510 = arith.index_cast %get3A_2509 : i32 to index
    %get3A_2511 = arith.constant 48 : index
    %get3A_2512 = tpu.vector_load %arg14[%get3A_2510, %get3A_2511] {strides = array<i32>} : memref<48x128xf32, #tpu.memory_space<vmem>>, vector<1x16xf32>,
    %get3A_2513 = vector.shape_cast %get3A_2512 : vector<1x16xf32> to vector<16xf32>
    %add3A_2514 = arith.addf %get3A_2508, %get3A_2513 : vector<16xf32>
    %max3A_2515 = arith.constant 0.000000e+00 : f32
    %max3A_2516 = vector.broadcast %max3A_2515 : f32 to vector<16xf32>
    %max3A_2517 = arith.maximumf %add3A_2514, %max3A_2516 : vector<16xf32>
    %swap3A_2518 = arith.constant 11 : i32
    %swap3A_2519 = arith.index_cast %swap3A_2518 : i32 to index
    %swap3A_2520 = arith.constant 48 : index
    %swap3A_2521 = tpu.vector_load %arg16[%swap3A_2519, %swap3A_2520] {strides = array<i32>} : memref<48x144xf32, #tpu.memory_space<vmem>>, vector<1x16xf32>,
    %swap3A_2522 = vector.shape_cast %swap3A_2521 : vector<1x16xf32> to vector<16xf32>
    %swap3A_2523 = vector.shape_cast %max3A_2517 : vector<16xf32> to vector<1x16xf32>
    tpu.vector_store %arg16[%swap3A_2519, %swap3A_2520], %swap3A_2523 {strides = array<i32>} : memref<48x144xf32, #tpu.memory_space<vmem>>, vector<1x16xf32>,
    %get3A_2524 = arith.constant 11 : i32
    %get3A_2525 = arith.index_cast %get3A_2524 : i32 to index
    %get3A_2526 = arith.constant 64 : index
    %get3A_2527 = tpu.vector_load %arg12[%get3A_2525, %get3A_2526] {strides = array<i32>} : memref<48x128xf32, #tpu.memory_space<vmem>>, vector<1x16xf32>,
    %get3A_2528 = vector.shape_cast %get3A_2527 : vector<1x16xf32> to vector<16xf32>
    %get3A_2529 = arith.constant 11 : i32
    %get3A_2530 = arith.index_cast %get3A_2529 : i32 to index
    %get3A_2531 = arith.constant 64 : index
    %get3A_2532 = tpu.vector_load %arg14[%get3A_2530, %get3A_2531] {strides = array<i32>} : memref<48x128xf32, #tpu.memory_space<vmem>>, vector<1x16xf32>,
    %get3A_2533 = vector.shape_cast %get3A_2532 : vector<1x16xf32> to vector<16xf32>
    %add3A_2534 = arith.addf %get3A_2528, %get3A_2533 : vector<16xf32>
    %max3A_2535 = arith.constant 0.000000e+00 : f32
    %max3A_2536 = vector.broadcast %max3A_2535 : f32 to vector<16xf32>
    %max3A_2537 = arith.maximumf %add3A_2534, %max3A_2536 : vector<16xf32>
    %swap3A_2538 = arith.constant 11 : i32
    %swap3A_2539 = arith.index_cast %swap3A_2538 : i32 to index
    %swap3A_2540 = arith.constant 64 : index
    %swap3A_2541 = tpu.vector_load %arg16[%swap3A_2539, %swap3A_2540] {strides = array<i32>} : memref<48x144xf32, #tpu.memory_space<vmem>>, vector<1x16xf32>,
    %swap3A_2542 = vector.shape_cast %swap3A_2541 : vector<1x16xf32> to vector<16xf32>
    %swap3A_2543 = vector.shape_cast %max3A_2537 : vector<16xf32> to vector<1x16xf32>
    tpu.vector_store %arg16[%swap3A_2539, %swap3A_2540], %swap3A_2543 {strides = array<i32>} : memref<48x144xf32, #tpu.memory_space<vmem>>, vector<1x16xf32>,
    %get3A_2544 = arith.constant 11 : i32
    %get3A_2545 = arith.index_cast %get3A_2544 : i32 to index
    %get3A_2546 = arith.constant 80 : index
    %get3A_2547 = tpu.vector_load %arg12[%get3A_2545, %get3A_2546] {strides = array<i32>} : memref<48x128xf32, #tpu.memory_space<vmem>>, vector<1x16xf32>,
    %get3A_2548 = vector.shape_cast %get3A_2547 : vector<1x16xf32> to vector<16xf32>
    %get3A_2549 = arith.constant 11 : i32
    %get3A_2550 = arith.index_cast %get3A_2549 : i32 to index
    %get3A_2551 = arith.constant 80 : index
    %get3A_2552 = tpu.vector_load %arg14[%get3A_2550, %get3A_2551] {strides = array<i32>} : memref<48x128xf32, #tpu.memory_space<vmem>>, vector<1x16xf32>,
    %get3A_2553 = vector.shape_cast %get3A_2552 : vector<1x16xf32> to vector<16xf32>
    %add3A_2554 = arith.addf %get3A_2548, %get3A_2553 : vector<16xf32>
    %max3A_2555 = arith.constant 0.000000e+00 : f32
    %max3A_2556 = vector.broadcast %max3A_2555 : f32 to vector<16xf32>
    %max3A_2557 = arith.maximumf %add3A_2554, %max3A_2556 : vector<16xf32>
    %swap3A_2558 = arith.constant 11 : i32
    %swap3A_2559 = arith.index_cast %swap3A_2558 : i32 to index
    %swap3A_2560 = arith.constant 80 : index
    %swap3A_2561 = tpu.vector_load %arg16[%swap3A_2559, %swap3A_2560] {strides = array<i32>} : memref<48x144xf32, #tpu.memory_space<vmem>>, vector<1x16xf32>,
    %swap3A_2562 = vector.shape_cast %swap3A_2561 : vector<1x16xf32> to vector<16xf32>
    %swap3A_2563 = vector.shape_cast %max3A_2557 : vector<16xf32> to vector<1x16xf32>
    tpu.vector_store %arg16[%swap3A_2559, %swap3A_2560], %swap3A_2563 {strides = array<i32>} : memref<48x144xf32, #tpu.memory_space<vmem>>, vector<1x16xf32>,
    %get3A_2564 = arith.constant 11 : i32
    %get3A_2565 = arith.index_cast %get3A_2564 : i32 to index
    %get3A_2566 = arith.constant 96 : index
    %get3A_2567 = tpu.vector_load %arg12[%get3A_2565, %get3A_2566] {strides = array<i32>} : memref<48x128xf32, #tpu.memory_space<vmem>>, vector<1x16xf32>,
    %get3A_2568 = vector.shape_cast %get3A_2567 : vector<1x16xf32> to vector<16xf32>
    %get3A_2569 = arith.constant 11 : i32
    %get3A_2570 = arith.index_cast %get3A_2569 : i32 to index
    %get3A_2571 = arith.constant 96 : index
    %get3A_2572 = tpu.vector_load %arg14[%get3A_2570, %get3A_2571] {strides = array<i32>} : memref<48x128xf32, #tpu.memory_space<vmem>>, vector<1x16xf32>,
    %get3A_2573 = vector.shape_cast %get3A_2572 : vector<1x16xf32> to vector<16xf32>
    %add3A_2574 = arith.addf %get3A_2568, %get3A_2573 : vector<16xf32>
    %max3A_2575 = arith.constant 0.000000e+00 : f32
    %max3A_2576 = vector.broadcast %max3A_2575 : f32 to vector<16xf32>
    %max3A_2577 = arith.maximumf %add3A_2574, %max3A_2576 : vector<16xf32>
    %swap3A_2578 = arith.constant 11 : i32
    %swap3A_2579 = arith.index_cast %swap3A_2578 : i32 to index
    %swap3A_2580 = arith.constant 96 : index
    %swap3A_2581 = tpu.vector_load %arg16[%swap3A_2579, %swap3A_2580] {strides = array<i32>} : memref<48x144xf32, #tpu.memory_space<vmem>>, vector<1x16xf32>,
    %swap3A_2582 = vector.shape_cast %swap3A_2581 : vector<1x16xf32> to vector<16xf32>
    %swap3A_2583 = vector.shape_cast %max3A_2577 : vector<16xf32> to vector<1x16xf32>
    tpu.vector_store %arg16[%swap3A_2579, %swap3A_2580], %swap3A_2583 {strides = array<i32>} : memref<48x144xf32, #tpu.memory_space<vmem>>, vector<1x16xf32>,
    %get3A_2584 = arith.constant 11 : i32
    %get3A_2585 = arith.index_cast %get3A_2584 : i32 to index
    %get3A_2586 = arith.constant 112 : index
    %get3A_2587 = tpu.vector_load %arg12[%get3A_2585, %get3A_2586] {strides = array<i32>} : memref<48x128xf32, #tpu.memory_space<vmem>>, vector<1x16xf32>,
    %get3A_2588 = vector.shape_cast %get3A_2587 : vector<1x16xf32> to vector<16xf32>
    %get3A_2589 = arith.constant 11 : i32
    %get3A_2590 = arith.index_cast %get3A_2589 : i32 to index
    %get3A_2591 = arith.constant 112 : index
    %get3A_2592 = tpu.vector_load %arg14[%get3A_2590, %get3A_2591] {strides = array<i32>} : memref<48x128xf32, #tpu.memory_space<vmem>>, vector<1x16xf32>,
    %get3A_2593 = vector.shape_cast %get3A_2592 : vector<1x16xf32> to vector<16xf32>
    %add3A_2594 = arith.addf %get3A_2588, %get3A_2593 : vector<16xf32>
    %max3A_2595 = arith.constant 0.000000e+00 : f32
    %max3A_2596 = vector.broadcast %max3A_2595 : f32 to vector<16xf32>
    %max3A_2597 = arith.maximumf %add3A_2594, %max3A_2596 : vector<16xf32>
    %swap3A_2598 = arith.constant 11 : i32
    %swap3A_2599 = arith.index_cast %swap3A_2598 : i32 to index
    %swap3A_2600 = arith.constant 112 : index
    %swap3A_2601 = tpu.vector_load %arg16[%swap3A_2599, %swap3A_2600] {strides = array<i32>} : memref<48x144xf32, #tpu.memory_space<vmem>>, vector<1x16xf32>,
    %swap3A_2602 = vector.shape_cast %swap3A_2601 : vector<1x16xf32> to vector<16xf32>
    %swap3A_2603 = vector.shape_cast %max3A_2597 : vector<16xf32> to vector<1x16xf32>
    tpu.vector_store %arg16[%swap3A_2599, %swap3A_2600], %swap3A_2603 {strides = array<i32>} : memref<48x144xf32, #tpu.memory_space<vmem>>, vector<1x16xf32>,
    %get3A_2604 = arith.constant 12 : i32
    %get3A_2605 = arith.index_cast %get3A_2604 : i32 to index
    %get3A_2606 = arith.constant 0 : index
    %get3A_2607 = tpu.vector_load %arg12[%get3A_2605, %get3A_2606] {strides = array<i32>} : memref<48x128xf32, #tpu.memory_space<vmem>>, vector<1x16xf32>,
    %get3A_2608 = vector.shape_cast %get3A_2607 : vector<1x16xf32> to vector<16xf32>
    %get3A_2609 = arith.constant 12 : i32
    %get3A_2610 = arith.index_cast %get3A_2609 : i32 to index
    %get3A_2611 = arith.constant 0 : index
    %get3A_2612 = tpu.vector_load %arg14[%get3A_2610, %get3A_2611] {strides = array<i32>} : memref<48x128xf32, #tpu.memory_space<vmem>>, vector<1x16xf32>,
    %get3A_2613 = vector.shape_cast %get3A_2612 : vector<1x16xf32> to vector<16xf32>
    %add3A_2614 = arith.addf %get3A_2608, %get3A_2613 : vector<16xf32>
    %max3A_2615 = arith.constant 0.000000e+00 : f32
    %max3A_2616 = vector.broadcast %max3A_2615 : f32 to vector<16xf32>
    %max3A_2617 = arith.maximumf %add3A_2614, %max3A_2616 : vector<16xf32>
    %swap3A_2618 = arith.constant 12 : i32
    %swap3A_2619 = arith.index_cast %swap3A_2618 : i32 to index
    %swap3A_2620 = arith.constant 0 : index
    %swap3A_2621 = tpu.vector_load %arg16[%swap3A_2619, %swap3A_2620] {strides = array<i32>} : memref<48x144xf32, #tpu.memory_space<vmem>>, vector<1x16xf32>,
    %swap3A_2622 = vector.shape_cast %swap3A_2621 : vector<1x16xf32> to vector<16xf32>
    %swap3A_2623 = vector.shape_cast %max3A_2617 : vector<16xf32> to vector<1x16xf32>
    tpu.vector_store %arg16[%swap3A_2619, %swap3A_2620], %swap3A_2623 {strides = array<i32>} : memref<48x144xf32, #tpu.memory_space<vmem>>, vector<1x16xf32>,
    %get3A_2624 = arith.constant 12 : i32
    %get3A_2625 = arith.index_cast %get3A_2624 : i32 to index
    %get3A_2626 = arith.constant 16 : index
    %get3A_2627 = tpu.vector_load %arg12[%get3A_2625, %get3A_2626] {strides = array<i32>} : memref<48x128xf32, #tpu.memory_space<vmem>>, vector<1x16xf32>,
    %get3A_2628 = vector.shape_cast %get3A_2627 : vector<1x16xf32> to vector<16xf32>
    %get3A_2629 = arith.constant 12 : i32
    %get3A_2630 = arith.index_cast %get3A_2629 : i32 to index
    %get3A_2631 = arith.constant 16 : index
    %get3A_2632 = tpu.vector_load %arg14[%get3A_2630, %get3A_2631] {strides = array<i32>} : memref<48x128xf32, #tpu.memory_space<vmem>>, vector<1x16xf32>,
    %get3A_2633 = vector.shape_cast %get3A_2632 : vector<1x16xf32> to vector<16xf32>
    %add3A_2634 = arith.addf %get3A_2628, %get3A_2633 : vector<16xf32>
    %max3A_2635 = arith.constant 0.000000e+00 : f32
    %max3A_2636 = vector.broadcast %max3A_2635 : f32 to vector<16xf32>
    %max3A_2637 = arith.maximumf %add3A_2634, %max3A_2636 : vector<16xf32>
    %swap3A_2638 = arith.constant 12 : i32
    %swap3A_2639 = arith.index_cast %swap3A_2638 : i32 to index
    %swap3A_2640 = arith.constant 16 : index
    %swap3A_2641 = tpu.vector_load %arg16[%swap3A_2639, %swap3A_2640] {strides = array<i32>} : memref<48x144xf32, #tpu.memory_space<vmem>>, vector<1x16xf32>,
    %swap3A_2642 = vector.shape_cast %swap3A_2641 : vector<1x16xf32> to vector<16xf32>
    %swap3A_2643 = vector.shape_cast %max3A_2637 : vector<16xf32> to vector<1x16xf32>
    tpu.vector_store %arg16[%swap3A_2639, %swap3A_2640], %swap3A_2643 {strides = array<i32>} : memref<48x144xf32, #tpu.memory_space<vmem>>, vector<1x16xf32>,
    %get3A_2644 = arith.constant 12 : i32
    %get3A_2645 = arith.index_cast %get3A_2644 : i32 to index
    %get3A_2646 = arith.constant 32 : index
    %get3A_2647 = tpu.vector_load %arg12[%get3A_2645, %get3A_2646] {strides = array<i32>} : memref<48x128xf32, #tpu.memory_space<vmem>>, vector<1x16xf32>,
    %get3A_2648 = vector.shape_cast %get3A_2647 : vector<1x16xf32> to vector<16xf32>
    %get3A_2649 = arith.constant 12 : i32
    %get3A_2650 = arith.index_cast %get3A_2649 : i32 to index
    %get3A_2651 = arith.constant 32 : index
    %get3A_2652 = tpu.vector_load %arg14[%get3A_2650, %get3A_2651] {strides = array<i32>} : memref<48x128xf32, #tpu.memory_space<vmem>>, vector<1x16xf32>,
    %get3A_2653 = vector.shape_cast %get3A_2652 : vector<1x16xf32> to vector<16xf32>
    %add3A_2654 = arith.addf %get3A_2648, %get3A_2653 : vector<16xf32>
    %max3A_2655 = arith.constant 0.000000e+00 : f32
    %max3A_2656 = vector.broadcast %max3A_2655 : f32 to vector<16xf32>
    %max3A_2657 = arith.maximumf %add3A_2654, %max3A_2656 : vector<16xf32>
    %swap3A_2658 = arith.constant 12 : i32
    %swap3A_2659 = arith.index_cast %swap3A_2658 : i32 to index
    %swap3A_2660 = arith.constant 32 : index
    %swap3A_2661 = tpu.vector_load %arg16[%swap3A_2659, %swap3A_2660] {strides = array<i32>} : memref<48x144xf32, #tpu.memory_space<vmem>>, vector<1x16xf32>,
    %swap3A_2662 = vector.shape_cast %swap3A_2661 : vector<1x16xf32> to vector<16xf32>
    %swap3A_2663 = vector.shape_cast %max3A_2657 : vector<16xf32> to vector<1x16xf32>
    tpu.vector_store %arg16[%swap3A_2659, %swap3A_2660], %swap3A_2663 {strides = array<i32>} : memref<48x144xf32, #tpu.memory_space<vmem>>, vector<1x16xf32>,
    %get3A_2664 = arith.constant 12 : i32
    %get3A_2665 = arith.index_cast %get3A_2664 : i32 to index
    %get3A_2666 = arith.constant 48 : index
    %get3A_2667 = tpu.vector_load %arg12[%get3A_2665, %get3A_2666] {strides = array<i32>} : memref<48x128xf32, #tpu.memory_space<vmem>>, vector<1x16xf32>,
    %get3A_2668 = vector.shape_cast %get3A_2667 : vector<1x16xf32> to vector<16xf32>
    %get3A_2669 = arith.constant 12 : i32
    %get3A_2670 = arith.index_cast %get3A_2669 : i32 to index
    %get3A_2671 = arith.constant 48 : index
    %get3A_2672 = tpu.vector_load %arg14[%get3A_2670, %get3A_2671] {strides = array<i32>} : memref<48x128xf32, #tpu.memory_space<vmem>>, vector<1x16xf32>,
    %get3A_2673 = vector.shape_cast %get3A_2672 : vector<1x16xf32> to vector<16xf32>
    %add3A_2674 = arith.addf %get3A_2668, %get3A_2673 : vector<16xf32>
    %max3A_2675 = arith.constant 0.000000e+00 : f32
    %max3A_2676 = vector.broadcast %max3A_2675 : f32 to vector<16xf32>
    %max3A_2677 = arith.maximumf %add3A_2674, %max3A_2676 : vector<16xf32>
    %swap3A_2678 = arith.constant 12 : i32
    %swap3A_2679 = arith.index_cast %swap3A_2678 : i32 to index
    %swap3A_2680 = arith.constant 48 : index
    %swap3A_2681 = tpu.vector_load %arg16[%swap3A_2679, %swap3A_2680] {strides = array<i32>} : memref<48x144xf32, #tpu.memory_space<vmem>>, vector<1x16xf32>,
    %swap3A_2682 = vector.shape_cast %swap3A_2681 : vector<1x16xf32> to vector<16xf32>
    %swap3A_2683 = vector.shape_cast %max3A_2677 : vector<16xf32> to vector<1x16xf32>
    tpu.vector_store %arg16[%swap3A_2679, %swap3A_2680], %swap3A_2683 {strides = array<i32>} : memref<48x144xf32, #tpu.memory_space<vmem>>, vector<1x16xf32>,
    %get3A_2684 = arith.constant 12 : i32
    %get3A_2685 = arith.index_cast %get3A_2684 : i32 to index
    %get3A_2686 = arith.constant 64 : index
    %get3A_2687 = tpu.vector_load %arg12[%get3A_2685, %get3A_2686] {strides = array<i32>} : memref<48x128xf32, #tpu.memory_space<vmem>>, vector<1x16xf32>,
    %get3A_2688 = vector.shape_cast %get3A_2687 : vector<1x16xf32> to vector<16xf32>
    %get3A_2689 = arith.constant 12 : i32
    %get3A_2690 = arith.index_cast %get3A_2689 : i32 to index
    %get3A_2691 = arith.constant 64 : index
    %get3A_2692 = tpu.vector_load %arg14[%get3A_2690, %get3A_2691] {strides = array<i32>} : memref<48x128xf32, #tpu.memory_space<vmem>>, vector<1x16xf32>,
    %get3A_2693 = vector.shape_cast %get3A_2692 : vector<1x16xf32> to vector<16xf32>
    %add3A_2694 = arith.addf %get3A_2688, %get3A_2693 : vector<16xf32>
    %max3A_2695 = arith.constant 0.000000e+00 : f32
    %max3A_2696 = vector.broadcast %max3A_2695 : f32 to vector<16xf32>
    %max3A_2697 = arith.maximumf %add3A_2694, %max3A_2696 : vector<16xf32>
    %swap3A_2698 = arith.constant 12 : i32
    %swap3A_2699 = arith.index_cast %swap3A_2698 : i32 to index
    %swap3A_2700 = arith.constant 64 : index
    %swap3A_2701 = tpu.vector_load %arg16[%swap3A_2699, %swap3A_2700] {strides = array<i32>} : memref<48x144xf32, #tpu.memory_space<vmem>>, vector<1x16xf32>,
    %swap3A_2702 = vector.shape_cast %swap3A_2701 : vector<1x16xf32> to vector<16xf32>
    %swap3A_2703 = vector.shape_cast %max3A_2697 : vector<16xf32> to vector<1x16xf32>
    tpu.vector_store %arg16[%swap3A_2699, %swap3A_2700], %swap3A_2703 {strides = array<i32>} : memref<48x144xf32, #tpu.memory_space<vmem>>, vector<1x16xf32>,
    %get3A_2704 = arith.constant 12 : i32
    %get3A_2705 = arith.index_cast %get3A_2704 : i32 to index
    %get3A_2706 = arith.constant 80 : index
    %get3A_2707 = tpu.vector_load %arg12[%get3A_2705, %get3A_2706] {strides = array<i32>} : memref<48x128xf32, #tpu.memory_space<vmem>>, vector<1x16xf32>,
    %get3A_2708 = vector.shape_cast %get3A_2707 : vector<1x16xf32> to vector<16xf32>
    %get3A_2709 = arith.constant 12 : i32
    %get3A_2710 = arith.index_cast %get3A_2709 : i32 to index
    %get3A_2711 = arith.constant 80 : index
    %get3A_2712 = tpu.vector_load %arg14[%get3A_2710, %get3A_2711] {strides = array<i32>} : memref<48x128xf32, #tpu.memory_space<vmem>>, vector<1x16xf32>,
    %get3A_2713 = vector.shape_cast %get3A_2712 : vector<1x16xf32> to vector<16xf32>
    %add3A_2714 = arith.addf %get3A_2708, %get3A_2713 : vector<16xf32>
    %max3A_2715 = arith.constant 0.000000e+00 : f32
    %max3A_2716 = vector.broadcast %max3A_2715 : f32 to vector<16xf32>
    %max3A_2717 = arith.maximumf %add3A_2714, %max3A_2716 : vector<16xf32>
    %swap3A_2718 = arith.constant 12 : i32
    %swap3A_2719 = arith.index_cast %swap3A_2718 : i32 to index
    %swap3A_2720 = arith.constant 80 : index
    %swap3A_2721 = tpu.vector_load %arg16[%swap3A_2719, %swap3A_2720] {strides = array<i32>} : memref<48x144xf32, #tpu.memory_space<vmem>>, vector<1x16xf32>,
    %swap3A_2722 = vector.shape_cast %swap3A_2721 : vector<1x16xf32> to vector<16xf32>
    %swap3A_2723 = vector.shape_cast %max3A_2717 : vector<16xf32> to vector<1x16xf32>
    tpu.vector_store %arg16[%swap3A_2719, %swap3A_2720], %swap3A_2723 {strides = array<i32>} : memref<48x144xf32, #tpu.memory_space<vmem>>, vector<1x16xf32>,
    %get3A_2724 = arith.constant 12 : i32
    %get3A_2725 = arith.index_cast %get3A_2724 : i32 to index
    %get3A_2726 = arith.constant 96 : index
    %get3A_2727 = tpu.vector_load %arg12[%get3A_2725, %get3A_2726] {strides = array<i32>} : memref<48x128xf32, #tpu.memory_space<vmem>>, vector<1x16xf32>,
    %get3A_2728 = vector.shape_cast %get3A_2727 : vector<1x16xf32> to vector<16xf32>
    %get3A_2729 = arith.constant 12 : i32
    %get3A_2730 = arith.index_cast %get3A_2729 : i32 to index
    %get3A_2731 = arith.constant 96 : index
    %get3A_2732 = tpu.vector_load %arg14[%get3A_2730, %get3A_2731] {strides = array<i32>} : memref<48x128xf32, #tpu.memory_space<vmem>>, vector<1x16xf32>,
    %get3A_2733 = vector.shape_cast %get3A_2732 : vector<1x16xf32> to vector<16xf32>
    %add3A_2734 = arith.addf %get3A_2728, %get3A_2733 : vector<16xf32>
    %max3A_2735 = arith.constant 0.000000e+00 : f32
    %max3A_2736 = vector.broadcast %max3A_2735 : f32 to vector<16xf32>
    %max3A_2737 = arith.maximumf %add3A_2734, %max3A_2736 : vector<16xf32>
    %swap3A_2738 = arith.constant 12 : i32
    %swap3A_2739 = arith.index_cast %swap3A_2738 : i32 to index
    %swap3A_2740 = arith.constant 96 : index
    %swap3A_2741 = tpu.vector_load %arg16[%swap3A_2739, %swap3A_2740] {strides = array<i32>} : memref<48x144xf32, #tpu.memory_space<vmem>>, vector<1x16xf32>,
    %swap3A_2742 = vector.shape_cast %swap3A_2741 : vector<1x16xf32> to vector<16xf32>
    %swap3A_2743 = vector.shape_cast %max3A_2737 : vector<16xf32> to vector<1x16xf32>
    tpu.vector_store %arg16[%swap3A_2739, %swap3A_2740], %swap3A_2743 {strides = array<i32>} : memref<48x144xf32, #tpu.memory_space<vmem>>, vector<1x16xf32>,
    %get3A_2744 = arith.constant 12 : i32
    %get3A_2745 = arith.index_cast %get3A_2744 : i32 to index
    %get3A_2746 = arith.constant 112 : index
    %get3A_2747 = tpu.vector_load %arg12[%get3A_2745, %get3A_2746] {strides = array<i32>} : memref<48x128xf32, #tpu.memory_space<vmem>>, vector<1x16xf32>,
    %get3A_2748 = vector.shape_cast %get3A_2747 : vector<1x16xf32> to vector<16xf32>
    %get3A_2749 = arith.constant 12 : i32
    %get3A_2750 = arith.index_cast %get3A_2749 : i32 to index
    %get3A_2751 = arith.constant 112 : index
    %get3A_2752 = tpu.vector_load %arg14[%get3A_2750, %get3A_2751] {strides = array<i32>} : memref<48x128xf32, #tpu.memory_space<vmem>>, vector<1x16xf32>,
    %get3A_2753 = vector.shape_cast %get3A_2752 : vector<1x16xf32> to vector<16xf32>
    %add3A_2754 = arith.addf %get3A_2748, %get3A_2753 : vector<16xf32>
    %max3A_2755 = arith.constant 0.000000e+00 : f32
    %max3A_2756 = vector.broadcast %max3A_2755 : f32 to vector<16xf32>
    %max3A_2757 = arith.maximumf %add3A_2754, %max3A_2756 : vector<16xf32>
    %swap3A_2758 = arith.constant 12 : i32
    %swap3A_2759 = arith.index_cast %swap3A_2758 : i32 to index
    %swap3A_2760 = arith.constant 112 : index
    %swap3A_2761 = tpu.vector_load %arg16[%swap3A_2759, %swap3A_2760] {strides = array<i32>} : memref<48x144xf32, #tpu.memory_space<vmem>>, vector<1x16xf32>,
    %swap3A_2762 = vector.shape_cast %swap3A_2761 : vector<1x16xf32> to vector<16xf32>
    %swap3A_2763 = vector.shape_cast %max3A_2757 : vector<16xf32> to vector<1x16xf32>
    tpu.vector_store %arg16[%swap3A_2759, %swap3A_2760], %swap3A_2763 {strides = array<i32>} : memref<48x144xf32, #tpu.memory_space<vmem>>, vector<1x16xf32>,
    %get3A_2764 = arith.constant 13 : i32
    %get3A_2765 = arith.index_cast %get3A_2764 : i32 to index
    %get3A_2766 = arith.constant 0 : index
    %get3A_2767 = tpu.vector_load %arg12[%get3A_2765, %get3A_2766] {strides = array<i32>} : memref<48x128xf32, #tpu.memory_space<vmem>>, vector<1x16xf32>,
    %get3A_2768 = vector.shape_cast %get3A_2767 : vector<1x16xf32> to vector<16xf32>
    %get3A_2769 = arith.constant 13 : i32
    %get3A_2770 = arith.index_cast %get3A_2769 : i32 to index
    %get3A_2771 = arith.constant 0 : index
    %get3A_2772 = tpu.vector_load %arg14[%get3A_2770, %get3A_2771] {strides = array<i32>} : memref<48x128xf32, #tpu.memory_space<vmem>>, vector<1x16xf32>,
    %get3A_2773 = vector.shape_cast %get3A_2772 : vector<1x16xf32> to vector<16xf32>
    %add3A_2774 = arith.addf %get3A_2768, %get3A_2773 : vector<16xf32>
    %max3A_2775 = arith.constant 0.000000e+00 : f32
    %max3A_2776 = vector.broadcast %max3A_2775 : f32 to vector<16xf32>
    %max3A_2777 = arith.maximumf %add3A_2774, %max3A_2776 : vector<16xf32>
    %swap3A_2778 = arith.constant 13 : i32
    %swap3A_2779 = arith.index_cast %swap3A_2778 : i32 to index
    %swap3A_2780 = arith.constant 0 : index
    %swap3A_2781 = tpu.vector_load %arg16[%swap3A_2779, %swap3A_2780] {strides = array<i32>} : memref<48x144xf32, #tpu.memory_space<vmem>>, vector<1x16xf32>,
    %swap3A_2782 = vector.shape_cast %swap3A_2781 : vector<1x16xf32> to vector<16xf32>
    %swap3A_2783 = vector.shape_cast %max3A_2777 : vector<16xf32> to vector<1x16xf32>
    tpu.vector_store %arg16[%swap3A_2779, %swap3A_2780], %swap3A_2783 {strides = array<i32>} : memref<48x144xf32, #tpu.memory_space<vmem>>, vector<1x16xf32>,
    %get3A_2784 = arith.constant 13 : i32
    %get3A_2785 = arith.index_cast %get3A_2784 : i32 to index
    %get3A_2786 = arith.constant 16 : index
    %get3A_2787 = tpu.vector_load %arg12[%get3A_2785, %get3A_2786] {strides = array<i32>} : memref<48x128xf32, #tpu.memory_space<vmem>>, vector<1x16xf32>,
    %get3A_2788 = vector.shape_cast %get3A_2787 : vector<1x16xf32> to vector<16xf32>
    %get3A_2789 = arith.constant 13 : i32
    %get3A_2790 = arith.index_cast %get3A_2789 : i32 to index
    %get3A_2791 = arith.constant 16 : index
    %get3A_2792 = tpu.vector_load %arg14[%get3A_2790, %get3A_2791] {strides = array<i32>} : memref<48x128xf32, #tpu.memory_space<vmem>>, vector<1x16xf32>,
    %get3A_2793 = vector.shape_cast %get3A_2792 : vector<1x16xf32> to vector<16xf32>
    %add3A_2794 = arith.addf %get3A_2788, %get3A_2793 : vector<16xf32>
    %max3A_2795 = arith.constant 0.000000e+00 : f32
    %max3A_2796 = vector.broadcast %max3A_2795 : f32 to vector<16xf32>
    %max3A_2797 = arith.maximumf %add3A_2794, %max3A_2796 : vector<16xf32>
    %swap3A_2798 = arith.constant 13 : i32
    %swap3A_2799 = arith.index_cast %swap3A_2798 : i32 to index
    %swap3A_2800 = arith.constant 16 : index
    %swap3A_2801 = tpu.vector_load %arg16[%swap3A_2799, %swap3A_2800] {strides = array<i32>} : memref<48x144xf32, #tpu.memory_space<vmem>>, vector<1x16xf32>,
    %swap3A_2802 = vector.shape_cast %swap3A_2801 : vector<1x16xf32> to vector<16xf32>
    %swap3A_2803 = vector.shape_cast %max3A_2797 : vector<16xf32> to vector<1x16xf32>
    tpu.vector_store %arg16[%swap3A_2799, %swap3A_2800], %swap3A_2803 {strides = array<i32>} : memref<48x144xf32, #tpu.memory_space<vmem>>, vector<1x16xf32>,
    %get3A_2804 = arith.constant 13 : i32
    %get3A_2805 = arith.index_cast %get3A_2804 : i32 to index
    %get3A_2806 = arith.constant 32 : index
    %get3A_2807 = tpu.vector_load %arg12[%get3A_2805, %get3A_2806] {strides = array<i32>} : memref<48x128xf32, #tpu.memory_space<vmem>>, vector<1x16xf32>,
    %get3A_2808 = vector.shape_cast %get3A_2807 : vector<1x16xf32> to vector<16xf32>
    %get3A_2809 = arith.constant 13 : i32
    %get3A_2810 = arith.index_cast %get3A_2809 : i32 to index
    %get3A_2811 = arith.constant 32 : index
    %get3A_2812 = tpu.vector_load %arg14[%get3A_2810, %get3A_2811] {strides = array<i32>} : memref<48x128xf32, #tpu.memory_space<vmem>>, vector<1x16xf32>,
    %get3A_2813 = vector.shape_cast %get3A_2812 : vector<1x16xf32> to vector<16xf32>
    %add3A_2814 = arith.addf %get3A_2808, %get3A_2813 : vector<16xf32>
    %max3A_2815 = arith.constant 0.000000e+00 : f32
    %max3A_2816 = vector.broadcast %max3A_2815 : f32 to vector<16xf32>
    %max3A_2817 = arith.maximumf %add3A_2814, %max3A_2816 : vector<16xf32>
    %swap3A_2818 = arith.constant 13 : i32
    %swap3A_2819 = arith.index_cast %swap3A_2818 : i32 to index
    %swap3A_2820 = arith.constant 32 : index
    %swap3A_2821 = tpu.vector_load %arg16[%swap3A_2819, %swap3A_2820] {strides = array<i32>} : memref<48x144xf32, #tpu.memory_space<vmem>>, vector<1x16xf32>,
    %swap3A_2822 = vector.shape_cast %swap3A_2821 : vector<1x16xf32> to vector<16xf32>
    %swap3A_2823 = vector.shape_cast %max3A_2817 : vector<16xf32> to vector<1x16xf32>
    tpu.vector_store %arg16[%swap3A_2819, %swap3A_2820], %swap3A_2823 {strides = array<i32>} : memref<48x144xf32, #tpu.memory_space<vmem>>, vector<1x16xf32>,
    %get3A_2824 = arith.constant 13 : i32
    %get3A_2825 = arith.index_cast %get3A_2824 : i32 to index
    %get3A_2826 = arith.constant 48 : index
    %get3A_2827 = tpu.vector_load %arg12[%get3A_2825, %get3A_2826] {strides = array<i32>} : memref<48x128xf32, #tpu.memory_space<vmem>>, vector<1x16xf32>,
    %get3A_2828 = vector.shape_cast %get3A_2827 : vector<1x16xf32> to vector<16xf32>
    %get3A_2829 = arith.constant 13 : i32
    %get3A_2830 = arith.index_cast %get3A_2829 : i32 to index
    %get3A_2831 = arith.constant 48 : index
    %get3A_2832 = tpu.vector_load %arg14[%get3A_2830, %get3A_2831] {strides = array<i32>} : memref<48x128xf32, #tpu.memory_space<vmem>>, vector<1x16xf32>,
    %get3A_2833 = vector.shape_cast %get3A_2832 : vector<1x16xf32> to vector<16xf32>
    %add3A_2834 = arith.addf %get3A_2828, %get3A_2833 : vector<16xf32>
    %max3A_2835 = arith.constant 0.000000e+00 : f32
    %max3A_2836 = vector.broadcast %max3A_2835 : f32 to vector<16xf32>
    %max3A_2837 = arith.maximumf %add3A_2834, %max3A_2836 : vector<16xf32>
    %swap3A_2838 = arith.constant 13 : i32
    %swap3A_2839 = arith.index_cast %swap3A_2838 : i32 to index
    %swap3A_2840 = arith.constant 48 : index
    %swap3A_2841 = tpu.vector_load %arg16[%swap3A_2839, %swap3A_2840] {strides = array<i32>} : memref<48x144xf32, #tpu.memory_space<vmem>>, vector<1x16xf32>,
    %swap3A_2842 = vector.shape_cast %swap3A_2841 : vector<1x16xf32> to vector<16xf32>
    %swap3A_2843 = vector.shape_cast %max3A_2837 : vector<16xf32> to vector<1x16xf32>
    tpu.vector_store %arg16[%swap3A_2839, %swap3A_2840], %swap3A_2843 {strides = array<i32>} : memref<48x144xf32, #tpu.memory_space<vmem>>, vector<1x16xf32>,
    %get3A_2844 = arith.constant 13 : i32
    %get3A_2845 = arith.index_cast %get3A_2844 : i32 to index
    %get3A_2846 = arith.constant 64 : index
    %get3A_2847 = tpu.vector_load %arg12[%get3A_2845, %get3A_2846] {strides = array<i32>} : memref<48x128xf32, #tpu.memory_space<vmem>>, vector<1x16xf32>,
    %get3A_2848 = vector.shape_cast %get3A_2847 : vector<1x16xf32> to vector<16xf32>
    %get3A_2849 = arith.constant 13 : i32
    %get3A_2850 = arith.index_cast %get3A_2849 : i32 to index
    %get3A_2851 = arith.constant 64 : index
    %get3A_2852 = tpu.vector_load %arg14[%get3A_2850, %get3A_2851] {strides = array<i32>} : memref<48x128xf32, #tpu.memory_space<vmem>>, vector<1x16xf32>,
    %get3A_2853 = vector.shape_cast %get3A_2852 : vector<1x16xf32> to vector<16xf32>
    %add3A_2854 = arith.addf %get3A_2848, %get3A_2853 : vector<16xf32>
    %max3A_2855 = arith.constant 0.000000e+00 : f32
    %max3A_2856 = vector.broadcast %max3A_2855 : f32 to vector<16xf32>
    %max3A_2857 = arith.maximumf %add3A_2854, %max3A_2856 : vector<16xf32>
    %swap3A_2858 = arith.constant 13 : i32
    %swap3A_2859 = arith.index_cast %swap3A_2858 : i32 to index
    %swap3A_2860 = arith.constant 64 : index
    %swap3A_2861 = tpu.vector_load %arg16[%swap3A_2859, %swap3A_2860] {strides = array<i32>} : memref<48x144xf32, #tpu.memory_space<vmem>>, vector<1x16xf32>,
    %swap3A_2862 = vector.shape_cast %swap3A_2861 : vector<1x16xf32> to vector<16xf32>
    %swap3A_2863 = vector.shape_cast %max3A_2857 : vector<16xf32> to vector<1x16xf32>
    tpu.vector_store %arg16[%swap3A_2859, %swap3A_2860], %swap3A_2863 {strides = array<i32>} : memref<48x144xf32, #tpu.memory_space<vmem>>, vector<1x16xf32>,
    %get3A_2864 = arith.constant 13 : i32
    %get3A_2865 = arith.index_cast %get3A_2864 : i32 to index
    %get3A_2866 = arith.constant 80 : index
    %get3A_2867 = tpu.vector_load %arg12[%get3A_2865, %get3A_2866] {strides = array<i32>} : memref<48x128xf32, #tpu.memory_space<vmem>>, vector<1x16xf32>,
    %get3A_2868 = vector.shape_cast %get3A_2867 : vector<1x16xf32> to vector<16xf32>
    %get3A_2869 = arith.constant 13 : i32
    %get3A_2870 = arith.index_cast %get3A_2869 : i32 to index
    %get3A_2871 = arith.constant 80 : index
    %get3A_2872 = tpu.vector_load %arg14[%get3A_2870, %get3A_2871] {strides = array<i32>} : memref<48x128xf32, #tpu.memory_space<vmem>>, vector<1x16xf32>,
    %get3A_2873 = vector.shape_cast %get3A_2872 : vector<1x16xf32> to vector<16xf32>
    %add3A_2874 = arith.addf %get3A_2868, %get3A_2873 : vector<16xf32>
    %max3A_2875 = arith.constant 0.000000e+00 : f32
    %max3A_2876 = vector.broadcast %max3A_2875 : f32 to vector<16xf32>
    %max3A_2877 = arith.maximumf %add3A_2874, %max3A_2876 : vector<16xf32>
    %swap3A_2878 = arith.constant 13 : i32
    %swap3A_2879 = arith.index_cast %swap3A_2878 : i32 to index
    %swap3A_2880 = arith.constant 80 : index
    %swap3A_2881 = tpu.vector_load %arg16[%swap3A_2879, %swap3A_2880] {strides = array<i32>} : memref<48x144xf32, #tpu.memory_space<vmem>>, vector<1x16xf32>,
    %swap3A_2882 = vector.shape_cast %swap3A_2881 : vector<1x16xf32> to vector<16xf32>
    %swap3A_2883 = vector.shape_cast %max3A_2877 : vector<16xf32> to vector<1x16xf32>
    tpu.vector_store %arg16[%swap3A_2879, %swap3A_2880], %swap3A_2883 {strides = array<i32>} : memref<48x144xf32, #tpu.memory_space<vmem>>, vector<1x16xf32>,
    %get3A_2884 = arith.constant 13 : i32
    %get3A_2885 = arith.index_cast %get3A_2884 : i32 to index
    %get3A_2886 = arith.constant 96 : index
    %get3A_2887 = tpu.vector_load %arg12[%get3A_2885, %get3A_2886] {strides = array<i32>} : memref<48x128xf32, #tpu.memory_space<vmem>>, vector<1x16xf32>,
    %get3A_2888 = vector.shape_cast %get3A_2887 : vector<1x16xf32> to vector<16xf32>
    %get3A_2889 = arith.constant 13 : i32
    %get3A_2890 = arith.index_cast %get3A_2889 : i32 to index
    %get3A_2891 = arith.constant 96 : index
    %get3A_2892 = tpu.vector_load %arg14[%get3A_2890, %get3A_2891] {strides = array<i32>} : memref<48x128xf32, #tpu.memory_space<vmem>>, vector<1x16xf32>,
    %get3A_2893 = vector.shape_cast %get3A_2892 : vector<1x16xf32> to vector<16xf32>
    %add3A_2894 = arith.addf %get3A_2888, %get3A_2893 : vector<16xf32>
    %max3A_2895 = arith.constant 0.000000e+00 : f32
    %max3A_2896 = vector.broadcast %max3A_2895 : f32 to vector<16xf32>
    %max3A_2897 = arith.maximumf %add3A_2894, %max3A_2896 : vector<16xf32>
    %swap3A_2898 = arith.constant 13 : i32
    %swap3A_2899 = arith.index_cast %swap3A_2898 : i32 to index
    %swap3A_2900 = arith.constant 96 : index
    %swap3A_2901 = tpu.vector_load %arg16[%swap3A_2899, %swap3A_2900] {strides = array<i32>} : memref<48x144xf32, #tpu.memory_space<vmem>>, vector<1x16xf32>,
    %swap3A_2902 = vector.shape_cast %swap3A_2901 : vector<1x16xf32> to vector<16xf32>
    %swap3A_2903 = vector.shape_cast %max3A_2897 : vector<16xf32> to vector<1x16xf32>
    tpu.vector_store %arg16[%swap3A_2899, %swap3A_2900], %swap3A_2903 {strides = array<i32>} : memref<48x144xf32, #tpu.memory_space<vmem>>, vector<1x16xf32>,
    %get3A_2904 = arith.constant 13 : i32
    %get3A_2905 = arith.index_cast %get3A_2904 : i32 to index
    %get3A_2906 = arith.constant 112 : index
    %get3A_2907 = tpu.vector_load %arg12[%get3A_2905, %get3A_2906] {strides = array<i32>} : memref<48x128xf32, #tpu.memory_space<vmem>>, vector<1x16xf32>,
    %get3A_2908 = vector.shape_cast %get3A_2907 : vector<1x16xf32> to vector<16xf32>
    %get3A_2909 = arith.constant 13 : i32
    %get3A_2910 = arith.index_cast %get3A_2909 : i32 to index
    %get3A_2911 = arith.constant 112 : index
    %get3A_2912 = tpu.vector_load %arg14[%get3A_2910, %get3A_2911] {strides = array<i32>} : memref<48x128xf32, #tpu.memory_space<vmem>>, vector<1x16xf32>,
    %get3A_2913 = vector.shape_cast %get3A_2912 : vector<1x16xf32> to vector<16xf32>
    %add3A_2914 = arith.addf %get3A_2908, %get3A_2913 : vector<16xf32>
    %max3A_2915 = arith.constant 0.000000e+00 : f32
    %max3A_2916 = vector.broadcast %max3A_2915 : f32 to vector<16xf32>
    %max3A_2917 = arith.maximumf %add3A_2914, %max3A_2916 : vector<16xf32>
    %swap3A_2918 = arith.constant 13 : i32
    %swap3A_2919 = arith.index_cast %swap3A_2918 : i32 to index
    %swap3A_2920 = arith.constant 112 : index
    %swap3A_2921 = tpu.vector_load %arg16[%swap3A_2919, %swap3A_2920] {strides = array<i32>} : memref<48x144xf32, #tpu.memory_space<vmem>>, vector<1x16xf32>,
    %swap3A_2922 = vector.shape_cast %swap3A_2921 : vector<1x16xf32> to vector<16xf32>
    %swap3A_2923 = vector.shape_cast %max3A_2917 : vector<16xf32> to vector<1x16xf32>
    tpu.vector_store %arg16[%swap3A_2919, %swap3A_2920], %swap3A_2923 {strides = array<i32>} : memref<48x144xf32, #tpu.memory_space<vmem>>, vector<1x16xf32>,
    %get3A_2924 = arith.constant 14 : i32
    %get3A_2925 = arith.index_cast %get3A_2924 : i32 to index
    %get3A_2926 = arith.constant 0 : index
    %get3A_2927 = tpu.vector_load %arg12[%get3A_2925, %get3A_2926] {strides = array<i32>} : memref<48x128xf32, #tpu.memory_space<vmem>>, vector<1x16xf32>,
    %get3A_2928 = vector.shape_cast %get3A_2927 : vector<1x16xf32> to vector<16xf32>
    %get3A_2929 = arith.constant 14 : i32
    %get3A_2930 = arith.index_cast %get3A_2929 : i32 to index
    %get3A_2931 = arith.constant 0 : index
    %get3A_2932 = tpu.vector_load %arg14[%get3A_2930, %get3A_2931] {strides = array<i32>} : memref<48x128xf32, #tpu.memory_space<vmem>>, vector<1x16xf32>,
    %get3A_2933 = vector.shape_cast %get3A_2932 : vector<1x16xf32> to vector<16xf32>
    %add3A_2934 = arith.addf %get3A_2928, %get3A_2933 : vector<16xf32>
    %max3A_2935 = arith.constant 0.000000e+00 : f32
    %max3A_2936 = vector.broadcast %max3A_2935 : f32 to vector<16xf32>
    %max3A_2937 = arith.maximumf %add3A_2934, %max3A_2936 : vector<16xf32>
    %swap3A_2938 = arith.constant 14 : i32
    %swap3A_2939 = arith.index_cast %swap3A_2938 : i32 to index
    %swap3A_2940 = arith.constant 0 : index
    %swap3A_2941 = tpu.vector_load %arg16[%swap3A_2939, %swap3A_2940] {strides = array<i32>} : memref<48x144xf32, #tpu.memory_space<vmem>>, vector<1x16xf32>,
    %swap3A_2942 = vector.shape_cast %swap3A_2941 : vector<1x16xf32> to vector<16xf32>
    %swap3A_2943 = vector.shape_cast %max3A_2937 : vector<16xf32> to vector<1x16xf32>
    tpu.vector_store %arg16[%swap3A_2939, %swap3A_2940], %swap3A_2943 {strides = array<i32>} : memref<48x144xf32, #tpu.memory_space<vmem>>, vector<1x16xf32>,
    %get3A_2944 = arith.constant 14 : i32
    %get3A_2945 = arith.index_cast %get3A_2944 : i32 to index
    %get3A_2946 = arith.constant 16 : index
    %get3A_2947 = tpu.vector_load %arg12[%get3A_2945, %get3A_2946] {strides = array<i32>} : memref<48x128xf32, #tpu.memory_space<vmem>>, vector<1x16xf32>,
    %get3A_2948 = vector.shape_cast %get3A_2947 : vector<1x16xf32> to vector<16xf32>
    %get3A_2949 = arith.constant 14 : i32
    %get3A_2950 = arith.index_cast %get3A_2949 : i32 to index
    %get3A_2951 = arith.constant 16 : index
    %get3A_2952 = tpu.vector_load %arg14[%get3A_2950, %get3A_2951] {strides = array<i32>} : memref<48x128xf32, #tpu.memory_space<vmem>>, vector<1x16xf32>,
    %get3A_2953 = vector.shape_cast %get3A_2952 : vector<1x16xf32> to vector<16xf32>
    %add3A_2954 = arith.addf %get3A_2948, %get3A_2953 : vector<16xf32>
    %max3A_2955 = arith.constant 0.000000e+00 : f32
    %max3A_2956 = vector.broadcast %max3A_2955 : f32 to vector<16xf32>
    %max3A_2957 = arith.maximumf %add3A_2954, %max3A_2956 : vector<16xf32>
    %swap3A_2958 = arith.constant 14 : i32
    %swap3A_2959 = arith.index_cast %swap3A_2958 : i32 to index
    %swap3A_2960 = arith.constant 16 : index
    %swap3A_2961 = tpu.vector_load %arg16[%swap3A_2959, %swap3A_2960] {strides = array<i32>} : memref<48x144xf32, #tpu.memory_space<vmem>>, vector<1x16xf32>,
    %swap3A_2962 = vector.shape_cast %swap3A_2961 : vector<1x16xf32> to vector<16xf32>
    %swap3A_2963 = vector.shape_cast %max3A_2957 : vector<16xf32> to vector<1x16xf32>
    tpu.vector_store %arg16[%swap3A_2959, %swap3A_2960], %swap3A_2963 {strides = array<i32>} : memref<48x144xf32, #tpu.memory_space<vmem>>, vector<1x16xf32>,
    %get3A_2964 = arith.constant 14 : i32
    %get3A_2965 = arith.index_cast %get3A_2964 : i32 to index
    %get3A_2966 = arith.constant 32 : index
    %get3A_2967 = tpu.vector_load %arg12[%get3A_2965, %get3A_2966] {strides = array<i32>} : memref<48x128xf32, #tpu.memory_space<vmem>>, vector<1x16xf32>,
    %get3A_2968 = vector.shape_cast %get3A_2967 : vector<1x16xf32> to vector<16xf32>
    %get3A_2969 = arith.constant 14 : i32
    %get3A_2970 = arith.index_cast %get3A_2969 : i32 to index
    %get3A_2971 = arith.constant 32 : index
    %get3A_2972 = tpu.vector_load %arg14[%get3A_2970, %get3A_2971] {strides = array<i32>} : memref<48x128xf32, #tpu.memory_space<vmem>>, vector<1x16xf32>,
    %get3A_2973 = vector.shape_cast %get3A_2972 : vector<1x16xf32> to vector<16xf32>
    %add3A_2974 = arith.addf %get3A_2968, %get3A_2973 : vector<16xf32>
    %max3A_2975 = arith.constant 0.000000e+00 : f32
    %max3A_2976 = vector.broadcast %max3A_2975 : f32 to vector<16xf32>
    %max3A_2977 = arith.maximumf %add3A_2974, %max3A_2976 : vector<16xf32>
    %swap3A_2978 = arith.constant 14 : i32
    %swap3A_2979 = arith.index_cast %swap3A_2978 : i32 to index
    %swap3A_2980 = arith.constant 32 : index
    %swap3A_2981 = tpu.vector_load %arg16[%swap3A_2979, %swap3A_2980] {strides = array<i32>} : memref<48x144xf32, #tpu.memory_space<vmem>>, vector<1x16xf32>,
    %swap3A_2982 = vector.shape_cast %swap3A_2981 : vector<1x16xf32> to vector<16xf32>
    %swap3A_2983 = vector.shape_cast %max3A_2977 : vector<16xf32> to vector<1x16xf32>
    tpu.vector_store %arg16[%swap3A_2979, %swap3A_2980], %swap3A_2983 {strides = array<i32>} : memref<48x144xf32, #tpu.memory_space<vmem>>, vector<1x16xf32>,
    %get3A_2984 = arith.constant 14 : i32
    %get3A_2985 = arith.index_cast %get3A_2984 : i32 to index
    %get3A_2986 = arith.constant 48 : index
    %get3A_2987 = tpu.vector_load %arg12[%get3A_2985, %get3A_2986] {strides = array<i32>} : memref<48x128xf32, #tpu.memory_space<vmem>>, vector<1x16xf32>,
    %get3A_2988 = vector.shape_cast %get3A_2987 : vector<1x16xf32> to vector<16xf32>
    %get3A_2989 = arith.constant 14 : i32
    %get3A_2990 = arith.index_cast %get3A_2989 : i32 to index
    %get3A_2991 = arith.constant 48 : index
    %get3A_2992 = tpu.vector_load %arg14[%get3A_2990, %get3A_2991] {strides = array<i32>} : memref<48x128xf32, #tpu.memory_space<vmem>>, vector<1x16xf32>,
    %get3A_2993 = vector.shape_cast %get3A_2992 : vector<1x16xf32> to vector<16xf32>
    %add3A_2994 = arith.addf %get3A_2988, %get3A_2993 : vector<16xf32>
    %max3A_2995 = arith.constant 0.000000e+00 : f32
    %max3A_2996 = vector.broadcast %max3A_2995 : f32 to vector<16xf32>
    %max3A_2997 = arith.maximumf %add3A_2994, %max3A_2996 : vector<16xf32>
    %swap3A_2998 = arith.constant 14 : i32
    %swap3A_2999 = arith.index_cast %swap3A_2998 : i32 to index
    %swap3A_3000 = arith.constant 48 : index
    %swap3A_3001 = tpu.vector_load %arg16[%swap3A_2999, %swap3A_3000] {strides = array<i32>} : memref<48x144xf32, #tpu.memory_space<vmem>>, vector<1x16xf32>,
    %swap3A_3002 = vector.shape_cast %swap3A_3001 : vector<1x16xf32> to vector<16xf32>
    %swap3A_3003 = vector.shape_cast %max3A_2997 : vector<16xf32> to vector<1x16xf32>
    tpu.vector_store %arg16[%swap3A_2999, %swap3A_3000], %swap3A_3003 {strides = array<i32>} : memref<48x144xf32, #tpu.memory_space<vmem>>, vector<1x16xf32>,
    %get3A_3004 = arith.constant 14 : i32
    %get3A_3005 = arith.index_cast %get3A_3004 : i32 to index
    %get3A_3006 = arith.constant 64 : index
    %get3A_3007 = tpu.vector_load %arg12[%get3A_3005, %get3A_3006] {strides = array<i32>} : memref<48x128xf32, #tpu.memory_space<vmem>>, vector<1x16xf32>,
    %get3A_3008 = vector.shape_cast %get3A_3007 : vector<1x16xf32> to vector<16xf32>
    %get3A_3009 = arith.constant 14 : i32
    %get3A_3010 = arith.index_cast %get3A_3009 : i32 to index
    %get3A_3011 = arith.constant 64 : index
    %get3A_3012 = tpu.vector_load %arg14[%get3A_3010, %get3A_3011] {strides = array<i32>} : memref<48x128xf32, #tpu.memory_space<vmem>>, vector<1x16xf32>,
    %get3A_3013 = vector.shape_cast %get3A_3012 : vector<1x16xf32> to vector<16xf32>
    %add3A_3014 = arith.addf %get3A_3008, %get3A_3013 : vector<16xf32>
    %max3A_3015 = arith.constant 0.000000e+00 : f32
    %max3A_3016 = vector.broadcast %max3A_3015 : f32 to vector<16xf32>
    %max3A_3017 = arith.maximumf %add3A_3014, %max3A_3016 : vector<16xf32>
    %swap3A_3018 = arith.constant 14 : i32
    %swap3A_3019 = arith.index_cast %swap3A_3018 : i32 to index
    %swap3A_3020 = arith.constant 64 : index
    %swap3A_3021 = tpu.vector_load %arg16[%swap3A_3019, %swap3A_3020] {strides = array<i32>} : memref<48x144xf32, #tpu.memory_space<vmem>>, vector<1x16xf32>,
    %swap3A_3022 = vector.shape_cast %swap3A_3021 : vector<1x16xf32> to vector<16xf32>
    %swap3A_3023 = vector.shape_cast %max3A_3017 : vector<16xf32> to vector<1x16xf32>
    tpu.vector_store %arg16[%swap3A_3019, %swap3A_3020], %swap3A_3023 {strides = array<i32>} : memref<48x144xf32, #tpu.memory_space<vmem>>, vector<1x16xf32>,
    %get3A_3024 = arith.constant 14 : i32
    %get3A_3025 = arith.index_cast %get3A_3024 : i32 to index
    %get3A_3026 = arith.constant 80 : index
    %get3A_3027 = tpu.vector_load %arg12[%get3A_3025, %get3A_3026] {strides = array<i32>} : memref<48x128xf32, #tpu.memory_space<vmem>>, vector<1x16xf32>,
    %get3A_3028 = vector.shape_cast %get3A_3027 : vector<1x16xf32> to vector<16xf32>
    %get3A_3029 = arith.constant 14 : i32
    %get3A_3030 = arith.index_cast %get3A_3029 : i32 to index
    %get3A_3031 = arith.constant 80 : index
    %get3A_3032 = tpu.vector_load %arg14[%get3A_3030, %get3A_3031] {strides = array<i32>} : memref<48x128xf32, #tpu.memory_space<vmem>>, vector<1x16xf32>,
    %get3A_3033 = vector.shape_cast %get3A_3032 : vector<1x16xf32> to vector<16xf32>
    %add3A_3034 = arith.addf %get3A_3028, %get3A_3033 : vector<16xf32>
    %max3A_3035 = arith.constant 0.000000e+00 : f32
    %max3A_3036 = vector.broadcast %max3A_3035 : f32 to vector<16xf32>
    %max3A_3037 = arith.maximumf %add3A_3034, %max3A_3036 : vector<16xf32>
    %swap3A_3038 = arith.constant 14 : i32
    %swap3A_3039 = arith.index_cast %swap3A_3038 : i32 to index
    %swap3A_3040 = arith.constant 80 : index
    %swap3A_3041 = tpu.vector_load %arg16[%swap3A_3039, %swap3A_3040] {strides = array<i32>} : memref<48x144xf32, #tpu.memory_space<vmem>>, vector<1x16xf32>,
    %swap3A_3042 = vector.shape_cast %swap3A_3041 : vector<1x16xf32> to vector<16xf32>
    %swap3A_3043 = vector.shape_cast %max3A_3037 : vector<16xf32> to vector<1x16xf32>
    tpu.vector_store %arg16[%swap3A_3039, %swap3A_3040], %swap3A_3043 {strides = array<i32>} : memref<48x144xf32, #tpu.memory_space<vmem>>, vector<1x16xf32>,
    %get3A_3044 = arith.constant 14 : i32
    %get3A_3045 = arith.index_cast %get3A_3044 : i32 to index
    %get3A_3046 = arith.constant 96 : index
    %get3A_3047 = tpu.vector_load %arg12[%get3A_3045, %get3A_3046] {strides = array<i32>} : memref<48x128xf32, #tpu.memory_space<vmem>>, vector<1x16xf32>,
    %get3A_3048 = vector.shape_cast %get3A_3047 : vector<1x16xf32> to vector<16xf32>
    %get3A_3049 = arith.constant 14 : i32
    %get3A_3050 = arith.index_cast %get3A_3049 : i32 to index
    %get3A_3051 = arith.constant 96 : index
    %get3A_3052 = tpu.vector_load %arg14[%get3A_3050, %get3A_3051] {strides = array<i32>} : memref<48x128xf32, #tpu.memory_space<vmem>>, vector<1x16xf32>,
    %get3A_3053 = vector.shape_cast %get3A_3052 : vector<1x16xf32> to vector<16xf32>
    %add3A_3054 = arith.addf %get3A_3048, %get3A_3053 : vector<16xf32>
    %max3A_3055 = arith.constant 0.000000e+00 : f32
    %max3A_3056 = vector.broadcast %max3A_3055 : f32 to vector<16xf32>
    %max3A_3057 = arith.maximumf %add3A_3054, %max3A_3056 : vector<16xf32>
    %swap3A_3058 = arith.constant 14 : i32
    %swap3A_3059 = arith.index_cast %swap3A_3058 : i32 to index
    %swap3A_3060 = arith.constant 96 : index
    %swap3A_3061 = tpu.vector_load %arg16[%swap3A_3059, %swap3A_3060] {strides = array<i32>} : memref<48x144xf32, #tpu.memory_space<vmem>>, vector<1x16xf32>,
    %swap3A_3062 = vector.shape_cast %swap3A_3061 : vector<1x16xf32> to vector<16xf32>
    %swap3A_3063 = vector.shape_cast %max3A_3057 : vector<16xf32> to vector<1x16xf32>
    tpu.vector_store %arg16[%swap3A_3059, %swap3A_3060], %swap3A_3063 {strides = array<i32>} : memref<48x144xf32, #tpu.memory_space<vmem>>, vector<1x16xf32>,
    %get3A_3064 = arith.constant 14 : i32
    %get3A_3065 = arith.index_cast %get3A_3064 : i32 to index
    %get3A_3066 = arith.constant 112 : index
    %get3A_3067 = tpu.vector_load %arg12[%get3A_3065, %get3A_3066] {strides = array<i32>} : memref<48x128xf32, #tpu.memory_space<vmem>>, vector<1x16xf32>,
    %get3A_3068 = vector.shape_cast %get3A_3067 : vector<1x16xf32> to vector<16xf32>
    %get3A_3069 = arith.constant 14 : i32
    %get3A_3070 = arith.index_cast %get3A_3069 : i32 to index
    %get3A_3071 = arith.constant 112 : index
    %get3A_3072 = tpu.vector_load %arg14[%get3A_3070, %get3A_3071] {strides = array<i32>} : memref<48x128xf32, #tpu.memory_space<vmem>>, vector<1x16xf32>,
    %get3A_3073 = vector.shape_cast %get3A_3072 : vector<1x16xf32> to vector<16xf32>
    %add3A_3074 = arith.addf %get3A_3068, %get3A_3073 : vector<16xf32>
    %max3A_3075 = arith.constant 0.000000e+00 : f32
    %max3A_3076 = vector.broadcast %max3A_3075 : f32 to vector<16xf32>
    %max3A_3077 = arith.maximumf %add3A_3074, %max3A_3076 : vector<16xf32>
    %swap3A_3078 = arith.constant 14 : i32
    %swap3A_3079 = arith.index_cast %swap3A_3078 : i32 to index
    %swap3A_3080 = arith.constant 112 : index
    %swap3A_3081 = tpu.vector_load %arg16[%swap3A_3079, %swap3A_3080] {strides = array<i32>} : memref<48x144xf32, #tpu.memory_space<vmem>>, vector<1x16xf32>,
    %swap3A_3082 = vector.shape_cast %swap3A_3081 : vector<1x16xf32> to vector<16xf32>
    %swap3A_3083 = vector.shape_cast %max3A_3077 : vector<16xf32> to vector<1x16xf32>
    tpu.vector_store %arg16[%swap3A_3079, %swap3A_3080], %swap3A_3083 {strides = array<i32>} : memref<48x144xf32, #tpu.memory_space<vmem>>, vector<1x16xf32>,
    %get3A_3084 = arith.constant 15 : i32
    %get3A_3085 = arith.index_cast %get3A_3084 : i32 to index
    %get3A_3086 = arith.constant 0 : index
    %get3A_3087 = tpu.vector_load %arg12[%get3A_3085, %get3A_3086] {strides = array<i32>} : memref<48x128xf32, #tpu.memory_space<vmem>>, vector<1x16xf32>,
    %get3A_3088 = vector.shape_cast %get3A_3087 : vector<1x16xf32> to vector<16xf32>
    %get3A_3089 = arith.constant 15 : i32
    %get3A_3090 = arith.index_cast %get3A_3089 : i32 to index
    %get3A_3091 = arith.constant 0 : index
    %get3A_3092 = tpu.vector_load %arg14[%get3A_3090, %get3A_3091] {strides = array<i32>} : memref<48x128xf32, #tpu.memory_space<vmem>>, vector<1x16xf32>,
    %get3A_3093 = vector.shape_cast %get3A_3092 : vector<1x16xf32> to vector<16xf32>
    %add3A_3094 = arith.addf %get3A_3088, %get3A_3093 : vector<16xf32>
    %max3A_3095 = arith.constant 0.000000e+00 : f32
    %max3A_3096 = vector.broadcast %max3A_3095 : f32 to vector<16xf32>
    %max3A_3097 = arith.maximumf %add3A_3094, %max3A_3096 : vector<16xf32>
    %swap3A_3098 = arith.constant 15 : i32
    %swap3A_3099 = arith.index_cast %swap3A_3098 : i32 to index
    %swap3A_3100 = arith.constant 0 : index
    %swap3A_3101 = tpu.vector_load %arg16[%swap3A_3099, %swap3A_3100] {strides = array<i32>} : memref<48x144xf32, #tpu.memory_space<vmem>>, vector<1x16xf32>,
    %swap3A_3102 = vector.shape_cast %swap3A_3101 : vector<1x16xf32> to vector<16xf32>
    %swap3A_3103 = vector.shape_cast %max3A_3097 : vector<16xf32> to vector<1x16xf32>
    tpu.vector_store %arg16[%swap3A_3099, %swap3A_3100], %swap3A_3103 {strides = array<i32>} : memref<48x144xf32, #tpu.memory_space<vmem>>, vector<1x16xf32>,
    %get3A_3104 = arith.constant 15 : i32
    %get3A_3105 = arith.index_cast %get3A_3104 : i32 to index
    %get3A_3106 = arith.constant 16 : index
    %get3A_3107 = tpu.vector_load %arg12[%get3A_3105, %get3A_3106] {strides = array<i32>} : memref<48x128xf32, #tpu.memory_space<vmem>>, vector<1x16xf32>,
    %get3A_3108 = vector.shape_cast %get3A_3107 : vector<1x16xf32> to vector<16xf32>
    %get3A_3109 = arith.constant 15 : i32
    %get3A_3110 = arith.index_cast %get3A_3109 : i32 to index
    %get3A_3111 = arith.constant 16 : index
    %get3A_3112 = tpu.vector_load %arg14[%get3A_3110, %get3A_3111] {strides = array<i32>} : memref<48x128xf32, #tpu.memory_space<vmem>>, vector<1x16xf32>,
    %get3A_3113 = vector.shape_cast %get3A_3112 : vector<1x16xf32> to vector<16xf32>
    %add3A_3114 = arith.addf %get3A_3108, %get3A_3113 : vector<16xf32>
    %max3A_3115 = arith.constant 0.000000e+00 : f32
    %max3A_3116 = vector.broadcast %max3A_3115 : f32 to vector<16xf32>
    %max3A_3117 = arith.maximumf %add3A_3114, %max3A_3116 : vector<16xf32>
    %swap3A_3118 = arith.constant 15 : i32
    %swap3A_3119 = arith.index_cast %swap3A_3118 : i32 to index
    %swap3A_3120 = arith.constant 16 : index
    %swap3A_3121 = tpu.vector_load %arg16[%swap3A_3119, %swap3A_3120] {strides = array<i32>} : memref<48x144xf32, #tpu.memory_space<vmem>>, vector<1x16xf32>,
    %swap3A_3122 = vector.shape_cast %swap3A_3121 : vector<1x16xf32> to vector<16xf32>
    %swap3A_3123 = vector.shape_cast %max3A_3117 : vector<16xf32> to vector<1x16xf32>
    tpu.vector_store %arg16[%swap3A_3119, %swap3A_3120], %swap3A_3123 {strides = array<i32>} : memref<48x144xf32, #tpu.memory_space<vmem>>, vector<1x16xf32>,
    %get3A_3124 = arith.constant 15 : i32
    %get3A_3125 = arith.index_cast %get3A_3124 : i32 to index
    %get3A_3126 = arith.constant 32 : index
    %get3A_3127 = tpu.vector_load %arg12[%get3A_3125, %get3A_3126] {strides = array<i32>} : memref<48x128xf32, #tpu.memory_space<vmem>>, vector<1x16xf32>,
    %get3A_3128 = vector.shape_cast %get3A_3127 : vector<1x16xf32> to vector<16xf32>
    %get3A_3129 = arith.constant 15 : i32
    %get3A_3130 = arith.index_cast %get3A_3129 : i32 to index
    %get3A_3131 = arith.constant 32 : index
    %get3A_3132 = tpu.vector_load %arg14[%get3A_3130, %get3A_3131] {strides = array<i32>} : memref<48x128xf32, #tpu.memory_space<vmem>>, vector<1x16xf32>,
    %get3A_3133 = vector.shape_cast %get3A_3132 : vector<1x16xf32> to vector<16xf32>
    %add3A_3134 = arith.addf %get3A_3128, %get3A_3133 : vector<16xf32>
    %max3A_3135 = arith.constant 0.000000e+00 : f32
    %max3A_3136 = vector.broadcast %max3A_3135 : f32 to vector<16xf32>
    %max3A_3137 = arith.maximumf %add3A_3134, %max3A_3136 : vector<16xf32>
    %swap3A_3138 = arith.constant 15 : i32
    %swap3A_3139 = arith.index_cast %swap3A_3138 : i32 to index
    %swap3A_3140 = arith.constant 32 : index
    %swap3A_3141 = tpu.vector_load %arg16[%swap3A_3139, %swap3A_3140] {strides = array<i32>} : memref<48x144xf32, #tpu.memory_space<vmem>>, vector<1x16xf32>,
    %swap3A_3142 = vector.shape_cast %swap3A_3141 : vector<1x16xf32> to vector<16xf32>
    %swap3A_3143 = vector.shape_cast %max3A_3137 : vector<16xf32> to vector<1x16xf32>
    tpu.vector_store %arg16[%swap3A_3139, %swap3A_3140], %swap3A_3143 {strides = array<i32>} : memref<48x144xf32, #tpu.memory_space<vmem>>, vector<1x16xf32>,
    %get3A_3144 = arith.constant 15 : i32
    %get3A_3145 = arith.index_cast %get3A_3144 : i32 to index
    %get3A_3146 = arith.constant 48 : index
    %get3A_3147 = tpu.vector_load %arg12[%get3A_3145, %get3A_3146] {strides = array<i32>} : memref<48x128xf32, #tpu.memory_space<vmem>>, vector<1x16xf32>,
    %get3A_3148 = vector.shape_cast %get3A_3147 : vector<1x16xf32> to vector<16xf32>
    %get3A_3149 = arith.constant 15 : i32
    %get3A_3150 = arith.index_cast %get3A_3149 : i32 to index
    %get3A_3151 = arith.constant 48 : index
    %get3A_3152 = tpu.vector_load %arg14[%get3A_3150, %get3A_3151] {strides = array<i32>} : memref<48x128xf32, #tpu.memory_space<vmem>>, vector<1x16xf32>,
    %get3A_3153 = vector.shape_cast %get3A_3152 : vector<1x16xf32> to vector<16xf32>
    %add3A_3154 = arith.addf %get3A_3148, %get3A_3153 : vector<16xf32>
    %max3A_3155 = arith.constant 0.000000e+00 : f32
    %max3A_3156 = vector.broadcast %max3A_3155 : f32 to vector<16xf32>
    %max3A_3157 = arith.maximumf %add3A_3154, %max3A_3156 : vector<16xf32>
    %swap3A_3158 = arith.constant 15 : i32
    %swap3A_3159 = arith.index_cast %swap3A_3158 : i32 to index
    %swap3A_3160 = arith.constant 48 : index
    %swap3A_3161 = tpu.vector_load %arg16[%swap3A_3159, %swap3A_3160] {strides = array<i32>} : memref<48x144xf32, #tpu.memory_space<vmem>>, vector<1x16xf32>,
    %swap3A_3162 = vector.shape_cast %swap3A_3161 : vector<1x16xf32> to vector<16xf32>
    %swap3A_3163 = vector.shape_cast %max3A_3157 : vector<16xf32> to vector<1x16xf32>
    tpu.vector_store %arg16[%swap3A_3159, %swap3A_3160], %swap3A_3163 {strides = array<i32>} : memref<48x144xf32, #tpu.memory_space<vmem>>, vector<1x16xf32>,
    %get3A_3164 = arith.constant 15 : i32
    %get3A_3165 = arith.index_cast %get3A_3164 : i32 to index
    %get3A_3166 = arith.constant 64 : index
    %get3A_3167 = tpu.vector_load %arg12[%get3A_3165, %get3A_3166] {strides = array<i32>} : memref<48x128xf32, #tpu.memory_space<vmem>>, vector<1x16xf32>,
    %get3A_3168 = vector.shape_cast %get3A_3167 : vector<1x16xf32> to vector<16xf32>
    %get3A_3169 = arith.constant 15 : i32
    %get3A_3170 = arith.index_cast %get3A_3169 : i32 to index
    %get3A_3171 = arith.constant 64 : index
    %get3A_3172 = tpu.vector_load %arg14[%get3A_3170, %get3A_3171] {strides = array<i32>} : memref<48x128xf32, #tpu.memory_space<vmem>>, vector<1x16xf32>,
    %get3A_3173 = vector.shape_cast %get3A_3172 : vector<1x16xf32> to vector<16xf32>
    %add3A_3174 = arith.addf %get3A_3168, %get3A_3173 : vector<16xf32>
    %max3A_3175 = arith.constant 0.000000e+00 : f32
    %max3A_3176 = vector.broadcast %max3A_3175 : f32 to vector<16xf32>
    %max3A_3177 = arith.maximumf %add3A_3174, %max3A_3176 : vector<16xf32>
    %swap3A_3178 = arith.constant 15 : i32
    %swap3A_3179 = arith.index_cast %swap3A_3178 : i32 to index
    %swap3A_3180 = arith.constant 64 : index
    %swap3A_3181 = tpu.vector_load %arg16[%swap3A_3179, %swap3A_3180] {strides = array<i32>} : memref<48x144xf32, #tpu.memory_space<vmem>>, vector<1x16xf32>,
    %swap3A_3182 = vector.shape_cast %swap3A_3181 : vector<1x16xf32> to vector<16xf32>
    %swap3A_3183 = vector.shape_cast %max3A_3177 : vector<16xf32> to vector<1x16xf32>
    tpu.vector_store %arg16[%swap3A_3179, %swap3A_3180], %swap3A_3183 {strides = array<i32>} : memref<48x144xf32, #tpu.memory_space<vmem>>, vector<1x16xf32>,
    %get3A_3184 = arith.constant 15 : i32
    %get3A_3185 = arith.index_cast %get3A_3184 : i32 to index
    %get3A_3186 = arith.constant 80 : index
    %get3A_3187 = tpu.vector_load %arg12[%get3A_3185, %get3A_3186] {strides = array<i32>} : memref<48x128xf32, #tpu.memory_space<vmem>>, vector<1x16xf32>,
    %get3A_3188 = vector.shape_cast %get3A_3187 : vector<1x16xf32> to vector<16xf32>
    %get3A_3189 = arith.constant 15 : i32
    %get3A_3190 = arith.index_cast %get3A_3189 : i32 to index
    %get3A_3191 = arith.constant 80 : index
    %get3A_3192 = tpu.vector_load %arg14[%get3A_3190, %get3A_3191] {strides = array<i32>} : memref<48x128xf32, #tpu.memory_space<vmem>>, vector<1x16xf32>,
    %get3A_3193 = vector.shape_cast %get3A_3192 : vector<1x16xf32> to vector<16xf32>
    %add3A_3194 = arith.addf %get3A_3188, %get3A_3193 : vector<16xf32>
    %max3A_3195 = arith.constant 0.000000e+00 : f32
    %max3A_3196 = vector.broadcast %max3A_3195 : f32 to vector<16xf32>
    %max3A_3197 = arith.maximumf %add3A_3194, %max3A_3196 : vector<16xf32>
    %swap3A_3198 = arith.constant 15 : i32
    %swap3A_3199 = arith.index_cast %swap3A_3198 : i32 to index
    %swap3A_3200 = arith.constant 80 : index
    %swap3A_3201 = tpu.vector_load %arg16[%swap3A_3199, %swap3A_3200] {strides = array<i32>} : memref<48x144xf32, #tpu.memory_space<vmem>>, vector<1x16xf32>,
    %swap3A_3202 = vector.shape_cast %swap3A_3201 : vector<1x16xf32> to vector<16xf32>
    %swap3A_3203 = vector.shape_cast %max3A_3197 : vector<16xf32> to vector<1x16xf32>
    tpu.vector_store %arg16[%swap3A_3199, %swap3A_3200], %swap3A_3203 {strides = array<i32>} : memref<48x144xf32, #tpu.memory_space<vmem>>, vector<1x16xf32>,
    %get3A_3204 = arith.constant 15 : i32
    %get3A_3205 = arith.index_cast %get3A_3204 : i32 to index
    %get3A_3206 = arith.constant 96 : index
    %get3A_3207 = tpu.vector_load %arg12[%get3A_3205, %get3A_3206] {strides = array<i32>} : memref<48x128xf32, #tpu.memory_space<vmem>>, vector<1x16xf32>,
    %get3A_3208 = vector.shape_cast %get3A_3207 : vector<1x16xf32> to vector<16xf32>
    %get3A_3209 = arith.constant 15 : i32
    %get3A_3210 = arith.index_cast %get3A_3209 : i32 to index
    %get3A_3211 = arith.constant 96 : index
    %get3A_3212 = tpu.vector_load %arg14[%get3A_3210, %get3A_3211] {strides = array<i32>} : memref<48x128xf32, #tpu.memory_space<vmem>>, vector<1x16xf32>,
    %get3A_3213 = vector.shape_cast %get3A_3212 : vector<1x16xf32> to vector<16xf32>
    %add3A_3214 = arith.addf %get3A_3208, %get3A_3213 : vector<16xf32>
    %max3A_3215 = arith.constant 0.000000e+00 : f32
    %max3A_3216 = vector.broadcast %max3A_3215 : f32 to vector<16xf32>
    %max3A_3217 = arith.maximumf %add3A_3214, %max3A_3216 : vector<16xf32>
    %swap3A_3218 = arith.constant 15 : i32
    %swap3A_3219 = arith.index_cast %swap3A_3218 : i32 to index
    %swap3A_3220 = arith.constant 96 : index
    %swap3A_3221 = tpu.vector_load %arg16[%swap3A_3219, %swap3A_3220] {strides = array<i32>} : memref<48x144xf32, #tpu.memory_space<vmem>>, vector<1x16xf32>,
    %swap3A_3222 = vector.shape_cast %swap3A_3221 : vector<1x16xf32> to vector<16xf32>
    %swap3A_3223 = vector.shape_cast %max3A_3217 : vector<16xf32> to vector<1x16xf32>
    tpu.vector_store %arg16[%swap3A_3219, %swap3A_3220], %swap3A_3223 {strides = array<i32>} : memref<48x144xf32, #tpu.memory_space<vmem>>, vector<1x16xf32>,
    %get3A_3224 = arith.constant 15 : i32
    %get3A_3225 = arith.index_cast %get3A_3224 : i32 to index
    %get3A_3226 = arith.constant 112 : index
    %get3A_3227 = tpu.vector_load %arg12[%get3A_3225, %get3A_3226] {strides = array<i32>} : memref<48x128xf32, #tpu.memory_space<vmem>>, vector<1x16xf32>,
    %get3A_3228 = vector.shape_cast %get3A_3227 : vector<1x16xf32> to vector<16xf32>
    %get3A_3229 = arith.constant 15 : i32
    %get3A_3230 = arith.index_cast %get3A_3229 : i32 to index
    %get3A_3231 = arith.constant 112 : index
    %get3A_3232 = tpu.vector_load %arg14[%get3A_3230, %get3A_3231] {strides = array<i32>} : memref<48x128xf32, #tpu.memory_space<vmem>>, vector<1x16xf32>,
    %get3A_3233 = vector.shape_cast %get3A_3232 : vector<1x16xf32> to vector<16xf32>
    %add3A_3234 = arith.addf %get3A_3228, %get3A_3233 : vector<16xf32>
    %max3A_3235 = arith.constant 0.000000e+00 : f32
    %max3A_3236 = vector.broadcast %max3A_3235 : f32 to vector<16xf32>
    %max3A_3237 = arith.maximumf %add3A_3234, %max3A_3236 : vector<16xf32>
    %swap3A_3238 = arith.constant 15 : i32
    %swap3A_3239 = arith.index_cast %swap3A_3238 : i32 to index
    %swap3A_3240 = arith.constant 112 : index
    %swap3A_3241 = tpu.vector_load %arg16[%swap3A_3239, %swap3A_3240] {strides = array<i32>} : memref<48x144xf32, #tpu.memory_space<vmem>>, vector<1x16xf32>,
    %swap3A_3242 = vector.shape_cast %swap3A_3241 : vector<1x16xf32> to vector<16xf32>
    %swap3A_3243 = vector.shape_cast %max3A_3237 : vector<16xf32> to vector<1x16xf32>
    tpu.vector_store %arg16[%swap3A_3239, %swap3A_3240], %swap3A_3243 {strides = array<i32>} : memref<48x144xf32, #tpu.memory_space<vmem>>, vector<1x16xf32>,
    %get3A_3244 = arith.constant 0 : index
    %get3A_3245 = tpu.vector_load %arg10[%get3A_3244] {strides = array<i32>} : memref<48xi32, #tpu.memory_space<vmem>>, vector<16xi32>,
    %get3A_3246 = vector.shape_cast %get3A_3245 : vector<16xi32> to vector<16xi32>
    "tpu.region"() ({
      %run_scoped3A = tpu.sem_alloc : memref<!tpu.dma_semaphore, #tpu.memory_space<semaphore_mem>>
      %dma_start3A_3252 = arith.constant 0 : i32
      %dma_start3A_3253 = arith.constant 0 : i32
      %dma_start3A_3254 = tpu.memref_slice %arg16[%dma_start3A_3252, %dma_start3A_3253] : memref<48x144xf32, #tpu.memory_space<vmem>> -> memref<16x144xf32, #tpu.memory_space<vmem>>
      %dma_start3A_3255 = arith.constant 0 : i32
      %dma_start3A_3256 = arith.constant 0 : i32
      %dma_start3A_3257 = tpu.memref_slice %arg18[%dma_start3A_3255, %dma_start3A_3256] : memref<10000x144xf32, #tpu.memory_space<vmem_shared>> -> memref<10000x144xf32, #tpu.memory_space<vmem_shared>>
      tpu.enqueue_indirect_dma source(%dma_start3A_3254 : memref<16x144xf32, #tpu.memory_space<vmem>>) target(%dma_start3A_3257 : memref<10000x144xf32, #tpu.memory_space<vmem_shared>>) offsets(%get3A_3246 : vector<16xi32>) semaphore(%run_scoped3A : memref<!tpu.dma_semaphore, #tpu.memory_space<semaphore_mem>>) {add = true}
      %dma_wait3A_3258 = arith.constant 0 : i32
      %dma_wait3A_3259 = arith.constant 0 : i32
      %dma_wait3A_3260 = tpu.memref_slice %arg16[%dma_wait3A_3258, %dma_wait3A_3259] : memref<48x144xf32, #tpu.memory_space<vmem>> -> memref<16x144xf32, #tpu.memory_space<vmem>>
      %dma_wait3A_3261 = arith.constant 0 : i32
      %dma_wait3A_3262 = arith.constant 0 : i32
      %dma_wait3A_3263 = tpu.memref_slice %arg18[%dma_wait3A_3261, %dma_wait3A_3262] : memref<10000x144xf32, #tpu.memory_space<vmem_shared>> -> memref<10000x144xf32, #tpu.memory_space<vmem_shared>>
      tpu.wait_indirect_dma semaphore(%run_scoped3A : memref<!tpu.dma_semaphore, #tpu.memory_space<semaphore_mem>>) src(%dma_wait3A_3260 : memref<16x144xf32, #tpu.memory_space<vmem>>) dst(%dma_wait3A_3263 : memref<10000x144xf32, #tpu.memory_space<vmem_shared>>)
      tpu.yield
    }) : () -> ()
    %barrier3A_3247 = arith.constant 0 : index
    tpu.barrier barrier_id(%barrier3A_3247)
    %mul3A_3248 = arith.constant 625 : i32
    %mul3A_3249 = arith.muli %arg1, %mul3A_3248 : i32
    %mul3A_3250 = arith.constant 625 : i32
    %mul3A_3251 = arith.muli %arg1, %mul3A_3250 : i32
    "tpu.region"() ({
      %run_scoped3A = tpu.sem_alloc : memref<!tpu.dma_semaphore, #tpu.memory_space<semaphore_mem>>
      %dma_start3A_3252 = arith.constant 0 : i32
      %dma_start3A_3253 = tpu.memref_slice %arg7[%arg0, %mul3A_3251, %dma_start3A_3252] : memref<2x10000x144xf32, #tpu.memory_space<hbm>> -> memref<1x625x144xf32, #tpu.memory_space<hbm>>
      %dma_start3A_3254 = tpu.memref_squeeze %dma_start3A_3253 : memref<1x625x144xf32, #tpu.memory_space<hbm>> -> memref<625x144xf32, #tpu.memory_space<hbm>>
      %dma_start3A_3255 = arith.constant 0 : i32
      %dma_start3A_3256 = tpu.memref_slice %arg18[%mul3A_3249, %dma_start3A_3255] : memref<10000x144xf32, #tpu.memory_space<vmem_shared>> -> memref<625x144xf32, #tpu.memory_space<vmem_shared>>
      tpu.enqueue_dma source(%dma_start3A_3256 : memref<625x144xf32, #tpu.memory_space<vmem_shared>>) target(%dma_start3A_3254 : memref<625x144xf32, #tpu.memory_space<hbm>>) target_semaphore(%run_scoped3A : memref<!tpu.dma_semaphore, #tpu.memory_space<semaphore_mem>>)
      %dma_wait3A_3257 = arith.constant 0 : i32
      %dma_wait3A_3258 = tpu.memref_slice %arg7[%arg0, %mul3A_3251, %dma_wait3A_3257] : memref<2x10000x144xf32, #tpu.memory_space<hbm>> -> memref<1x625x144xf32, #tpu.memory_space<hbm>>
      %dma_wait3A_3259 = tpu.memref_squeeze %dma_wait3A_3258 : memref<1x625x144xf32, #tpu.memory_space<hbm>> -> memref<625x144xf32, #tpu.memory_space<hbm>>
      %dma_wait3A_3260 = arith.constant 0 : i32
      %dma_wait3A_3261 = tpu.memref_slice %arg18[%mul3A_3249, %dma_wait3A_3260] : memref<10000x144xf32, #tpu.memory_space<vmem_shared>> -> memref<625x144xf32, #tpu.memory_space<vmem_shared>>
      tpu.wait_dma2 semaphore(%run_scoped3A : memref<!tpu.dma_semaphore, #tpu.memory_space<semaphore_mem>>) src(%dma_wait3A_3261 : memref<625x144xf32, #tpu.memory_space<vmem_shared>>) dst(%dma_wait3A_3259 : memref<625x144xf32, #tpu.memory_space<hbm>>)
      tpu.yield
    }) : () -> ()
    return
  }
}

module attributes {stable_mosaic.version = 14 : i64} {
  func.func @_node_proj_body(%arg0: memref<10000x128xf32, #tpu.memory_space<vmem>>, %arg1: memref<128x128xf32, #tpu.memory_space<vmem>>, %arg2: memref<1x64xf32, #tpu.memory_space<vmem>>, %arg3: memref<64x128xf32, #tpu.memory_space<vmem>>, %arg4: memref<1x128xf32, #tpu.memory_space<vmem>>, %arg5: memref<10000x128xf32, #tpu.memory_space<vmem>>) attributes {dimension_semantics = [], scalar_prefetch = 0 : i64, scratch_operands = 0 : i64, tpu.core_type = #tpu.core_type<tc>} {
    %get3A = arith.constant 0 : index
    %get3A_0 = arith.constant 0 : index
    %get3A_1 = vector.load %arg2[%get3A, %get3A_0] : memref<1x64xf32, #tpu.memory_space<vmem>>, vector<1x64xf32>
    %get3A_2 = arith.constant 0 : index
    %get3A_3 = arith.constant 0 : index
    %get3A_4 = vector.load %arg3[%get3A_2, %get3A_3] : memref<64x128xf32, #tpu.memory_space<vmem>>, vector<64x128xf32>
    %dot_general3A = arith.constant dense<0.000000e+00> : vector<1x128xf32>
    %dot_general3A_5 = tpu.matmul %get3A_1, %get3A_4, %dot_general3A {dimension_numbers = #tpu.dot_dimension_numbers<[1], [0], [0], [1], [0, 0, 1, 1], [], []>, precision = #tpu.contract_precision<fp32>, transpose_lhs_hint = false} : vector<1x64xf32>, vector<64x128xf32>, vector<1x128xf32> -> vector<1x128xf32>
    %get3A_6 = arith.constant 0 : index
    %get3A_7 = arith.constant 0 : index
    %get3A_8 = vector.load %arg0[%get3A_6, %get3A_7] : memref<10000x128xf32, #tpu.memory_space<vmem>>, vector<10000x128xf32>
    %get3A_9 = arith.constant 0 : index
    %get3A_10 = arith.constant 0 : index
    %get3A_11 = vector.load %arg1[%get3A_9, %get3A_10] : memref<128x128xf32, #tpu.memory_space<vmem>>, vector<128x128xf32>
    %dot_general3A_12 = arith.constant dense<0.000000e+00> : vector<10000x128xf32>
    %dot_general3A_13 = tpu.matmul %get3A_8, %get3A_11, %dot_general3A_12 {dimension_numbers = #tpu.dot_dimension_numbers<[1], [0], [0], [1], [0, 0, 1, 1], [], []>, precision = #tpu.contract_precision<fp32>, transpose_lhs_hint = false} : vector<10000x128xf32>, vector<128x128xf32>, vector<10000x128xf32> -> vector<10000x128xf32>
    %add3A = vector.broadcast %dot_general3A_5 : vector<1x128xf32> to vector<10000x128xf32>
    %add3A_14 = arith.addf %dot_general3A_13, %add3A : vector<10000x128xf32>
    %get3A_15 = arith.constant 0 : index
    %get3A_16 = arith.constant 0 : index
    %get3A_17 = vector.load %arg4[%get3A_15, %get3A_16] : memref<1x128xf32, #tpu.memory_space<vmem>>, vector<1x128xf32>
    %add3A_18 = vector.broadcast %get3A_17 : vector<1x128xf32> to vector<10000x128xf32>
    %add3A_19 = arith.addf %add3A_14, %add3A_18 : vector<10000x128xf32>
    %swap3A = arith.constant 0 : index
    %swap3A_20 = arith.constant 0 : index
    %swap3A_21 = vector.load %arg5[%swap3A, %swap3A_20] : memref<10000x128xf32, #tpu.memory_space<vmem>>, vector<10000x128xf32>
    tpu.vector_store %arg5[%swap3A, %swap3A_20], %add3A_19 {strides = array<i32>} : memref<10000x128xf32, #tpu.memory_space<vmem>>, vector<10000x128xf32>,
    return
  }
}

module attributes {stable_mosaic.version = 14 : i64} {
  func.func @_edge_part_body(%arg0: i32, %arg1: memref<6400x16xf32, #tpu.memory_space<vmem>>, %arg2: memref<16x128xf32, #tpu.memory_space<vmem>>, %arg3: memref<6400x128xf32, #tpu.memory_space<vmem>>) attributes {dimension_semantics = [#tpu.dimension_semantics<arbitrary>], iteration_bounds = array<i64: 50>, scalar_prefetch = 0 : i64, scratch_operands = 0 : i64, tpu.core_type = #tpu.core_type<tc>, window_params = [{transform_indices = @transform_0, window_bounds = array<i64: 6400, 16>}, {pipeline_mode = #tpu.pipeline_mode<synchronous>, transform_indices = @transform_1, window_bounds = array<i64: 16, 128>}, {transform_indices = @transform_2, window_bounds = array<i64: 6400, 128>}]} {
    %get3A = arith.constant 0 : index
    %get3A_0 = arith.constant 0 : index
    %get3A_1 = vector.load %arg1[%get3A, %get3A_0] : memref<6400x16xf32, #tpu.memory_space<vmem>>, vector<6400x16xf32>
    %get3A_2 = arith.constant 0 : index
    %get3A_3 = arith.constant 0 : index
    %get3A_4 = vector.load %arg2[%get3A_2, %get3A_3] : memref<16x128xf32, #tpu.memory_space<vmem>>, vector<16x128xf32>
    %dot_general3A = arith.constant dense<0.000000e+00> : vector<6400x128xf32>
    %dot_general3A_5 = tpu.matmul %get3A_1, %get3A_4, %dot_general3A {dimension_numbers = #tpu.dot_dimension_numbers<[1], [0], [0], [1], [0, 0, 1, 1], [], []>, precision = #tpu.contract_precision<fp32>, transpose_lhs_hint = false} : vector<6400x16xf32>, vector<16x128xf32>, vector<6400x128xf32> -> vector<6400x128xf32>
    %swap3A = arith.constant 0 : index
    %swap3A_6 = arith.constant 0 : index
    %swap3A_7 = vector.load %arg3[%swap3A, %swap3A_6] : memref<6400x128xf32, #tpu.memory_space<vmem>>, vector<6400x128xf32>
    tpu.vector_store %arg3[%swap3A, %swap3A_6], %dot_general3A_5 {strides = array<i32>} : memref<6400x128xf32, #tpu.memory_space<vmem>>, vector<6400x128xf32>,
    return
  }
  func.func @transform_0(%arg0: i32) -> (i32, i32) {
    %c0_i32 = arith.constant 0 : i32
    %c0_i32_0 = arith.constant 0 : i32
    return %arg0, %c0_i32 : i32, i32
  }
  func.func @transform_1(%arg0: i32) -> (i32, i32) {
    %c0_i32 = arith.constant 0 : i32
    %c0_i32_0 = arith.constant 0 : i32
    %c0_i32_1 = arith.constant 0 : i32
    return %c0_i32, %c0_i32_0 : i32, i32
  }
  func.func @transform_2(%arg0: i32) -> (i32, i32) {
    %c0_i32 = arith.constant 0 : i32
    %c0_i32_0 = arith.constant 0 : i32
    return %arg0, %c0_i32 : i32, i32
  }
}

module attributes {stable_mosaic.version = 14 : i64} {
  func.func @_final_body(%arg0: i32, %arg1: memref<2x2000x144xf32, #tpu.memory_space<vmem>>, %arg2: memref<2000x128xf32, #tpu.memory_space<vmem>>, %arg3: memref<128x128xf32, #tpu.memory_space<vmem>>, %arg4: memref<1x128xf32, #tpu.memory_space<vmem>>, %arg5: memref<128x128xf32, #tpu.memory_space<vmem>>, %arg6: memref<128x128xf32, #tpu.memory_space<vmem>>, %arg7: memref<1x64xf32, #tpu.memory_space<vmem>>, %arg8: memref<64x128xf32, #tpu.memory_space<vmem>>, %arg9: memref<1x128xf32, #tpu.memory_space<vmem>>, %arg10: memref<128x128xf32, #tpu.memory_space<vmem>>, %arg11: memref<1x128xf32, #tpu.memory_space<vmem>>, %arg12: memref<1x128xf32, #tpu.memory_space<vmem>>, %arg13: memref<1x128xf32, #tpu.memory_space<vmem>>, %arg14: memref<2000x128xf32, #tpu.memory_space<vmem>>) attributes {dimension_semantics = [#tpu.dimension_semantics<arbitrary>], iteration_bounds = array<i64: 5>, scalar_prefetch = 0 : i64, scratch_operands = 0 : i64, tpu.core_type = #tpu.core_type<tc>, window_params = [{transform_indices = @transform_0, window_bounds = array<i64: 2, 2000, 144>}, {transform_indices = @transform_1, window_bounds = array<i64: 2000, 128>}, {pipeline_mode = #tpu.pipeline_mode<synchronous>, transform_indices = @transform_2, window_bounds = array<i64: 128, 128>}, {pipeline_mode = #tpu.pipeline_mode<synchronous>, transform_indices = @transform_3, window_bounds = array<i64: 1, 128>}, {pipeline_mode = #tpu.pipeline_mode<synchronous>, transform_indices = @transform_4, window_bounds = array<i64: 128, 128>}, {pipeline_mode = #tpu.pipeline_mode<synchronous>, transform_indices = @transform_5, window_bounds = array<i64: 128, 128>}, {pipeline_mode = #tpu.pipeline_mode<synchronous>, transform_indices = @transform_6, window_bounds = array<i64: 1, 64>}, {pipeline_mode = #tpu.pipeline_mode<synchronous>, transform_indices = @transform_7, window_bounds = array<i64: 64, 128>}, {pipeline_mode = #tpu.pipeline_mode<synchronous>, transform_indices = @transform_8, window_bounds = array<i64: 1, 128>}, {pipeline_mode = #tpu.pipeline_mode<synchronous>, transform_indices = @transform_9, window_bounds = array<i64: 128, 128>}, {pipeline_mode = #tpu.pipeline_mode<synchronous>, transform_indices = @transform_10, window_bounds = array<i64: 1, 128>}, {pipeline_mode = #tpu.pipeline_mode<synchronous>, transform_indices = @transform_11, window_bounds = array<i64: 1, 128>}, {pipeline_mode = #tpu.pipeline_mode<synchronous>, transform_indices = @transform_12, window_bounds = array<i64: 1, 128>}, {transform_indices = @transform_13, window_bounds = array<i64: 2000, 128>}]} {
    %get3A = arith.constant 0 : index
    %get3A_0 = arith.constant 0 : index
    %get3A_1 = arith.constant 0 : index
    %get3A_2 = vector.load %arg1[%get3A, %get3A_0, %get3A_1] : memref<2x2000x144xf32, #tpu.memory_space<vmem>>, vector<1x2000x144xf32>
    %get3A_3 = vector.shape_cast %get3A_2 : vector<1x2000x144xf32> to vector<2000x144xf32>
    %get3A_4 = arith.constant 1 : index
    %get3A_5 = arith.constant 0 : index
    %get3A_6 = arith.constant 0 : index
    %get3A_7 = vector.load %arg1[%get3A_4, %get3A_5, %get3A_6] : memref<2x2000x144xf32, #tpu.memory_space<vmem>>, vector<1x2000x144xf32>
    %get3A_8 = vector.shape_cast %get3A_7 : vector<1x2000x144xf32> to vector<2000x144xf32>
    %add3A = arith.addf %get3A_3, %get3A_8 : vector<2000x144xf32>
    %slice3A = vector.extract_strided_slice %add3A {offsets = [0, 0], sizes = [2000, 128], strides = [1, 1]} : vector<2000x144xf32> to vector<2000x128xf32>
    %slice3A_9 = vector.extract_strided_slice %add3A {offsets = [0, 128], sizes = [2000, 16], strides = [1, 1]} : vector<2000x144xf32> to vector<2000x16xf32>
    %reduce_sum3A = arith.constant dense<0.000000e+00> : vector<2000xf32>
    %reduce_sum3A_10 = vector.multi_reduction <add>, %slice3A_9, %reduce_sum3A [1] : vector<2000x16xf32> to vector<2000xf32>
    %broadcast_in_dim3A = vector.shape_cast %reduce_sum3A_10 : vector<2000xf32> to vector<2000x1xf32>
    %get3A_11 = arith.constant 0 : index
    %get3A_12 = arith.constant 0 : index
    %get3A_13 = vector.load %arg3[%get3A_11, %get3A_12] : memref<128x128xf32, #tpu.memory_space<vmem>>, vector<128x128xf32>
    %dot_general3A = arith.constant dense<0.000000e+00> : vector<2000x128xf32>
    %dot_general3A_14 = tpu.matmul %slice3A, %get3A_13, %dot_general3A {dimension_numbers = #tpu.dot_dimension_numbers<[1], [0], [0], [1], [0, 0, 1, 1], [], []>, precision = #tpu.contract_precision<fp32>, transpose_lhs_hint = false} : vector<2000x128xf32>, vector<128x128xf32>, vector<2000x128xf32> -> vector<2000x128xf32>
    %get3A_15 = arith.constant 0 : index
    %get3A_16 = arith.constant 0 : index
    %get3A_17 = vector.load %arg4[%get3A_15, %get3A_16] : memref<1x128xf32, #tpu.memory_space<vmem>>, vector<1x128xf32>
    %mul3A = vector.broadcast %broadcast_in_dim3A : vector<2000x1xf32> to vector<2000x128xf32>
    %mul3A_18 = vector.broadcast %get3A_17 : vector<1x128xf32> to vector<2000x128xf32>
    %mul3A_19 = arith.mulf %mul3A, %mul3A_18 : vector<2000x128xf32>
    %add3A_20 = arith.addf %dot_general3A_14, %mul3A_19 : vector<2000x128xf32>
    %max3A = arith.constant 1.000000e+00 : f32
    %max3A_21 = vector.broadcast %max3A : f32 to vector<2000x1xf32>
    %max3A_22 = arith.maximumf %broadcast_in_dim3A, %max3A_21 : vector<2000x1xf32>
    %div3A = vector.broadcast %max3A_22 : vector<2000x1xf32> to vector<2000x128xf32>
    %div3A_23 = arith.divf %add3A_20, %div3A : vector<2000x128xf32>
    %get3A_24 = arith.constant 0 : index
    %get3A_25 = arith.constant 0 : index
    %get3A_26 = vector.load %arg2[%get3A_24, %get3A_25] : memref<2000x128xf32, #tpu.memory_space<vmem>>, vector<2000x128xf32>
    %get3A_27 = arith.constant 0 : index
    %get3A_28 = arith.constant 0 : index
    %get3A_29 = vector.load %arg7[%get3A_27, %get3A_28] : memref<1x64xf32, #tpu.memory_space<vmem>>, vector<1x64xf32>
    %get3A_30 = arith.constant 0 : index
    %get3A_31 = arith.constant 0 : index
    %get3A_32 = vector.load %arg8[%get3A_30, %get3A_31] : memref<64x128xf32, #tpu.memory_space<vmem>>, vector<64x128xf32>
    %dot_general3A_33 = arith.constant dense<0.000000e+00> : vector<1x128xf32>
    %dot_general3A_34 = tpu.matmul %get3A_29, %get3A_32, %dot_general3A_33 {dimension_numbers = #tpu.dot_dimension_numbers<[1], [0], [0], [1], [0, 0, 1, 1], [], []>, precision = #tpu.contract_precision<fp32>, transpose_lhs_hint = false} : vector<1x64xf32>, vector<64x128xf32>, vector<1x128xf32> -> vector<1x128xf32>
    %get3A_35 = arith.constant 0 : index
    %get3A_36 = arith.constant 0 : index
    %get3A_37 = vector.load %arg9[%get3A_35, %get3A_36] : memref<1x128xf32, #tpu.memory_space<vmem>>, vector<1x128xf32>
    %add3A_38 = arith.addf %dot_general3A_34, %get3A_37 : vector<1x128xf32>
    %get3A_39 = arith.constant 0 : index
    %get3A_40 = arith.constant 0 : index
    %get3A_41 = vector.load %arg5[%get3A_39, %get3A_40] : memref<128x128xf32, #tpu.memory_space<vmem>>, vector<128x128xf32>
    %dot_general3A_42 = arith.constant dense<0.000000e+00> : vector<2000x128xf32>
    %dot_general3A_43 = tpu.matmul %get3A_26, %get3A_41, %dot_general3A_42 {dimension_numbers = #tpu.dot_dimension_numbers<[1], [0], [0], [1], [0, 0, 1, 1], [], []>, precision = #tpu.contract_precision<fp32>, transpose_lhs_hint = false} : vector<2000x128xf32>, vector<128x128xf32>, vector<2000x128xf32> -> vector<2000x128xf32>
    %get3A_44 = arith.constant 0 : index
    %get3A_45 = arith.constant 0 : index
    %get3A_46 = vector.load %arg6[%get3A_44, %get3A_45] : memref<128x128xf32, #tpu.memory_space<vmem>>, vector<128x128xf32>
    %dot_general3A_47 = arith.constant dense<0.000000e+00> : vector<2000x128xf32>
    %dot_general3A_48 = tpu.matmul %div3A_23, %get3A_46, %dot_general3A_47 {dimension_numbers = #tpu.dot_dimension_numbers<[1], [0], [0], [1], [0, 0, 1, 1], [], []>, precision = #tpu.contract_precision<fp32>, transpose_lhs_hint = false} : vector<2000x128xf32>, vector<128x128xf32>, vector<2000x128xf32> -> vector<2000x128xf32>
    %add3A_49 = arith.addf %dot_general3A_43, %dot_general3A_48 : vector<2000x128xf32>
    %add3A_50 = vector.broadcast %add3A_38 : vector<1x128xf32> to vector<2000x128xf32>
    %add3A_51 = arith.addf %add3A_49, %add3A_50 : vector<2000x128xf32>
    %max3A_52 = arith.constant 0.000000e+00 : f32
    %max3A_53 = vector.broadcast %max3A_52 : f32 to vector<2000x128xf32>
    %max3A_54 = arith.maximumf %add3A_51, %max3A_53 : vector<2000x128xf32>
    %get3A_55 = arith.constant 0 : index
    %get3A_56 = arith.constant 0 : index
    %get3A_57 = vector.load %arg10[%get3A_55, %get3A_56] : memref<128x128xf32, #tpu.memory_space<vmem>>, vector<128x128xf32>
    %dot_general3A_58 = arith.constant dense<0.000000e+00> : vector<2000x128xf32>
    %dot_general3A_59 = tpu.matmul %max3A_54, %get3A_57, %dot_general3A_58 {dimension_numbers = #tpu.dot_dimension_numbers<[1], [0], [0], [1], [0, 0, 1, 1], [], []>, precision = #tpu.contract_precision<fp32>, transpose_lhs_hint = false} : vector<2000x128xf32>, vector<128x128xf32>, vector<2000x128xf32> -> vector<2000x128xf32>
    %add3A_60 = arith.addf %get3A_26, %dot_general3A_59 : vector<2000x128xf32>
    %get3A_61 = arith.constant 0 : index
    %get3A_62 = arith.constant 0 : index
    %get3A_63 = vector.load %arg11[%get3A_61, %get3A_62] : memref<1x128xf32, #tpu.memory_space<vmem>>, vector<1x128xf32>
    %add3A_64 = vector.broadcast %get3A_63 : vector<1x128xf32> to vector<2000x128xf32>
    %add3A_65 = arith.addf %add3A_60, %add3A_64 : vector<2000x128xf32>
    %reduce_sum3A_66 = arith.constant dense<0.000000e+00> : vector<2000xf32>
    %reduce_sum3A_67 = vector.multi_reduction <add>, %add3A_65, %reduce_sum3A_66 [1] : vector<2000x128xf32> to vector<2000xf32>
    %broadcast_in_dim3A_68 = vector.shape_cast %reduce_sum3A_67 : vector<2000xf32> to vector<2000x1xf32>
    %div3A_69 = arith.constant 1.280000e+02 : f32
    %div3A_70 = vector.broadcast %div3A_69 : f32 to vector<2000x1xf32>
    %div3A_71 = arith.divf %broadcast_in_dim3A_68, %div3A_70 : vector<2000x1xf32>
    %sub3A = vector.broadcast %div3A_71 : vector<2000x1xf32> to vector<2000x128xf32>
    %sub3A_72 = arith.subf %add3A_65, %sub3A : vector<2000x128xf32>
    %mul3A_73 = arith.mulf %sub3A_72, %sub3A_72 : vector<2000x128xf32>
    %reduce_sum3A_74 = arith.constant dense<0.000000e+00> : vector<2000xf32>
    %reduce_sum3A_75 = vector.multi_reduction <add>, %mul3A_73, %reduce_sum3A_74 [1] : vector<2000x128xf32> to vector<2000xf32>
    %broadcast_in_dim3A_76 = vector.shape_cast %reduce_sum3A_75 : vector<2000xf32> to vector<2000x1xf32>
    %div3A_77 = arith.constant 1.280000e+02 : f32
    %div3A_78 = vector.broadcast %div3A_77 : f32 to vector<2000x1xf32>
    %div3A_79 = arith.divf %broadcast_in_dim3A_76, %div3A_78 : vector<2000x1xf32>
    %add3A_80 = arith.constant 9.99999974E-6 : f32
    %add3A_81 = vector.broadcast %add3A_80 : f32 to vector<2000x1xf32>
    %add3A_82 = arith.addf %div3A_79, %add3A_81 : vector<2000x1xf32>
    %rsqrt3A = math.rsqrt %add3A_82 : vector<2000x1xf32>
    %mul3A_83 = vector.broadcast %rsqrt3A : vector<2000x1xf32> to vector<2000x128xf32>
    %mul3A_84 = arith.mulf %sub3A_72, %mul3A_83 : vector<2000x128xf32>
    %get3A_85 = arith.constant 0 : index
    %get3A_86 = arith.constant 0 : index
    %get3A_87 = vector.load %arg12[%get3A_85, %get3A_86] : memref<1x128xf32, #tpu.memory_space<vmem>>, vector<1x128xf32>
    %mul3A_88 = vector.broadcast %get3A_87 : vector<1x128xf32> to vector<2000x128xf32>
    %mul3A_89 = arith.mulf %mul3A_84, %mul3A_88 : vector<2000x128xf32>
    %get3A_90 = arith.constant 0 : index
    %get3A_91 = arith.constant 0 : index
    %get3A_92 = vector.load %arg13[%get3A_90, %get3A_91] : memref<1x128xf32, #tpu.memory_space<vmem>>, vector<1x128xf32>
    %add3A_93 = vector.broadcast %get3A_92 : vector<1x128xf32> to vector<2000x128xf32>
    %add3A_94 = arith.addf %mul3A_89, %add3A_93 : vector<2000x128xf32>
    %swap3A = arith.constant 0 : index
    %swap3A_95 = arith.constant 0 : index
    %swap3A_96 = vector.load %arg14[%swap3A, %swap3A_95] : memref<2000x128xf32, #tpu.memory_space<vmem>>, vector<2000x128xf32>
    tpu.vector_store %arg14[%swap3A, %swap3A_95], %add3A_94 {strides = array<i32>} : memref<2000x128xf32, #tpu.memory_space<vmem>>, vector<2000x128xf32>,
    return
  }
  func.func @transform_0(%arg0: i32) -> (i32, i32, i32) {
    %c0_i32 = arith.constant 0 : i32
    %c0_i32_0 = arith.constant 0 : i32
    %c0_i32_1 = arith.constant 0 : i32
    return %c0_i32, %arg0, %c0_i32_0 : i32, i32, i32
  }
  func.func @transform_1(%arg0: i32) -> (i32, i32) {
    %c0_i32 = arith.constant 0 : i32
    %c0_i32_0 = arith.constant 0 : i32
    return %arg0, %c0_i32 : i32, i32
  }
  func.func @transform_2(%arg0: i32) -> (i32, i32) {
    %c0_i32 = arith.constant 0 : i32
    %c0_i32_0 = arith.constant 0 : i32
    %c0_i32_1 = arith.constant 0 : i32
    return %c0_i32, %c0_i32_0 : i32, i32
  }
  func.func @transform_3(%arg0: i32) -> (i32, i32) {
    %c0_i32 = arith.constant 0 : i32
    %c0_i32_0 = arith.constant 0 : i32
    %c0_i32_1 = arith.constant 0 : i32
    return %c0_i32, %c0_i32_0 : i32, i32
  }
  func.func @transform_4(%arg0: i32) -> (i32, i32) {
    %c0_i32 = arith.constant 0 : i32
    %c0_i32_0 = arith.constant 0 : i32
    %c0_i32_1 = arith.constant 0 : i32
    return %c0_i32, %c0_i32_0 : i32, i32
  }
  func.func @transform_5(%arg0: i32) -> (i32, i32) {
    %c0_i32 = arith.constant 0 : i32
    %c0_i32_0 = arith.constant 0 : i32
    %c0_i32_1 = arith.constant 0 : i32
    return %c0_i32, %c0_i32_0 : i32, i32
  }
  func.func @transform_6(%arg0: i32) -> (i32, i32) {
    %c0_i32 = arith.constant 0 : i32
    %c0_i32_0 = arith.constant 0 : i32
    %c0_i32_1 = arith.constant 0 : i32
    return %c0_i32, %c0_i32_0 : i32, i32
  }
  func.func @transform_7(%arg0: i32) -> (i32, i32) {
    %c0_i32 = arith.constant 0 : i32
    %c0_i32_0 = arith.constant 0 : i32
    %c0_i32_1 = arith.constant 0 : i32
    return %c0_i32, %c0_i32_0 : i32, i32
  }
  func.func @transform_8(%arg0: i32) -> (i32, i32) {
    %c0_i32 = arith.constant 0 : i32
    %c0_i32_0 = arith.constant 0 : i32
    %c0_i32_1 = arith.constant 0 : i32
    return %c0_i32, %c0_i32_0 : i32, i32
  }
  func.func @transform_9(%arg0: i32) -> (i32, i32) {
    %c0_i32 = arith.constant 0 : i32
    %c0_i32_0 = arith.constant 0 : i32
    %c0_i32_1 = arith.constant 0 : i32
    return %c0_i32, %c0_i32_0 : i32, i32
  }
  func.func @transform_10(%arg0: i32) -> (i32, i32) {
    %c0_i32 = arith.constant 0 : i32
    %c0_i32_0 = arith.constant 0 : i32
    %c0_i32_1 = arith.constant 0 : i32
    return %c0_i32, %c0_i32_0 : i32, i32
  }
  func.func @transform_11(%arg0: i32) -> (i32, i32) {
    %c0_i32 = arith.constant 0 : i32
    %c0_i32_0 = arith.constant 0 : i32
    %c0_i32_1 = arith.constant 0 : i32
    return %c0_i32, %c0_i32_0 : i32, i32
  }
  func.func @transform_12(%arg0: i32) -> (i32, i32) {
    %c0_i32 = arith.constant 0 : i32
    %c0_i32_0 = arith.constant 0 : i32
    %c0_i32_1 = arith.constant 0 : i32
    return %c0_i32, %c0_i32_0 : i32, i32
  }
  func.func @transform_13(%arg0: i32) -> (i32, i32) {
    %c0_i32 = arith.constant 0 : i32
    %c0_i32_0 = arith.constant 0 : i32
    return %arg0, %c0_i32 : i32, i32
  }
}

</mosaic_0001>

<sc_bundles>
// kernel: kernel.6.cloned.1.call-start
scs
__scs_entry_jumppad:
0x0: {  	(pc) =	sbr.rel $0x88, $3  }
0x1: {  	(tag) =	ssettag $0x0;
	lr =	simm.s32 $0x1  }
0x2: {  	[smem:$0x3F93] =	sst lr;
	_ =	strace $0xD0000000  }
0x3: {  	_ = 	snop  }
0x4: {  	_ = 	snop  }
0x5: {  	_ = 	snop  }
0x6: {  	_ = 	snop  }
0x7: {  	_ = 	snop  }
__scs_overlays_trampoline_lowered:
0x8: {  	[smem:$0x3FA2] =	sst s0  }
0x9: {  	[smem:$0x3FA3] =	sst s1  }
0xa: {  	[smem:$0x3FA4] =	sst s2  }
0xb: {  	[smem:$0x3FA5] =	sst s3  }
0xc: {  	[smem:$0x3FA6] =	sst s4  }
0xd: {  	[smem:$0x3FA7] =	sst s5  }
0xe: {  	[smem:$0x3FA8] =	sst s6  }
0xf: {  	[smem:$0x3FA9] =	sst s7  }
0x10: {  	[smem:$0x3FAA] =	sst s8  }
0x11: {  	[smem:$0x3FAB] =	sst s9;
	s0 =	simm.s32 @!p0 $0x0  }
0x12: {  	s1 =	sld [smem:$0x3F91];
	s0 =	simm.s32 @p0 $0x1  }
0x13: {  	[smem:$0x3FAC] =	sst s0;
	s0 =	simm.s32 @!p1 $0x0  }
0x14: {  	s2 =	sld [smem:$0x3F90];
	s0 =	simm.s32 @p1 $0x1  }
0x15: {  	[smem:$0x3FAD] =	sst s0;
	s0 =	simm.s32 @!p2 $0x0  }
0x16: {  	s3 =	sld [smem:$0x3FDB];
	s0 =	simm.s32 @p2 $0x1  }
0x17: {  	s4 =	simm.s32 $0x1BF5;
	[smem:$0x3FAF] =	sst s0  }
0x18: {  	s0 =	sld [smem:$0x3F92];
	_ =	swait.ge [sflag:s4], $0x0  }
0x19: {  	s7 =	sld [smem:$0x3F93]  }
0x1a: {  	s8 =	sadd.s32 $0xFFFFE003, lr  }
0x1b: {  	s9 =	sadd.s32 $0xFFFFFEF7, lr;
	s5 =	simm.s32 $0xFFFFFFFF;
	p2 =	slt.u32 s8, $0xFFFFF086  }
0x1c: {  	p1 =	slt.u32 s9, $0xF7A;
	s5 =	simm.s32 @!p2 $0x0  }
0x1d: {  	s5 =	simm.s32 @p1 $0x1;
	p0 =	seq.s32 s7, s2  }
0x1e: {  	s7 =	smul.u32 @!p0 $0xF7A, s2;
	p2 =	seq.s32 @!p0 s5, $0x0  }
0x1f: {  	s9 =	smul.u32 $0xF7A, s1;
	s8 =	simm.s32 @!p0 $0x1BF5;
	p2 =	por !p2, p0  }
0x20: {  	[sflag:s8] =	ssyncset.s32 @!p0 $0xFFFFF086;
	s6 =	sadd.s32 @!p0 s3, s7;
	s7 =	simm.s32 @!p0 $0x108  }
0x21: {  	s3 =	sadd.s32 s3, s9;
	s6 =	sadd.s32 @!p0 $0x88, s6;
	s7 =	simm.s32 @p2 $0x1082  }
0x22: {  	[simem:s7], [sflag:s8] =	dma.local @!p0 [hbm:s6], $0xF7A  }
0x23: {  	s9 =	sor.u32 $0xD0000000, s2;
	s6 =	simm.s32 $0x108;
	_ =	swait.ge @!p0 [sflag:s8], $0x0  }
0x24: {  	s3 =	sadd.s32 $0x88, s3;
	s6 =	simm.s32 @!p1 $0x1082;
	[sflag:s4] =	ssyncset.s32 $0xFFFFF086  }
0x25: {  	[simem:s6], [sflag:s4] =	dma.local [hbm:s3], $0xF7A  }
0x26: {  	[smem:$0x3F93] =	sst s1;
	(tag) =	ssettag s2;
	_ =	strace s9  }
0x27: {  	s1 =	sld [smem:$0x3FA3]  }
0x28: {  	s2 =	sld [smem:$0x3FA4]  }
0x29: {  	s4 =	sld [smem:$0x3FA6]  }
0x2a: {  	p0 =	seq.s32 s5, $0x0;
	s5 =	sld [smem:$0x3FA7]  }
0x2b: {  	s6 =	sld [smem:$0x3FA8]  }
0x2c: {  	s7 =	sld [smem:$0x3FA9]  }
0x2d: {  	s3 =	simm.s32 $0x108;
	s8 =	sld [smem:$0x3FAA]  }
0x2e: {  	s3 =	simm.s32 @!p0 $0x1082;
	s9 =	sld [smem:$0x3FAB]  }
0x2f: {  	lr =	sadd.s32 s0, s3;
	s0 =	sld [smem:$0x3FA2]  }
0x30: {  	s3 =	sld [smem:$0x3FA5]  }
0x31: {  	[smem:$0x3FAE] =	sst s10  }
0x32: {  	s10 =	sld [smem:$0x3FAC];
	_ =	sdelay $0x3  }
0x33: {  	p0 =	seq.s32 s10, $0x1;
	s10 =	sld [smem:$0x3FAE];
	_ =	sdelay $0x3  }
0x34: {  	[smem:$0x3FAE] =	sst s10  }
0x35: {  	s10 =	sld [smem:$0x3FAD];
	_ =	sdelay $0x3  }
0x36: {  	p1 =	seq.s32 s10, $0x1;
	s10 =	sld [smem:$0x3FAE];
	_ =	sdelay $0x3  }
0x37: {  	[smem:$0x3FAE] =	sst s10  }
0x38: {  	s10 =	sld [smem:$0x3FAF]  }
0x39: {  	_ = 	snop;
	(pc) =	sbr.ind lr, $3  }
0x3a: {  	_ = 	snop  }
0x3b: {  	_ = 	snop  }
0x3c: {  	p2 =	seq.s32 s10, $0x1;
	s10 =	sld [smem:$0x3FAE]  }
0x3d: {  	_ =	shalt  }
0x3e: {  	_ =	shalt  }
0x3f: {  	_ =	shalt  }
0x40: {  	_ =	shalt  }
0x41: {  	_ =	shalt  }
0x42: {  	_ =	shalt  }
0x43: {  	_ =	shalt  }
0x44: {  	_ =	shalt  }
0x45: {  	_ =	shalt  }
0x46: {  	_ =	shalt  }
0x47: {  	_ =	shalt  }
0x48: {  	_ =	shalt  }
0x49: {  	_ =	shalt  }
0x4a: {  	_ =	shalt  }
0x4b: {  	_ =	shalt  }
0x4c: {  	_ =	shalt  }
0x4d: {  	_ =	shalt  }
0x4e: {  	_ =	shalt  }
0x4f: {  	_ =	shalt  }
0x50: {  	_ =	shalt  }
0x51: {  	_ =	shalt  }
0x52: {  	_ =	shalt  }
0x53: {  	_ =	shalt  }
0x54: {  	_ =	shalt  }
0x55: {  	_ =	shalt  }
0x56: {  	_ =	shalt  }
0x57: {  	_ =	shalt  }
0x58: {  	_ =	shalt  }
0x59: {  	_ =	shalt  }
0x5a: {  	_ =	shalt  }
0x5b: {  	_ =	shalt  }
0x5c: {  	_ =	shalt  }
0x5d: {  	_ =	shalt  }
0x5e: {  	_ =	shalt  }
0x5f: {  	_ =	shalt  }
0x60: {  	_ =	shalt  }
0x61: {  	_ =	shalt  }
0x62: {  	_ =	shalt  }
0x63: {  	_ =	shalt  }
0x64: {  	_ =	shalt  }
0x65: {  	_ =	shalt  }
0x66: {  	_ =	shalt  }
0x67: {  	_ =	shalt  }
0x68: {  	_ =	shalt  }
0x69: {  	_ =	shalt  }
0x6a: {  	_ =	shalt  }
0x6b: {  	_ =	shalt  }
0x6c: {  	_ =	shalt  }
0x6d: {  	_ =	shalt  }
0x6e: {  	_ =	shalt  }
0x6f: {  	_ =	shalt  }
0x70: {  	_ =	shalt  }
0x71: {  	_ =	shalt  }
0x72: {  	_ =	shalt  }
0x73: {  	_ =	shalt  }
0x74: {  	_ =	shalt  }
0x75: {  	_ =	shalt  }
0x76: {  	_ =	shalt  }
0x77: {  	_ =	shalt  }
0x78: {  	_ =	shalt  }
0x79: {  	_ =	shalt  }
0x7a: {  	_ =	shalt  }
0x7b: {  	_ =	shalt  }
0x7c: {  	_ =	shalt  }
0x7d: {  	_ =	shalt  }
0x7e: {  	_ =	shalt  }
0x7f: {  	_ =	shalt  }
0x80: {  	_ =	shalt  }
0x81: {  	_ =	shalt  }
0x82: {  	_ =	shalt  }
0x83: {  	_ =	shalt  }
0x84: {  	_ =	shalt  }
0x85: {  	_ =	shalt  }
0x86: {  	_ =	shalt  }
0x87: {  	_ =	shalt  }
.Lfunc_end0:
.L_simem_size_0:
called_computation_lowered:
.L_overlay_start_0:
0x88: {  	s2 =	sld [smem:$0x3FD9]  }
0x89: {  	s3 =	sld [smem:$0x3FFE];
	_ =	sdelay $0x1  }
0x8a: {  	s1 =	srdreg.scid  }
0x8b: {  	s0 =	sand.u32 $0x1, s1  }
0x8c: {  	s17 =	sshll.u32 s0, $0xA;
	s2 =	sadd.s32 s3, s2  }
0x8d: {  	s2 =	sadd.s32 s2, s17  }
0x8e: {  	[smem:$0x3FBA] =	sst s2  }
0x8f: {  	_ = 	snop  }
0x90: {  	s2 =	sld [smem:$0x3FD0];
	(tm) =	ssettm $0x1  }
0x91: {  	s18 =	sld [smem:$0x3FFB];
	_ =	sdelay $0x3  }
0x92: {  	_ =	strace s18  }
0x93: {  	s3 =	sld [smem:$0x3FFC];
	_ =	sdelay $0x3  }
0x94: {  	_ =	strace s3  }
0x95: {  	s3 =	sld [smem:$0x3FFD];
	_ =	sdelay $0x3  }
0x96: {  	_ =	strace s3  }
0x97: {  	_ =	strace $0x8FFFFFFF  }
0x98: {  	s19 =	sld [smem:$0x3FDB];
	_ =	sdelay $0x1  }
0x99: {  	s4 =	simm.s32 $_scs_section_size  }
0x9a: {  	s5 =	simm.s32 $_size__tile_overlayer_lowered;
	s6 =	simm.s32 $_tile_overlayer_lowered  }
0x9b: {  	s22 =	simm.s32 $0x1BFF;
	s21 =	sshll.u32 s6, $0x1;
	s3 =	sadd.s32 s4, s19  }
0x9c: {  	s7 =	simm.s32 $0x0;
	s20 =	sshll.u32 s5, $0x1;
	s5 =	sadd.s32 s21, s3  }
0x9d: {  	[timem:s7], [sflag:s22] =	dma.local [hbm:s5], s20  }
0x9e: {  	_ =	swait.ge [sflag:s22], s20  }
0x9f: {  	s4 =	ssub.s32 $0x0, s20;
	[sflag:s22] =	ssyncset.done $0x0  }
0xa0: {  	[sflag:s22] =	ssyncadd.s32 s4;
	_ =	sdelay $0x1  }
0xa1: {  	s23 =	simm.s32 $0x1B8B  }
0xa2: {  	_ =	swait.ge [sflag:s23], $0x1  }
0xa3: {  	[sflag:s23] =	ssyncset.done $0x0  }
0xa4: {  	s25 =	simm.s32 $0x1B8E;
	s24 =	sld [smem:$0x3FFE];
	[sflag:s23] =	ssyncadd.s32 $0xFFFFFFFF  }
0xa5: {  	s26 =	simm.s32 $execute0_lowered;
	[smem:$0x3FD2] =	sst s25  }
0xa6: {  	s5 =	sshll.u32 s26, $0x1;
	_ =	strace $0x80000046;
	[dreg:$0x1] =	wrdreg $0xFFFFFFFF  }
0xa7: {  	s28 =	simm.s32 $_size_execute0_lowered;
	s3 =	sadd.s32 s3, s5;
	[dreg:$0x0] =	wrdreg $0x0  }
0xa8: {  	s5 =	sshll.u32 s28, $0x1;
	[dreg:$0x2] =	wrdreg s3  }
0xa9: {  	[dreg:$0x3] =	wrdreg s5  }
0xaa: {  	[dreg:$0x4] =	wrdreg $0xC0  }
0xab: {  	_ =	task [dreg:s7], $0x5FFFF  }
0xac: {  	[dreg:$0x1] =	wrdreg $0xFFFFFFFF  }
0xad: {  	[dreg:$0x0] =	wrdreg $0x60  }
0xae: {  	[dreg:$0x2] =	wrdreg s2  }
0xaf: {  	[dreg:$0x3] =	wrdreg s24  }
0xb0: {  	[dreg:$0x4] =	wrdreg $0x96C00  }
0xb1: {  	[dreg:$0x5] =	wrdreg $0x9  }
0xb2: {  	_ =	task.clear_ibuf [dreg:s7], $0x6FFFF;
	_ =	strace $0x90000046  }
0xb3: {  	s29 =	simm.s32 $0x9;
	_ =	strace $0x80000048  }
0xb4: {  	_ =	swait.ge [sflag:s29], $0x1  }
0xb5: {  	[sflag:s29] =	ssyncadd.s32 $0xFFFFFFFF  }
0xb6: {  	_ =	strace $0x90000048  }
0xb7: {  	_ =	sfence  }
0xb8: {  	s30 =	sld [smem:$0x0];
	_ =	sdelay $0x2  }
0xb9: {  	s31 =	sshll.u32 s1, $0xD;
	s1 =	sshrl.u32 s1, $0x2  }
0xba: {  	s3 =	sand.u32 $0x4000, s31;
	s1 =	sadd.s32 s1, s30  }
0xbb: {  	s0 =	sor.u32 s3, s0;
	s1 =	sshll.u32 s1, $0x11  }
0xbc: {  	s0 =	sor.u32 s1, s0  }
0xbd: {  	s0 =	sadd.s32 $0x8F2B, s0  }
0xbe: {  	[sflag:s0] =	ssyncadd.remote.s32 $0x1  }
0xbf: {  	_ =	sfence.sel $0xFFFF  }
0xc0: {  	[dreg:$0x0] =	wrdreg $0xFFFFFFFF;
	(pc) =	sbr.abs _section_cstart, $3  }
0xc1: {  	[dreg:$0x1] =	wrdreg $0xFFFFFFFF  }
0xc2: {  	_ =	task.clear_ibuf [dreg:s7], $0x2FFFF;
	_ =	strace $0x9FFFFFFF  }
0xc3: {  	(tm) =	ssettm $0x7FFFFFFF  }
tec
execute0_lowered:
.L_overlay_start_1:
0x0: {  	(tag) =	ssettag $0x1  }
0x1: {  	s1 =	rddreg [dreg:$0x0]  }
0x2: {  	s0 =	rddreg [dreg:$0x1]  }
0x3: {  	s2 =	rddreg [dreg:$0x2]  }
0x4: {  	s4 =	simm.s32 $0x0;
	s3 =	srdreg.scid;
	s13 =	stileid.u32  }
0x5: {  	s29 =	simm.s32 $0x9;
	s30 =	simm.s32 $0x60C0;
	[smem:$0x7FF] =	sst s4  }
0x6: {  	s5 =	sadd.s32 $0x4F8400, s0;
	s3 =	sand.u32 $0x1, s3;
	s6 =	sadd.s32 $0x4EE600, s0  }
0x7: {  	s8 =	smul.u32 $0x15F90, s13;
	s7 =	sadd.s32 $0x4E4800, s0;
	s10 =	sadd.s32 $0x2800, s0  }
0x8: {  	s14 =	sshll.u32 s13, $0x1;
	s17 =	sshll.u32 s13, $0x6;
	s13 =	simm.s32 $0x72C0  }
0x9: {  	s31 =	simm.s32 $0x8;
	_ =	strace $0x80000047;
	s9 =	smul.u32 $0x15F900, s3  }
0xa: {  	[dreg:$0x4] =	wrdreg s10;
	s11 =	ssub.s32 $0x2, s3;
	s3 =	sor.u32 s3, s14  }
0xb: {  	s19 =	sor.u32 $0x1C0B, s17;
	s10 =	simm.s32 $0x60;
	s14 =	simm.s32 $0x4  }
0xc: {  	s17 =	simm.s32 $0x84C0;
	s12 =	sshrl.u32 s11, $0x1;
	[dreg:$0x6] =	wrdreg s19  }
0xd: {  	s9 =	sadd.s32 s8, s9;
	s16 =	ssub.s32 s11, s12;
	s8 =	sadd.s32 s8, s2  }
0xe: {  	s15 =	sshrl.u32 s9, $0x3;
	s9 =	smul.u32 $0x2710, s3;
	[dreg:$0x5] =	wrdreg s8  }
0xf: {  	s3 =	smul.u32 $0x27100, s3;
	s28 =	smax.u32 s16, $0x1;
	s16 =	simm.s32 $0x7BC0  }
0x10: {  	s0 =	sadd.s32 s15, s0;
	[dreg:$0x10] =	wrdreg s28;
	s15 =	simm.s32 $0xA  }
0x11: {  	s18 =	sshrl.u32 s9, $0x3;
	s11 =	sadd.s32 $0x30, s9;
	s23 =	sadd.s32 $0x2700, s9  }
0x12: {  	s3 =	sadd.s32 s5, s3;
	s0 =	sadd.s32 $0x5400, s0;
	s20 =	sadd.s32 s6, s18  }
0x13: {  	s21 =	sshrl.u32 s11, $0x3;
	s12 =	sadd.s32 s7, s18;
	[dreg:$0xb] =	wrdreg s3  }
0x14: {  	s24 =	sshrl.u32 s23, $0x3;
	s26 =	sshll.u32 s23, $0x4;
	[dreg:$0xf] =	wrdreg s0  }
0x15: {  	s18 =	simm.s32 $0x8DC0;
	[dreg:$0x7] =	wrdreg s20;
	s22 =	sadd.s32 s6, s21  }
0x16: {  	[dreg:$0x9] =	wrdreg s12;
	s8 =	sadd.s32 s7, s21;
	s25 =	sadd.s32 s6, s24  }
0x17: {  	s3 =	sadd.s32 s5, s26;
	s12 =	simm.s32 $0xC0;
	[dreg:$0x8] =	wrdreg s22  }
0x18: {  	s20 =	simm.s32 $0x30C0;
	s26 =	simm.s32 $0x1;
	[dreg:$0xa] =	wrdreg s8  }
0x19: {  	s21 =	simm.s32 $0x0;
	[dreg:$0xc] =	wrdreg s25;
	s8 =	sadd.s32 s7, s24  }
0x1a: {  	v0 =	vimm.f32 $0.0e+00;
	vm0 =	vcmask $0x300;
	[dreg:$0xe] =	wrdreg s3;
	s3 =	simm.s32 $0xB;
	s24 =	simm.s32 $0x30  }
0x1b: {  	v0 =	vsel vm0, $0x3F800000, v0;
	vm0 =	vmmov $0xffff;
	s25 =	simm.s32 $0x3;
	[dreg:$0xd] =	wrdreg s8;
	s8 =	simm.s32 $0x2  }
.LBB2_1:
0x1c: {  	[dreg:$0x11] =	wrdreg s21  }
0x1d: {  	s0 =	rddreg [dreg:$0x5]  }
0x1e: {  	s23 =	rddreg [dreg:$0x4];
	s22 =	sshrl.u32 s0, $0x3  }
0x1f: {  	[dreg:$0x12] =	wrdreg s22  }
0x20: {  	[spmem:s22], [sflag:s19] =	dma.local [hbm:s23], $0x2BF2  }
0x21: {  	_ =	swait.ge [sflag:s3], $0x2BF2  }
0x22: {  	[sflag:s3] =	ssyncset.done $0x0  }
0x23: {  	[sflag:s3] =	ssyncadd.s32 $0xFFFFD40E  }
0x24: {  	[tilespmem:$0x6140] =	vst v0  }
0x25: {  	[tilespmem:$0x7C40] =	vst v0  }
0x26: {  	[tilespmem:$0x61D0] =	vst v0  }
0x27: {  	[tilespmem:$0x7CD0] =	vst v0  }
0x28: {  	[tilespmem:$0x6260] =	vst v0  }
0x29: {  	[tilespmem:$0x7D60] =	vst v0  }
0x2a: {  	[tilespmem:$0x62F0] =	vst v0  }
0x2b: {  	[tilespmem:$0x7DF0] =	vst v0  }
0x2c: {  	[tilespmem:$0x6380] =	vst v0  }
0x2d: {  	[tilespmem:$0x7E80] =	vst v0  }
0x2e: {  	[tilespmem:$0x6410] =	vst v0  }
0x2f: {  	[tilespmem:$0x7F10] =	vst v0  }
0x30: {  	[tilespmem:$0x64A0] =	vst v0  }
0x31: {  	[tilespmem:$0x7FA0] =	vst v0  }
0x32: {  	[tilespmem:$0x6530] =	vst v0  }
0x33: {  	[tilespmem:$0x8030] =	vst v0  }
0x34: {  	[tilespmem:$0x65C0] =	vst v0  }
0x35: {  	[tilespmem:$0x80C0] =	vst v0  }
0x36: {  	[tilespmem:$0x6650] =	vst v0  }
0x37: {  	[tilespmem:$0x8150] =	vst v0  }
0x38: {  	[tilespmem:$0x66E0] =	vst v0  }
0x39: {  	[tilespmem:$0x81E0] =	vst v0  }
0x3a: {  	[tilespmem:$0x6770] =	vst v0  }
0x3b: {  	[tilespmem:$0x8270] =	vst v0  }
0x3c: {  	[tilespmem:$0x6800] =	vst v0  }
0x3d: {  	[tilespmem:$0x8300] =	vst v0  }
0x3e: {  	[tilespmem:$0x6890] =	vst v0  }
0x3f: {  	[tilespmem:$0x8390] =	vst v0  }
0x40: {  	[tilespmem:$0x6920] =	vst v0  }
0x41: {  	[tilespmem:$0x8420] =	vst v0  }
0x42: {  	[tilespmem:$0x69B0] =	vst v0  }
0x43: {  	[tilespmem:$0x84B0] =	vst v0  }
0x44: {  	[tilespmem:$0x6A40] =	vst v0  }
0x45: {  	[tilespmem:$0x8540] =	vst v0  }
0x46: {  	[tilespmem:$0x6AD0] =	vst v0  }
0x47: {  	[tilespmem:$0x85D0] =	vst v0  }
0x48: {  	[tilespmem:$0x6B60] =	vst v0  }
0x49: {  	[tilespmem:$0x8660] =	vst v0  }
0x4a: {  	[tilespmem:$0x6BF0] =	vst v0  }
0x4b: {  	[tilespmem:$0x86F0] =	vst v0  }
0x4c: {  	[tilespmem:$0x6C80] =	vst v0  }
0x4d: {  	[tilespmem:$0x8780] =	vst v0  }
0x4e: {  	[tilespmem:$0x6D10] =	vst v0  }
0x4f: {  	[tilespmem:$0x8810] =	vst v0  }
0x50: {  	[tilespmem:$0x6DA0] =	vst v0  }
0x51: {  	[tilespmem:$0x88A0] =	vst v0  }
0x52: {  	[tilespmem:$0x6E30] =	vst v0  }
0x53: {  	[tilespmem:$0x8930] =	vst v0  }
0x54: {  	[tilespmem:$0x6EC0] =	vst v0  }
0x55: {  	[tilespmem:$0x89C0] =	vst v0  }
0x56: {  	[tilespmem:$0x6F50] =	vst v0  }
0x57: {  	[tilespmem:$0x8A50] =	vst v0  }
0x58: {  	[tilespmem:$0x6FE0] =	vst v0  }
0x59: {  	[tilespmem:$0x8AE0] =	vst v0  }
0x5a: {  	[tilespmem:$0x7070] =	vst v0  }
0x5b: {  	[tilespmem:$0x8B70] =	vst v0  }
0x5c: {  	[tilespmem:$0x7100] =	vst v0  }
0x5d: {  	[tilespmem:$0x8C00] =	vst v0  }
0x5e: {  	[tilespmem:$0x7190] =	vst v0  }
0x5f: {  	[tilespmem:$0x8C90] =	vst v0  }
0x60: {  	[tilespmem:$0x7220] =	vst v0  }
0x61: {  	[tilespmem:$0x8D20] =	vst v0  }
0x62: {  	[tilespmem:$0x72B0] =	vst v0  }
0x63: {  	[tilespmem:$0x8DB0] =	vst v0  }
0x64: {  	[tilespmem:$0x7340] =	vst v0  }
0x65: {  	[tilespmem:$0x8E40] =	vst v0  }
0x66: {  	[tilespmem:$0x73D0] =	vst v0  }
0x67: {  	[tilespmem:$0x8ED0] =	vst v0  }
0x68: {  	[tilespmem:$0x7460] =	vst v0  }
0x69: {  	[tilespmem:$0x8F60] =	vst v0  }
0x6a: {  	[tilespmem:$0x74F0] =	vst v0  }
0x6b: {  	[tilespmem:$0x8FF0] =	vst v0  }
0x6c: {  	[tilespmem:$0x7580] =	vst v0  }
0x6d: {  	[tilespmem:$0x9080] =	vst v0  }
0x6e: {  	[tilespmem:$0x7610] =	vst v0  }
0x6f: {  	[tilespmem:$0x9110] =	vst v0  }
0x70: {  	[tilespmem:$0x76A0] =	vst v0  }
0x71: {  	[tilespmem:$0x91A0] =	vst v0  }
0x72: {  	[tilespmem:$0x7730] =	vst v0  }
0x73: {  	[tilespmem:$0x9230] =	vst v0  }
0x74: {  	[tilespmem:$0x77C0] =	vst v0  }
0x75: {  	[tilespmem:$0x92C0] =	vst v0  }
0x76: {  	[tilespmem:$0x7850] =	vst v0  }
0x77: {  	[tilespmem:$0x9350] =	vst v0  }
0x78: {  	[tilespmem:$0x78E0] =	vst v0  }
0x79: {  	[tilespmem:$0x93E0] =	vst v0  }
0x7a: {  	[tilespmem:$0x7970] =	vst v0  }
0x7b: {  	[tilespmem:$0x9470] =	vst v0  }
0x7c: {  	[tilespmem:$0x7A00] =	vst v0  }
0x7d: {  	[tilespmem:$0x9500] =	vst v0  }
0x7e: {  	[tilespmem:$0x7A90] =	vst v0  }
0x7f: {  	[tilespmem:$0x9590] =	vst v0  }
0x80: {  	[tilespmem:$0x7B20] =	vst v0  }
0x81: {  	[tilespmem:$0x9620] =	vst v0  }
0x82: {  	[tilespmem:$0x7BB0] =	vst v0  }
0x83: {  	s22 =	rddreg [dreg:$0x7];
	[tilespmem:$0x96B0] =	vst v0  }
0x84: {  	[tilespmem:s4], [sflag:$0x7] =	stream.linear.gather [hbm4b:s22+s4], $0x30, $0x38;
	[tilespmem:$0x1F650] =	vst v63  }
0x85: {  	s23 =	rddreg [dreg:$0x8]  }
0x86: {  	[tilespmem:s24], [sflag:$0x8] =	stream.linear.gather [hbm4b:s23+s4], $0x30, $0x38;
	[tilespmem:$0x1F650] =	vst v63  }
0x87: {  	s3 =	rddreg [dreg:$0x9]  }
0x88: {  	[tilespmem:s10], [sflag:$0x9] =	stream.linear.gather [hbm4b:s3+s4], $0x30, $0x38;
	[tilespmem:$0x1F650] =	vst v63  }
0x89: {  	s21 =	simm.s32 $0x90;
	s19 =	rddreg [dreg:$0xa];
	s22 =	simm.s32 $0x7  }
0x8a: {  	[tilespmem:s21], [sflag:$0xA] =	stream.linear.gather [hbm4b:s19+s4], $0x30, $0x38;
	[tilespmem:$0x1F650] =	vst v63  }
0x8b: {  	_ =	swait.ge [sflag:s22], $0x30  }
0x8c: {  	[sflag:s22] =	ssyncset.done $0x0  }
0x8d: {  	[sflag:s22] =	ssyncadd.s32 $0xFFFFFFD0  }
0x8e: {  	[tilespmem:s12], [sflag:$0x1] =	stream.indirect.gather [hbm4b:s1+s24], $0x80, s4, s24, $0xb8;
	[tilespmem:$0x1F650] =	vst v63  }
0x8f: {  	s23 =	rddreg [dreg:$0xb]  }
0x90: {  	[tilespmem:s20], [sflag:$0x3] =	stream.linear.gather [hbm4b:s23+s4], $0x1800, $0x38;
	[tilespmem:$0x1F650] =	vst v63  }
0x91: {  	s28 =	simm.s32 $0x0;
	[bflag:$0x0] =	sbarrier.arrive $0xFFFF  }
.LBB2_2:
0x92: {  	_ =	swait.ge [sflag:s31], $0x30;
	s0 =	smul.u32 $0x60, s28  }
0x93: {  	[sflag:s31] =	ssyncset.done $0x0  }
0x94: {  	s3 =	simm.s32 $0x18C0;
	[sflag:s31] =	ssyncadd.s32 $0xFFFFFFD0;
	s0 =	sadd.s32 s0, s11  }
0x95: {  	[tilespmem:s3], [sflag:$0x2] =	stream.indirect.gather [hbm4b:s1+s24], $0x80, s24, s24, $0xb8;
	[tilespmem:$0x1F650] =	vst v63  }
0x96: {  	s0 =	sshll.u32 s0, $0x4  }
0x97: {  	s0 =	sand.u32 $0x1FFFFF00, s0  }
0x98: {  	s23 =	simm.s32 $0x48C0;
	s0 =	sadd.s32 s5, s0  }
0x99: {  	[tilespmem:s23], [sflag:$0x4] =	stream.linear.gather [hbm4b:s0+s4], $0x1800, $0x38;
	[tilespmem:$0x1F650] =	vst v63  }
0x9a: {  	_ =	swait.ge [sflag:s26], $0x1800  }
0x9b: {  	[sflag:s26] =	ssyncset.done $0x0  }
0x9c: {  	[sflag:s26] =	ssyncadd.s32 $0xFFFFE800  }
0x9d: {  	_ =	swait.ge [sflag:s25], $0x1800  }
0x9e: {  	p1 =	seq.s32 s28, $0x0;
	[sflag:s25] =	ssyncset.done $0x0  }
0x9f: {  	s0 =	simm.s32 @!p1 $0x5;
	[sflag:s25] =	ssyncadd.s32 $0xFFFFE800  }
0xa0: {  	_ =	swait.ge @!p1 [sflag:s0], $0x900  }
0xa1: {  	[sflag:s0] =	ssyncset.done @!p1 $0x0  }
0xa2: {  	p0 =	seq.s32 @!p1 s28, $0x67;
	[sflag:s0] =	ssyncadd.s32 @!p1 $0xFFFFF700  }
0xa3: {  	p2 =	por p1, !p0;
	_ =	swait.ge @!p1 [sflag:s0], $0x900  }
.Ltmp0:
0xa4: {  	[sflag:s0] =	ssyncset.done @!p1 $0x0;
	(pc) =	sbr.rel @!p2 .LBB2_4-.Ltmp0, $4  }
0xa5: {  	[sflag:s0] =	ssyncadd.s32 @!p1 $0xFFFFF700  }
0xa6: {  	_ =	swait.ge @!p1 [sflag:s0], $0x900  }
0xa7: {  	s12 =	sshll.u32 s28, $0x1;
	[sflag:s0] =	ssyncset.done @!p1 $0x0  }
0xa8: {  	s22 =	sadd.s32 @!p1 $0x2, s12;
	p0 =	por @!p1 $0x1, $0x1;
	[sflag:s0] =	ssyncadd.s32 @!p1 $0xFFFFF700  }
0xa9: {  	s22 =	simm.s32 @p1 $0x2  }
0xaa: {  	s0 =	smul.u32 $0x30, s22;
	_ =	sdelay $0x1  }
0xab: {  	s0 =	sadd.s32 s9, s0  }
0xac: {  	s0 =	sshrl.u32 s0, $0x3  }
0xad: {  	p0 =	por $0x0, $0x0;
	s0 =	sadd.s32 s6, s0  }
0xae: {  	[tilespmem:s4], [sflag:$0x7] =	stream.linear.gather [hbm4b:s0+s4], $0x30, $0x38;
	[tilespmem:$0x1F650] =	vst v63  }
.LBB2_4:
0xaf: {  	s3 =	simm.s32 $0x1C0  }
0xb0: {  	s0 =	simm.s32 $0x31C0;
	v1 =	vld [tilespmem:s3+$0x80]  }
0xb1: {  	v2 =	vld [tilespmem:s0+$0x80];
	_ =	sdelay $0x4  }
0xb2: {  	v3 =	vld [tilespmem:s3+$0xFFFFFF80];
	v1 =	vadd.f32 v2, v1  }
0xb3: {  	v2 =	vld [tilespmem:s0+$0xFFFFFF80]  }
0xb4: {  	s19 =	simm.s32 $0x61E0;
	v4 =	vld [tilespmem:s0+$0xFFFFFF00];
	v1 =	vmax.f32 v1, $0.0e+00  }
0xb5: {  	v5 =	vld [tilespmem:s3+$0xFFFFFF00];
	[tilespmem:s19+$0x90] =	vst v1  }
0xb6: {  	v1 =	vld [tilespmem:s3+$0x90]  }
0xb7: {  	v6 =	vld [tilespmem:s0+$0x90]  }
0xb8: {  	v7 =	vld [tilespmem:s3+$0x0];
	v2 =	vadd.f32 v2, v3  }
0xb9: {  	v3 =	vld [tilespmem:s0+$0x0]  }
0xba: {  	v4 =	vadd.f32 v4, v5;
	v2 =	vmax.f32 v2, $0.0e+00  }
0xbb: {  	[tilespmem:s19+$0xFFFFFF70] =	vst v2  }
0xbc: {  	v4 =	vmax.f32 v4, $0.0e+00;
	v2 =	vld [tilespmem:s3+$0xFFFFFF90];
	v1 =	vadd.f32 v6, v1  }
0xbd: {  	[tilespmem:s19+$0xFFFFFEE0] =	vst v4;
	v5 =	vld [tilespmem:s0+$0xFFFFFF90]  }
0xbe: {  	v4 =	vld [tilespmem:s3+$0xFFFFFF10];
	v3 =	vadd.f32 v3, v7;
	v1 =	vmax.f32 v1, $0.0e+00  }
0xbf: {  	v6 =	vld [tilespmem:s0+$0xFFFFFF10];
	[tilespmem:s19+$0xA0] =	vst v1  }
0xc0: {  	v1 =	vmax.f32 v3, $0.0e+00;
	v3 =	vld [tilespmem:s3+$0xA0]  }
0xc1: {  	[tilespmem:s19+$0x0] =	vst v1;
	v1 =	vld [tilespmem:s0+$0xA0]  }
0xc2: {  	v7 =	vld [tilespmem:s3+$0x10];
	v2 =	vadd.f32 v5, v2  }
0xc3: {  	v5 =	vld [tilespmem:s0+$0x10]  }
0xc4: {  	v2 =	vmax.f32 v2, $0.0e+00  }
0xc5: {  	v4 =	vadd.f32 v6, v4;
	[tilespmem:s19+$0xFFFFFF80] =	vst v2  }
0xc6: {  	v2 =	vld [tilespmem:s3+$0xFFFFFFA0];
	v1 =	vadd.f32 v1, v3  }
0xc7: {  	v4 =	vmax.f32 v4, $0.0e+00;
	v3 =	vld [tilespmem:s0+$0xFFFFFFA0]  }
0xc8: {  	[tilespmem:s19+$0xFFFFFEF0] =	vst v4;
	v4 =	vadd.f32 v5, v7;
	v1 =	vmax.f32 v1, $0.0e+00  }
0xc9: {  	[tilespmem:s19+$0xB0] =	vst v1  }
0xca: {  	v1 =	vmax.f32 v4, $0.0e+00;
	v4 =	vld [tilespmem:s3+$0xB0]  }
0xcb: {  	[tilespmem:s19+$0x10] =	vst v1;
	v1 =	vld [tilespmem:s0+$0xB0]  }
0xcc: {  	v2 =	vadd.f32 v3, v2;
	v3 =	vld [tilespmem:s3+$0x20]  }
0xcd: {  	v7 =	vld [tilespmem:s0+$0x20]  }
0xce: {  	v6 =	vld [tilespmem:s0+$0xFFFFFF20];
	v2 =	vmax.f32 v2, $0.0e+00  }
0xcf: {  	v5 =	vld [tilespmem:s3+$0xFFFFFF20];
	[tilespmem:s19+$0xFFFFFF90] =	vst v2  }
0xd0: {  	v2 =	vld [tilespmem:s3+$0xFFFFFFB0];
	v1 =	vadd.f32 v1, v4  }
0xd1: {  	v4 =	vld [tilespmem:s0+$0xFFFFFFB0]  }
0xd2: {  	v3 =	vadd.f32 v7, v3;
	v1 =	vmax.f32 v1, $0.0e+00  }
0xd3: {  	[tilespmem:s19+$0xC0] =	vst v1  }
0xd4: {  	v5 =	vadd.f32 v6, v5;
	v1 =	vmax.f32 v3, $0.0e+00;
	v3 =	vld [tilespmem:s3+$0xC0]  }
0xd5: {  	[tilespmem:s19+$0x20] =	vst v1;
	v1 =	vld [tilespmem:s0+$0xC0]  }
0xd6: {  	v5 =	vmax.f32 v5, $0.0e+00;
	v2 =	vadd.f32 v4, v2;
	v4 =	vld [tilespmem:s3+$0x30]  }
0xd7: {  	[tilespmem:s19+$0xFFFFFF00] =	vst v5;
	v7 =	vld [tilespmem:s0+$0x30]  }
0xd8: {  	v5 =	vld [tilespmem:s3+$0xFFFFFF30];
	v2 =	vmax.f32 v2, $0.0e+00  }
0xd9: {  	v6 =	vld [tilespmem:s0+$0xFFFFFF30];
	[tilespmem:s19+$0xFFFFFFA0] =	vst v2  }
0xda: {  	v2 =	vld [tilespmem:s3+$0xFFFFFFC0];
	v1 =	vadd.f32 v1, v3  }
0xdb: {  	v3 =	vld [tilespmem:s0+$0xFFFFFFC0]  }
0xdc: {  	s23 =	simm.s32 $0x33C0;
	v4 =	vadd.f32 v7, v4;
	v1 =	vmax.f32 v1, $0.0e+00  }
0xdd: {  	v11 =	vld [tilespmem:s23+$0xFFFFFF00];
	[tilespmem:s19+$0xD0] =	vst v1  }
0xde: {  	v1 =	vmax.f32 v4, $0.0e+00;
	v4 =	vld [tilespmem:s3+$0xD0]  }
0xdf: {  	v5 =	vadd.f32 v6, v5;
	[tilespmem:s19+$0x30] =	vst v1;
	v1 =	vld [tilespmem:s0+$0xD0]  }
0xe0: {  	v2 =	vadd.f32 v3, v2;
	v3 =	vld [tilespmem:s3+$0x40]  }
0xe1: {  	s20 =	simm.s32 $0x3C0;
	v5 =	vmax.f32 v5, $0.0e+00;
	v7 =	vld [tilespmem:s0+$0x40]  }
0xe2: {  	v52 =	vld [tilespmem:s20+$0xFFFFFF00];
	[tilespmem:s19+$0xFFFFFF10] =	vst v5  }
0xe3: {  	v5 =	vld [tilespmem:s3+$0xFFFFFF40]  }
0xe4: {  	v6 =	vld [tilespmem:s0+$0xFFFFFF40];
	v1 =	vadd.f32 v1, v4  }
0xe5: {  	v9 =	vld [tilespmem:s20+$0x80]  }
0xe6: {  	v10 =	vld [tilespmem:s23+$0x80];
	v3 =	vadd.f32 v7, v3;
	v1 =	vmax.f32 v1, $0.0e+00  }
0xe7: {  	v12 =	vld [tilespmem:s23+$0xFFFFFF80];
	v11 =	vadd.f32 v11, v52;
	[tilespmem:s19+$0xE0] =	vst v1  }
0xe8: {  	v1 =	vmax.f32 v3, $0.0e+00;
	v3 =	vld [tilespmem:s3+$0xE0]  }
0xe9: {  	s21 =	simm.s32 $0x6420;
	v11 =	vmax.f32 v11, $0.0e+00;
	v5 =	vadd.f32 v6, v5;
	[tilespmem:s19+$0x40] =	vst v1;
	v1 =	vld [tilespmem:s0+$0xE0]  }
0xea: {  	v13 =	vld [tilespmem:s20+$0x0];
	[tilespmem:s21+$0xFFFFFEE0] =	vst v11;
	v2 =	vmax.f32 v2, $0.0e+00  }
0xeb: {  	v11 =	vld [tilespmem:s20+$0xFFFFFF10];
	[tilespmem:s19+$0xFFFFFFB0] =	vst v2;
	v5 =	vmax.f32 v5, $0.0e+00  }
0xec: {  	v2 =	vld [tilespmem:s3+$0xFFFFFFD0];
	[tilespmem:s19+$0xFFFFFF20] =	vst v5  }
0xed: {  	v5 =	vld [tilespmem:s3+$0xFFFFFF50]  }
0xee: {  	v6 =	vld [tilespmem:s0+$0xFFFFFF50];
	v1 =	vadd.f32 v1, v3  }
0xef: {  	v3 =	vld [tilespmem:s20+$0xFFFFFF80]  }
0xf0: {  	v4 =	vld [tilespmem:s0+$0xFFFFFFD0];
	v1 =	vmax.f32 v1, $0.0e+00  }
0xf1: {  	v7 =	vld [tilespmem:s3+$0x50];
	[tilespmem:s19+$0xF0] =	vst v1;
	v1 =	vadd.f32 v10, v9  }
0xf2: {  	v8 =	vld [tilespmem:s0+$0x50]  }
0xf3: {  	v5 =	vadd.f32 v6, v5;
	v6 =	vld [tilespmem:s23+$0x0];
	v1 =	vmax.f32 v1, $0.0e+00  }
0xf4: {  	v54 =	vld [tilespmem:s23+$0xFFFFFF10];
	v3 =	vadd.f32 v12, v3;
	[tilespmem:s21+$0x90] =	vst v1  }
0xf5: {  	v1 =	vmax.f32 v5, $0.0e+00;
	v5 =	vld [tilespmem:s20+$0x90]  }
0xf6: {  	v2 =	vadd.f32 v4, v2;
	[tilespmem:s19+$0xFFFFFF30] =	vst v1;
	v1 =	vmax.f32 v3, $0.0e+00;
	v3 =	vld [tilespmem:s23+$0x90]  }
0xf7: {  	v7 =	vadd.f32 v8, v7;
	v50 =	vld [tilespmem:s3+$0xF0]  }
0xf8: {  	v2 =	vmax.f32 v2, $0.0e+00;
	v6 =	vadd.f32 v6, v13;
	v51 =	vld [tilespmem:s0+$0xF0];
	[tilespmem:s21+$0xFFFFFF70] =	vst v1  }
0xf9: {  	[tilespmem:s19+$0xFFFFFFC0] =	vst v2;
	v7 =	vmax.f32 v7, $0.0e+00;
	v4 =	vld [tilespmem:s20+$0xFFFFFF90]  }
0xfa: {  	v2 =	vmax.f32 v6, $0.0e+00;
	[tilespmem:s19+$0x50] =	vst v7;
	v53 =	vld [tilespmem:s23+$0xFFFFFF90]  }
0xfb: {  	v7 =	vld [tilespmem:s0+$0xFFFFFFE0];
	[tilespmem:s21+$0x0] =	vst v2;
	v2 =	vadd.f32 v3, v5  }
0xfc: {  	v57 =	vld [tilespmem:s3+$0x60]  }
0xfd: {  	v58 =	vld [tilespmem:s0+$0x60];
	v2 =	vmax.f32 v2, $0.0e+00  }
0xfe: {  	v1 =	vld [tilespmem:s3+$0xFFFFFF60];
	[tilespmem:s21+$0xA0] =	vst v2  }
0xff: {  	v4 =	vadd.f32 v53, v4;
	v2 =	vld [tilespmem:s20+$0xA0]  }
0x100: {  	v55 =	vld [tilespmem:s23+$0xA0]  }
0x101: {  	v5 =	vld [tilespmem:s20+$0x10];
	v4 =	vmax.f32 v4, $0.0e+00  }
0x102: {  	[tilespmem:s21+$0xFFFFFF80] =	vst v4;
	v4 =	vld [tilespmem:s23+$0x10]  }
0x103: {  	v11 =	vadd.f32 v54, v11;
	v8 =	vld [tilespmem:s20+$0xFFFFFFA0]  }
0x104: {  	v56 =	vld [tilespmem:s23+$0xFFFFFFA0]  }
0x105: {  	v11 =	vmax.f32 v11, $0.0e+00;
	v6 =	vld [tilespmem:s0+$0xFFFFFF60];
	v2 =	vadd.f32 v55, v2  }
0x106: {  	[tilespmem:s21+$0xFFFFFEF0] =	vst v11;
	v3 =	vld [tilespmem:s3+$0xFFFFFFE0]  }
0x107: {  	v4 =	vadd.f32 v4, v5;
	v5 =	vld [tilespmem:s20+$0xFFFFFF20];
	v2 =	vmax.f32 v2, $0.0e+00  }
0x108: {  	[tilespmem:s21+$0xB0] =	vst v2;
	v2 =	vld [tilespmem:s23+$0xFFFFFF20]  }
0x109: {  	v8 =	vadd.f32 v56, v8;
	v4 =	vmax.f32 v4, $0.0e+00;
	v59 =	vld [tilespmem:s20+$0xB0]  }
0x10a: {  	v1 =	vadd.f32 v6, v1;
	[tilespmem:s21+$0x10] =	vst v4;
	v4 =	vld [tilespmem:s23+$0xB0]  }
0x10b: {  	v6 =	vmax.f32 v8, $0.0e+00;
	v8 =	vld [tilespmem:s20+$0x20]  }
0x10c: {  	v1 =	vmax.f32 v1, $0.0e+00;
	[tilespmem:s21+$0xFFFFFF90] =	vst v6;
	v6 =	vld [tilespmem:s23+$0x20]  }
0x10d: {  	[tilespmem:s19+$0xFFFFFF40] =	vst v1;
	v1 =	vld [tilespmem:s23+$0xFFFFFFB0];
	v2 =	vadd.f32 v2, v5  }
0x10e: {  	v5 =	vld [tilespmem:s20+$0xFFFFFFB0]  }
0x10f: {  	v60 =	vld [tilespmem:s3+$0xFFFFFF70];
	v4 =	vadd.f32 v4, v59;
	v2 =	vmax.f32 v2, $0.0e+00  }
0x110: {  	[tilespmem:s21+$0xFFFFFF00] =	vst v2;
	v2 =	vld [tilespmem:s0+$0xFFFFFF70]  }
0x111: {  	v6 =	vadd.f32 v6, v8;
	v4 =	vmax.f32 v4, $0.0e+00;
	v8 =	vld [tilespmem:s20+$0xFFFFFF30]  }
0x112: {  	[tilespmem:s21+$0xC0] =	vst v4;
	v4 =	vld [tilespmem:s23+$0xFFFFFF30]  }
0x113: {  	v1 =	vadd.f32 v1, v5;
	v5 =	vmax.f32 v6, $0.0e+00;
	v6 =	vld [tilespmem:s20+$0xC0]  }
0x114: {  	[tilespmem:s21+$0x20] =	vst v5;
	v5 =	vld [tilespmem:s23+$0xC0]  }
0x115: {  	v3 =	vadd.f32 v7, v3;
	v1 =	vmax.f32 v1, $0.0e+00;
	v7 =	vld [tilespmem:s20+$0x30]  }
0x116: {  	[tilespmem:s21+$0xFFFFFFA0] =	vst v1;
	v1 =	vld [tilespmem:s23+$0x30]  }
0x117: {  	v3 =	vmax.f32 v3, $0.0e+00;
	v4 =	vadd.f32 v4, v8;
	v8 =	vld [tilespmem:s20+$0xFFFFFFC0]  }
0x118: {  	[tilespmem:s19+$0xFFFFFFD0] =	vst v3;
	v3 =	vld [tilespmem:s23+$0xFFFFFFC0]  }
0x119: {  	v4 =	vmax.f32 v4, $0.0e+00;
	v5 =	vadd.f32 v5, v6;
	v6 =	vld [tilespmem:s3+$0xFFFFFFF0]  }
0x11a: {  	[tilespmem:s21+$0xFFFFFF10] =	vst v4;
	v4 =	vld [tilespmem:s0+$0xFFFFFFF0]  }
0x11b: {  	v1 =	vadd.f32 v1, v7;
	v7 =	vld [tilespmem:s20+$0xFFFFFF40];
	v5 =	vmax.f32 v5, $0.0e+00  }
0x11c: {  	[tilespmem:s21+$0xD0] =	vst v5;
	v5 =	vld [tilespmem:s23+$0xFFFFFF40]  }
0x11d: {  	v3 =	vadd.f32 v3, v8;
	v1 =	vmax.f32 v1, $0.0e+00;
	v8 =	vld [tilespmem:s20+$0xD0]  }
0x11e: {  	[tilespmem:s21+$0x30] =	vst v1;
	v1 =	vld [tilespmem:s23+$0xD0]  }
0x11f: {  	v11 =	vadd.f32 v58, v57;
	v3 =	vmax.f32 v3, $0.0e+00;
	v61 =	vld [tilespmem:s20+$0x40]  }
0x120: {  	[tilespmem:s21+$0xFFFFFFB0] =	vst v3;
	v3 =	vld [tilespmem:s23+$0x40]  }
0x121: {  	v11 =	vmax.f32 v11, $0.0e+00;
	v62 =	vld [tilespmem:s23+$0xFFFFFFD0];
	v5 =	vadd.f32 v5, v7  }
0x122: {  	v9 =	vadd.f32 v51, v50;
	[tilespmem:s19+$0x60] =	vst v11;
	v7 =	vld [tilespmem:s20+$0xFFFFFFD0]  }
0x123: {  	v11 =	vld [tilespmem:s0+$0x70];
	v5 =	vmax.f32 v5, $0.0e+00;
	v1 =	vadd.f32 v1, v8  }
0x124: {  	v9 =	vmax.f32 v9, $0.0e+00;
	v2 =	vadd.f32 v2, v60;
	v8 =	vld [tilespmem:s3+$0x70];
	[tilespmem:s21+$0xFFFFFF20] =	vst v5  }
0x125: {  	[tilespmem:s19+$0x100] =	vst v9;
	v63 =	vadd.f32 v3, v61;
	v3 =	vld [tilespmem:s20+$0xFFFFFF50];
	v1 =	vmax.f32 v1, $0.0e+00  }
0x126: {  	v2 =	vmax.f32 v2, $0.0e+00;
	v4 =	vadd.f32 v4, v6;
	v5 =	vld [tilespmem:s23+$0xFFFFFF50];
	[tilespmem:s21+$0xE0] =	vst v1  }
0x127: {  	[tilespmem:s19+$0xFFFFFF50] =	vst v2;
	v1 =	vadd.f32 v62, v7;
	v6 =	vmax.f32 v63, $0.0e+00;
	v2 =	vld [tilespmem:s20+$0xE0]  }
0x128: {  	v7 =	vmax.f32 v4, $0.0e+00;
	[tilespmem:s21+$0x40] =	vst v6;
	v4 =	vld [tilespmem:s23+$0xE0]  }
0x129: {  	[tilespmem:s19+$0xFFFFFFE0] =	vst v7;
	v7 =	vmax.f32 v1, $0.0e+00;
	v6 =	vld [tilespmem:s20+$0x50];
	v1 =	vadd.f32 v11, v8  }
0x12a: {  	s10 =	simm.s32 $0x5C0;
	s0 =	simm.s32 $0x33C0;
	s3 =	simm.s32 $0x4;
	[tilespmem:s21+$0xFFFFFFC0] =	vst v7;
	v7 =	vld [tilespmem:s23+$0x50]  }
.LBB2_5:
0x12b: {  	v8 =	vld [tilespmem:s10+$0x80];
	v3 =	vadd.f32 v5, v3;
	s23 =	sadd.s32 $0x200, s23;
	v1 =	vmax.f32 v1, $0.0e+00  }
0x12c: {  	v5 =	vld [tilespmem:s23+$0x80];
	[tilespmem:s19+$0x70] =	vst v1;
	s19 =	smov.u32 s21  }
0x12d: {  	v1 =	vld [tilespmem:s23+$0xFFFFFF00];
	v3 =	vmax.f32 v3, $0.0e+00;
	v2 =	vadd.f32 v4, v2  }
0x12e: {  	v4 =	vld [tilespmem:s10+$0xFFFFFF80];
	[tilespmem:s21+$0xFFFFFF30] =	vst v3  }
0x12f: {  	v3 =	vld [tilespmem:s23+$0xFFFFFF80];
	v6 =	vadd.f32 v7, v6;
	v2 =	vmax.f32 v2, $0.0e+00  }
0x130: {  	v7 =	vld [tilespmem:s10+$0x0];
	[tilespmem:s21+$0xF0] =	vst v2  }
0x131: {  	v2 =	vadd.f32 v5, v8;
	v5 =	vmax.f32 v6, $0.0e+00;
	v6 =	vld [tilespmem:s20+$0xF0]  }
0x132: {  	[tilespmem:s21+$0x50] =	vst v5;
	v5 =	vld [tilespmem:s0+$0xF0]  }
0x133: {  	s3 =	sadd.s32 $0x4, s3;
	s21 =	sadd.s32 $0x240, s21;
	v8 =	vld [tilespmem:s23+$0x0];
	v2 =	vmax.f32 v2, $0.0e+00  }
0x134: {  	p2 =	slt.u32 s3, $0x2C;
	v9 =	vld [tilespmem:s10+$0xFFFFFF00];
	v3 =	vadd.f32 v3, v4;
	[tilespmem:s21+$0x90] =	vst v2  }
0x135: {  	v2 =	vld [tilespmem:s10+$0x90]  }
0x136: {  	v3 =	vmax.f32 v3, $0.0e+00;
	v4 =	vld [tilespmem:s23+$0x90]  }
0x137: {  	[tilespmem:s21+$0xFFFFFF70] =	vst v3;
	v3 =	vld [tilespmem:s20+$0xFFFFFF60];
	v5 =	vadd.f32 v5, v6  }
0x138: {  	v6 =	vld [tilespmem:s10+$0xFFFFFF90];
	v7 =	vadd.f32 v8, v7  }
0x139: {  	v1 =	vadd.f32 v1, v9;
	v8 =	vld [tilespmem:s23+$0xFFFFFF90];
	v5 =	vmax.f32 v5, $0.0e+00  }
0x13a: {  	v7 =	vmax.f32 v7, $0.0e+00;
	v9 =	vld [tilespmem:s0+$0xFFFFFF60];
	[tilespmem:s19+$0x100] =	vst v5  }
0x13b: {  	v1 =	vmax.f32 v1, $0.0e+00;
	[tilespmem:s21+$0x0] =	vst v7;
	v2 =	vadd.f32 v4, v2;
	v4 =	vld [tilespmem:s20+$0xFFFFFFE0]  }
0x13c: {  	[tilespmem:s21+$0xFFFFFEE0] =	vst v1;
	v1 =	vld [tilespmem:s10+$0x10]  }
0x13d: {  	v5 =	vld [tilespmem:s10+$0xFFFFFF10];
	v2 =	vmax.f32 v2, $0.0e+00  }
0x13e: {  	v7 =	vld [tilespmem:s23+$0xFFFFFF10];
	v6 =	vadd.f32 v8, v6;
	[tilespmem:s21+$0xA0] =	vst v2  }
0x13f: {  	v2 =	vld [tilespmem:s10+$0xA0];
	v3 =	vadd.f32 v9, v3  }
0x140: {  	v6 =	vmax.f32 v6, $0.0e+00;
	v8 =	vld [tilespmem:s23+$0xA0]  }
0x141: {  	[tilespmem:s21+$0xFFFFFF80] =	vst v6;
	v6 =	vld [tilespmem:s23+$0x10];
	v3 =	vmax.f32 v3, $0.0e+00  }
0x142: {  	v9 =	vld [tilespmem:s10+$0xFFFFFFA0];
	[tilespmem:s19+$0xFFFFFF40] =	vst v3  }
0x143: {  	v3 =	vadd.f32 v7, v5;
	v5 =	vld [tilespmem:s23+$0xFFFFFFA0]  }
0x144: {  	v7 =	vld [tilespmem:s0+$0xFFFFFFE0]  }
0x145: {  	v3 =	vmax.f32 v3, $0.0e+00;
	v2 =	vadd.f32 v8, v2;
	v8 =	vld [tilespmem:s20+$0x60]  }
0x146: {  	[tilespmem:s21+$0xFFFFFEF0] =	vst v3;
	v1 =	vadd.f32 v6, v1;
	v3 =	vld [tilespmem:s0+$0x60]  }
0x147: {  	v6 =	vld [tilespmem:s10+$0xFFFFFF20];
	v2 =	vmax.f32 v2, $0.0e+00  }
0x148: {  	v10 =	vld [tilespmem:s23+$0xFFFFFF20];
	v5 =	vadd.f32 v5, v9;
	v1 =	vmax.f32 v1, $0.0e+00;
	[tilespmem:s21+$0xB0] =	vst v2  }
0x149: {  	[tilespmem:s21+$0x10] =	vst v1;
	v1 =	vld [tilespmem:s10+$0xB0];
	v2 =	vadd.f32 v7, v4  }
0x14a: {  	v4 =	vmax.f32 v5, $0.0e+00;
	v5 =	vld [tilespmem:s23+$0xB0]  }
0x14b: {  	[tilespmem:s21+$0xFFFFFF90] =	vst v4;
	v4 =	vld [tilespmem:s10+$0x20];
	v2 =	vmax.f32 v2, $0.0e+00;
	v3 =	vadd.f32 v3, v8  }
0x14c: {  	v7 =	vld [tilespmem:s23+$0x20];
	[tilespmem:s19+$0xFFFFFFD0] =	vst v2  }
0x14d: {  	v2 =	vadd.f32 v10, v6;
	v6 =	vld [tilespmem:s10+$0xFFFFFFB0];
	v3 =	vmax.f32 v3, $0.0e+00  }
0x14e: {  	v8 =	vld [tilespmem:s23+$0xFFFFFFB0];
	[tilespmem:s19+$0x60] =	vst v3  }
0x14f: {  	v2 =	vmax.f32 v2, $0.0e+00;
	v1 =	vadd.f32 v5, v1;
	v3 =	vld [tilespmem:s20+$0xFFFFFF70]  }
0x150: {  	[tilespmem:s21+$0xFFFFFF00] =	vst v2;
	v2 =	vld [tilespmem:s0+$0xFFFFFF70]  }
0x151: {  	v5 =	vld [tilespmem:s10+$0xFFFFFF30];
	v4 =	vadd.f32 v7, v4;
	v1 =	vmax.f32 v1, $0.0e+00  }
0x152: {  	v7 =	vld [tilespmem:s23+$0xFFFFFF30];
	[tilespmem:s21+$0xC0] =	vst v1  }
0x153: {  	v1 =	vadd.f32 v8, v6;
	v4 =	vmax.f32 v4, $0.0e+00;
	v6 =	vld [tilespmem:s10+$0xC0]  }
0x154: {  	[tilespmem:s21+$0x20] =	vst v4;
	v4 =	vld [tilespmem:s23+$0xC0]  }
0x155: {  	v1 =	vmax.f32 v1, $0.0e+00;
	v8 =	vld [tilespmem:s10+$0x30];
	v2 =	vadd.f32 v2, v3  }
0x156: {  	[tilespmem:s21+$0xFFFFFFA0] =	vst v1;
	v1 =	vld [tilespmem:s23+$0x30]  }
0x157: {  	v3 =	vadd.f32 v7, v5;
	v5 =	vld [tilespmem:s10+$0xFFFFFFC0];
	v2 =	vmax.f32 v2, $0.0e+00  }
0x158: {  	v7 =	vld [tilespmem:s23+$0xFFFFFFC0];
	[tilespmem:s19+$0xFFFFFF50] =	vst v2  }
0x159: {  	v2 =	vmax.f32 v3, $0.0e+00;
	v3 =	vadd.f32 v4, v6;
	v4 =	vld [tilespmem:s20+$0xFFFFFFF0]  }
0x15a: {  	[tilespmem:s21+$0xFFFFFF10] =	vst v2;
	v2 =	vld [tilespmem:s0+$0xFFFFFFF0]  }
0x15b: {  	v6 =	vld [tilespmem:s10+$0xFFFFFF40];
	v1 =	vadd.f32 v1, v8;
	v3 =	vmax.f32 v3, $0.0e+00  }
0x15c: {  	v8 =	vld [tilespmem:s23+$0xFFFFFF40];
	[tilespmem:s21+$0xD0] =	vst v3  }
0x15d: {  	v3 =	vadd.f32 v7, v5;
	v1 =	vmax.f32 v1, $0.0e+00;
	v5 =	vld [tilespmem:s10+$0xD0]  }
0x15e: {  	[tilespmem:s21+$0x30] =	vst v1;
	v1 =	vld [tilespmem:s23+$0xD0]  }
0x15f: {  	v3 =	vmax.f32 v3, $0.0e+00;
	v7 =	vld [tilespmem:s10+$0x40];
	v2 =	vadd.f32 v2, v4  }
0x160: {  	[tilespmem:s21+$0xFFFFFFB0] =	vst v3;
	v4 =	vld [tilespmem:s23+$0x40]  }
0x161: {  	v3 =	vadd.f32 v8, v6;
	v6 =	vld [tilespmem:s10+$0xFFFFFFD0];
	v2 =	vmax.f32 v2, $0.0e+00  }
0x162: {  	v8 =	vld [tilespmem:s23+$0xFFFFFFD0];
	[tilespmem:s19+$0xFFFFFFE0] =	vst v2  }
0x163: {  	v2 =	vmax.f32 v3, $0.0e+00;
	v1 =	vadd.f32 v1, v5;
	v9 =	vld [tilespmem:s20+$0x70];
	s20 =	smov.u32 s10  }
0x164: {  	[tilespmem:s21+$0xFFFFFF20] =	vst v2;
	v10 =	vld [tilespmem:s0+$0x70];
	s0 =	smov.u32 s23  }
0x165: {  	v3 =	vld [tilespmem:s10+$0xFFFFFF50];
	v2 =	vadd.f32 v4, v7;
	v1 =	vmax.f32 v1, $0.0e+00  }
.Ltmp1:
0x166: {  	v5 =	vld [tilespmem:s23+$0xFFFFFF50];
	[tilespmem:s21+$0xE0] =	vst v1;
	(pc) =	sbr.rel @p2 .LBB2_5-.Ltmp1, $4  }
0x167: {  	v1 =	vadd.f32 v8, v6;
	v4 =	vmax.f32 v2, $0.0e+00;
	v2 =	vld [tilespmem:s10+$0xE0]  }
0x168: {  	[tilespmem:s21+$0x40] =	vst v4;
	v4 =	vld [tilespmem:s23+$0xE0]  }
0x169: {  	v7 =	vmax.f32 v1, $0.0e+00;
	v6 =	vld [tilespmem:s10+$0x50];
	v1 =	vadd.f32 v10, v9  }
0x16a: {  	s10 =	sadd.s32 $0x200, s10;
	[tilespmem:s21+$0xFFFFFFC0] =	vst v7;
	v7 =	vld [tilespmem:s23+$0x50]  }
0x16b: {  	v3 =	vadd.f32 v5, v3;
	_ =	sdelay $0x1  }
0x16c: {  	v3 =	vmax.f32 v3, $0.0e+00  }
0x16d: {  	[tilespmem:s21+$0xFFFFFF30] =	vst v3  }
0x16e: {  	v3 =	vadd.f32 v7, v6;
	v5 =	vld [tilespmem:s20+$0xFFFFFF60]  }
0x16f: {  	v6 =	vld [tilespmem:s0+$0xFFFFFF60]  }
0x170: {  	v7 =	vld [tilespmem:s20+$0xFFFFFFE0];
	v3 =	vmax.f32 v3, $0.0e+00  }
0x171: {  	[tilespmem:s21+$0x50] =	vst v3;
	v3 =	vld [tilespmem:s0+$0xFFFFFFE0]  }
0x172: {  	v2 =	vadd.f32 v4, v2;
	v4 =	vld [tilespmem:s20+$0x60]  }
0x173: {  	v8 =	vld [tilespmem:s0+$0x60]  }
0x174: {  	v2 =	vmax.f32 v2, $0.0e+00;
	v5 =	vadd.f32 v6, v5  }
0x175: {  	[tilespmem:s21+$0xF0] =	vst v2  }
0x176: {  	v2 =	vld [tilespmem:s20+$0xF0];
	v5 =	vmax.f32 v5, $0.0e+00;
	v3 =	vadd.f32 v3, v7  }
0x177: {  	v6 =	vld [tilespmem:s0+$0xF0];
	[tilespmem:s21+$0xFFFFFF40] =	vst v5  }
0x178: {  	v4 =	vadd.f32 v8, v4;
	v5 =	vld [tilespmem:s20+$0xFFFFFF70];
	v3 =	vmax.f32 v3, $0.0e+00  }
0x179: {  	[tilespmem:s21+$0xFFFFFFD0] =	vst v3;
	v3 =	vld [tilespmem:s0+$0xFFFFFF70]  }
0x17a: {  	v4 =	vmax.f32 v4, $0.0e+00;
	v7 =	vld [tilespmem:s20+$0xFFFFFFF0]  }
0x17b: {  	[tilespmem:s21+$0x60] =	vst v4;
	v4 =	vld [tilespmem:s0+$0xFFFFFFF0]  }
0x17c: {  	v8 =	vld [tilespmem:s20+$0x70]  }
0x17d: {  	v9 =	vld [tilespmem:s0+$0x70];
	_ =	sdelay $0x1  }
0x17e: {  	v2 =	vadd.f32 v6, v2  }
0x17f: {  	v1 =	vmax.f32 v1, $0.0e+00;
	v3 =	vadd.f32 v3, v5  }
0x180: {  	[tilespmem:s19+$0x70] =	vst v1;
	v1 =	vmax.f32 v2, $0.0e+00;
	v2 =	vadd.f32 v4, v7  }
0x181: {  	[tilespmem:s21+$0x100] =	vst v1;
	v1 =	vmax.f32 v3, $0.0e+00;
	v3 =	vadd.f32 v9, v8  }
0x182: {  	[tilespmem:s21+$0xFFFFFF50] =	vst v1;
	v1 =	vmax.f32 v2, $0.0e+00  }
0x183: {  	[tilespmem:s21+$0xFFFFFFE0] =	vst v1;
	v1 =	vmax.f32 v3, $0.0e+00  }
0x184: {  	[tilespmem:s21+$0x70] =	vst v1  }
0x185: {  	_ =	swait.ge [sflag:s29], $0x30  }
0x186: {  	[sflag:s29] =	ssyncset.done $0x0  }
0x187: {  	[sflag:s29] =	ssyncadd.s32 $0xFFFFFFD0  }
0x188: {  	v1 =	vld [tilespmem:$0x60];
	_ =	sdelay $0x7  }
0x189: {  	[spmem:s2] =	stream.indirect_vreg.scatter.add.f32 [tilespmem:s30], [sflag:$0x5], $0x90, v1, vm0, $0xb8;
	[tilespmem:$0x1F650] =	vst v63  }
0x18a: {  	v1 =	vld [tilespmem:$0x70];
	_ =	sdelay $0x6  }
0x18b: {  	s3 =	simm.s32 $0x69C0  }
0x18c: {  	[spmem:s2] =	stream.indirect_vreg.scatter.add.f32 [tilespmem:s3], [sflag:$0x5], $0x90, v1, vm0, $0xb8;
	[tilespmem:$0x1F650] =	vst v63  }
0x18d: {  	v1 =	vld [tilespmem:$0x80];
	_ =	sdelay $0x3  }
0x18e: {  	s0 =	smul.u32 @!p0 $0x30, s22;
	_ =	sdelay $0x1  }
0x18f: {  	s0 =	sadd.s32 @!p0 s9, s0  }
0x190: {  	s3 =	sshrl.u32 @!p0 s0, $0x3  }
0x191: {  	[spmem:s2] =	stream.indirect_vreg.scatter.add.f32 [tilespmem:s13], [sflag:$0x5], $0x90, v1, vm0, $0xb8;
	[tilespmem:$0x1F650] =	vst v63  }
0x192: {  	s10 =	simm.s32 @!p0 $0x0;
	s19 =	simm.s32 @!p0 $0x60;
	s3 =	sadd.s32 @!p0 s7, s3  }
0x193: {  	[tilespmem:s19], [sflag:$0x9] =	stream.linear.gather @!p0 [hbm4b:s3+s10], $0x30, $0x38;
	[tilespmem:$0x1F650] =	vst v63  }
0x194: {  	s3 =	simm.s32 @!p0 $0x7  }
0x195: {  	s0 =	sshll.u32 @!p0 s0, $0x4;
	_ =	swait.ge @!p0 [sflag:s3], $0x30  }
0x196: {  	s0 =	sand.u32 @!p0 $0x1FFFFF00, s0;
	[sflag:s3] =	ssyncset.done @!p0 $0x0  }
0x197: {  	s19 =	simm.s32 @!p0 $0xC0;
	[sflag:s3] =	ssyncadd.s32 @!p0 $0xFFFFFFD0;
	s3 =	simm.s32 @!p0 $0x30  }
0x198: {  	[tilespmem:s19], [sflag:$0x1] =	stream.indirect.gather @!p0 [hbm4b:s1+s3], $0x80, s10, s3, $0xb8;
	[tilespmem:$0x1F650] =	vst v63  }
0x199: {  	s0 =	sadd.s32 @!p0 s5, s0;
	s19 =	simm.s32 @!p0 $0x30C0  }
0x19a: {  	[tilespmem:s19], [sflag:$0x3] =	stream.linear.gather @!p0 [hbm4b:s0+s10], $0x1800, $0x38;
	[tilespmem:$0x1F650] =	vst v63  }
0x19b: {  	_ =	swait.ge [sflag:s8], $0x1800  }
0x19c: {  	[sflag:s8] =	ssyncset.done $0x0  }
0x19d: {  	[sflag:s8] =	ssyncadd.s32 $0xFFFFE800  }
0x19e: {  	_ =	swait.ge [sflag:s14], $0x1800  }
0x19f: {  	[sflag:s14] =	ssyncset.done $0x0  }
0x1a0: {  	s0 =	simm.s32 @!p1 $0x6;
	[sflag:s14] =	ssyncadd.s32 $0xFFFFE800  }
0x1a1: {  	_ =	swait.ge @!p1 [sflag:s0], $0x900  }
0x1a2: {  	[sflag:s0] =	ssyncset.done @!p1 $0x0  }
0x1a3: {  	[sflag:s0] =	ssyncadd.s32 @!p1 $0xFFFFF700  }
0x1a4: {  	s12 =	sadd.s32 $0x3, s12;
	_ =	swait.ge @!p1 [sflag:s0], $0x900  }
0x1a5: {  	s12 =	smul.u32 @!p0 $0x30, s12;
	[sflag:s0] =	ssyncset.done @!p1 $0x0  }
0x1a6: {  	[sflag:s0] =	ssyncadd.s32 @!p1 $0xFFFFF700  }
0x1a7: {  	s12 =	sadd.s32 @!p0 s9, s12;
	_ =	swait.ge @!p1 [sflag:s0], $0x900  }
0x1a8: {  	s12 =	sshrl.u32 @!p0 s12, $0x3;
	[sflag:s0] =	ssyncset.done @!p1 $0x0  }
0x1a9: {  	[sflag:s0] =	ssyncadd.s32 @!p1 $0xFFFFF700;
	s0 =	sadd.s32 @!p0 s6, s12  }
0x1aa: {  	[tilespmem:s3], [sflag:$0x8] =	stream.linear.gather @!p0 [hbm4b:s0+s10], $0x30, $0x38;
	[tilespmem:$0x1F650] =	vst v63  }
0x1ab: {  	s10 =	simm.s32 $0x19C0  }
0x1ac: {  	s23 =	simm.s32 $0x49C0;
	v1 =	vld [tilespmem:s10+$0x80]  }
0x1ad: {  	v2 =	vld [tilespmem:s23+$0x80];
	_ =	sdelay $0x4  }
0x1ae: {  	v3 =	vld [tilespmem:s10+$0xFFFFFF80];
	v1 =	vadd.f32 v2, v1  }
0x1af: {  	v2 =	vld [tilespmem:s23+$0xFFFFFF80]  }
0x1b0: {  	s19 =	simm.s32 $0x7CE0;
	v4 =	vld [tilespmem:s23+$0xFFFFFF00];
	v1 =	vmax.f32 v1, $0.0e+00  }
0x1b1: {  	v5 =	vld [tilespmem:s10+$0xFFFFFF00];
	[tilespmem:s19+$0x90] =	vst v1  }
0x1b2: {  	v1 =	vld [tilespmem:s10+$0x90]  }
0x1b3: {  	v6 =	vld [tilespmem:s23+$0x90]  }
0x1b4: {  	v7 =	vld [tilespmem:s10+$0x0];
	v2 =	vadd.f32 v2, v3  }
0x1b5: {  	v3 =	vld [tilespmem:s23+$0x0]  }
0x1b6: {  	v4 =	vadd.f32 v4, v5;
	v2 =	vmax.f32 v2, $0.0e+00  }
0x1b7: {  	[tilespmem:s19+$0xFFFFFF70] =	vst v2  }
0x1b8: {  	v4 =	vmax.f32 v4, $0.0e+00;
	v2 =	vld [tilespmem:s10+$0xFFFFFF90];
	v1 =	vadd.f32 v6, v1  }
0x1b9: {  	[tilespmem:s19+$0xFFFFFEE0] =	vst v4;
	v5 =	vld [tilespmem:s23+$0xFFFFFF90]  }
0x1ba: {  	v4 =	vld [tilespmem:s10+$0xFFFFFF10];
	v3 =	vadd.f32 v3, v7;
	v1 =	vmax.f32 v1, $0.0e+00  }
0x1bb: {  	v6 =	vld [tilespmem:s23+$0xFFFFFF10];
	[tilespmem:s19+$0xA0] =	vst v1  }
0x1bc: {  	v1 =	vmax.f32 v3, $0.0e+00;
	v3 =	vld [tilespmem:s10+$0xA0]  }
0x1bd: {  	[tilespmem:s19+$0x0] =	vst v1;
	v1 =	vld [tilespmem:s23+$0xA0]  }
0x1be: {  	v7 =	vld [tilespmem:s10+$0x10];
	v2 =	vadd.f32 v5, v2  }
0x1bf: {  	v5 =	vld [tilespmem:s23+$0x10]  }
0x1c0: {  	v2 =	vmax.f32 v2, $0.0e+00  }
0x1c1: {  	v4 =	vadd.f32 v6, v4;
	[tilespmem:s19+$0xFFFFFF80] =	vst v2  }
0x1c2: {  	v2 =	vld [tilespmem:s10+$0xFFFFFFA0];
	v1 =	vadd.f32 v1, v3  }
0x1c3: {  	v4 =	vmax.f32 v4, $0.0e+00;
	v3 =	vld [tilespmem:s23+$0xFFFFFFA0]  }
0x1c4: {  	[tilespmem:s19+$0xFFFFFEF0] =	vst v4;
	v4 =	vadd.f32 v5, v7;
	v1 =	vmax.f32 v1, $0.0e+00  }
0x1c5: {  	[tilespmem:s19+$0xB0] =	vst v1  }
0x1c6: {  	v1 =	vmax.f32 v4, $0.0e+00;
	v4 =	vld [tilespmem:s10+$0xB0]  }
0x1c7: {  	[tilespmem:s19+$0x10] =	vst v1;
	v1 =	vld [tilespmem:s23+$0xB0]  }
0x1c8: {  	v2 =	vadd.f32 v3, v2;
	v3 =	vld [tilespmem:s10+$0x20]  }
0x1c9: {  	v7 =	vld [tilespmem:s23+$0x20]  }
0x1ca: {  	v6 =	vld [tilespmem:s23+$0xFFFFFF20];
	v2 =	vmax.f32 v2, $0.0e+00  }
0x1cb: {  	v5 =	vld [tilespmem:s10+$0xFFFFFF20];
	[tilespmem:s19+$0xFFFFFF90] =	vst v2  }
0x1cc: {  	v2 =	vld [tilespmem:s10+$0xFFFFFFB0];
	v1 =	vadd.f32 v1, v4  }
0x1cd: {  	v4 =	vld [tilespmem:s23+$0xFFFFFFB0]  }
0x1ce: {  	v3 =	vadd.f32 v7, v3;
	v1 =	vmax.f32 v1, $0.0e+00  }
0x1cf: {  	[tilespmem:s19+$0xC0] =	vst v1  }
0x1d0: {  	v5 =	vadd.f32 v6, v5;
	v1 =	vmax.f32 v3, $0.0e+00;
	v3 =	vld [tilespmem:s10+$0xC0]  }
0x1d1: {  	[tilespmem:s19+$0x20] =	vst v1;
	v1 =	vld [tilespmem:s23+$0xC0]  }
0x1d2: {  	v5 =	vmax.f32 v5, $0.0e+00;
	v2 =	vadd.f32 v4, v2;
	v4 =	vld [tilespmem:s10+$0x30]  }
0x1d3: {  	[tilespmem:s19+$0xFFFFFF00] =	vst v5;
	v7 =	vld [tilespmem:s23+$0x30]  }
0x1d4: {  	v5 =	vld [tilespmem:s10+$0xFFFFFF30];
	v2 =	vmax.f32 v2, $0.0e+00  }
0x1d5: {  	v6 =	vld [tilespmem:s23+$0xFFFFFF30];
	[tilespmem:s19+$0xFFFFFFA0] =	vst v2  }
0x1d6: {  	v2 =	vld [tilespmem:s10+$0xFFFFFFC0];
	v1 =	vadd.f32 v1, v3  }
0x1d7: {  	v3 =	vld [tilespmem:s23+$0xFFFFFFC0]  }
0x1d8: {  	s22 =	simm.s32 $0x4BC0;
	v4 =	vadd.f32 v7, v4;
	v1 =	vmax.f32 v1, $0.0e+00  }
0x1d9: {  	v11 =	vld [tilespmem:s22+$0xFFFFFF00];
	[tilespmem:s19+$0xD0] =	vst v1  }
0x1da: {  	v1 =	vmax.f32 v4, $0.0e+00;
	v4 =	vld [tilespmem:s10+$0xD0]  }
0x1db: {  	v5 =	vadd.f32 v6, v5;
	[tilespmem:s19+$0x30] =	vst v1;
	v1 =	vld [tilespmem:s23+$0xD0]  }
0x1dc: {  	v2 =	vadd.f32 v3, v2;
	v3 =	vld [tilespmem:s10+$0x40]  }
0x1dd: {  	s20 =	simm.s32 $0x1BC0;
	v5 =	vmax.f32 v5, $0.0e+00;
	v7 =	vld [tilespmem:s23+$0x40]  }
0x1de: {  	v52 =	vld [tilespmem:s20+$0xFFFFFF00];
	[tilespmem:s19+$0xFFFFFF10] =	vst v5  }
0x1df: {  	v5 =	vld [tilespmem:s10+$0xFFFFFF40]  }
0x1e0: {  	v6 =	vld [tilespmem:s23+$0xFFFFFF40];
	v1 =	vadd.f32 v1, v4  }
0x1e1: {  	v49 =	vld [tilespmem:s20+$0x80]  }
0x1e2: {  	v10 =	vld [tilespmem:s22+$0x80];
	v3 =	vadd.f32 v7, v3;
	v1 =	vmax.f32 v1, $0.0e+00  }
0x1e3: {  	v12 =	vld [tilespmem:s22+$0xFFFFFF80];
	v11 =	vadd.f32 v11, v52;
	[tilespmem:s19+$0xE0] =	vst v1  }
0x1e4: {  	v1 =	vmax.f32 v3, $0.0e+00;
	v3 =	vld [tilespmem:s10+$0xE0]  }
0x1e5: {  	s21 =	simm.s32 $0x7F20;
	v11 =	vmax.f32 v11, $0.0e+00;
	v5 =	vadd.f32 v6, v5;
	[tilespmem:s19+$0x40] =	vst v1;
	v1 =	vld [tilespmem:s23+$0xE0]  }
0x1e6: {  	v13 =	vld [tilespmem:s20+$0x0];
	[tilespmem:s21+$0xFFFFFEE0] =	vst v11;
	v2 =	vmax.f32 v2, $0.0e+00  }
0x1e7: {  	v11 =	vld [tilespmem:s20+$0xFFFFFF10];
	[tilespmem:s19+$0xFFFFFFB0] =	vst v2;
	v5 =	vmax.f32 v5, $0.0e+00  }
0x1e8: {  	v2 =	vld [tilespmem:s10+$0xFFFFFFD0];
	[tilespmem:s19+$0xFFFFFF20] =	vst v5  }
0x1e9: {  	v5 =	vld [tilespmem:s10+$0xFFFFFF50]  }
0x1ea: {  	v6 =	vld [tilespmem:s23+$0xFFFFFF50];
	v1 =	vadd.f32 v1, v3  }
0x1eb: {  	v3 =	vld [tilespmem:s20+$0xFFFFFF80]  }
0x1ec: {  	v4 =	vld [tilespmem:s23+$0xFFFFFFD0];
	v1 =	vmax.f32 v1, $0.0e+00  }
0x1ed: {  	v7 =	vld [tilespmem:s10+$0x50];
	[tilespmem:s19+$0xF0] =	vst v1;
	v1 =	vadd.f32 v10, v49  }
0x1ee: {  	v8 =	vld [tilespmem:s23+$0x50]  }
0x1ef: {  	v5 =	vadd.f32 v6, v5;
	v6 =	vld [tilespmem:s22+$0x0];
	v1 =	vmax.f32 v1, $0.0e+00  }
0x1f0: {  	v54 =	vld [tilespmem:s22+$0xFFFFFF10];
	v3 =	vadd.f32 v12, v3;
	[tilespmem:s21+$0x90] =	vst v1  }
0x1f1: {  	v1 =	vmax.f32 v5, $0.0e+00;
	v5 =	vld [tilespmem:s20+$0x90]  }
0x1f2: {  	v2 =	vadd.f32 v4, v2;
	[tilespmem:s19+$0xFFFFFF30] =	vst v1;
	v1 =	vmax.f32 v3, $0.0e+00;
	v3 =	vld [tilespmem:s22+$0x90]  }
0x1f3: {  	v7 =	vadd.f32 v8, v7;
	v50 =	vld [tilespmem:s10+$0xF0]  }
0x1f4: {  	v2 =	vmax.f32 v2, $0.0e+00;
	v6 =	vadd.f32 v6, v13;
	v51 =	vld [tilespmem:s23+$0xF0];
	[tilespmem:s21+$0xFFFFFF70] =	vst v1  }
0x1f5: {  	[tilespmem:s19+$0xFFFFFFC0] =	vst v2;
	v7 =	vmax.f32 v7, $0.0e+00;
	v4 =	vld [tilespmem:s20+$0xFFFFFF90]  }
0x1f6: {  	v2 =	vmax.f32 v6, $0.0e+00;
	[tilespmem:s19+$0x50] =	vst v7;
	v53 =	vld [tilespmem:s22+$0xFFFFFF90]  }
0x1f7: {  	v7 =	vld [tilespmem:s23+$0xFFFFFFE0];
	[tilespmem:s21+$0x0] =	vst v2;
	v2 =	vadd.f32 v3, v5  }
0x1f8: {  	v57 =	vld [tilespmem:s10+$0x60]  }
0x1f9: {  	v58 =	vld [tilespmem:s23+$0x60];
	v2 =	vmax.f32 v2, $0.0e+00  }
0x1fa: {  	v1 =	vld [tilespmem:s10+$0xFFFFFF60];
	[tilespmem:s21+$0xA0] =	vst v2  }
0x1fb: {  	v4 =	vadd.f32 v53, v4;
	v2 =	vld [tilespmem:s20+$0xA0]  }
0x1fc: {  	v55 =	vld [tilespmem:s22+$0xA0]  }
0x1fd: {  	v5 =	vld [tilespmem:s20+$0x10];
	v4 =	vmax.f32 v4, $0.0e+00  }
0x1fe: {  	[tilespmem:s21+$0xFFFFFF80] =	vst v4;
	v4 =	vld [tilespmem:s22+$0x10]  }
0x1ff: {  	v11 =	vadd.f32 v54, v11;
	v8 =	vld [tilespmem:s20+$0xFFFFFFA0]  }
0x200: {  	v56 =	vld [tilespmem:s22+$0xFFFFFFA0]  }
0x201: {  	v11 =	vmax.f32 v11, $0.0e+00;
	v6 =	vld [tilespmem:s23+$0xFFFFFF60];
	v2 =	vadd.f32 v55, v2  }
0x202: {  	[tilespmem:s21+$0xFFFFFEF0] =	vst v11;
	v3 =	vld [tilespmem:s10+$0xFFFFFFE0]  }
0x203: {  	v4 =	vadd.f32 v4, v5;
	v5 =	vld [tilespmem:s20+$0xFFFFFF20];
	v2 =	vmax.f32 v2, $0.0e+00  }
0x204: {  	[tilespmem:s21+$0xB0] =	vst v2;
	v2 =	vld [tilespmem:s22+$0xFFFFFF20]  }
0x205: {  	v8 =	vadd.f32 v56, v8;
	v4 =	vmax.f32 v4, $0.0e+00;
	v59 =	vld [tilespmem:s20+$0xB0]  }
0x206: {  	v1 =	vadd.f32 v6, v1;
	[tilespmem:s21+$0x10] =	vst v4;
	v4 =	vld [tilespmem:s22+$0xB0]  }
0x207: {  	v6 =	vmax.f32 v8, $0.0e+00;
	v8 =	vld [tilespmem:s20+$0x20]  }
0x208: {  	v1 =	vmax.f32 v1, $0.0e+00;
	[tilespmem:s21+$0xFFFFFF90] =	vst v6;
	v6 =	vld [tilespmem:s22+$0x20]  }
0x209: {  	[tilespmem:s19+$0xFFFFFF40] =	vst v1;
	v1 =	vld [tilespmem:s22+$0xFFFFFFB0];
	v2 =	vadd.f32 v2, v5  }
0x20a: {  	v5 =	vld [tilespmem:s20+$0xFFFFFFB0]  }
0x20b: {  	v60 =	vld [tilespmem:s10+$0xFFFFFF70];
	v4 =	vadd.f32 v4, v59;
	v2 =	vmax.f32 v2, $0.0e+00  }
0x20c: {  	[tilespmem:s21+$0xFFFFFF00] =	vst v2;
	v2 =	vld [tilespmem:s23+$0xFFFFFF70]  }
0x20d: {  	v6 =	vadd.f32 v6, v8;
	v4 =	vmax.f32 v4, $0.0e+00;
	v8 =	vld [tilespmem:s20+$0xFFFFFF30]  }
0x20e: {  	[tilespmem:s21+$0xC0] =	vst v4;
	v4 =	vld [tilespmem:s22+$0xFFFFFF30]  }
0x20f: {  	v1 =	vadd.f32 v1, v5;
	v5 =	vmax.f32 v6, $0.0e+00;
	v6 =	vld [tilespmem:s20+$0xC0]  }
0x210: {  	[tilespmem:s21+$0x20] =	vst v5;
	v5 =	vld [tilespmem:s22+$0xC0]  }
0x211: {  	v3 =	vadd.f32 v7, v3;
	v1 =	vmax.f32 v1, $0.0e+00;
	v7 =	vld [tilespmem:s20+$0x30]  }
0x212: {  	[tilespmem:s21+$0xFFFFFFA0] =	vst v1;
	v1 =	vld [tilespmem:s22+$0x30]  }
0x213: {  	v3 =	vmax.f32 v3, $0.0e+00;
	v4 =	vadd.f32 v4, v8;
	v8 =	vld [tilespmem:s20+$0xFFFFFFC0]  }
0x214: {  	[tilespmem:s19+$0xFFFFFFD0] =	vst v3;
	v3 =	vld [tilespmem:s22+$0xFFFFFFC0]  }
0x215: {  	v4 =	vmax.f32 v4, $0.0e+00;
	v5 =	vadd.f32 v5, v6;
	v6 =	vld [tilespmem:s10+$0xFFFFFFF0]  }
0x216: {  	[tilespmem:s21+$0xFFFFFF10] =	vst v4;
	v4 =	vld [tilespmem:s23+$0xFFFFFFF0]  }
0x217: {  	v1 =	vadd.f32 v1, v7;
	v7 =	vld [tilespmem:s20+$0xFFFFFF40];
	v5 =	vmax.f32 v5, $0.0e+00  }
0x218: {  	[tilespmem:s21+$0xD0] =	vst v5;
	v5 =	vld [tilespmem:s22+$0xFFFFFF40]  }
0x219: {  	v3 =	vadd.f32 v3, v8;
	v1 =	vmax.f32 v1, $0.0e+00;
	v8 =	vld [tilespmem:s20+$0xD0]  }
0x21a: {  	[tilespmem:s21+$0x30] =	vst v1;
	v1 =	vld [tilespmem:s22+$0xD0]  }
0x21b: {  	v11 =	vadd.f32 v58, v57;
	v3 =	vmax.f32 v3, $0.0e+00;
	v61 =	vld [tilespmem:s20+$0x40]  }
0x21c: {  	[tilespmem:s21+$0xFFFFFFB0] =	vst v3;
	v3 =	vld [tilespmem:s22+$0x40]  }
0x21d: {  	v11 =	vmax.f32 v11, $0.0e+00;
	v62 =	vld [tilespmem:s22+$0xFFFFFFD0];
	v5 =	vadd.f32 v5, v7  }
0x21e: {  	v9 =	vadd.f32 v51, v50;
	[tilespmem:s19+$0x60] =	vst v11;
	v7 =	vld [tilespmem:s20+$0xFFFFFFD0]  }
0x21f: {  	v11 =	vld [tilespmem:s23+$0x70];
	v5 =	vmax.f32 v5, $0.0e+00;
	v1 =	vadd.f32 v1, v8  }
0x220: {  	v9 =	vmax.f32 v9, $0.0e+00;
	v2 =	vadd.f32 v2, v60;
	v8 =	vld [tilespmem:s10+$0x70];
	[tilespmem:s21+$0xFFFFFF20] =	vst v5  }
0x221: {  	[tilespmem:s19+$0x100] =	vst v9;
	v63 =	vadd.f32 v3, v61;
	v3 =	vld [tilespmem:s20+$0xFFFFFF50];
	v1 =	vmax.f32 v1, $0.0e+00  }
0x222: {  	v2 =	vmax.f32 v2, $0.0e+00;
	v4 =	vadd.f32 v4, v6;
	v5 =	vld [tilespmem:s22+$0xFFFFFF50];
	[tilespmem:s21+$0xE0] =	vst v1  }
0x223: {  	[tilespmem:s19+$0xFFFFFF50] =	vst v2;
	v1 =	vadd.f32 v62, v7;
	v6 =	vmax.f32 v63, $0.0e+00;
	v2 =	vld [tilespmem:s20+$0xE0]  }
0x224: {  	v7 =	vmax.f32 v4, $0.0e+00;
	[tilespmem:s21+$0x40] =	vst v6;
	v4 =	vld [tilespmem:s22+$0xE0]  }
0x225: {  	[tilespmem:s19+$0xFFFFFFE0] =	vst v7;
	v7 =	vmax.f32 v1, $0.0e+00;
	v6 =	vld [tilespmem:s20+$0x50];
	v1 =	vadd.f32 v11, v8  }
0x226: {  	s3 =	simm.s32 $0x4;
	s0 =	simm.s32 $0x4BC0;
	s10 =	simm.s32 $0x1DC0;
	[tilespmem:s21+$0xFFFFFFC0] =	vst v7;
	v7 =	vld [tilespmem:s22+$0x50]  }
.LBB2_7:
0x227: {  	v8 =	vld [tilespmem:s10+$0x80];
	v3 =	vadd.f32 v5, v3;
	s22 =	sadd.s32 $0x200, s22;
	v1 =	vmax.f32 v1, $0.0e+00  }
0x228: {  	v5 =	vld [tilespmem:s22+$0x80];
	[tilespmem:s19+$0x70] =	vst v1;
	s19 =	smov.u32 s21  }
0x229: {  	v1 =	vld [tilespmem:s22+$0xFFFFFF00];
	v3 =	vmax.f32 v3, $0.0e+00;
	v2 =	vadd.f32 v4, v2  }
0x22a: {  	v4 =	vld [tilespmem:s10+$0xFFFFFF80];
	[tilespmem:s21+$0xFFFFFF30] =	vst v3  }
0x22b: {  	v3 =	vld [tilespmem:s22+$0xFFFFFF80];
	v6 =	vadd.f32 v7, v6;
	v2 =	vmax.f32 v2, $0.0e+00  }
0x22c: {  	v7 =	vld [tilespmem:s10+$0x0];
	[tilespmem:s21+$0xF0] =	vst v2  }
0x22d: {  	v2 =	vadd.f32 v5, v8;
	v5 =	vmax.f32 v6, $0.0e+00;
	v6 =	vld [tilespmem:s20+$0xF0]  }
0x22e: {  	[tilespmem:s21+$0x50] =	vst v5;
	v5 =	vld [tilespmem:s0+$0xF0]  }
0x22f: {  	s3 =	sadd.s32 $0x4, s3;
	s21 =	sadd.s32 $0x240, s21;
	v8 =	vld [tilespmem:s22+$0x0];
	v2 =	vmax.f32 v2, $0.0e+00  }
0x230: {  	p1 =	slt.u32 s3, $0x2C;
	v9 =	vld [tilespmem:s10+$0xFFFFFF00];
	v3 =	vadd.f32 v3, v4;
	[tilespmem:s21+$0x90] =	vst v2  }
0x231: {  	v2 =	vld [tilespmem:s10+$0x90]  }
0x232: {  	v3 =	vmax.f32 v3, $0.0e+00;
	v4 =	vld [tilespmem:s22+$0x90]  }
0x233: {  	[tilespmem:s21+$0xFFFFFF70] =	vst v3;
	v3 =	vld [tilespmem:s20+$0xFFFFFF60];
	v5 =	vadd.f32 v5, v6  }
0x234: {  	v6 =	vld [tilespmem:s10+$0xFFFFFF90];
	v7 =	vadd.f32 v8, v7  }
0x235: {  	v1 =	vadd.f32 v1, v9;
	v8 =	vld [tilespmem:s22+$0xFFFFFF90];
	v5 =	vmax.f32 v5, $0.0e+00  }
0x236: {  	v7 =	vmax.f32 v7, $0.0e+00;
	v9 =	vld [tilespmem:s0+$0xFFFFFF60];
	[tilespmem:s19+$0x100] =	vst v5  }
0x237: {  	v1 =	vmax.f32 v1, $0.0e+00;
	[tilespmem:s21+$0x0] =	vst v7;
	v2 =	vadd.f32 v4, v2;
	v4 =	vld [tilespmem:s20+$0xFFFFFFE0]  }
0x238: {  	[tilespmem:s21+$0xFFFFFEE0] =	vst v1;
	v1 =	vld [tilespmem:s10+$0x10]  }
0x239: {  	v5 =	vld [tilespmem:s10+$0xFFFFFF10];
	v2 =	vmax.f32 v2, $0.0e+00  }
0x23a: {  	v7 =	vld [tilespmem:s22+$0xFFFFFF10];
	v6 =	vadd.f32 v8, v6;
	[tilespmem:s21+$0xA0] =	vst v2  }
0x23b: {  	v2 =	vld [tilespmem:s10+$0xA0];
	v3 =	vadd.f32 v9, v3  }
0x23c: {  	v6 =	vmax.f32 v6, $0.0e+00;
	v8 =	vld [tilespmem:s22+$0xA0]  }
0x23d: {  	[tilespmem:s21+$0xFFFFFF80] =	vst v6;
	v6 =	vld [tilespmem:s22+$0x10];
	v3 =	vmax.f32 v3, $0.0e+00  }
0x23e: {  	v9 =	vld [tilespmem:s10+$0xFFFFFFA0];
	[tilespmem:s19+$0xFFFFFF40] =	vst v3  }
0x23f: {  	v3 =	vadd.f32 v7, v5;
	v5 =	vld [tilespmem:s22+$0xFFFFFFA0]  }
0x240: {  	v7 =	vld [tilespmem:s0+$0xFFFFFFE0]  }
0x241: {  	v3 =	vmax.f32 v3, $0.0e+00;
	v2 =	vadd.f32 v8, v2;
	v8 =	vld [tilespmem:s20+$0x60]  }
0x242: {  	[tilespmem:s21+$0xFFFFFEF0] =	vst v3;
	v1 =	vadd.f32 v6, v1;
	v3 =	vld [tilespmem:s0+$0x60]  }
0x243: {  	v6 =	vld [tilespmem:s10+$0xFFFFFF20];
	v2 =	vmax.f32 v2, $0.0e+00  }
0x244: {  	v10 =	vld [tilespmem:s22+$0xFFFFFF20];
	v5 =	vadd.f32 v5, v9;
	v1 =	vmax.f32 v1, $0.0e+00;
	[tilespmem:s21+$0xB0] =	vst v2  }
0x245: {  	[tilespmem:s21+$0x10] =	vst v1;
	v1 =	vld [tilespmem:s10+$0xB0];
	v2 =	vadd.f32 v7, v4  }
0x246: {  	v4 =	vmax.f32 v5, $0.0e+00;
	v5 =	vld [tilespmem:s22+$0xB0]  }
0x247: {  	[tilespmem:s21+$0xFFFFFF90] =	vst v4;
	v4 =	vld [tilespmem:s10+$0x20];
	v2 =	vmax.f32 v2, $0.0e+00;
	v3 =	vadd.f32 v3, v8  }
0x248: {  	v7 =	vld [tilespmem:s22+$0x20];
	[tilespmem:s19+$0xFFFFFFD0] =	vst v2  }
0x249: {  	v2 =	vadd.f32 v10, v6;
	v6 =	vld [tilespmem:s10+$0xFFFFFFB0];
	v3 =	vmax.f32 v3, $0.0e+00  }
0x24a: {  	v8 =	vld [tilespmem:s22+$0xFFFFFFB0];
	[tilespmem:s19+$0x60] =	vst v3  }
0x24b: {  	v2 =	vmax.f32 v2, $0.0e+00;
	v1 =	vadd.f32 v5, v1;
	v3 =	vld [tilespmem:s20+$0xFFFFFF70]  }
0x24c: {  	[tilespmem:s21+$0xFFFFFF00] =	vst v2;
	v2 =	vld [tilespmem:s0+$0xFFFFFF70]  }
0x24d: {  	v5 =	vld [tilespmem:s10+$0xFFFFFF30];
	v4 =	vadd.f32 v7, v4;
	v1 =	vmax.f32 v1, $0.0e+00  }
0x24e: {  	v7 =	vld [tilespmem:s22+$0xFFFFFF30];
	[tilespmem:s21+$0xC0] =	vst v1  }
0x24f: {  	v1 =	vadd.f32 v8, v6;
	v4 =	vmax.f32 v4, $0.0e+00;
	v6 =	vld [tilespmem:s10+$0xC0]  }
0x250: {  	[tilespmem:s21+$0x20] =	vst v4;
	v4 =	vld [tilespmem:s22+$0xC0]  }
0x251: {  	v1 =	vmax.f32 v1, $0.0e+00;
	v8 =	vld [tilespmem:s10+$0x30];
	v2 =	vadd.f32 v2, v3  }
0x252: {  	[tilespmem:s21+$0xFFFFFFA0] =	vst v1;
	v1 =	vld [tilespmem:s22+$0x30]  }
0x253: {  	v3 =	vadd.f32 v7, v5;
	v5 =	vld [tilespmem:s10+$0xFFFFFFC0];
	v2 =	vmax.f32 v2, $0.0e+00  }
0x254: {  	v7 =	vld [tilespmem:s22+$0xFFFFFFC0];
	[tilespmem:s19+$0xFFFFFF50] =	vst v2  }
0x255: {  	v2 =	vmax.f32 v3, $0.0e+00;
	v3 =	vadd.f32 v4, v6;
	v4 =	vld [tilespmem:s20+$0xFFFFFFF0]  }
0x256: {  	[tilespmem:s21+$0xFFFFFF10] =	vst v2;
	v2 =	vld [tilespmem:s0+$0xFFFFFFF0]  }
0x257: {  	v6 =	vld [tilespmem:s10+$0xFFFFFF40];
	v1 =	vadd.f32 v1, v8;
	v3 =	vmax.f32 v3, $0.0e+00  }
0x258: {  	v8 =	vld [tilespmem:s22+$0xFFFFFF40];
	[tilespmem:s21+$0xD0] =	vst v3  }
0x259: {  	v3 =	vadd.f32 v7, v5;
	v1 =	vmax.f32 v1, $0.0e+00;
	v5 =	vld [tilespmem:s10+$0xD0]  }
0x25a: {  	[tilespmem:s21+$0x30] =	vst v1;
	v1 =	vld [tilespmem:s22+$0xD0]  }
0x25b: {  	v3 =	vmax.f32 v3, $0.0e+00;
	v7 =	vld [tilespmem:s10+$0x40];
	v2 =	vadd.f32 v2, v4  }
0x25c: {  	[tilespmem:s21+$0xFFFFFFB0] =	vst v3;
	v4 =	vld [tilespmem:s22+$0x40]  }
0x25d: {  	v3 =	vadd.f32 v8, v6;
	v6 =	vld [tilespmem:s10+$0xFFFFFFD0];
	v2 =	vmax.f32 v2, $0.0e+00  }
0x25e: {  	v8 =	vld [tilespmem:s22+$0xFFFFFFD0];
	[tilespmem:s19+$0xFFFFFFE0] =	vst v2  }
0x25f: {  	v2 =	vmax.f32 v3, $0.0e+00;
	v1 =	vadd.f32 v1, v5;
	v9 =	vld [tilespmem:s20+$0x70];
	s20 =	smov.u32 s10  }
0x260: {  	[tilespmem:s21+$0xFFFFFF20] =	vst v2;
	v10 =	vld [tilespmem:s0+$0x70];
	s0 =	smov.u32 s22  }
0x261: {  	v3 =	vld [tilespmem:s10+$0xFFFFFF50];
	v2 =	vadd.f32 v4, v7;
	v1 =	vmax.f32 v1, $0.0e+00  }
.Ltmp2:
0x262: {  	v5 =	vld [tilespmem:s22+$0xFFFFFF50];
	[tilespmem:s21+$0xE0] =	vst v1;
	(pc) =	sbr.rel @p1 .LBB2_7-.Ltmp2, $4  }
0x263: {  	v1 =	vadd.f32 v8, v6;
	v4 =	vmax.f32 v2, $0.0e+00;
	v2 =	vld [tilespmem:s10+$0xE0]  }
0x264: {  	[tilespmem:s21+$0x40] =	vst v4;
	v4 =	vld [tilespmem:s22+$0xE0]  }
0x265: {  	v7 =	vmax.f32 v1, $0.0e+00;
	v6 =	vld [tilespmem:s10+$0x50];
	v1 =	vadd.f32 v10, v9  }
0x266: {  	s10 =	sadd.s32 $0x200, s10;
	[tilespmem:s21+$0xFFFFFFC0] =	vst v7;
	v7 =	vld [tilespmem:s22+$0x50]  }
0x267: {  	v3 =	vadd.f32 v5, v3;
	_ =	sdelay $0x1  }
0x268: {  	v3 =	vmax.f32 v3, $0.0e+00  }
0x269: {  	[tilespmem:s21+$0xFFFFFF30] =	vst v3  }
0x26a: {  	v3 =	vadd.f32 v7, v6;
	v56 =	vld [tilespmem:s20+$0xFFFFFF60]  }
0x26b: {  	v57 =	vld [tilespmem:s0+$0xFFFFFF60]  }
0x26c: {  	v58 =	vld [tilespmem:s20+$0xFFFFFFE0];
	v3 =	vmax.f32 v3, $0.0e+00  }
0x26d: {  	[tilespmem:s21+$0x50] =	vst v3;
	v3 =	vld [tilespmem:s0+$0xFFFFFFE0]  }
0x26e: {  	v2 =	vadd.f32 v4, v2;
	v59 =	vld [tilespmem:s20+$0x60]  }
0x26f: {  	v8 =	vld [tilespmem:s0+$0x60]  }
0x270: {  	v2 =	vmax.f32 v2, $0.0e+00;
	v5 =	vadd.f32 v57, v56  }
0x271: {  	[tilespmem:s21+$0xF0] =	vst v2  }
0x272: {  	v2 =	vld [tilespmem:s20+$0xF0];
	v5 =	vmax.f32 v5, $0.0e+00;
	v3 =	vadd.f32 v3, v58  }
0x273: {  	v60 =	vld [tilespmem:s0+$0xF0];
	[tilespmem:s21+$0xFFFFFF40] =	vst v5  }
0x274: {  	v4 =	vadd.f32 v8, v59;
	v5 =	vld [tilespmem:s20+$0xFFFFFF70];
	v3 =	vmax.f32 v3, $0.0e+00  }
0x275: {  	[tilespmem:s21+$0xFFFFFFD0] =	vst v3;
	v3 =	vld [tilespmem:s0+$0xFFFFFF70]  }
0x276: {  	v4 =	vmax.f32 v4, $0.0e+00;
	v61 =	vld [tilespmem:s20+$0xFFFFFFF0]  }
0x277: {  	[tilespmem:s21+$0x60] =	vst v4;
	v62 =	vld [tilespmem:s0+$0xFFFFFFF0]  }
0x278: {  	v63 =	vld [tilespmem:s20+$0x70]  }
0x279: {  	v9 =	vld [tilespmem:s0+$0x70];
	_ =	sdelay $0x1  }
0x27a: {  	v2 =	vadd.f32 v60, v2  }
0x27b: {  	v1 =	vmax.f32 v1, $0.0e+00;
	v3 =	vadd.f32 v3, v5  }
0x27c: {  	[tilespmem:s19+$0x70] =	vst v1;
	v1 =	vmax.f32 v2, $0.0e+00;
	v2 =	vadd.f32 v62, v61  }
0x27d: {  	[tilespmem:s21+$0x100] =	vst v1;
	v1 =	vmax.f32 v3, $0.0e+00;
	v3 =	vadd.f32 v9, v63  }
0x27e: {  	[tilespmem:s21+$0xFFFFFF50] =	vst v1;
	v1 =	vmax.f32 v2, $0.0e+00  }
0x27f: {  	[tilespmem:s21+$0xFFFFFFE0] =	vst v1;
	v1 =	vmax.f32 v3, $0.0e+00  }
0x280: {  	[tilespmem:s21+$0x70] =	vst v1  }
0x281: {  	_ =	swait.ge [sflag:s15], $0x30  }
0x282: {  	[sflag:s15] =	ssyncset.done $0x0  }
0x283: {  	[sflag:s15] =	ssyncadd.s32 $0xFFFFFFD0  }
0x284: {  	v1 =	vld [tilespmem:$0x90];
	_ =	sdelay $0x7  }
0x285: {  	[spmem:s2] =	stream.indirect_vreg.scatter.add.f32 [tilespmem:s16], [sflag:$0x6], $0x90, v1, vm0, $0xb8;
	[tilespmem:$0x1F650] =	vst v63  }
0x286: {  	v1 =	vld [tilespmem:$0xA0];
	_ =	sdelay $0x7  }
0x287: {  	[spmem:s2] =	stream.indirect_vreg.scatter.add.f32 [tilespmem:s17], [sflag:$0x6], $0x90, v1, vm0, $0xb8;
	[tilespmem:$0x1F650] =	vst v63  }
0x288: {  	v1 =	vld [tilespmem:$0xB0];
	_ =	sdelay $0x6  }
0x289: {  	s3 =	simm.s32 @!p0 $0x0  }
0x28a: {  	[spmem:s2] =	stream.indirect_vreg.scatter.add.f32 [tilespmem:s18], [sflag:$0x6], $0x90, v1, vm0, $0xb8;
	[tilespmem:$0x1F650] =	vst v63  }
0x28b: {  	s10 =	simm.s32 @!p0 $0x90;
	s28 =	sadd.s32 $0x1, s28;
	s0 =	sadd.s32 @!p0 s7, s12  }
0x28c: {  	[tilespmem:s10], [sflag:$0xA] =	stream.linear.gather @!p0 [hbm4b:s0+s3], $0x30, $0x38;
	[tilespmem:$0x1F650] =	vst v63  }
0x28d: {  	p0 =	sne.s32 s28, $0x68  }
.Ltmp3:
0x28e: {  	_ = 	snop;
	(pc) =	sbr.rel @p0 .LBB2_2-.Ltmp3, $1  }
0x28f: {  	_ =	sdelay $0x3  }
0x290: {  	s0 =	simm.s32 $0x5  }
0x291: {  	_ =	swait.ge [sflag:s0], $0x900  }
0x292: {  	[sflag:s0] =	ssyncset.done $0x0  }
0x293: {  	[sflag:s0] =	ssyncadd.s32 $0xFFFFF700  }
0x294: {  	_ =	swait.ge [sflag:s0], $0x900  }
0x295: {  	[sflag:s0] =	ssyncset.done $0x0  }
0x296: {  	[sflag:s0] =	ssyncadd.s32 $0xFFFFF700  }
0x297: {  	_ =	swait.ge [sflag:s0], $0x900  }
0x298: {  	[sflag:s0] =	ssyncset.done $0x0  }
0x299: {  	s10 =	simm.s32 $0x6;
	[sflag:s0] =	ssyncadd.s32 $0xFFFFF700  }
0x29a: {  	_ =	swait.ge [sflag:s10], $0x900  }
0x29b: {  	[sflag:s10] =	ssyncset.done $0x0  }
0x29c: {  	[sflag:s10] =	ssyncadd.s32 $0xFFFFF700  }
0x29d: {  	_ =	swait.ge [sflag:s10], $0x900  }
0x29e: {  	[sflag:s10] =	ssyncset.done $0x0  }
0x29f: {  	[sflag:s10] =	ssyncadd.s32 $0xFFFFF700  }
0x2a0: {  	_ =	swait.ge [sflag:s10], $0x900  }
0x2a1: {  	[sflag:s10] =	ssyncset.done $0x0  }
0x2a2: {  	s3 =	simm.s32 $0xB;
	s12 =	rddreg [dreg:$0xc];
	[sflag:s10] =	ssyncadd.s32 $0xFFFFF700  }
0x2a3: {  	[tilespmem:s4], [sflag:$0xB] =	stream.linear.gather [hbm4b:s12+s4], $0x10, $0x38;
	[tilespmem:$0x1F650] =	vst v63  }
0x2a4: {  	_ =	swait.ge [sflag:s3], $0x10  }
0x2a5: {  	[sflag:s3] =	ssyncset.done $0x0  }
0x2a6: {  	s10 =	simm.s32 $0x60;
	s19 =	rddreg [dreg:$0xd];
	[sflag:s3] =	ssyncadd.s32 $0xFFFFFFF0  }
0x2a7: {  	[tilespmem:s10], [sflag:$0xB] =	stream.linear.gather [hbm4b:s19+s4], $0x10, $0x38;
	[tilespmem:$0x1F650] =	vst v63  }
0x2a8: {  	_ =	swait.ge [sflag:s3], $0x10  }
0x2a9: {  	[sflag:s3] =	ssyncset.done $0x0  }
0x2aa: {  	s20 =	simm.s32 $0x10;
	s12 =	simm.s32 $0xC0;
	[sflag:s3] =	ssyncadd.s32 $0xFFFFFFF0  }
0x2ab: {  	[tilespmem:s12], [sflag:$0x1] =	stream.indirect.gather [hbm4b:s1+s20], $0x80, s4, s20, $0xb8;
	[tilespmem:$0x1F650] =	vst v63  }
0x2ac: {  	_ =	swait.ge [sflag:s26], $0x800  }
0x2ad: {  	[sflag:s26] =	ssyncset.done $0x0  }
0x2ae: {  	s20 =	simm.s32 $0x30C0;
	s21 =	rddreg [dreg:$0xe];
	[sflag:s26] =	ssyncadd.s32 $0xFFFFF800  }
0x2af: {  	[tilespmem:s20], [sflag:$0xB] =	stream.linear.gather [hbm4b:s21+s4], $0x800, $0x38;
	[tilespmem:$0x1F650] =	vst v63  }
0x2b0: {  	_ =	swait.ge [sflag:s3], $0x800  }
0x2b1: {  	[sflag:s3] =	ssyncset.done $0x0  }
0x2b2: {  	[sflag:s3] =	ssyncadd.s32 $0xFFFFF800  }
0x2b3: {  	v4 =	vld [tilespmem:$0xC0]  }
0x2b4: {  	v1 =	vld [tilespmem:$0x30C0]  }
0x2b5: {  	v5 =	vld [tilespmem:$0xD0]  }
0x2b6: {  	v2 =	vld [tilespmem:$0x30D0]  }
0x2b7: {  	v6 =	vld [tilespmem:$0xE0]  }
0x2b8: {  	v3 =	vld [tilespmem:$0x30E0]  }
0x2b9: {  	v8 =	vld [tilespmem:$0xF0]  }
0x2ba: {  	v7 =	vld [tilespmem:$0x30F0]  }
0x2bb: {  	v10 =	vld [tilespmem:$0x100]  }
0x2bc: {  	v9 =	vld [tilespmem:$0x3100]  }
0x2bd: {  	v12 =	vld [tilespmem:$0x110]  }
0x2be: {  	v11 =	vld [tilespmem:$0x3110]  }
0x2bf: {  	v14 =	vld [tilespmem:$0x120]  }
0x2c0: {  	v13 =	vld [tilespmem:$0x3120]  }
0x2c1: {  	v16 =	vld [tilespmem:$0x130]  }
0x2c2: {  	v15 =	vld [tilespmem:$0x3130]  }
0x2c3: {  	v18 =	vld [tilespmem:$0x140]  }
0x2c4: {  	v17 =	vld [tilespmem:$0x3140]  }
0x2c5: {  	v20 =	vld [tilespmem:$0x150]  }
0x2c6: {  	v19 =	vld [tilespmem:$0x3150]  }
0x2c7: {  	v22 =	vld [tilespmem:$0x160]  }
0x2c8: {  	v21 =	vld [tilespmem:$0x3160]  }
0x2c9: {  	v24 =	vld [tilespmem:$0x170]  }
0x2ca: {  	v23 =	vld [tilespmem:$0x3170]  }
0x2cb: {  	v26 =	vld [tilespmem:$0x180]  }
0x2cc: {  	v25 =	vld [tilespmem:$0x3180]  }
0x2cd: {  	v28 =	vld [tilespmem:$0x190]  }
0x2ce: {  	v27 =	vld [tilespmem:$0x3190]  }
0x2cf: {  	v30 =	vld [tilespmem:$0x1A0]  }
0x2d0: {  	v29 =	vld [tilespmem:$0x31A0]  }
0x2d1: {  	v32 =	vld [tilespmem:$0x1B0]  }
0x2d2: {  	v31 =	vld [tilespmem:$0x31B0]  }
0x2d3: {  	v34 =	vld [tilespmem:$0x1C0]  }
0x2d4: {  	v33 =	vld [tilespmem:$0x31C0]  }
0x2d5: {  	v36 =	vld [tilespmem:$0x1D0]  }
0x2d6: {  	v35 =	vld [tilespmem:$0x31D0]  }
0x2d7: {  	v53 =	vld [tilespmem:$0x1E0]  }
0x2d8: {  	v37 =	vld [tilespmem:$0x31E0]  }
0x2d9: {  	v54 =	vld [tilespmem:$0x1F0]  }
0x2da: {  	v38 =	vld [tilespmem:$0x31F0]  }
0x2db: {  	v59 =	vld [tilespmem:$0x200]  }
0x2dc: {  	v63 =	vld [tilespmem:$0x2B0]  }
0x2dd: {  	v39 =	vld [tilespmem:$0x3200]  }
0x2de: {  	v60 =	vld [tilespmem:$0x210]  }
0x2df: {  	v40 =	vld [tilespmem:$0x3210]  }
0x2e0: {  	v47 =	vld [tilespmem:$0x220]  }
0x2e1: {  	[tilespmem:$0x1FA80] =	vst v63;
	v63 =	vld [tilespmem:$0x32B0]  }
0x2e2: {  	v41 =	vld [tilespmem:$0x3220]  }
0x2e3: {  	v45 =	vld [tilespmem:$0x230]  }
0x2e4: {  	v42 =	vld [tilespmem:$0x3230]  }
0x2e5: {  	v44 =	vld [tilespmem:$0x240]  }
0x2e6: {  	[tilespmem:$0x1FA90] =	vst v63;
	v63 =	vld [tilespmem:$0x2C0]  }
0x2e7: {  	v43 =	vld [tilespmem:$0x3240]  }
0x2e8: {  	v48 =	vld [tilespmem:$0x250]  }
0x2e9: {  	v46 =	vld [tilespmem:$0x3250]  }
0x2ea: {  	v50 =	vld [tilespmem:$0x260]  }
0x2eb: {  	[tilespmem:$0x1FAA0] =	vst v63;
	v63 =	vld [tilespmem:$0x32C0]  }
0x2ec: {  	v49 =	vld [tilespmem:$0x3260]  }
0x2ed: {  	v52 =	vld [tilespmem:$0x270]  }
0x2ee: {  	v51 =	vld [tilespmem:$0x3270]  }
0x2ef: {  	v56 =	vld [tilespmem:$0x280]  }
0x2f0: {  	[tilespmem:$0x1FAB0] =	vst v63;
	v63 =	vld [tilespmem:$0x2D0]  }
0x2f1: {  	v55 =	vld [tilespmem:$0x3280]  }
0x2f2: {  	v58 =	vld [tilespmem:$0x290]  }
0x2f3: {  	v57 =	vld [tilespmem:$0x3290]  }
0x2f4: {  	v62 =	vld [tilespmem:$0x2A0]  }
0x2f5: {  	v61 =	vld [tilespmem:$0x32A0];
	[tilespmem:$0x1FAC0] =	vst v63  }
0x2f6: {  	v63 =	vld [tilespmem:$0x32D0];
	_ =	sdelay $0x4  }
0x2f7: {  	[tilespmem:$0x1FAD0] =	vst v63;
	v63 =	vld [tilespmem:$0x2E0];
	_ =	sdelay $0x4  }
0x2f8: {  	[tilespmem:$0x1FAE0] =	vst v63;
	v63 =	vld [tilespmem:$0x32E0];
	_ =	sdelay $0x4  }
0x2f9: {  	[tilespmem:$0x1FAF0] =	vst v63;
	v63 =	vld [tilespmem:$0x2F0];
	_ =	sdelay $0x4  }
0x2fa: {  	[tilespmem:$0x1FB00] =	vst v63;
	v63 =	vld [tilespmem:$0x32F0];
	_ =	sdelay $0x4  }
0x2fb: {  	[tilespmem:$0x1FB10] =	vst v63;
	v63 =	vld [tilespmem:$0x300];
	_ =	sdelay $0x4  }
0x2fc: {  	[tilespmem:$0x1FB20] =	vst v63;
	v63 =	vld [tilespmem:$0x3300];
	_ =	sdelay $0x4  }
0x2fd: {  	[tilespmem:$0x1FB30] =	vst v63;
	v63 =	vld [tilespmem:$0x310];
	_ =	sdelay $0x4  }
0x2fe: {  	[tilespmem:$0x1FB40] =	vst v63;
	v63 =	vld [tilespmem:$0x3310];
	_ =	sdelay $0x4  }
0x2ff: {  	[tilespmem:$0x1FB50] =	vst v63;
	v63 =	vld [tilespmem:$0x320];
	_ =	sdelay $0x4  }
0x300: {  	[tilespmem:$0x1FB60] =	vst v63;
	v63 =	vld [tilespmem:$0x3320];
	_ =	sdelay $0x4  }
0x301: {  	[tilespmem:$0x1FB70] =	vst v63;
	v63 =	vld [tilespmem:$0x330];
	_ =	sdelay $0x4  }
0x302: {  	[tilespmem:$0x1FB80] =	vst v63;
	v63 =	vld [tilespmem:$0x3330];
	_ =	sdelay $0x4  }
0x303: {  	[tilespmem:$0x1FB90] =	vst v63;
	v63 =	vld [tilespmem:$0x340];
	_ =	sdelay $0x4  }
0x304: {  	[tilespmem:$0x1FBA0] =	vst v63;
	v63 =	vld [tilespmem:$0x3340];
	_ =	sdelay $0x4  }
0x305: {  	[tilespmem:$0x1FBB0] =	vst v63;
	v63 =	vld [tilespmem:$0x350];
	_ =	sdelay $0x4  }
0x306: {  	[tilespmem:$0x1FBC0] =	vst v63;
	v63 =	vld [tilespmem:$0x3350];
	_ =	sdelay $0x4  }
0x307: {  	[tilespmem:$0x1FBD0] =	vst v63;
	v63 =	vld [tilespmem:$0x360];
	_ =	sdelay $0x4  }
0x308: {  	[tilespmem:$0x1FBE0] =	vst v63;
	v63 =	vld [tilespmem:$0x3360];
	_ =	sdelay $0x4  }
0x309: {  	[tilespmem:$0x1FBF0] =	vst v63;
	v63 =	vld [tilespmem:$0x370];
	_ =	sdelay $0x4  }
0x30a: {  	[tilespmem:$0x1FC00] =	vst v63;
	v63 =	vld [tilespmem:$0x3370];
	_ =	sdelay $0x4  }
0x30b: {  	[tilespmem:$0x1FC10] =	vst v63;
	v63 =	vld [tilespmem:$0x380];
	_ =	sdelay $0x4  }
0x30c: {  	[tilespmem:$0x1FC20] =	vst v63;
	v63 =	vld [tilespmem:$0x3380];
	_ =	sdelay $0x4  }
0x30d: {  	[tilespmem:$0x1FC30] =	vst v63;
	v63 =	vld [tilespmem:$0x390];
	_ =	sdelay $0x4  }
0x30e: {  	[tilespmem:$0x1FC40] =	vst v63;
	v63 =	vld [tilespmem:$0x3390];
	_ =	sdelay $0x4  }
0x30f: {  	[tilespmem:$0x1FC50] =	vst v63;
	v63 =	vld [tilespmem:$0x3A0];
	_ =	sdelay $0x4  }
0x310: {  	[tilespmem:$0x1FC60] =	vst v63;
	v63 =	vld [tilespmem:$0x33A0];
	_ =	sdelay $0x4  }
0x311: {  	[tilespmem:$0x1FC70] =	vst v63;
	v63 =	vld [tilespmem:$0x3B0];
	_ =	sdelay $0x4  }
0x312: {  	[tilespmem:$0x1FC80] =	vst v63;
	v63 =	vld [tilespmem:$0x33B0];
	_ =	sdelay $0x4  }
0x313: {  	[tilespmem:$0x1FC90] =	vst v63;
	v63 =	vld [tilespmem:$0x3C0];
	_ =	sdelay $0x4  }
0x314: {  	v1 =	vadd.f32 v1, v4;
	[tilespmem:$0x1FCA0] =	vst v63;
	v63 =	vld [tilespmem:$0x33C0]  }
0x315: {  	v2 =	vadd.f32 v2, v5  }
0x316: {  	v1 =	vmax.f32 v1, $0.0e+00;
	v4 =	vld [tilespmem:$0x34F0]  }
0x317: {  	v3 =	vadd.f32 v3, v6;
	v2 =	vmax.f32 v2, $0.0e+00;
	[tilespmem:$0x60C0] =	vst v1;
	v1 =	vadd.f32 v7, v8;
	v8 =	vld [tilespmem:$0x500]  }
0x318: {  	[tilespmem:$0x60D0] =	vst v2;
	v2 =	vadd.f32 v9, v10;
	v10 =	vld [tilespmem:$0x3500]  }
0x319: {  	v3 =	vmax.f32 v3, $0.0e+00;
	[tilespmem:$0x1FCB0] =	vst v63;
	v63 =	vld [tilespmem:$0x3D0]  }
0x31a: {  	[tilespmem:$0x60E0] =	vst v3;
	v3 =	vadd.f32 v11, v12;
	v12 =	vld [tilespmem:$0x510]  }
0x31b: {  	v9 =	vld [tilespmem:$0x540]  }
0x31c: {  	v11 =	vld [tilespmem:$0x550]  }
0x31d: {  	v5 =	vld [tilespmem:$0x35E0]  }
0x31e: {  	[tilespmem:$0x1FCC0] =	vst v63;
	v63 =	vld [tilespmem:$0x33D0]  }
0x31f: {  	v6 =	vld [tilespmem:$0x5F0]  }
0x320: {  	v7 =	vld [tilespmem:$0x3610];
	v1 =	vmax.f32 v1, $0.0e+00  }
0x321: {  	v2 =	vmax.f32 v2, $0.0e+00;
	[tilespmem:$0x60F0] =	vst v1;
	v1 =	vadd.f32 v13, v14;
	v14 =	vld [tilespmem:$0x3510]  }
0x322: {  	[tilespmem:$0x6100] =	vst v2;
	v2 =	vadd.f32 v15, v16;
	v16 =	vld [tilespmem:$0x520]  }
0x323: {  	v3 =	vmax.f32 v3, $0.0e+00;
	[tilespmem:$0x1FCD0] =	vst v63;
	v63 =	vld [tilespmem:$0x3E0]  }
0x324: {  	[tilespmem:$0x6110] =	vst v3;
	v3 =	vadd.f32 v17, v18;
	v18 =	vld [tilespmem:$0x3520]  }
0x325: {  	v13 =	vld [tilespmem:$0x560];
	[tilespmem:$0x1FF10] =	vst v8  }
0x326: {  	v15 =	vld [tilespmem:$0x570];
	[tilespmem:$0x1FF20] =	vst v10  }
0x327: {  	v17 =	vld [tilespmem:$0x1FAB0];
	[tilespmem:$0x1FF30] =	vst v12  }
0x328: {  	v1 =	vmax.f32 v1, $0.0e+00;
	[tilespmem:$0x1FCE0] =	vst v63;
	v63 =	vld [tilespmem:$0x33E0]  }
0x329: {  	v2 =	vmax.f32 v2, $0.0e+00;
	[tilespmem:$0x6120] =	vst v1;
	v1 =	vadd.f32 v19, v20;
	v20 =	vld [tilespmem:$0x530]  }
0x32a: {  	v3 =	vmax.f32 v3, $0.0e+00;
	[tilespmem:$0x6130] =	vst v2;
	v8 =	vld [tilespmem:$0x3530]  }
0x32b: {  	[tilespmem:$0x6150] =	vst v3;
	v10 =	vld [tilespmem:$0x3540]  }
0x32c: {  	[tilespmem:$0x1FF90] =	vst v9;
	v12 =	vld [tilespmem:$0x3550]  }
0x32d: {  	[tilespmem:$0x1FCF0] =	vst v63;
	v63 =	vld [tilespmem:$0x3F0]  }
0x32e: {  	v3 =	vadd.f32 v23, v24;
	[tilespmem:$0x1FFB0] =	vst v11;
	v23 =	vld [tilespmem:$0x35C0]  }
0x32f: {  	v2 =	vadd.f32 v21, v22;
	v21 =	vld [tilespmem:$0x5D0];
	[tilespmem:$0x1FF40] =	vst v14  }
0x330: {  	v9 =	vld [tilespmem:$0x3620];
	[tilespmem:$0x1FF50] =	vst v16  }
0x331: {  	v11 =	vld [tilespmem:$0x3630];
	[tilespmem:$0x1FF60] =	vst v18  }
0x332: {  	[tilespmem:$0x1FD00] =	vst v63;
	v63 =	vld [tilespmem:$0x33F0]  }
0x333: {  	[tilespmem:$0x1FFD0] =	vst v13;
	v14 =	vld [tilespmem:$0x3560]  }
0x334: {  	v1 =	vmax.f32 v1, $0.0e+00;
	[tilespmem:$0x1FFF0] =	vst v15;
	v16 =	vld [tilespmem:$0x1FA90]  }
0x335: {  	v2 =	vmax.f32 v2, $0.0e+00;
	v18 =	vld [tilespmem:$0x1FAD0];
	[tilespmem:$0x6160] =	vst v1  }
0x336: {  	v13 =	vld [tilespmem:$0x640];
	[tilespmem:$0x6170] =	vst v2  }
0x337: {  	v3 =	vmax.f32 v3, $0.0e+00;
	[tilespmem:$0x1FD10] =	vst v63;
	v63 =	vld [tilespmem:$0x400]  }
0x338: {  	v15 =	vld [tilespmem:$0x3640];
	[tilespmem:$0x6180] =	vst v3  }
0x339: {  	v3 =	vadd.f32 v29, v30;
	v29 =	vld [tilespmem:$0x35B0];
	[tilespmem:$0x1FF80] =	vst v8  }
0x33a: {  	v1 =	vadd.f32 v25, v26;
	v30 =	vld [tilespmem:$0x5C0];
	[tilespmem:$0x1FFA0] =	vst v10  }
0x33b: {  	v2 =	vadd.f32 v27, v28;
	[tilespmem:$0x1FFC0] =	vst v12;
	v12 =	vld [tilespmem:$0x5E0]  }
0x33c: {  	v1 =	vmax.f32 v1, $0.0e+00;
	[tilespmem:$0x1FD20] =	vst v63;
	v63 =	vld [tilespmem:$0x3400]  }
0x33d: {  	v2 =	vmax.f32 v2, $0.0e+00;
	v8 =	vld [tilespmem:$0x620];
	[tilespmem:$0x6190] =	vst v1  }
0x33e: {  	v3 =	vmax.f32 v3, $0.0e+00;
	v10 =	vld [tilespmem:$0x630];
	[tilespmem:$0x61A0] =	vst v2  }
0x33f: {  	[tilespmem:$0x61B0] =	vst v3;
	v3 =	vadd.f32 v35, v36;
	v36 =	vld [tilespmem:$0x5B0]  }
0x340: {  	v1 =	vadd.f32 v31, v32;
	[tilespmem:$0x1FFE0] =	vst v14;
	v14 =	vld [tilespmem:$0x35D0]  }
0x341: {  	v2 =	vadd.f32 v33, v34;
	[tilespmem:$0x1FD30] =	vst v63;
	v63 =	vld [tilespmem:$0x410]  }
0x342: {  	v1 =	vmax.f32 v1, $0.0e+00;
	v23 =	vadd.f32 v23, v30;
	v30 =	vld [tilespmem:$0x3760]  }
0x343: {  	v2 =	vmax.f32 v2, $0.0e+00;
	[tilespmem:$0x61C0] =	vst v1;
	v1 =	vadd.f32 v37, v53;
	v53 =	vld [tilespmem:$0x3570]  }
0x344: {  	v3 =	vmax.f32 v3, $0.0e+00;
	[tilespmem:$0x61E0] =	vst v2;
	v2 =	vadd.f32 v38, v54;
	v54 =	vld [tilespmem:$0x580]  }
0x345: {  	[tilespmem:$0x61F0] =	vst v3;
	v3 =	vadd.f32 v39, v59;
	v59 =	vld [tilespmem:$0x3580]  }
0x346: {  	v23 =	vmax.f32 v23, $0.0e+00;
	[tilespmem:$0x1FD40] =	vst v63;
	v63 =	vld [tilespmem:$0x3410]  }
0x347: {  	v38 =	vld [tilespmem:$0x35A0];
	v1 =	vmax.f32 v1, $0.0e+00;
	[tilespmem:$0x6660] =	vst v23  }
0x348: {  	v5 =	vadd.f32 v5, v12;
	v12 =	vld [tilespmem:$0x3770];
	v2 =	vmax.f32 v2, $0.0e+00;
	[tilespmem:$0x6200] =	vst v1  }
0x349: {  	v3 =	vmax.f32 v3, $0.0e+00;
	v29 =	vadd.f32 v29, v36;
	v36 =	vld [tilespmem:$0x760];
	[tilespmem:$0x6210] =	vst v2  }
0x34a: {  	v23 =	vadd.f32 v11, v10;
	v10 =	vld [tilespmem:$0x7B0];
	v1 =	vadd.f32 v40, v60;
	[tilespmem:$0x6220] =	vst v3  }
0x34b: {  	v2 =	vadd.f32 v41, v47;
	v5 =	vmax.f32 v5, $0.0e+00;
	[tilespmem:$0x1FD50] =	vst v63;
	v63 =	vld [tilespmem:$0x420]  }
0x34c: {  	v11 =	vld [tilespmem:$0x37B0];
	v3 =	vadd.f32 v42, v45;
	[tilespmem:$0x6680] =	vst v5;
	v1 =	vmax.f32 v1, $0.0e+00  }
0x34d: {  	v60 =	vld [tilespmem:$0x590];
	v2 =	vmax.f32 v2, $0.0e+00;
	[tilespmem:$0x6230] =	vst v1  }
0x34e: {  	v47 =	vld [tilespmem:$0x3590];
	v3 =	vmax.f32 v3, $0.0e+00;
	v1 =	vadd.f32 v43, v44;
	[tilespmem:$0x6240] =	vst v2  }
0x34f: {  	v45 =	vld [tilespmem:$0x5A0];
	v14 =	vadd.f32 v14, v21;
	[tilespmem:$0x6250] =	vst v3  }
0x350: {  	v2 =	vadd.f32 v46, v48;
	v1 =	vmax.f32 v1, $0.0e+00;
	[tilespmem:$0x1FD60] =	vst v63;
	v63 =	vld [tilespmem:$0x3420]  }
0x351: {  	v21 =	vld [tilespmem:$0x770];
	v14 =	vmax.f32 v14, $0.0e+00;
	[tilespmem:$0x6270] =	vst v1;
	v1 =	vadd.f32 v51, v52  }
0x352: {  	v5 =	vld [tilespmem:$0x790];
	[tilespmem:$0x6670] =	vst v14;
	v2 =	vmax.f32 v2, $0.0e+00  }
0x353: {  	v59 =	vadd.f32 v59, v54;
	v54 =	vld [tilespmem:$0x3740];
	[tilespmem:$0x6280] =	vst v2;
	v2 =	vadd.f32 v55, v56;
	v1 =	vmax.f32 v1, $0.0e+00  }
0x354: {  	v3 =	vadd.f32 v49, v50;
	v14 =	vld [tilespmem:$0x37C0];
	[tilespmem:$0x62A0] =	vst v1  }
0x355: {  	v2 =	vmax.f32 v2, $0.0e+00;
	v1 =	vadd.f32 v61, v62;
	[tilespmem:$0x1FD70] =	vst v63;
	v63 =	vld [tilespmem:$0x430]  }
0x356: {  	v3 =	vmax.f32 v3, $0.0e+00;
	[tilespmem:$0x62B0] =	vst v2;
	v2 =	vld [tilespmem:$0x1FA80]  }
0x357: {  	v38 =	vadd.f32 v38, v45;
	v45 =	vld [tilespmem:$0x3750];
	[tilespmem:$0x6290] =	vst v3;
	v1 =	vmax.f32 v1, $0.0e+00  }
0x358: {  	v3 =	vadd.f32 v57, v58;
	[tilespmem:$0x62D0] =	vst v1;
	v1 =	vld [tilespmem:$0x1FAC0]  }
0x359: {  	v47 =	vadd.f32 v47, v60;
	v60 =	vld [tilespmem:$0x800]  }
0x35a: {  	v3 =	vmax.f32 v3, $0.0e+00;
	[tilespmem:$0x1FD80] =	vst v63;
	v63 =	vld [tilespmem:$0x3430]  }
0x35b: {  	[tilespmem:$0x62C0] =	vst v3;
	v3 =	vld [tilespmem:$0x1FAA0];
	v2 =	vadd.f32 v16, v2  }
0x35c: {  	v16 =	vld [tilespmem:$0x650]  }
0x35d: {  	[tilespmem:$0x1FF00] =	vst v4;
	v4 =	vadd.f32 v18, v1;
	v1 =	vmax.f32 v2, $0.0e+00;
	v2 =	vld [tilespmem:$0x1FAF0]  }
0x35e: {  	[tilespmem:$0x62E0] =	vst v1;
	v1 =	vld [tilespmem:$0x1FAE0]  }
0x35f: {  	[tilespmem:$0x1FD90] =	vst v63;
	v63 =	vld [tilespmem:$0x440]  }
0x360: {  	v3 =	vadd.f32 v17, v3;
	v17 =	vld [tilespmem:$0x3650]  }
0x361: {  	v18 =	vld [tilespmem:$0x660]  }
0x362: {  	v22 =	vld [tilespmem:$0x1FB30]  }
0x363: {  	v19 =	vadd.f32 v2, v1;
	v2 =	vmax.f32 v3, $0.0e+00;
	v3 =	vld [tilespmem:$0x1FB10]  }
0x364: {  	[tilespmem:$0x1FDA0] =	vst v63;
	v63 =	vld [tilespmem:$0x3440]  }
0x365: {  	v29 =	vmax.f32 v29, $0.0e+00;
	[tilespmem:$0x6300] =	vst v2;
	v2 =	vld [tilespmem:$0x1FB00]  }
0x366: {  	[tilespmem:$0x6640] =	vst v29;
	v29 =	vadd.f32 v17, v16;
	v16 =	vld [tilespmem:$0x37D0]  }
0x367: {  	v1 =	vld [tilespmem:$0x35F0]  }
0x368: {  	v17 =	vld [tilespmem:$0x7E0]  }
0x369: {  	[tilespmem:$0x1FDB0] =	vst v63;
	v63 =	vld [tilespmem:$0x450]  }
0x36a: {  	[tilespmem:$0x1FF70] =	vst v20;
	v26 =	vld [tilespmem:$0x1FB40];
	v20 =	vadd.f32 v3, v2;
	v3 =	vmax.f32 v4, $0.0e+00  }
0x36b: {  	[tilespmem:$0x6310] =	vst v3;
	v3 =	vld [tilespmem:$0x1FB20]  }
0x36c: {  	v1 =	vadd.f32 v1, v6;
	v6 =	vld [tilespmem:$0x780]  }
0x36d: {  	v2 =	vld [tilespmem:$0x600]  }
0x36e: {  	[tilespmem:$0x1FDC0] =	vst v63;
	v63 =	vld [tilespmem:$0x3450]  }
0x36f: {  	v4 =	vld [tilespmem:$0x610]  }
0x370: {  	v24 =	vadd.f32 v22, v3;
	v3 =	vld [tilespmem:$0x3600]  }
0x371: {  	v27 =	vld [tilespmem:$0x1FB50]  }
0x372: {  	v32 =	vld [tilespmem:$0x1FB60]  }
0x373: {  	[tilespmem:$0x1FDD0] =	vst v63;
	v63 =	vld [tilespmem:$0x460]  }
0x374: {  	v4 =	vadd.f32 v7, v4;
	v7 =	vld [tilespmem:$0x3790]  }
0x375: {  	v33 =	vld [tilespmem:$0x1FB70];
	v2 =	vadd.f32 v3, v2  }
0x376: {  	v1 =	vmax.f32 v1, $0.0e+00;
	v3 =	vld [tilespmem:$0x3780]  }
0x377: {  	[tilespmem:$0x6690] =	vst v1;
	v1 =	vmax.f32 v2, $0.0e+00;
	v2 =	vadd.f32 v9, v8;
	v8 =	vld [tilespmem:$0x7A0]  }
0x378: {  	[tilespmem:$0x1FDE0] =	vst v63;
	v63 =	vld [tilespmem:$0x3460]  }
0x379: {  	v9 =	vld [tilespmem:$0x37A0]  }
0x37a: {  	v37 =	vld [tilespmem:$0x1FB80]  }
0x37b: {  	v48 =	vld [tilespmem:$0x1FBC0]  }
0x37c: {  	[tilespmem:$0x66A0] =	vst v1;
	v49 =	vld [tilespmem:$0x1FBD0]  }
0x37d: {  	v1 =	vmax.f32 v4, $0.0e+00;
	[tilespmem:$0x1FDF0] =	vst v63;
	v63 =	vld [tilespmem:$0x470]  }
0x37e: {  	[tilespmem:$0x66B0] =	vst v1;
	v1 =	vmax.f32 v2, $0.0e+00;
	v2 =	vadd.f32 v15, v13;
	v13 =	vld [tilespmem:$0x7C0]  }
0x37f: {  	v15 =	vld [tilespmem:$0x7D0]  }
0x380: {  	v39 =	vld [tilespmem:$0x1FB90]  }
0x381: {  	v42 =	vld [tilespmem:$0x1FBA0];
	v50 =	vadd.f32 v49, v48  }
0x382: {  	[tilespmem:$0x1FE00] =	vst v63;
	v63 =	vld [tilespmem:$0x3470]  }
0x383: {  	v25 =	vmax.f32 v19, $0.0e+00;
	v52 =	vld [tilespmem:$0x1FBE0];
	v19 =	vmax.f32 v50, $0.0e+00  }
0x384: {  	[tilespmem:$0x63A0] =	vst v19;
	v19 =	vld [tilespmem:$0x3660]  }
0x385: {  	v55 =	vld [tilespmem:$0x1FBF0]  }
0x386: {  	v58 =	vld [tilespmem:$0x1FC00]  }
0x387: {  	[tilespmem:$0x1FE10] =	vst v63;
	v63 =	vld [tilespmem:$0x480]  }
0x388: {  	v61 =	vld [tilespmem:$0x1FC10]  }
0x389: {  	[tilespmem:$0x66C0] =	vst v1;
	v1 =	vmax.f32 v23, $0.0e+00;
	v43 =	vld [tilespmem:$0x1FBB0]  }
0x38a: {  	[tilespmem:$0x66D0] =	vst v1;
	v1 =	vmax.f32 v2, $0.0e+00;
	v2 =	vadd.f32 v19, v18;
	v18 =	vld [tilespmem:$0x37E0]  }
0x38b: {  	v31 =	vmax.f32 v20, $0.0e+00;
	v20 =	vld [tilespmem:$0x1FC20]  }
0x38c: {  	v56 =	vadd.f32 v55, v52;
	[tilespmem:$0x1FE20] =	vst v63;
	v63 =	vld [tilespmem:$0x3480]  }
0x38d: {  	[tilespmem:$0x6320] =	vst v25;
	v62 =	vadd.f32 v61, v58;
	v22 =	vld [tilespmem:$0x1FC30]  }
0x38e: {  	[tilespmem:$0x6330] =	vst v31;
	v19 =	vld [tilespmem:$0x7F0];
	v25 =	vmax.f32 v56, $0.0e+00  }
0x38f: {  	[tilespmem:$0x63B0] =	vst v25;
	v25 =	vld [tilespmem:$0x3680];
	v31 =	vmax.f32 v62, $0.0e+00  }
0x390: {  	[tilespmem:$0x63C0] =	vst v31;
	v31 =	vld [tilespmem:$0x36A0]  }
0x391: {  	[tilespmem:$0x1FE30] =	vst v63;
	v63 =	vld [tilespmem:$0x490]  }
0x392: {  	v35 =	vmax.f32 v24, $0.0e+00;
	v24 =	vadd.f32 v22, v20;
	v20 =	vld [tilespmem:$0x670]  }
0x393: {  	v22 =	vld [tilespmem:$0x3670]  }
0x394: {  	v28 =	vadd.f32 v27, v26;
	v26 =	vld [tilespmem:$0x1FC40]  }
0x395: {  	[tilespmem:$0x6340] =	vst v35;
	v35 =	vmax.f32 v24, $0.0e+00;
	v24 =	vld [tilespmem:$0x680]  }
0x396: {  	[tilespmem:$0x1FE40] =	vst v63;
	v63 =	vld [tilespmem:$0x3490]  }
0x397: {  	v38 =	vmax.f32 v38, $0.0e+00;
	v27 =	vld [tilespmem:$0x1FC50]  }
0x398: {  	[tilespmem:$0x6630] =	vst v38;
	v38 =	vadd.f32 v22, v20;
	v20 =	vld [tilespmem:$0x37F0]  }
0x399: {  	v34 =	vadd.f32 v33, v32;
	v32 =	vld [tilespmem:$0x1FC60]  }
0x39a: {  	v33 =	vld [tilespmem:$0x1FC70]  }
0x39b: {  	[tilespmem:$0x1FE50] =	vst v63;
	v63 =	vld [tilespmem:$0x4A0]  }
0x39c: {  	v40 =	vadd.f32 v39, v37;
	v37 =	vld [tilespmem:$0x1FC80]  }
0x39d: {  	v39 =	vld [tilespmem:$0x1FC90]  }
0x39e: {  	v44 =	vadd.f32 v43, v42;
	v42 =	vld [tilespmem:$0x1FCA0]  }
0x39f: {  	v43 =	vld [tilespmem:$0x1FCB0]  }
0x3a0: {  	[tilespmem:$0x1FE60] =	vst v63;
	v63 =	vld [tilespmem:$0x34A0]  }
0x3a1: {  	v48 =	vld [tilespmem:$0x1FCC0]  }
0x3a2: {  	v49 =	vld [tilespmem:$0x1FCD0]  }
0x3a3: {  	v52 =	vld [tilespmem:$0x1FCE0]  }
0x3a4: {  	v55 =	vld [tilespmem:$0x1FCF0]  }
0x3a5: {  	[tilespmem:$0x1FE70] =	vst v63;
	v63 =	vld [tilespmem:$0x4B0]  }
0x3a6: {  	v58 =	vld [tilespmem:$0x1FD00]  }
0x3a7: {  	v61 =	vld [tilespmem:$0x1FD10]  }
0x3a8: {  	v51 =	vmax.f32 v40, $0.0e+00;
	v40 =	vadd.f32 v39, v37;
	v37 =	vld [tilespmem:$0x1FD20]  }
0x3a9: {  	v39 =	vld [tilespmem:$0x1FD30]  }
0x3aa: {  	[tilespmem:$0x1FE80] =	vst v63;
	v63 =	vld [tilespmem:$0x34B0]  }
0x3ab: {  	v57 =	vmax.f32 v44, $0.0e+00;
	v44 =	vadd.f32 v43, v42;
	v42 =	vld [tilespmem:$0x1FD40]  }
0x3ac: {  	v43 =	vld [tilespmem:$0x1FD50]  }
0x3ad: {  	v50 =	vadd.f32 v49, v48;
	v48 =	vld [tilespmem:$0x1FD60]  }
0x3ae: {  	v49 =	vld [tilespmem:$0x1FD70]  }
0x3af: {  	[tilespmem:$0x1FE90] =	vst v63;
	v63 =	vld [tilespmem:$0x4C0]  }
0x3b0: {  	v56 =	vadd.f32 v55, v52;
	v52 =	vld [tilespmem:$0x1FD80]  }
0x3b1: {  	v55 =	vld [tilespmem:$0x1FD90]  }
0x3b2: {  	v62 =	vadd.f32 v61, v58;
	v58 =	vld [tilespmem:$0x1FDA0]  }
0x3b3: {  	v61 =	vld [tilespmem:$0x1FDB0]  }
0x3b4: {  	v41 =	vmax.f32 v28, $0.0e+00;
	[tilespmem:$0x1FEA0] =	vst v63;
	v63 =	vld [tilespmem:$0x34C0]  }
0x3b5: {  	[tilespmem:$0x6390] =	vst v57;
	v28 =	vadd.f32 v27, v26;
	v57 =	vmax.f32 v44, $0.0e+00;
	v44 =	vadd.f32 v43, v42;
	v42 =	vld [tilespmem:$0x1FDC0]  }
0x3b6: {  	[tilespmem:$0x6350] =	vst v41;
	v43 =	vld [tilespmem:$0x1FDD0]  }
0x3b7: {  	[tilespmem:$0x63D0] =	vst v35;
	v41 =	vmax.f32 v28, $0.0e+00;
	v35 =	vmax.f32 v50, $0.0e+00;
	v50 =	vadd.f32 v49, v48;
	v48 =	vld [tilespmem:$0x1FDE0]  }
0x3b8: {  	[tilespmem:$0x63E0] =	vst v41;
	v41 =	vmax.f32 v56, $0.0e+00;
	v56 =	vadd.f32 v55, v52;
	v52 =	vld [tilespmem:$0x1FE00]  }
0x3b9: {  	v46 =	vmax.f32 v34, $0.0e+00;
	v34 =	vadd.f32 v33, v32;
	[tilespmem:$0x1FEB0] =	vst v63;
	v63 =	vld [tilespmem:$0x4D0]  }
0x3ba: {  	v55 =	vld [tilespmem:$0x1FE10]  }
0x3bb: {  	[tilespmem:$0x6360] =	vst v46;
	v46 =	vmax.f32 v34, $0.0e+00;
	v49 =	vld [tilespmem:$0x1FDF0]  }
0x3bc: {  	[tilespmem:$0x63F0] =	vst v46;
	v46 =	vmax.f32 v62, $0.0e+00;
	v62 =	vadd.f32 v61, v58;
	v58 =	vld [tilespmem:$0x1FE20]  }
0x3bd: {  	v61 =	vld [tilespmem:$0x1FE30]  }
0x3be: {  	[tilespmem:$0x1FEC0] =	vst v63;
	v63 =	vld [tilespmem:$0x34D0]  }
0x3bf: {  	[tilespmem:$0x6450] =	vst v46;
	v46 =	vmax.f32 v56, $0.0e+00;
	v56 =	vadd.f32 v55, v52;
	v52 =	vld [tilespmem:$0x1FE60]  }
0x3c0: {  	[tilespmem:$0x6370] =	vst v51;
	v51 =	vmax.f32 v40, $0.0e+00;
	v55 =	vld [tilespmem:$0x1FE70]  }
0x3c1: {  	[tilespmem:$0x6440] =	vst v41;
	v40 =	vadd.f32 v39, v37;
	v41 =	vmax.f32 v50, $0.0e+00;
	v50 =	vadd.f32 v49, v48;
	v48 =	vld [tilespmem:$0x1FE40]  }
0x3c2: {  	[tilespmem:$0x6400] =	vst v51;
	v49 =	vld [tilespmem:$0x1FE50]  }
0x3c3: {  	v51 =	vmax.f32 v40, $0.0e+00;
	[tilespmem:$0x1FED0] =	vst v63;
	v63 =	vld [tilespmem:$0x4E0]  }
0x3c4: {  	[tilespmem:$0x6460] =	vst v51;
	v51 =	vmax.f32 v62, $0.0e+00;
	v62 =	vadd.f32 v61, v58;
	v58 =	vld [tilespmem:$0x1FE80]  }
0x3c5: {  	[tilespmem:$0x64B0] =	vst v51;
	v51 =	vmax.f32 v56, $0.0e+00;
	v56 =	vadd.f32 v55, v52;
	v61 =	vld [tilespmem:$0x1FE90]  }
0x3c6: {  	[tilespmem:$0x6420] =	vst v57;
	v55 =	vld [tilespmem:$0x1FEC0]  }
0x3c7: {  	[tilespmem:$0x6490] =	vst v46;
	v46 =	vmax.f32 v50, $0.0e+00;
	v50 =	vadd.f32 v49, v48;
	v52 =	vmax.f32 v56, $0.0e+00;
	v56 =	vld [tilespmem:$0x1FED0]  }
0x3c8: {  	v57 =	vmax.f32 v44, $0.0e+00;
	v44 =	vadd.f32 v43, v42;
	[tilespmem:$0x1FEE0] =	vst v63;
	v63 =	vld [tilespmem:$0x34E0]  }
0x3c9: {  	[tilespmem:$0x6470] =	vst v57;
	v49 =	vmax.f32 v50, $0.0e+00;
	v50 =	vld [tilespmem:$0x1FEA0]  }
0x3ca: {  	v57 =	vmax.f32 v44, $0.0e+00;
	[tilespmem:$0x64E0] =	vst v51;
	v51 =	vld [tilespmem:$0x1FEB0]  }
0x3cb: {  	[tilespmem:$0x64C0] =	vst v57;
	v57 =	vmax.f32 v62, $0.0e+00;
	v62 =	vadd.f32 v61, v58;
	v58 =	vld [tilespmem:$0x1FEE0]  }
0x3cc: {  	[tilespmem:$0x66F0] =	vst v1;
	v48 =	vadd.f32 v56, v55;
	v55 =	vld [tilespmem:$0x1FF00]  }
0x3cd: {  	v1 =	vmax.f32 v29, $0.0e+00;
	[tilespmem:$0x1FEF0] =	vst v63;
	v63 =	vld [tilespmem:$0x4F0]  }
0x3ce: {  	[tilespmem:$0x6700] =	vst v1;
	v1 =	vmax.f32 v2, $0.0e+00;
	v61 =	vld [tilespmem:$0x1FEF0]  }
0x3cf: {  	[tilespmem:$0x6710] =	vst v1;
	v1 =	vmax.f32 v38, $0.0e+00;
	v38 =	vld [tilespmem:$0x830]  }
0x3d0: {  	v26 =	vld [tilespmem:$0x690]  }
0x3d1: {  	v27 =	vld [tilespmem:$0x3690]  }
0x3d2: {  	[tilespmem:$0x64D0] =	vst v46;
	v46 =	vadd.f32 v51, v50;
	v56 =	vadd.f32 v55, v63;
	v63 =	vld [tilespmem:$0x1FF50]  }
0x3d3: {  	[tilespmem:$0x64F0] =	vst v57;
	v57 =	vmax.f32 v62, $0.0e+00;
	v62 =	vadd.f32 v61, v58;
	v61 =	vld [tilespmem:$0x1FF30]  }
0x3d4: {  	[tilespmem:$0x6510] =	vst v52;
	v52 =	vmax.f32 v46, $0.0e+00;
	v46 =	vmax.f32 v56, $0.0e+00;
	v56 =	vld [tilespmem:$0x1FF60]  }
0x3d5: {  	[tilespmem:$0x6500] =	vst v49;
	v49 =	vmax.f32 v62, $0.0e+00;
	v62 =	vld [tilespmem:$0x1FF40]  }
0x3d6: {  	[tilespmem:$0x6520] =	vst v57;
	v57 =	vld [tilespmem:$0x1FF10]  }
0x3d7: {  	v58 =	vld [tilespmem:$0x1FF20]  }
0x3d8: {  	v28 =	vld [tilespmem:$0x6A0]  }
0x3d9: {  	[tilespmem:$0x6570] =	vst v46;
	v46 =	vadd.f32 v56, v63;
	v63 =	vld [tilespmem:$0x1FFA0]  }
0x3da: {  	[tilespmem:$0x6560] =	vst v49;
	v49 =	vadd.f32 v62, v61;
	v62 =	vld [tilespmem:$0x1FF90]  }
0x3db: {  	v32 =	vld [tilespmem:$0x6B0];
	v48 =	vmax.f32 v48, $0.0e+00  }
0x3dc: {  	v33 =	vld [tilespmem:$0x36B0];
	[tilespmem:$0x6550] =	vst v48;
	v48 =	vadd.f32 v58, v57  }
0x3dd: {  	v58 =	vld [tilespmem:$0x1FF70]  }
0x3de: {  	v48 =	vmax.f32 v48, $0.0e+00;
	v61 =	vld [tilespmem:$0x1FF80]  }
0x3df: {  	[tilespmem:$0x6580] =	vst v48;
	v48 =	vadd.f32 v63, v62;
	v62 =	vld [tilespmem:$0x1FFB0]  }
0x3e0: {  	v63 =	vld [tilespmem:$0x1FFC0]  }
0x3e1: {  	v34 =	vld [tilespmem:$0x6C0]  }
0x3e2: {  	v2 =	vadd.f32 v25, v24;
	[tilespmem:$0x6430] =	vst v35;
	v35 =	vld [tilespmem:$0x36C0]  }
0x3e3: {  	v37 =	vld [tilespmem:$0x6D0];
	v57 =	vmax.f32 v49, $0.0e+00;
	v49 =	vadd.f32 v61, v58  }
0x3e4: {  	[tilespmem:$0x6720] =	vst v1;
	v1 =	vmax.f32 v2, $0.0e+00;
	v39 =	vld [tilespmem:$0x36D0]  }
0x3e5: {  	[tilespmem:$0x6730] =	vst v1;
	v61 =	vmax.f32 v49, $0.0e+00;
	v49 =	vadd.f32 v63, v62;
	v62 =	vld [tilespmem:$0x1FFD0]  }
0x3e6: {  	[tilespmem:$0x6480] =	vst v41;
	v46 =	vmax.f32 v46, $0.0e+00;
	v63 =	vld [tilespmem:$0x1FFE0]  }
0x3e7: {  	v40 =	vld [tilespmem:$0x6E0];
	[tilespmem:$0x65A0] =	vst v46;
	v46 =	vadd.f32 v27, v26  }
0x3e8: {  	v41 =	vld [tilespmem:$0x36E0];
	[tilespmem:$0x6540] =	vst v52  }
0x3e9: {  	v2 =	vadd.f32 v31, v28;
	v42 =	vld [tilespmem:$0x6F0];
	[tilespmem:$0x6590] =	vst v57;
	v1 =	vmax.f32 v46, $0.0e+00  }
0x3ea: {  	v43 =	vld [tilespmem:$0x36F0];
	[tilespmem:$0x6740] =	vst v1  }
0x3eb: {  	v1 =	vmax.f32 v2, $0.0e+00;
	[tilespmem:$0x65B0] =	vst v61;
	v61 =	vmax.f32 v48, $0.0e+00;
	v48 =	vadd.f32 v63, v62;
	v62 =	vld [tilespmem:$0x1FFF0]  }
0x3ec: {  	v44 =	vld [tilespmem:$0x700];
	[tilespmem:$0x6750] =	vst v1  }
0x3ed: {  	v50 =	vld [tilespmem:$0x3700];
	[tilespmem:$0x65D0] =	vst v61;
	v61 =	vmax.f32 v49, $0.0e+00  }
0x3ee: {  	v51 =	vld [tilespmem:$0x710];
	[tilespmem:$0x65E0] =	vst v61;
	v63 =	vmax.f32 v48, $0.0e+00  }
0x3ef: {  	v52 =	vld [tilespmem:$0x3710];
	[tilespmem:$0x65F0] =	vst v63;
	v63 =	vmax.f32 v47, $0.0e+00;
	v47 =	vadd.f32 v33, v32  }
0x3f0: {  	v55 =	vld [tilespmem:$0x720];
	v2 =	vadd.f32 v35, v34;
	[tilespmem:$0x6620] =	vst v63;
	v49 =	vadd.f32 v53, v62;
	v62 =	vmax.f32 v59, $0.0e+00  }
0x3f1: {  	v56 =	vld [tilespmem:$0x3720];
	v1 =	vmax.f32 v47, $0.0e+00;
	[tilespmem:$0x6610] =	vst v62  }
0x3f2: {  	v57 =	vld [tilespmem:$0x730];
	v48 =	vadd.f32 v39, v37;
	[tilespmem:$0x6760] =	vst v1;
	v1 =	vmax.f32 v2, $0.0e+00  }
0x3f3: {  	v58 =	vld [tilespmem:$0x3730];
	v2 =	vadd.f32 v41, v40;
	v61 =	vmax.f32 v49, $0.0e+00;
	[tilespmem:$0x6780] =	vst v1  }
0x3f4: {  	v53 =	vld [tilespmem:$0x740];
	v59 =	vadd.f32 v43, v42;
	v1 =	vmax.f32 v48, $0.0e+00;
	[tilespmem:$0x6600] =	vst v61  }
0x3f5: {  	v49 =	vld [tilespmem:$0x750];
	[tilespmem:$0x6790] =	vst v1;
	v1 =	vmax.f32 v2, $0.0e+00;
	v2 =	vadd.f32 v50, v44  }
0x3f6: {  	v46 =	vld [tilespmem:$0x860];
	v62 =	vadd.f32 v52, v51;
	[tilespmem:$0x67A0] =	vst v1;
	v1 =	vmax.f32 v59, $0.0e+00  }
0x3f7: {  	v34 =	vld [tilespmem:$0x820];
	[tilespmem:$0x67B0] =	vst v1;
	v1 =	vmax.f32 v2, $0.0e+00;
	v2 =	vadd.f32 v56, v55  }
0x3f8: {  	v35 =	vld [tilespmem:$0x3820];
	v33 =	vadd.f32 v58, v57;
	[tilespmem:$0x67C0] =	vst v1;
	v1 =	vmax.f32 v62, $0.0e+00  }
0x3f9: {  	v39 =	vld [tilespmem:$0x3830];
	[tilespmem:$0x67D0] =	vst v1;
	v1 =	vmax.f32 v2, $0.0e+00;
	v2 =	vadd.f32 v54, v53  }
0x3fa: {  	v32 =	vld [tilespmem:$0x3810];
	v37 =	vadd.f32 v45, v49;
	[tilespmem:$0x67E0] =	vst v1;
	v1 =	vmax.f32 v33, $0.0e+00  }
0x3fb: {  	v58 =	vld [tilespmem:$0x8A0];
	[tilespmem:$0x67F0] =	vst v1;
	v1 =	vmax.f32 v2, $0.0e+00;
	v2 =	vadd.f32 v30, v36  }
0x3fc: {  	v63 =	vld [tilespmem:$0x810];
	v40 =	vadd.f32 v12, v21;
	[tilespmem:$0x6810] =	vst v1;
	v1 =	vmax.f32 v37, $0.0e+00  }
0x3fd: {  	v43 =	vld [tilespmem:$0x850];
	[tilespmem:$0x6820] =	vst v1;
	v1 =	vmax.f32 v2, $0.0e+00;
	v2 =	vadd.f32 v3, v6  }
0x3fe: {  	v42 =	vadd.f32 v7, v5;
	v47 =	vld [tilespmem:$0x3860];
	[tilespmem:$0x6830] =	vst v1;
	v1 =	vmax.f32 v40, $0.0e+00  }
0x3ff: {  	v41 =	vld [tilespmem:$0x840];
	[tilespmem:$0x6840] =	vst v1;
	v1 =	vmax.f32 v2, $0.0e+00;
	v2 =	vadd.f32 v9, v8  }
0x400: {  	v61 =	vld [tilespmem:$0x3800];
	v45 =	vadd.f32 v11, v10;
	[tilespmem:$0x6850] =	vst v1;
	v1 =	vmax.f32 v42, $0.0e+00  }
0x401: {  	v52 =	vld [tilespmem:$0x880];
	[tilespmem:$0x6860] =	vst v1;
	v1 =	vmax.f32 v2, $0.0e+00;
	v2 =	vadd.f32 v14, v13  }
0x402: {  	v48 =	vadd.f32 v16, v15;
	v44 =	vld [tilespmem:$0x3850];
	[tilespmem:$0x6870] =	vst v1;
	v1 =	vmax.f32 v45, $0.0e+00  }
0x403: {  	v50 =	vld [tilespmem:$0x3870];
	[tilespmem:$0x6880] =	vst v1;
	v1 =	vmax.f32 v2, $0.0e+00;
	v2 =	vadd.f32 v18, v17  }
0x404: {  	v51 =	vadd.f32 v20, v19;
	v3 =	vld [tilespmem:$0x3840];
	[tilespmem:$0x68A0] =	vst v1;
	v1 =	vmax.f32 v48, $0.0e+00  }
0x405: {  	v55 =	vld [tilespmem:$0x890];
	[tilespmem:$0x68B0] =	vst v1;
	v1 =	vmax.f32 v2, $0.0e+00;
	v2 =	vadd.f32 v61, v60  }
0x406: {  	v56 =	vld [tilespmem:$0x3890];
	v54 =	vadd.f32 v32, v63;
	[tilespmem:$0x68C0] =	vst v1;
	v1 =	vmax.f32 v51, $0.0e+00  }
0x407: {  	v49 =	vld [tilespmem:$0x870];
	[tilespmem:$0x68D0] =	vst v1;
	v1 =	vmax.f32 v2, $0.0e+00;
	v2 =	vadd.f32 v35, v34  }
0x408: {  	v57 =	vadd.f32 v39, v38;
	v53 =	vld [tilespmem:$0x3880];
	[tilespmem:$0x68E0] =	vst v1;
	v1 =	vmax.f32 v54, $0.0e+00  }
0x409: {  	v60 =	vld [tilespmem:$0x8B0];
	[tilespmem:$0x68F0] =	vst v1;
	v1 =	vmax.f32 v2, $0.0e+00;
	v2 =	vadd.f32 v3, v41  }
0x40a: {  	v59 =	vadd.f32 v44, v43;
	v3 =	vld [tilespmem:$0x38A0];
	[tilespmem:$0x6900] =	vst v1;
	v1 =	vmax.f32 v57, $0.0e+00  }
0x40b: {  	v61 =	vld [tilespmem:$0x38B0];
	[tilespmem:$0x6910] =	vst v1;
	v1 =	vmax.f32 v2, $0.0e+00;
	v2 =	vadd.f32 v47, v46  }
0x40c: {  	v63 =	vld [tilespmem:$0x60];
	v62 =	vadd.f32 v50, v49;
	[tilespmem:$0x6930] =	vst v1;
	v1 =	vmax.f32 v59, $0.0e+00  }
0x40d: {  	[tilespmem:$0x6940] =	vst v1;
	v1 =	vadd.f32 v53, v52;
	v2 =	vmax.f32 v2, $0.0e+00  }
0x40e: {  	v4 =	vmax.f32 v62, $0.0e+00;
	[tilespmem:$0x6950] =	vst v2;
	v2 =	vadd.f32 v56, v55  }
0x40f: {  	[tilespmem:$0x6960] =	vst v4;
	v3 =	vadd.f32 v3, v58;
	v1 =	vmax.f32 v1, $0.0e+00  }
0x410: {  	[tilespmem:$0x6970] =	vst v1;
	v1 =	vadd.f32 v61, v60;
	v2 =	vmax.f32 v2, $0.0e+00  }
0x411: {  	[tilespmem:$0x6980] =	vst v2;
	v2 =	vmax.f32 v3, $0.0e+00  }
0x412: {  	[tilespmem:$0x6990] =	vst v2;
	v1 =	vmax.f32 v1, $0.0e+00  }
0x413: {  	[tilespmem:$0x69A0] =	vst v1  }
0x414: {  	[spmem:s2] =	stream.indirect_vreg.scatter.add.f32 [tilespmem:s30], [sflag:$0xB], $0x90, v63, vm0, $0xb8;
	[tilespmem:$0x1F650] =	vst v63  }
0x415: {  	_ =	swait.ge [sflag:s3], $0x900  }
0x416: {  	[sflag:s3] =	ssyncset.done $0x0  }
0x417: {  	[sflag:s3] =	ssyncadd.s32 $0xFFFFF700  }
0x418: {  	[bflag:$0x0] =	sbarrier.arrive $0xFFFF  }
0x419: {  	s19 =	rddreg [dreg:$0x6]  }
0x41a: {  	s22 =	rddreg [dreg:$0xf]  }
0x41b: {  	s21 =	rddreg [dreg:$0x12]  }
0x41c: {  	[hbm:s22], [sflag:s19] =	dma.local [spmem:s21], $0x2BF2  }
0x41d: {  	_ =	swait.ge [sflag:s3], $0x2BF2  }
0x41e: {  	s23 =	rddreg [dreg:$0x11]  }
0x41f: {  	s28 =	rddreg [dreg:$0x10];
	s21 =	sadd.s32 $0x1, s23  }
0x420: {  	p0 =	sne.s32 s21, s28  }
.Ltmp4:
0x421: {  	_ = 	snop;
	(pc) =	sbr.rel @p0 .LBB2_1-.Ltmp4, $3  }
0x422: {  	_ =	sdelay $0x1  }
0x423: {  	[sflag:s3] =	ssyncset.done $0x0  }
0x424: {  	[sflag:s3] =	ssyncadd.s32 $0xFFFFD40E  }
0x425: {  	_ =	sfence.sel $0x180000  }
0x426: {  	[bflag:$0x0] =	sbarrier.arrive $0xFFFF  }
0x427: {  	_ =	strace $0x90000047  }
0x428: {  	s0 =	stileid.u32;
	[bflag:$0x2] =	sbarrier.arrive $0xFFFF  }
0x429: {  	p0 =	sne.s32 s0, $0x0;
	s0 =	rddreg [dreg:$0x3]  }
0x42a: {  	s0 =	sadd.s32 @!p0 $0x100000, s0  }
0x42b: {  	[sflag:s0] =	ssyncadd.tile.s32 @!p0 $0x1;
	_ =	shalt  }
.Lfunc_end2:
_tile_overlayer_lowered:
.L_overlay_start_2:
0x42c: {  	(tag) =	ssettag $0x2  }
0x42d: {  	s0 =	rddreg [dreg:$0x0];
	s2 =	stileid.u32  }
0x42e: {  	s1 =	rddreg [dreg:$0x1];
	p0 =	sne.s32 s2, $0x0  }
0x42f: {  	s3 =	rddreg [dreg:$0x2];
	[bflag:$0x3] =	sbarrier.arrive $0xFFFF;
	s2 =	simm.s32 @!p0 $0x1C0B  }
0x430: {  	[timem:s3], [sflag:s2] =	dma.local @!p0 [hbm:s0], s1  }
0x431: {  	s0 =	simm.s32 @!p0 $0xB  }
0x432: {  	_ =	swait.ge @!p0 [sflag:s0], s1  }
0x433: {  	s1 =	ssub.s32 @!p0 $0x0, s1;
	[sflag:s0] =	ssyncset.done @!p0 $0x0  }
0x434: {  	[sflag:s0] =	ssyncadd.s32 @!p0 s1  }
0x435: {  	[bflag:$0x3] =	sbarrier.arrive $0xFFFF  }
0x436: {  	_ =	shalt  }

</sc_bundles>
